<compile_context>
chip_gen: v7x
topology: tpu7x:2x2x1
jax: 0.10.2.dev20260603
libtpu: 0.0.44.dev20260713+nightly
codegen_flags: <defaults>
</compile_context>

<pallas_src>
import functools

import numpy as np

import jax
import jax.numpy as jnp
from jax import lax
from jax.experimental import pallas as pl
from jax.experimental.pallas import tpu as pltpu
from jax.experimental.pallas import tpu_sc as plsc

NC = 2
NS = 16
NW = NC * NS
NBLK = 32
NBS = 3
L = 16


def kernel(phone, table):
    B, S = phone.shape
    V, D = table.shape
    per_w = B // NW
    n_blk = per_w // NBLK
    n_full = S // L
    tail = S - n_full * L
    idx3 = phone.reshape(NW, per_w, S)
    table_p = jnp.pad(table, ((0, 0), (0, 128 - D))).reshape(-1)

    mesh = plsc.VectorSubcoreMesh(core_axis_name="c", subcore_axis_name="s")

    @functools.partial(
        pl.kernel,
        mesh=mesh,
        out_type=jax.ShapeDtypeStruct((B, S, D), jnp.float32),
        compiler_params=pltpu.CompilerParams(needs_layout_passes=False, skip_device_barrier=True, disable_bounds_checks=True),
        scratch_types=[
            pltpu.VMEM((V * 128,), jnp.float32),
            pltpu.VMEM((2, NBLK, S), jnp.int32),
            pltpu.VMEM((NBS, S, D), jnp.float32),
            pltpu.SemaphoreType.DMA((2,)),
            pltpu.SemaphoreType.DMA((NBS,)),
        ],
    )
    def emb(idx_hbm, table_hbm, out_hbm, tbl_v, ibuf, cbuf, isem, ssem):
        wid = lax.axis_index("s") * NC + lax.axis_index("c")
        base = wid * per_w

        def idx_block(m):
            bm = m % 2
            return (
                idx_hbm.at[wid, pl.ds(m * NBLK, NBLK)],
                ibuf.at[bm],
                isem.at[bm],
            )

        pltpu.async_copy(*idx_block(0))
        pltpu.sync_copy(table_hbm, tbl_v)
        iota = lax.iota(jnp.int32, L)

        for m in range(n_blk):
            if m + 1 < n_blk:
                pltpu.async_copy(*idx_block(m + 1))
            pltpu.make_async_copy(*idx_block(m)).wait()
            bm = m % 2

            def body(jj, carry):
                j = m * NBLK + jj
                bs = lax.rem(j, NBS)

                @pl.when(j >= NBS)
                def _():
                    pltpu.make_async_copy(
                        cbuf.at[bs], out_hbm.at[base + j - NBS], ssem.at[bs]
                    ).wait()

                slab = cbuf.at[bs]

                def group(start):
                    v_idx = ibuf[bm, jj, pl.ds(start, L)]
                    v_base = v_idx * 128
                    rows = start + iota
                    @plsc.parallel_loop(0, D, 1, unroll=16)
                    def _(d0):
                        col = d0 + iota
                        col = jnp.where(col < D, col, col - D)
                        val = plsc.load_gather(tbl_v, [v_base + col])
                        plsc.store_scatter(slab, [rows, col], val)

                @plsc.parallel_loop(0, n_full, 1, unroll=4)
                def _(g):
                    group(g * L)
                if tail:
                    group(S - L)

                pltpu.async_copy(slab, out_hbm.at[base + j], ssem.at[bs])
                return carry

            lax.fori_loop(0, NBLK, body, 0)

        for i in range(NBS):
            j = per_w - NBS + i
            pltpu.make_async_copy(
                cbuf.at[j % NBS], out_hbm.at[base + j], ssem.at[j % NBS]
            ).wait()

    return emb(idx3, table_p)

# --- scband reference (transcript-rebuilt; emitter-appended) ---
"""Pipeline reference for scband-phone-embedding-18116172055165 (READ-ONLY COPY).

The authoritative reference and input builder live on the scoring server;
editing this copy changes nothing except your own understanding.
"""

import jax, jax.numpy as jnp
import numpy as np

VOCAB = 100
EMBED_DIM = 80

def setup_inputs(seed: int = 0) -> dict:
    key = jax.random.key(seed)
    k1, k2 = jax.random.split(key)
    phone = jax.random.randint(k1, (4096, 200), 0, VOCAB, dtype=jnp.int32)
    # torch.nn.Embedding default init: N(0, 1)
    table = jax.random.normal(k2, (VOCAB, EMBED_DIM), dtype=jnp.float32)
    return {"phone": phone, "table": table}

def reference(phone, table):
    # PhoneEmbedding.forward: self.embedding(phone)
    return jnp.take(table, phone, axis=0)

if __name__ == "__main__":
    import jax
    _d = setup_inputs()
    print(jax.jit(kernel)(*tuple(_d.values())))

</pallas_src>

<mosaic_0001>
#map = affine_map<(d0, d1) -> (0, 0, 0)>
#map1 = affine_map<(d0, d1) -> (0)>
module attributes {stable_mosaic.version = 14 : i64} {
  func.func @emb(%arg0: i32, %arg1: i32, %arg2: memref<32x128x200xi32, #tpu.memory_space<hbm>>, %arg3: memref<12800xf32, #tpu.memory_space<hbm>>, %arg4: memref<4096x200x80xf32, #tpu.memory_space<hbm>>, %arg5: memref<12800xf32, #tpu.memory_space<vmem>>, %arg6: memref<2x32x200xi32, #tpu.memory_space<vmem>>, %arg7: memref<3x200x80xf32, #tpu.memory_space<vmem>>, %arg8: memref<2x!tpu.dma_semaphore, #tpu.memory_space<semaphore_mem>>, %arg9: memref<3x!tpu.dma_semaphore, #tpu.memory_space<semaphore_mem>>) attributes {dimension_semantics = [#tpu.dimension_semantics<core_parallel>, #tpu.dimension_semantics<subcore_parallel>], iteration_bounds = array<i64: 2, 16>, scalar_prefetch = 0 : i64, scratch_operands = 5 : i64, tpu.core_type = #tpu.core_type<sc_vector_subcore>, window_params = [{transform_indices = #map}, {transform_indices = #map1}, {transform_indices = #map}]} {
    %mul3A = arith.constant 2 : i32
    %mul3A_0 = arith.muli %arg1, %mul3A : i32
    %add3A = arith.addi %mul3A_0, %arg0 : i32
    %mul3A_1 = arith.constant 128 : i32
    %mul3A_2 = arith.muli %add3A, %mul3A_1 : i32
    %dma_start3A = arith.constant 0 : i32
    %dma_start3A_3 = arith.constant 0 : i32
    %dma_start3A_4 = arith.constant 0 : i32
    %dma_start3A_5 = arith.constant 0 : i32
    %dma_start3A_6 = tpu.memref_slice %arg6[%dma_start3A, %dma_start3A_4, %dma_start3A_5] : memref<2x32x200xi32, #tpu.memory_space<vmem>> -> memref<1x32x200xi32, #tpu.memory_space<vmem>>
    %dma_start3A_7 = tpu.memref_squeeze %dma_start3A_6 : memref<1x32x200xi32, #tpu.memory_space<vmem>> -> memref<32x200xi32, #tpu.memory_space<vmem>>
    %dma_start3A_8 = arith.constant 0 : i32
    %dma_start3A_9 = arith.constant 0 : i32
    %dma_start3A_10 = tpu.memref_slice %arg2[%add3A, %dma_start3A_8, %dma_start3A_9] : memref<32x128x200xi32, #tpu.memory_space<hbm>> -> memref<1x32x200xi32, #tpu.memory_space<hbm>>
    %dma_start3A_11 = tpu.memref_squeeze %dma_start3A_10 : memref<1x32x200xi32, #tpu.memory_space<hbm>> -> memref<32x200xi32, #tpu.memory_space<hbm>>
    %dma_start3A_12 = tpu.memref_slice %arg8[%dma_start3A_3] : memref<2x!tpu.dma_semaphore, #tpu.memory_space<semaphore_mem>> -> memref<1x!tpu.dma_semaphore, #tpu.memory_space<semaphore_mem>>
    %dma_start3A_13 = tpu.memref_squeeze %dma_start3A_12 : memref<1x!tpu.dma_semaphore, #tpu.memory_space<semaphore_mem>> -> memref<!tpu.dma_semaphore, #tpu.memory_space<semaphore_mem>>
    %dma_start3A_14 = arith.constant 0 : i32
    %dma_start3A_15 = arith.constant 0 : i32
    %dma_start3A_16 = tpu.memref_slice %arg6[%dma_start3A, %dma_start3A_14, %dma_start3A_15] : memref<2x32x200xi32, #tpu.memory_space<vmem>> -> memref<1x32x200xi32, #tpu.memory_space<vmem>>
    %dma_start3A_17 = tpu.memref_squeeze %dma_start3A_16 : memref<1x32x200xi32, #tpu.memory_space<vmem>> -> memref<32x200xi32, #tpu.memory_space<vmem>>
    %dma_start3A_18 = arith.constant 0 : i32
    %dma_start3A_19 = arith.constant 0 : i32
    %dma_start3A_20 = tpu.memref_slice %arg2[%add3A, %dma_start3A_18, %dma_start3A_19] : memref<32x128x200xi32, #tpu.memory_space<hbm>> -> memref<1x32x200xi32, #tpu.memory_space<hbm>>
    %dma_start3A_21 = tpu.memref_squeeze %dma_start3A_20 : memref<1x32x200xi32, #tpu.memory_space<hbm>> -> memref<32x200xi32, #tpu.memory_space<hbm>>
    tpu.enqueue_dma source(%dma_start3A_21 : memref<32x200xi32, #tpu.memory_space<hbm>>) target(%dma_start3A_17 : memref<32x200xi32, #tpu.memory_space<vmem>>) target_semaphore(%dma_start3A_13 : memref<!tpu.dma_semaphore, #tpu.memory_space<semaphore_mem>>)
    "tpu.region"() ({
      %run_scoped3A = tpu.sem_alloc : memref<!tpu.dma_semaphore, #tpu.memory_space<semaphore_mem>>
      tpu.enqueue_dma source(%arg3 : memref<12800xf32, #tpu.memory_space<hbm>>) target(%arg5 : memref<12800xf32, #tpu.memory_space<vmem>>) target_semaphore(%run_scoped3A : memref<!tpu.dma_semaphore, #tpu.memory_space<semaphore_mem>>)
      tpu.wait_dma2 semaphore(%run_scoped3A : memref<!tpu.dma_semaphore, #tpu.memory_space<semaphore_mem>>) src(%arg3 : memref<12800xf32, #tpu.memory_space<hbm>>) dst(%arg5 : memref<12800xf32, #tpu.memory_space<vmem>>)
      tpu.yield
    }) : () -> ()
    %iota3A = tpu.iota {dimensions = array<i32: 0>} : vector<16xi32>
    %dma_start3A_22 = arith.constant 1 : i32
    %dma_start3A_23 = arith.constant 1 : i32
    %dma_start3A_24 = arith.constant 0 : i32
    %dma_start3A_25 = arith.constant 0 : i32
    %dma_start3A_26 = tpu.memref_slice %arg6[%dma_start3A_22, %dma_start3A_24, %dma_start3A_25] : memref<2x32x200xi32, #tpu.memory_space<vmem>> -> memref<1x32x200xi32, #tpu.memory_space<vmem>>
    %dma_start3A_27 = tpu.memref_squeeze %dma_start3A_26 : memref<1x32x200xi32, #tpu.memory_space<vmem>> -> memref<32x200xi32, #tpu.memory_space<vmem>>
    %dma_start3A_28 = arith.constant 32 : i32
    %dma_start3A_29 = arith.constant 0 : i32
    %dma_start3A_30 = tpu.memref_slice %arg2[%add3A, %dma_start3A_28, %dma_start3A_29] : memref<32x128x200xi32, #tpu.memory_space<hbm>> -> memref<1x32x200xi32, #tpu.memory_space<hbm>>
    %dma_start3A_31 = tpu.memref_squeeze %dma_start3A_30 : memref<1x32x200xi32, #tpu.memory_space<hbm>> -> memref<32x200xi32, #tpu.memory_space<hbm>>
    %dma_start3A_32 = tpu.memref_slice %arg8[%dma_start3A_23] : memref<2x!tpu.dma_semaphore, #tpu.memory_space<semaphore_mem>> -> memref<1x!tpu.dma_semaphore, #tpu.memory_space<semaphore_mem>>
    %dma_start3A_33 = tpu.memref_squeeze %dma_start3A_32 : memref<1x!tpu.dma_semaphore, #tpu.memory_space<semaphore_mem>> -> memref<!tpu.dma_semaphore, #tpu.memory_space<semaphore_mem>>
    %dma_start3A_34 = arith.constant 0 : i32
    %dma_start3A_35 = arith.constant 0 : i32
    %dma_start3A_36 = tpu.memref_slice %arg6[%dma_start3A_22, %dma_start3A_34, %dma_start3A_35] : memref<2x32x200xi32, #tpu.memory_space<vmem>> -> memref<1x32x200xi32, #tpu.memory_space<vmem>>
    %dma_start3A_37 = tpu.memref_squeeze %dma_start3A_36 : memref<1x32x200xi32, #tpu.memory_space<vmem>> -> memref<32x200xi32, #tpu.memory_space<vmem>>
    %dma_start3A_38 = arith.constant 32 : i32
    %dma_start3A_39 = arith.constant 0 : i32
    %dma_start3A_40 = tpu.memref_slice %arg2[%add3A, %dma_start3A_38, %dma_start3A_39] : memref<32x128x200xi32, #tpu.memory_space<hbm>> -> memref<1x32x200xi32, #tpu.memory_space<hbm>>
    %dma_start3A_41 = tpu.memref_squeeze %dma_start3A_40 : memref<1x32x200xi32, #tpu.memory_space<hbm>> -> memref<32x200xi32, #tpu.memory_space<hbm>>
    tpu.enqueue_dma source(%dma_start3A_41 : memref<32x200xi32, #tpu.memory_space<hbm>>) target(%dma_start3A_37 : memref<32x200xi32, #tpu.memory_space<vmem>>) target_semaphore(%dma_start3A_33 : memref<!tpu.dma_semaphore, #tpu.memory_space<semaphore_mem>>)
    %dma_wait3A = arith.constant 0 : i32
    %dma_wait3A_42 = arith.constant 0 : i32
    %dma_wait3A_43 = arith.constant 0 : i32
    %dma_wait3A_44 = arith.constant 0 : i32
    %dma_wait3A_45 = tpu.memref_slice %arg6[%dma_wait3A, %dma_wait3A_43, %dma_wait3A_44] : memref<2x32x200xi32, #tpu.memory_space<vmem>> -> memref<1x32x200xi32, #tpu.memory_space<vmem>>
    %dma_wait3A_46 = tpu.memref_squeeze %dma_wait3A_45 : memref<1x32x200xi32, #tpu.memory_space<vmem>> -> memref<32x200xi32, #tpu.memory_space<vmem>>
    %dma_wait3A_47 = arith.constant 0 : i32
    %dma_wait3A_48 = arith.constant 0 : i32
    %dma_wait3A_49 = tpu.memref_slice %arg2[%add3A, %dma_wait3A_47, %dma_wait3A_48] : memref<32x128x200xi32, #tpu.memory_space<hbm>> -> memref<1x32x200xi32, #tpu.memory_space<hbm>>
    %dma_wait3A_50 = tpu.memref_squeeze %dma_wait3A_49 : memref<1x32x200xi32, #tpu.memory_space<hbm>> -> memref<32x200xi32, #tpu.memory_space<hbm>>
    %dma_wait3A_51 = tpu.memref_slice %arg8[%dma_wait3A_42] : memref<2x!tpu.dma_semaphore, #tpu.memory_space<semaphore_mem>> -> memref<1x!tpu.dma_semaphore, #tpu.memory_space<semaphore_mem>>
    %dma_wait3A_52 = tpu.memref_squeeze %dma_wait3A_51 : memref<1x!tpu.dma_semaphore, #tpu.memory_space<semaphore_mem>> -> memref<!tpu.dma_semaphore, #tpu.memory_space<semaphore_mem>>
    %dma_wait3A_53 = arith.constant 0 : i32
    %dma_wait3A_54 = arith.constant 0 : i32
    %dma_wait3A_55 = tpu.memref_slice %arg6[%dma_wait3A, %dma_wait3A_53, %dma_wait3A_54] : memref<2x32x200xi32, #tpu.memory_space<vmem>> -> memref<1x32x200xi32, #tpu.memory_space<vmem>>
    %dma_wait3A_56 = tpu.memref_squeeze %dma_wait3A_55 : memref<1x32x200xi32, #tpu.memory_space<vmem>> -> memref<32x200xi32, #tpu.memory_space<vmem>>
    %dma_wait3A_57 = arith.constant 0 : i32
    %dma_wait3A_58 = arith.constant 0 : i32
    %dma_wait3A_59 = tpu.memref_slice %arg2[%add3A, %dma_wait3A_57, %dma_wait3A_58] : memref<32x128x200xi32, #tpu.memory_space<hbm>> -> memref<1x32x200xi32, #tpu.memory_space<hbm>>
    %dma_wait3A_60 = tpu.memref_squeeze %dma_wait3A_59 : memref<1x32x200xi32, #tpu.memory_space<hbm>> -> memref<32x200xi32, #tpu.memory_space<hbm>>
    tpu.wait_dma2 semaphore(%dma_wait3A_52 : memref<!tpu.dma_semaphore, #tpu.memory_space<semaphore_mem>>) src(%dma_wait3A_60 : memref<32x200xi32, #tpu.memory_space<hbm>>) dst(%dma_wait3A_56 : memref<32x200xi32, #tpu.memory_space<vmem>>)
    %scan3A = arith.constant 0 : i32
    %scan3A_61 = arith.constant 0 : i32
    %scan3A_62 = arith.constant 32 : i32
    %scan3A_63 = arith.addi %scan3A_61, %scan3A_62 : i32
    %scan3A_64 = arith.constant 1 : i32
    scf.for %scan3A_250 = %scan3A_61 to %scan3A_63 step %scan3A_64  : i32 {
      %add3A_251 = arith.constant 0 : i32
      %add3A_252 = arith.addi %add3A_251, %scan3A_250 : i32
      %rem3A = arith.constant 3 : i32
      %rem3A_253 = arith.remsi %add3A_252, %rem3A : i32
      %ge3A = arith.constant 3 : i32
      %ge3A_254 = arith.cmpi sge, %add3A_252, %ge3A : i32
      %convert_element_type3A = arith.extui %ge3A_254 : i1 to i32
      %cond3A = arith.constant 0 : i32
      %cond3A_255 = arith.cmpi ne, %convert_element_type3A, %cond3A : i32
      scf.if %cond3A_255 {
        %add3A_290 = arith.addi %mul3A_2, %add3A_252 : i32
        %sub3A = arith.constant 3 : i32
        %sub3A_291 = arith.subi %add3A_290, %sub3A : i32
        %dma_wait3A_292 = arith.constant 0 : i32
        %dma_wait3A_293 = arith.constant 0 : i32
        %dma_wait3A_294 = tpu.memref_slice %arg7[%rem3A_253, %dma_wait3A_292, %dma_wait3A_293] : memref<3x200x80xf32, #tpu.memory_space<vmem>> -> memref<1x200x80xf32, #tpu.memory_space<vmem>>
        %dma_wait3A_295 = tpu.memref_squeeze %dma_wait3A_294 : memref<1x200x80xf32, #tpu.memory_space<vmem>> -> memref<200x80xf32, #tpu.memory_space<vmem>>
        %dma_wait3A_296 = arith.constant 0 : i32
        %dma_wait3A_297 = arith.constant 0 : i32
        %dma_wait3A_298 = tpu.memref_slice %arg4[%sub3A_291, %dma_wait3A_296, %dma_wait3A_297] : memref<4096x200x80xf32, #tpu.memory_space<hbm>> -> memref<1x200x80xf32, #tpu.memory_space<hbm>>
        %dma_wait3A_299 = tpu.memref_squeeze %dma_wait3A_298 : memref<1x200x80xf32, #tpu.memory_space<hbm>> -> memref<200x80xf32, #tpu.memory_space<hbm>>
        %dma_wait3A_300 = tpu.memref_slice %arg9[%rem3A_253] : memref<3x!tpu.dma_semaphore, #tpu.memory_space<semaphore_mem>> -> memref<1x!tpu.dma_semaphore, #tpu.memory_space<semaphore_mem>>
        %dma_wait3A_301 = tpu.memref_squeeze %dma_wait3A_300 : memref<1x!tpu.dma_semaphore, #tpu.memory_space<semaphore_mem>> -> memref<!tpu.dma_semaphore, #tpu.memory_space<semaphore_mem>>
        %dma_wait3A_302 = arith.constant 0 : i32
        %dma_wait3A_303 = arith.constant 0 : i32
        %dma_wait3A_304 = tpu.memref_slice %arg4[%sub3A_291, %dma_wait3A_302, %dma_wait3A_303] : memref<4096x200x80xf32, #tpu.memory_space<hbm>> -> memref<1x200x80xf32, #tpu.memory_space<hbm>>
        %dma_wait3A_305 = tpu.memref_squeeze %dma_wait3A_304 : memref<1x200x80xf32, #tpu.memory_space<hbm>> -> memref<200x80xf32, #tpu.memory_space<hbm>>
        %dma_wait3A_306 = arith.constant 0 : i32
        %dma_wait3A_307 = arith.constant 0 : i32
        %dma_wait3A_308 = tpu.memref_slice %arg7[%rem3A_253, %dma_wait3A_306, %dma_wait3A_307] : memref<3x200x80xf32, #tpu.memory_space<vmem>> -> memref<1x200x80xf32, #tpu.memory_space<vmem>>
        %dma_wait3A_309 = tpu.memref_squeeze %dma_wait3A_308 : memref<1x200x80xf32, #tpu.memory_space<vmem>> -> memref<200x80xf32, #tpu.memory_space<vmem>>
        tpu.wait_dma2 semaphore(%dma_wait3A_301 : memref<!tpu.dma_semaphore, #tpu.memory_space<semaphore_mem>>) src(%dma_wait3A_309 : memref<200x80xf32, #tpu.memory_space<vmem>>) dst(%dma_wait3A_305 : memref<200x80xf32, #tpu.memory_space<hbm>>)
      } else {
      }
      %parallel_loop3A = arith.constant 0 : i32
      %parallel_loop3A_256 = arith.constant 12 : i32
      %parallel_loop3A_257 = arith.constant 1 : i32
      scf.for %parallel_loop3A_290 = %parallel_loop3A to %parallel_loop3A_256 step %parallel_loop3A_257  : i32 {
        %parallel_loop3A_291 = arith.constant 16 : i32
        %parallel_loop3A_292 = arith.muli %parallel_loop3A_290, %parallel_loop3A_291 : i32
        %parallel_loop3A_293 = arith.constant 0 : i32
        %parallel_loop3A_294 = arith.index_cast %parallel_loop3A_293 : i32 to index
        %parallel_loop3A_295 = arith.index_cast %scan3A_250 : i32 to index
        %parallel_loop3A_296 = arith.index_cast %parallel_loop3A_292 : i32 to index
        %parallel_loop3A_297 = tpu.vector_load %arg6[%parallel_loop3A_294, %parallel_loop3A_295, %parallel_loop3A_296] {strides = array<i32>} : memref<2x32x200xi32, #tpu.memory_space<vmem>>, vector<16xi32>,
        %parallel_loop3A_298 = arith.constant 128 : i32
        %parallel_loop3A_299 = vector.broadcast %parallel_loop3A_298 : i32 to vector<16xi32>
        %parallel_loop3A_300 = arith.muli %parallel_loop3A_297, %parallel_loop3A_299 : vector<16xi32>
        %parallel_loop3A_301 = vector.broadcast %parallel_loop3A_292 : i32 to vector<16xi32>
        %parallel_loop3A_302 = arith.addi %parallel_loop3A_301, %iota3A : vector<16xi32>
        %parallel_loop3A_303 = arith.constant 0 : i32
        %parallel_loop3A_304 = arith.constant 80 : i32
        %parallel_loop3A_305 = arith.constant 1 : i32
        scf.for %parallel_loop3A_306 = %parallel_loop3A_303 to %parallel_loop3A_304 step %parallel_loop3A_305  : i32 {
          %parallel_loop3A_307 = vector.broadcast %parallel_loop3A_306 : i32 to vector<16xi32>
          %parallel_loop3A_308 = arith.addi %parallel_loop3A_307, %iota3A : vector<16xi32>
          %parallel_loop3A_309 = arith.constant 80 : i32
          %parallel_loop3A_310 = vector.broadcast %parallel_loop3A_309 : i32 to vector<16xi32>
          %parallel_loop3A_311 = arith.cmpi slt, %parallel_loop3A_308, %parallel_loop3A_310 : vector<16xi32>
          %parallel_loop3A_312 = arith.constant 80 : i32
          %parallel_loop3A_313 = vector.broadcast %parallel_loop3A_312 : i32 to vector<16xi32>
          %parallel_loop3A_314 = arith.subi %parallel_loop3A_308, %parallel_loop3A_313 : vector<16xi32>
          %parallel_loop3A_315 = arith.select %parallel_loop3A_311, %parallel_loop3A_308, %parallel_loop3A_314 : vector<16xi1>, vector<16xi32>
          %parallel_loop3A_316 = arith.addi %parallel_loop3A_300, %parallel_loop3A_315 : vector<16xi32>
          %parallel_loop3A_317 = tpu.vector_load_idx %arg5[%parallel_loop3A_316] : memref<12800xf32, #tpu.memory_space<vmem>>[vector<16xi32>], vector<16xf32>,
          %parallel_loop3A_318 = arith.constant 0 : i32
          %parallel_loop3A_319 = arith.constant 0 : i32
          %parallel_loop3A_320 = tpu.memref_slice %arg7[%rem3A_253, %parallel_loop3A_318, %parallel_loop3A_319] : memref<3x200x80xf32, #tpu.memory_space<vmem>> -> memref<1x200x80xf32, #tpu.memory_space<vmem>>
          %parallel_loop3A_321 = tpu.memref_squeeze %parallel_loop3A_320 : memref<1x200x80xf32, #tpu.memory_space<vmem>> -> memref<200x80xf32, #tpu.memory_space<vmem>>
          tpu.vector_store_idx %parallel_loop3A_321[%parallel_loop3A_302, %parallel_loop3A_315], %parallel_loop3A_317 : memref<200x80xf32, #tpu.memory_space<vmem>>[vector<16xi32>, vector<16xi32>], vector<16xf32>,
        } {sc.loop_unroll_factor = 16 : i64, sc.parallel_access}
      } {sc.loop_unroll_factor = 4 : i64, sc.parallel_access}
      %get3A = arith.constant 0 : i32
      %get3A_258 = arith.index_cast %get3A : i32 to index
      %get3A_259 = arith.index_cast %scan3A_250 : i32 to index
      %get3A_260 = arith.constant 184 : index
      %get3A_261 = tpu.vector_load %arg6[%get3A_258, %get3A_259, %get3A_260] {strides = array<i32>} : memref<2x32x200xi32, #tpu.memory_space<vmem>>, vector<16xi32>,
      %mul3A_262 = arith.constant 128 : i32
      %mul3A_263 = vector.broadcast %mul3A_262 : i32 to vector<16xi32>
      %mul3A_264 = arith.muli %get3A_261, %mul3A_263 : vector<16xi32>
      %add3A_265 = arith.constant 184 : i32
      %add3A_266 = vector.broadcast %add3A_265 : i32 to vector<16xi32>
      %add3A_267 = arith.addi %add3A_266, %iota3A : vector<16xi32>
      %parallel_loop3A_268 = arith.constant 0 : i32
      %parallel_loop3A_269 = arith.constant 80 : i32
      %parallel_loop3A_270 = arith.constant 1 : i32
      scf.for %parallel_loop3A_290 = %parallel_loop3A_268 to %parallel_loop3A_269 step %parallel_loop3A_270  : i32 {
        %parallel_loop3A_291 = vector.broadcast %parallel_loop3A_290 : i32 to vector<16xi32>
        %parallel_loop3A_292 = arith.addi %parallel_loop3A_291, %iota3A : vector<16xi32>
        %parallel_loop3A_293 = arith.constant 80 : i32
        %parallel_loop3A_294 = vector.broadcast %parallel_loop3A_293 : i32 to vector<16xi32>
        %parallel_loop3A_295 = arith.cmpi slt, %parallel_loop3A_292, %parallel_loop3A_294 : vector<16xi32>
        %parallel_loop3A_296 = arith.constant 80 : i32
        %parallel_loop3A_297 = vector.broadcast %parallel_loop3A_296 : i32 to vector<16xi32>
        %parallel_loop3A_298 = arith.subi %parallel_loop3A_292, %parallel_loop3A_297 : vector<16xi32>
        %parallel_loop3A_299 = arith.select %parallel_loop3A_295, %parallel_loop3A_292, %parallel_loop3A_298 : vector<16xi1>, vector<16xi32>
        %parallel_loop3A_300 = arith.addi %mul3A_264, %parallel_loop3A_299 : vector<16xi32>
        %parallel_loop3A_301 = tpu.vector_load_idx %arg5[%parallel_loop3A_300] : memref<12800xf32, #tpu.memory_space<vmem>>[vector<16xi32>], vector<16xf32>,
        %parallel_loop3A_302 = arith.constant 0 : i32
        %parallel_loop3A_303 = arith.constant 0 : i32
        %parallel_loop3A_304 = tpu.memref_slice %arg7[%rem3A_253, %parallel_loop3A_302, %parallel_loop3A_303] : memref<3x200x80xf32, #tpu.memory_space<vmem>> -> memref<1x200x80xf32, #tpu.memory_space<vmem>>
        %parallel_loop3A_305 = tpu.memref_squeeze %parallel_loop3A_304 : memref<1x200x80xf32, #tpu.memory_space<vmem>> -> memref<200x80xf32, #tpu.memory_space<vmem>>
        tpu.vector_store_idx %parallel_loop3A_305[%add3A_267, %parallel_loop3A_299], %parallel_loop3A_301 : memref<200x80xf32, #tpu.memory_space<vmem>>[vector<16xi32>, vector<16xi32>], vector<16xf32>,
      } {sc.loop_unroll_factor = 16 : i64, sc.parallel_access}
      %add3A_271 = arith.addi %mul3A_2, %add3A_252 : i32
      %dma_start3A_272 = arith.constant 0 : i32
      %dma_start3A_273 = arith.constant 0 : i32
      %dma_start3A_274 = tpu.memref_slice %arg7[%rem3A_253, %dma_start3A_272, %dma_start3A_273] : memref<3x200x80xf32, #tpu.memory_space<vmem>> -> memref<1x200x80xf32, #tpu.memory_space<vmem>>
      %dma_start3A_275 = tpu.memref_squeeze %dma_start3A_274 : memref<1x200x80xf32, #tpu.memory_space<vmem>> -> memref<200x80xf32, #tpu.memory_space<vmem>>
      %dma_start3A_276 = arith.constant 0 : i32
      %dma_start3A_277 = arith.constant 0 : i32
      %dma_start3A_278 = tpu.memref_slice %arg4[%add3A_271, %dma_start3A_276, %dma_start3A_277] : memref<4096x200x80xf32, #tpu.memory_space<hbm>> -> memref<1x200x80xf32, #tpu.memory_space<hbm>>
      %dma_start3A_279 = tpu.memref_squeeze %dma_start3A_278 : memref<1x200x80xf32, #tpu.memory_space<hbm>> -> memref<200x80xf32, #tpu.memory_space<hbm>>
      %dma_start3A_280 = tpu.memref_slice %arg9[%rem3A_253] : memref<3x!tpu.dma_semaphore, #tpu.memory_space<semaphore_mem>> -> memref<1x!tpu.dma_semaphore, #tpu.memory_space<semaphore_mem>>
      %dma_start3A_281 = tpu.memref_squeeze %dma_start3A_280 : memref<1x!tpu.dma_semaphore, #tpu.memory_space<semaphore_mem>> -> memref<!tpu.dma_semaphore, #tpu.memory_space<semaphore_mem>>
      %dma_start3A_282 = arith.constant 0 : i32
      %dma_start3A_283 = arith.constant 0 : i32
      %dma_start3A_284 = tpu.memref_slice %arg4[%add3A_271, %dma_start3A_282, %dma_start3A_283] : memref<4096x200x80xf32, #tpu.memory_space<hbm>> -> memref<1x200x80xf32, #tpu.memory_space<hbm>>
      %dma_start3A_285 = tpu.memref_squeeze %dma_start3A_284 : memref<1x200x80xf32, #tpu.memory_space<hbm>> -> memref<200x80xf32, #tpu.memory_space<hbm>>
      %dma_start3A_286 = arith.constant 0 : i32
      %dma_start3A_287 = arith.constant 0 : i32
      %dma_start3A_288 = tpu.memref_slice %arg7[%rem3A_253, %dma_start3A_286, %dma_start3A_287] : memref<3x200x80xf32, #tpu.memory_space<vmem>> -> memref<1x200x80xf32, #tpu.memory_space<vmem>>
      %dma_start3A_289 = tpu.memref_squeeze %dma_start3A_288 : memref<1x200x80xf32, #tpu.memory_space<vmem>> -> memref<200x80xf32, #tpu.memory_space<vmem>>
      tpu.enqueue_dma source(%dma_start3A_289 : memref<200x80xf32, #tpu.memory_space<vmem>>) target(%dma_start3A_285 : memref<200x80xf32, #tpu.memory_space<hbm>>) target_semaphore(%dma_start3A_281 : memref<!tpu.dma_semaphore, #tpu.memory_space<semaphore_mem>>)
    }
    %scan3A_65 = arith.constant 32 : i32
    %dma_start3A_66 = arith.constant 0 : i32
    %dma_start3A_67 = arith.constant 0 : i32
    %dma_start3A_68 = arith.constant 0 : i32
    %dma_start3A_69 = arith.constant 0 : i32
    %dma_start3A_70 = tpu.memref_slice %arg6[%dma_start3A_66, %dma_start3A_68, %dma_start3A_69] : memref<2x32x200xi32, #tpu.memory_space<vmem>> -> memref<1x32x200xi32, #tpu.memory_space<vmem>>
    %dma_start3A_71 = tpu.memref_squeeze %dma_start3A_70 : memref<1x32x200xi32, #tpu.memory_space<vmem>> -> memref<32x200xi32, #tpu.memory_space<vmem>>
    %dma_start3A_72 = arith.constant 64 : i32
    %dma_start3A_73 = arith.constant 0 : i32
    %dma_start3A_74 = tpu.memref_slice %arg2[%add3A, %dma_start3A_72, %dma_start3A_73] : memref<32x128x200xi32, #tpu.memory_space<hbm>> -> memref<1x32x200xi32, #tpu.memory_space<hbm>>
    %dma_start3A_75 = tpu.memref_squeeze %dma_start3A_74 : memref<1x32x200xi32, #tpu.memory_space<hbm>> -> memref<32x200xi32, #tpu.memory_space<hbm>>
    %dma_start3A_76 = tpu.memref_slice %arg8[%dma_start3A_67] : memref<2x!tpu.dma_semaphore, #tpu.memory_space<semaphore_mem>> -> memref<1x!tpu.dma_semaphore, #tpu.memory_space<semaphore_mem>>
    %dma_start3A_77 = tpu.memref_squeeze %dma_start3A_76 : memref<1x!tpu.dma_semaphore, #tpu.memory_space<semaphore_mem>> -> memref<!tpu.dma_semaphore, #tpu.memory_space<semaphore_mem>>
    %dma_start3A_78 = arith.constant 0 : i32
    %dma_start3A_79 = arith.constant 0 : i32
    %dma_start3A_80 = tpu.memref_slice %arg6[%dma_start3A_66, %dma_start3A_78, %dma_start3A_79] : memref<2x32x200xi32, #tpu.memory_space<vmem>> -> memref<1x32x200xi32, #tpu.memory_space<vmem>>
    %dma_start3A_81 = tpu.memref_squeeze %dma_start3A_80 : memref<1x32x200xi32, #tpu.memory_space<vmem>> -> memref<32x200xi32, #tpu.memory_space<vmem>>
    %dma_start3A_82 = arith.constant 64 : i32
    %dma_start3A_83 = arith.constant 0 : i32
    %dma_start3A_84 = tpu.memref_slice %arg2[%add3A, %dma_start3A_82, %dma_start3A_83] : memref<32x128x200xi32, #tpu.memory_space<hbm>> -> memref<1x32x200xi32, #tpu.memory_space<hbm>>
    %dma_start3A_85 = tpu.memref_squeeze %dma_start3A_84 : memref<1x32x200xi32, #tpu.memory_space<hbm>> -> memref<32x200xi32, #tpu.memory_space<hbm>>
    tpu.enqueue_dma source(%dma_start3A_85 : memref<32x200xi32, #tpu.memory_space<hbm>>) target(%dma_start3A_81 : memref<32x200xi32, #tpu.memory_space<vmem>>) target_semaphore(%dma_start3A_77 : memref<!tpu.dma_semaphore, #tpu.memory_space<semaphore_mem>>)
    %dma_wait3A_86 = arith.constant 1 : i32
    %dma_wait3A_87 = arith.constant 1 : i32
    %dma_wait3A_88 = arith.constant 0 : i32
    %dma_wait3A_89 = arith.constant 0 : i32
    %dma_wait3A_90 = tpu.memref_slice %arg6[%dma_wait3A_86, %dma_wait3A_88, %dma_wait3A_89] : memref<2x32x200xi32, #tpu.memory_space<vmem>> -> memref<1x32x200xi32, #tpu.memory_space<vmem>>
    %dma_wait3A_91 = tpu.memref_squeeze %dma_wait3A_90 : memref<1x32x200xi32, #tpu.memory_space<vmem>> -> memref<32x200xi32, #tpu.memory_space<vmem>>
    %dma_wait3A_92 = arith.constant 32 : i32
    %dma_wait3A_93 = arith.constant 0 : i32
    %dma_wait3A_94 = tpu.memref_slice %arg2[%add3A, %dma_wait3A_92, %dma_wait3A_93] : memref<32x128x200xi32, #tpu.memory_space<hbm>> -> memref<1x32x200xi32, #tpu.memory_space<hbm>>
    %dma_wait3A_95 = tpu.memref_squeeze %dma_wait3A_94 : memref<1x32x200xi32, #tpu.memory_space<hbm>> -> memref<32x200xi32, #tpu.memory_space<hbm>>
    %dma_wait3A_96 = tpu.memref_slice %arg8[%dma_wait3A_87] : memref<2x!tpu.dma_semaphore, #tpu.memory_space<semaphore_mem>> -> memref<1x!tpu.dma_semaphore, #tpu.memory_space<semaphore_mem>>
    %dma_wait3A_97 = tpu.memref_squeeze %dma_wait3A_96 : memref<1x!tpu.dma_semaphore, #tpu.memory_space<semaphore_mem>> -> memref<!tpu.dma_semaphore, #tpu.memory_space<semaphore_mem>>
    %dma_wait3A_98 = arith.constant 0 : i32
    %dma_wait3A_99 = arith.constant 0 : i32
    %dma_wait3A_100 = tpu.memref_slice %arg6[%dma_wait3A_86, %dma_wait3A_98, %dma_wait3A_99] : memref<2x32x200xi32, #tpu.memory_space<vmem>> -> memref<1x32x200xi32, #tpu.memory_space<vmem>>
    %dma_wait3A_101 = tpu.memref_squeeze %dma_wait3A_100 : memref<1x32x200xi32, #tpu.memory_space<vmem>> -> memref<32x200xi32, #tpu.memory_space<vmem>>
    %dma_wait3A_102 = arith.constant 32 : i32
    %dma_wait3A_103 = arith.constant 0 : i32
    %dma_wait3A_104 = tpu.memref_slice %arg2[%add3A, %dma_wait3A_102, %dma_wait3A_103] : memref<32x128x200xi32, #tpu.memory_space<hbm>> -> memref<1x32x200xi32, #tpu.memory_space<hbm>>
    %dma_wait3A_105 = tpu.memref_squeeze %dma_wait3A_104 : memref<1x32x200xi32, #tpu.memory_space<hbm>> -> memref<32x200xi32, #tpu.memory_space<hbm>>
    tpu.wait_dma2 semaphore(%dma_wait3A_97 : memref<!tpu.dma_semaphore, #tpu.memory_space<semaphore_mem>>) src(%dma_wait3A_105 : memref<32x200xi32, #tpu.memory_space<hbm>>) dst(%dma_wait3A_101 : memref<32x200xi32, #tpu.memory_space<vmem>>)
    %scan3A_106 = arith.constant 0 : i32
    %scan3A_107 = arith.constant 0 : i32
    %scan3A_108 = arith.constant 32 : i32
    %scan3A_109 = arith.addi %scan3A_107, %scan3A_108 : i32
    %scan3A_110 = arith.constant 1 : i32
    scf.for %scan3A_250 = %scan3A_107 to %scan3A_109 step %scan3A_110  : i32 {
      %add3A_251 = arith.constant 32 : i32
      %add3A_252 = arith.addi %add3A_251, %scan3A_250 : i32
      %rem3A = arith.constant 3 : i32
      %rem3A_253 = arith.remsi %add3A_252, %rem3A : i32
      %ge3A = arith.constant 3 : i32
      %ge3A_254 = arith.cmpi sge, %add3A_252, %ge3A : i32
      %convert_element_type3A = arith.extui %ge3A_254 : i1 to i32
      %cond3A = arith.constant 0 : i32
      %cond3A_255 = arith.cmpi ne, %convert_element_type3A, %cond3A : i32
      scf.if %cond3A_255 {
        %add3A_290 = arith.addi %mul3A_2, %add3A_252 : i32
        %sub3A = arith.constant 3 : i32
        %sub3A_291 = arith.subi %add3A_290, %sub3A : i32
        %dma_wait3A_292 = arith.constant 0 : i32
        %dma_wait3A_293 = arith.constant 0 : i32
        %dma_wait3A_294 = tpu.memref_slice %arg7[%rem3A_253, %dma_wait3A_292, %dma_wait3A_293] : memref<3x200x80xf32, #tpu.memory_space<vmem>> -> memref<1x200x80xf32, #tpu.memory_space<vmem>>
        %dma_wait3A_295 = tpu.memref_squeeze %dma_wait3A_294 : memref<1x200x80xf32, #tpu.memory_space<vmem>> -> memref<200x80xf32, #tpu.memory_space<vmem>>
        %dma_wait3A_296 = arith.constant 0 : i32
        %dma_wait3A_297 = arith.constant 0 : i32
        %dma_wait3A_298 = tpu.memref_slice %arg4[%sub3A_291, %dma_wait3A_296, %dma_wait3A_297] : memref<4096x200x80xf32, #tpu.memory_space<hbm>> -> memref<1x200x80xf32, #tpu.memory_space<hbm>>
        %dma_wait3A_299 = tpu.memref_squeeze %dma_wait3A_298 : memref<1x200x80xf32, #tpu.memory_space<hbm>> -> memref<200x80xf32, #tpu.memory_space<hbm>>
        %dma_wait3A_300 = tpu.memref_slice %arg9[%rem3A_253] : memref<3x!tpu.dma_semaphore, #tpu.memory_space<semaphore_mem>> -> memref<1x!tpu.dma_semaphore, #tpu.memory_space<semaphore_mem>>
        %dma_wait3A_301 = tpu.memref_squeeze %dma_wait3A_300 : memref<1x!tpu.dma_semaphore, #tpu.memory_space<semaphore_mem>> -> memref<!tpu.dma_semaphore, #tpu.memory_space<semaphore_mem>>
        %dma_wait3A_302 = arith.constant 0 : i32
        %dma_wait3A_303 = arith.constant 0 : i32
        %dma_wait3A_304 = tpu.memref_slice %arg4[%sub3A_291, %dma_wait3A_302, %dma_wait3A_303] : memref<4096x200x80xf32, #tpu.memory_space<hbm>> -> memref<1x200x80xf32, #tpu.memory_space<hbm>>
        %dma_wait3A_305 = tpu.memref_squeeze %dma_wait3A_304 : memref<1x200x80xf32, #tpu.memory_space<hbm>> -> memref<200x80xf32, #tpu.memory_space<hbm>>
        %dma_wait3A_306 = arith.constant 0 : i32
        %dma_wait3A_307 = arith.constant 0 : i32
        %dma_wait3A_308 = tpu.memref_slice %arg7[%rem3A_253, %dma_wait3A_306, %dma_wait3A_307] : memref<3x200x80xf32, #tpu.memory_space<vmem>> -> memref<1x200x80xf32, #tpu.memory_space<vmem>>
        %dma_wait3A_309 = tpu.memref_squeeze %dma_wait3A_308 : memref<1x200x80xf32, #tpu.memory_space<vmem>> -> memref<200x80xf32, #tpu.memory_space<vmem>>
        tpu.wait_dma2 semaphore(%dma_wait3A_301 : memref<!tpu.dma_semaphore, #tpu.memory_space<semaphore_mem>>) src(%dma_wait3A_309 : memref<200x80xf32, #tpu.memory_space<vmem>>) dst(%dma_wait3A_305 : memref<200x80xf32, #tpu.memory_space<hbm>>)
      } else {
      }
      %parallel_loop3A = arith.constant 0 : i32
      %parallel_loop3A_256 = arith.constant 12 : i32
      %parallel_loop3A_257 = arith.constant 1 : i32
      scf.for %parallel_loop3A_290 = %parallel_loop3A to %parallel_loop3A_256 step %parallel_loop3A_257  : i32 {
        %parallel_loop3A_291 = arith.constant 16 : i32
        %parallel_loop3A_292 = arith.muli %parallel_loop3A_290, %parallel_loop3A_291 : i32
        %parallel_loop3A_293 = arith.constant 1 : i32
        %parallel_loop3A_294 = arith.index_cast %parallel_loop3A_293 : i32 to index
        %parallel_loop3A_295 = arith.index_cast %scan3A_250 : i32 to index
        %parallel_loop3A_296 = arith.index_cast %parallel_loop3A_292 : i32 to index
        %parallel_loop3A_297 = tpu.vector_load %arg6[%parallel_loop3A_294, %parallel_loop3A_295, %parallel_loop3A_296] {strides = array<i32>} : memref<2x32x200xi32, #tpu.memory_space<vmem>>, vector<16xi32>,
        %parallel_loop3A_298 = arith.constant 128 : i32
        %parallel_loop3A_299 = vector.broadcast %parallel_loop3A_298 : i32 to vector<16xi32>
        %parallel_loop3A_300 = arith.muli %parallel_loop3A_297, %parallel_loop3A_299 : vector<16xi32>
        %parallel_loop3A_301 = vector.broadcast %parallel_loop3A_292 : i32 to vector<16xi32>
        %parallel_loop3A_302 = arith.addi %parallel_loop3A_301, %iota3A : vector<16xi32>
        %parallel_loop3A_303 = arith.constant 0 : i32
        %parallel_loop3A_304 = arith.constant 80 : i32
        %parallel_loop3A_305 = arith.constant 1 : i32
        scf.for %parallel_loop3A_306 = %parallel_loop3A_303 to %parallel_loop3A_304 step %parallel_loop3A_305  : i32 {
          %parallel_loop3A_307 = vector.broadcast %parallel_loop3A_306 : i32 to vector<16xi32>
          %parallel_loop3A_308 = arith.addi %parallel_loop3A_307, %iota3A : vector<16xi32>
          %parallel_loop3A_309 = arith.constant 80 : i32
          %parallel_loop3A_310 = vector.broadcast %parallel_loop3A_309 : i32 to vector<16xi32>
          %parallel_loop3A_311 = arith.cmpi slt, %parallel_loop3A_308, %parallel_loop3A_310 : vector<16xi32>
          %parallel_loop3A_312 = arith.constant 80 : i32
          %parallel_loop3A_313 = vector.broadcast %parallel_loop3A_312 : i32 to vector<16xi32>
          %parallel_loop3A_314 = arith.subi %parallel_loop3A_308, %parallel_loop3A_313 : vector<16xi32>
          %parallel_loop3A_315 = arith.select %parallel_loop3A_311, %parallel_loop3A_308, %parallel_loop3A_314 : vector<16xi1>, vector<16xi32>
          %parallel_loop3A_316 = arith.addi %parallel_loop3A_300, %parallel_loop3A_315 : vector<16xi32>
          %parallel_loop3A_317 = tpu.vector_load_idx %arg5[%parallel_loop3A_316] : memref<12800xf32, #tpu.memory_space<vmem>>[vector<16xi32>], vector<16xf32>,
          %parallel_loop3A_318 = arith.constant 0 : i32
          %parallel_loop3A_319 = arith.constant 0 : i32
          %parallel_loop3A_320 = tpu.memref_slice %arg7[%rem3A_253, %parallel_loop3A_318, %parallel_loop3A_319] : memref<3x200x80xf32, #tpu.memory_space<vmem>> -> memref<1x200x80xf32, #tpu.memory_space<vmem>>
          %parallel_loop3A_321 = tpu.memref_squeeze %parallel_loop3A_320 : memref<1x200x80xf32, #tpu.memory_space<vmem>> -> memref<200x80xf32, #tpu.memory_space<vmem>>
          tpu.vector_store_idx %parallel_loop3A_321[%parallel_loop3A_302, %parallel_loop3A_315], %parallel_loop3A_317 : memref<200x80xf32, #tpu.memory_space<vmem>>[vector<16xi32>, vector<16xi32>], vector<16xf32>,
        } {sc.loop_unroll_factor = 16 : i64, sc.parallel_access}
      } {sc.loop_unroll_factor = 4 : i64, sc.parallel_access}
      %get3A = arith.constant 1 : i32
      %get3A_258 = arith.index_cast %get3A : i32 to index
      %get3A_259 = arith.index_cast %scan3A_250 : i32 to index
      %get3A_260 = arith.constant 184 : index
      %get3A_261 = tpu.vector_load %arg6[%get3A_258, %get3A_259, %get3A_260] {strides = array<i32>} : memref<2x32x200xi32, #tpu.memory_space<vmem>>, vector<16xi32>,
      %mul3A_262 = arith.constant 128 : i32
      %mul3A_263 = vector.broadcast %mul3A_262 : i32 to vector<16xi32>
      %mul3A_264 = arith.muli %get3A_261, %mul3A_263 : vector<16xi32>
      %add3A_265 = arith.constant 184 : i32
      %add3A_266 = vector.broadcast %add3A_265 : i32 to vector<16xi32>
      %add3A_267 = arith.addi %add3A_266, %iota3A : vector<16xi32>
      %parallel_loop3A_268 = arith.constant 0 : i32
      %parallel_loop3A_269 = arith.constant 80 : i32
      %parallel_loop3A_270 = arith.constant 1 : i32
      scf.for %parallel_loop3A_290 = %parallel_loop3A_268 to %parallel_loop3A_269 step %parallel_loop3A_270  : i32 {
        %parallel_loop3A_291 = vector.broadcast %parallel_loop3A_290 : i32 to vector<16xi32>
        %parallel_loop3A_292 = arith.addi %parallel_loop3A_291, %iota3A : vector<16xi32>
        %parallel_loop3A_293 = arith.constant 80 : i32
        %parallel_loop3A_294 = vector.broadcast %parallel_loop3A_293 : i32 to vector<16xi32>
        %parallel_loop3A_295 = arith.cmpi slt, %parallel_loop3A_292, %parallel_loop3A_294 : vector<16xi32>
        %parallel_loop3A_296 = arith.constant 80 : i32
        %parallel_loop3A_297 = vector.broadcast %parallel_loop3A_296 : i32 to vector<16xi32>
        %parallel_loop3A_298 = arith.subi %parallel_loop3A_292, %parallel_loop3A_297 : vector<16xi32>
        %parallel_loop3A_299 = arith.select %parallel_loop3A_295, %parallel_loop3A_292, %parallel_loop3A_298 : vector<16xi1>, vector<16xi32>
        %parallel_loop3A_300 = arith.addi %mul3A_264, %parallel_loop3A_299 : vector<16xi32>
        %parallel_loop3A_301 = tpu.vector_load_idx %arg5[%parallel_loop3A_300] : memref<12800xf32, #tpu.memory_space<vmem>>[vector<16xi32>], vector<16xf32>,
        %parallel_loop3A_302 = arith.constant 0 : i32
        %parallel_loop3A_303 = arith.constant 0 : i32
        %parallel_loop3A_304 = tpu.memref_slice %arg7[%rem3A_253, %parallel_loop3A_302, %parallel_loop3A_303] : memref<3x200x80xf32, #tpu.memory_space<vmem>> -> memref<1x200x80xf32, #tpu.memory_space<vmem>>
        %parallel_loop3A_305 = tpu.memref_squeeze %parallel_loop3A_304 : memref<1x200x80xf32, #tpu.memory_space<vmem>> -> memref<200x80xf32, #tpu.memory_space<vmem>>
        tpu.vector_store_idx %parallel_loop3A_305[%add3A_267, %parallel_loop3A_299], %parallel_loop3A_301 : memref<200x80xf32, #tpu.memory_space<vmem>>[vector<16xi32>, vector<16xi32>], vector<16xf32>,
      } {sc.loop_unroll_factor = 16 : i64, sc.parallel_access}
      %add3A_271 = arith.addi %mul3A_2, %add3A_252 : i32
      %dma_start3A_272 = arith.constant 0 : i32
      %dma_start3A_273 = arith.constant 0 : i32
      %dma_start3A_274 = tpu.memref_slice %arg7[%rem3A_253, %dma_start3A_272, %dma_start3A_273] : memref<3x200x80xf32, #tpu.memory_space<vmem>> -> memref<1x200x80xf32, #tpu.memory_space<vmem>>
      %dma_start3A_275 = tpu.memref_squeeze %dma_start3A_274 : memref<1x200x80xf32, #tpu.memory_space<vmem>> -> memref<200x80xf32, #tpu.memory_space<vmem>>
      %dma_start3A_276 = arith.constant 0 : i32
      %dma_start3A_277 = arith.constant 0 : i32
      %dma_start3A_278 = tpu.memref_slice %arg4[%add3A_271, %dma_start3A_276, %dma_start3A_277] : memref<4096x200x80xf32, #tpu.memory_space<hbm>> -> memref<1x200x80xf32, #tpu.memory_space<hbm>>
      %dma_start3A_279 = tpu.memref_squeeze %dma_start3A_278 : memref<1x200x80xf32, #tpu.memory_space<hbm>> -> memref<200x80xf32, #tpu.memory_space<hbm>>
      %dma_start3A_280 = tpu.memref_slice %arg9[%rem3A_253] : memref<3x!tpu.dma_semaphore, #tpu.memory_space<semaphore_mem>> -> memref<1x!tpu.dma_semaphore, #tpu.memory_space<semaphore_mem>>
      %dma_start3A_281 = tpu.memref_squeeze %dma_start3A_280 : memref<1x!tpu.dma_semaphore, #tpu.memory_space<semaphore_mem>> -> memref<!tpu.dma_semaphore, #tpu.memory_space<semaphore_mem>>
      %dma_start3A_282 = arith.constant 0 : i32
      %dma_start3A_283 = arith.constant 0 : i32
      %dma_start3A_284 = tpu.memref_slice %arg4[%add3A_271, %dma_start3A_282, %dma_start3A_283] : memref<4096x200x80xf32, #tpu.memory_space<hbm>> -> memref<1x200x80xf32, #tpu.memory_space<hbm>>
      %dma_start3A_285 = tpu.memref_squeeze %dma_start3A_284 : memref<1x200x80xf32, #tpu.memory_space<hbm>> -> memref<200x80xf32, #tpu.memory_space<hbm>>
      %dma_start3A_286 = arith.constant 0 : i32
      %dma_start3A_287 = arith.constant 0 : i32
      %dma_start3A_288 = tpu.memref_slice %arg7[%rem3A_253, %dma_start3A_286, %dma_start3A_287] : memref<3x200x80xf32, #tpu.memory_space<vmem>> -> memref<1x200x80xf32, #tpu.memory_space<vmem>>
      %dma_start3A_289 = tpu.memref_squeeze %dma_start3A_288 : memref<1x200x80xf32, #tpu.memory_space<vmem>> -> memref<200x80xf32, #tpu.memory_space<vmem>>
      tpu.enqueue_dma source(%dma_start3A_289 : memref<200x80xf32, #tpu.memory_space<vmem>>) target(%dma_start3A_285 : memref<200x80xf32, #tpu.memory_space<hbm>>) target_semaphore(%dma_start3A_281 : memref<!tpu.dma_semaphore, #tpu.memory_space<semaphore_mem>>)
    }
    %scan3A_111 = arith.constant 32 : i32
    %dma_start3A_112 = arith.constant 1 : i32
    %dma_start3A_113 = arith.constant 1 : i32
    %dma_start3A_114 = arith.constant 0 : i32
    %dma_start3A_115 = arith.constant 0 : i32
    %dma_start3A_116 = tpu.memref_slice %arg6[%dma_start3A_112, %dma_start3A_114, %dma_start3A_115] : memref<2x32x200xi32, #tpu.memory_space<vmem>> -> memref<1x32x200xi32, #tpu.memory_space<vmem>>
    %dma_start3A_117 = tpu.memref_squeeze %dma_start3A_116 : memref<1x32x200xi32, #tpu.memory_space<vmem>> -> memref<32x200xi32, #tpu.memory_space<vmem>>
    %dma_start3A_118 = arith.constant 96 : i32
    %dma_start3A_119 = arith.constant 0 : i32
    %dma_start3A_120 = tpu.memref_slice %arg2[%add3A, %dma_start3A_118, %dma_start3A_119] : memref<32x128x200xi32, #tpu.memory_space<hbm>> -> memref<1x32x200xi32, #tpu.memory_space<hbm>>
    %dma_start3A_121 = tpu.memref_squeeze %dma_start3A_120 : memref<1x32x200xi32, #tpu.memory_space<hbm>> -> memref<32x200xi32, #tpu.memory_space<hbm>>
    %dma_start3A_122 = tpu.memref_slice %arg8[%dma_start3A_113] : memref<2x!tpu.dma_semaphore, #tpu.memory_space<semaphore_mem>> -> memref<1x!tpu.dma_semaphore, #tpu.memory_space<semaphore_mem>>
    %dma_start3A_123 = tpu.memref_squeeze %dma_start3A_122 : memref<1x!tpu.dma_semaphore, #tpu.memory_space<semaphore_mem>> -> memref<!tpu.dma_semaphore, #tpu.memory_space<semaphore_mem>>
    %dma_start3A_124 = arith.constant 0 : i32
    %dma_start3A_125 = arith.constant 0 : i32
    %dma_start3A_126 = tpu.memref_slice %arg6[%dma_start3A_112, %dma_start3A_124, %dma_start3A_125] : memref<2x32x200xi32, #tpu.memory_space<vmem>> -> memref<1x32x200xi32, #tpu.memory_space<vmem>>
    %dma_start3A_127 = tpu.memref_squeeze %dma_start3A_126 : memref<1x32x200xi32, #tpu.memory_space<vmem>> -> memref<32x200xi32, #tpu.memory_space<vmem>>
    %dma_start3A_128 = arith.constant 96 : i32
    %dma_start3A_129 = arith.constant 0 : i32
    %dma_start3A_130 = tpu.memref_slice %arg2[%add3A, %dma_start3A_128, %dma_start3A_129] : memref<32x128x200xi32, #tpu.memory_space<hbm>> -> memref<1x32x200xi32, #tpu.memory_space<hbm>>
    %dma_start3A_131 = tpu.memref_squeeze %dma_start3A_130 : memref<1x32x200xi32, #tpu.memory_space<hbm>> -> memref<32x200xi32, #tpu.memory_space<hbm>>
    tpu.enqueue_dma source(%dma_start3A_131 : memref<32x200xi32, #tpu.memory_space<hbm>>) target(%dma_start3A_127 : memref<32x200xi32, #tpu.memory_space<vmem>>) target_semaphore(%dma_start3A_123 : memref<!tpu.dma_semaphore, #tpu.memory_space<semaphore_mem>>)
    %dma_wait3A_132 = arith.constant 0 : i32
    %dma_wait3A_133 = arith.constant 0 : i32
    %dma_wait3A_134 = arith.constant 0 : i32
    %dma_wait3A_135 = arith.constant 0 : i32
    %dma_wait3A_136 = tpu.memref_slice %arg6[%dma_wait3A_132, %dma_wait3A_134, %dma_wait3A_135] : memref<2x32x200xi32, #tpu.memory_space<vmem>> -> memref<1x32x200xi32, #tpu.memory_space<vmem>>
    %dma_wait3A_137 = tpu.memref_squeeze %dma_wait3A_136 : memref<1x32x200xi32, #tpu.memory_space<vmem>> -> memref<32x200xi32, #tpu.memory_space<vmem>>
    %dma_wait3A_138 = arith.constant 64 : i32
    %dma_wait3A_139 = arith.constant 0 : i32
    %dma_wait3A_140 = tpu.memref_slice %arg2[%add3A, %dma_wait3A_138, %dma_wait3A_139] : memref<32x128x200xi32, #tpu.memory_space<hbm>> -> memref<1x32x200xi32, #tpu.memory_space<hbm>>
    %dma_wait3A_141 = tpu.memref_squeeze %dma_wait3A_140 : memref<1x32x200xi32, #tpu.memory_space<hbm>> -> memref<32x200xi32, #tpu.memory_space<hbm>>
    %dma_wait3A_142 = tpu.memref_slice %arg8[%dma_wait3A_133] : memref<2x!tpu.dma_semaphore, #tpu.memory_space<semaphore_mem>> -> memref<1x!tpu.dma_semaphore, #tpu.memory_space<semaphore_mem>>
    %dma_wait3A_143 = tpu.memref_squeeze %dma_wait3A_142 : memref<1x!tpu.dma_semaphore, #tpu.memory_space<semaphore_mem>> -> memref<!tpu.dma_semaphore, #tpu.memory_space<semaphore_mem>>
    %dma_wait3A_144 = arith.constant 0 : i32
    %dma_wait3A_145 = arith.constant 0 : i32
    %dma_wait3A_146 = tpu.memref_slice %arg6[%dma_wait3A_132, %dma_wait3A_144, %dma_wait3A_145] : memref<2x32x200xi32, #tpu.memory_space<vmem>> -> memref<1x32x200xi32, #tpu.memory_space<vmem>>
    %dma_wait3A_147 = tpu.memref_squeeze %dma_wait3A_146 : memref<1x32x200xi32, #tpu.memory_space<vmem>> -> memref<32x200xi32, #tpu.memory_space<vmem>>
    %dma_wait3A_148 = arith.constant 64 : i32
    %dma_wait3A_149 = arith.constant 0 : i32
    %dma_wait3A_150 = tpu.memref_slice %arg2[%add3A, %dma_wait3A_148, %dma_wait3A_149] : memref<32x128x200xi32, #tpu.memory_space<hbm>> -> memref<1x32x200xi32, #tpu.memory_space<hbm>>
    %dma_wait3A_151 = tpu.memref_squeeze %dma_wait3A_150 : memref<1x32x200xi32, #tpu.memory_space<hbm>> -> memref<32x200xi32, #tpu.memory_space<hbm>>
    tpu.wait_dma2 semaphore(%dma_wait3A_143 : memref<!tpu.dma_semaphore, #tpu.memory_space<semaphore_mem>>) src(%dma_wait3A_151 : memref<32x200xi32, #tpu.memory_space<hbm>>) dst(%dma_wait3A_147 : memref<32x200xi32, #tpu.memory_space<vmem>>)
    %scan3A_152 = arith.constant 0 : i32
    %scan3A_153 = arith.constant 0 : i32
    %scan3A_154 = arith.constant 32 : i32
    %scan3A_155 = arith.addi %scan3A_153, %scan3A_154 : i32
    %scan3A_156 = arith.constant 1 : i32
    scf.for %scan3A_250 = %scan3A_153 to %scan3A_155 step %scan3A_156  : i32 {
      %add3A_251 = arith.constant 64 : i32
      %add3A_252 = arith.addi %add3A_251, %scan3A_250 : i32
      %rem3A = arith.constant 3 : i32
      %rem3A_253 = arith.remsi %add3A_252, %rem3A : i32
      %ge3A = arith.constant 3 : i32
      %ge3A_254 = arith.cmpi sge, %add3A_252, %ge3A : i32
      %convert_element_type3A = arith.extui %ge3A_254 : i1 to i32
      %cond3A = arith.constant 0 : i32
      %cond3A_255 = arith.cmpi ne, %convert_element_type3A, %cond3A : i32
      scf.if %cond3A_255 {
        %add3A_290 = arith.addi %mul3A_2, %add3A_252 : i32
        %sub3A = arith.constant 3 : i32
        %sub3A_291 = arith.subi %add3A_290, %sub3A : i32
        %dma_wait3A_292 = arith.constant 0 : i32
        %dma_wait3A_293 = arith.constant 0 : i32
        %dma_wait3A_294 = tpu.memref_slice %arg7[%rem3A_253, %dma_wait3A_292, %dma_wait3A_293] : memref<3x200x80xf32, #tpu.memory_space<vmem>> -> memref<1x200x80xf32, #tpu.memory_space<vmem>>
        %dma_wait3A_295 = tpu.memref_squeeze %dma_wait3A_294 : memref<1x200x80xf32, #tpu.memory_space<vmem>> -> memref<200x80xf32, #tpu.memory_space<vmem>>
        %dma_wait3A_296 = arith.constant 0 : i32
        %dma_wait3A_297 = arith.constant 0 : i32
        %dma_wait3A_298 = tpu.memref_slice %arg4[%sub3A_291, %dma_wait3A_296, %dma_wait3A_297] : memref<4096x200x80xf32, #tpu.memory_space<hbm>> -> memref<1x200x80xf32, #tpu.memory_space<hbm>>
        %dma_wait3A_299 = tpu.memref_squeeze %dma_wait3A_298 : memref<1x200x80xf32, #tpu.memory_space<hbm>> -> memref<200x80xf32, #tpu.memory_space<hbm>>
        %dma_wait3A_300 = tpu.memref_slice %arg9[%rem3A_253] : memref<3x!tpu.dma_semaphore, #tpu.memory_space<semaphore_mem>> -> memref<1x!tpu.dma_semaphore, #tpu.memory_space<semaphore_mem>>
        %dma_wait3A_301 = tpu.memref_squeeze %dma_wait3A_300 : memref<1x!tpu.dma_semaphore, #tpu.memory_space<semaphore_mem>> -> memref<!tpu.dma_semaphore, #tpu.memory_space<semaphore_mem>>
        %dma_wait3A_302 = arith.constant 0 : i32
        %dma_wait3A_303 = arith.constant 0 : i32
        %dma_wait3A_304 = tpu.memref_slice %arg4[%sub3A_291, %dma_wait3A_302, %dma_wait3A_303] : memref<4096x200x80xf32, #tpu.memory_space<hbm>> -> memref<1x200x80xf32, #tpu.memory_space<hbm>>
        %dma_wait3A_305 = tpu.memref_squeeze %dma_wait3A_304 : memref<1x200x80xf32, #tpu.memory_space<hbm>> -> memref<200x80xf32, #tpu.memory_space<hbm>>
        %dma_wait3A_306 = arith.constant 0 : i32
        %dma_wait3A_307 = arith.constant 0 : i32
        %dma_wait3A_308 = tpu.memref_slice %arg7[%rem3A_253, %dma_wait3A_306, %dma_wait3A_307] : memref<3x200x80xf32, #tpu.memory_space<vmem>> -> memref<1x200x80xf32, #tpu.memory_space<vmem>>
        %dma_wait3A_309 = tpu.memref_squeeze %dma_wait3A_308 : memref<1x200x80xf32, #tpu.memory_space<vmem>> -> memref<200x80xf32, #tpu.memory_space<vmem>>
        tpu.wait_dma2 semaphore(%dma_wait3A_301 : memref<!tpu.dma_semaphore, #tpu.memory_space<semaphore_mem>>) src(%dma_wait3A_309 : memref<200x80xf32, #tpu.memory_space<vmem>>) dst(%dma_wait3A_305 : memref<200x80xf32, #tpu.memory_space<hbm>>)
      } else {
      }
      %parallel_loop3A = arith.constant 0 : i32
      %parallel_loop3A_256 = arith.constant 12 : i32
      %parallel_loop3A_257 = arith.constant 1 : i32
      scf.for %parallel_loop3A_290 = %parallel_loop3A to %parallel_loop3A_256 step %parallel_loop3A_257  : i32 {
        %parallel_loop3A_291 = arith.constant 16 : i32
        %parallel_loop3A_292 = arith.muli %parallel_loop3A_290, %parallel_loop3A_291 : i32
        %parallel_loop3A_293 = arith.constant 0 : i32
        %parallel_loop3A_294 = arith.index_cast %parallel_loop3A_293 : i32 to index
        %parallel_loop3A_295 = arith.index_cast %scan3A_250 : i32 to index
        %parallel_loop3A_296 = arith.index_cast %parallel_loop3A_292 : i32 to index
        %parallel_loop3A_297 = tpu.vector_load %arg6[%parallel_loop3A_294, %parallel_loop3A_295, %parallel_loop3A_296] {strides = array<i32>} : memref<2x32x200xi32, #tpu.memory_space<vmem>>, vector<16xi32>,
        %parallel_loop3A_298 = arith.constant 128 : i32
        %parallel_loop3A_299 = vector.broadcast %parallel_loop3A_298 : i32 to vector<16xi32>
        %parallel_loop3A_300 = arith.muli %parallel_loop3A_297, %parallel_loop3A_299 : vector<16xi32>
        %parallel_loop3A_301 = vector.broadcast %parallel_loop3A_292 : i32 to vector<16xi32>
        %parallel_loop3A_302 = arith.addi %parallel_loop3A_301, %iota3A : vector<16xi32>
        %parallel_loop3A_303 = arith.constant 0 : i32
        %parallel_loop3A_304 = arith.constant 80 : i32
        %parallel_loop3A_305 = arith.constant 1 : i32
        scf.for %parallel_loop3A_306 = %parallel_loop3A_303 to %parallel_loop3A_304 step %parallel_loop3A_305  : i32 {
          %parallel_loop3A_307 = vector.broadcast %parallel_loop3A_306 : i32 to vector<16xi32>
          %parallel_loop3A_308 = arith.addi %parallel_loop3A_307, %iota3A : vector<16xi32>
          %parallel_loop3A_309 = arith.constant 80 : i32
          %parallel_loop3A_310 = vector.broadcast %parallel_loop3A_309 : i32 to vector<16xi32>
          %parallel_loop3A_311 = arith.cmpi slt, %parallel_loop3A_308, %parallel_loop3A_310 : vector<16xi32>
          %parallel_loop3A_312 = arith.constant 80 : i32
          %parallel_loop3A_313 = vector.broadcast %parallel_loop3A_312 : i32 to vector<16xi32>
          %parallel_loop3A_314 = arith.subi %parallel_loop3A_308, %parallel_loop3A_313 : vector<16xi32>
          %parallel_loop3A_315 = arith.select %parallel_loop3A_311, %parallel_loop3A_308, %parallel_loop3A_314 : vector<16xi1>, vector<16xi32>
          %parallel_loop3A_316 = arith.addi %parallel_loop3A_300, %parallel_loop3A_315 : vector<16xi32>
          %parallel_loop3A_317 = tpu.vector_load_idx %arg5[%parallel_loop3A_316] : memref<12800xf32, #tpu.memory_space<vmem>>[vector<16xi32>], vector<16xf32>,
          %parallel_loop3A_318 = arith.constant 0 : i32
          %parallel_loop3A_319 = arith.constant 0 : i32
          %parallel_loop3A_320 = tpu.memref_slice %arg7[%rem3A_253, %parallel_loop3A_318, %parallel_loop3A_319] : memref<3x200x80xf32, #tpu.memory_space<vmem>> -> memref<1x200x80xf32, #tpu.memory_space<vmem>>
          %parallel_loop3A_321 = tpu.memref_squeeze %parallel_loop3A_320 : memref<1x200x80xf32, #tpu.memory_space<vmem>> -> memref<200x80xf32, #tpu.memory_space<vmem>>
          tpu.vector_store_idx %parallel_loop3A_321[%parallel_loop3A_302, %parallel_loop3A_315], %parallel_loop3A_317 : memref<200x80xf32, #tpu.memory_space<vmem>>[vector<16xi32>, vector<16xi32>], vector<16xf32>,
        } {sc.loop_unroll_factor = 16 : i64, sc.parallel_access}
      } {sc.loop_unroll_factor = 4 : i64, sc.parallel_access}
      %get3A = arith.constant 0 : i32
      %get3A_258 = arith.index_cast %get3A : i32 to index
      %get3A_259 = arith.index_cast %scan3A_250 : i32 to index
      %get3A_260 = arith.constant 184 : index
      %get3A_261 = tpu.vector_load %arg6[%get3A_258, %get3A_259, %get3A_260] {strides = array<i32>} : memref<2x32x200xi32, #tpu.memory_space<vmem>>, vector<16xi32>,
      %mul3A_262 = arith.constant 128 : i32
      %mul3A_263 = vector.broadcast %mul3A_262 : i32 to vector<16xi32>
      %mul3A_264 = arith.muli %get3A_261, %mul3A_263 : vector<16xi32>
      %add3A_265 = arith.constant 184 : i32
      %add3A_266 = vector.broadcast %add3A_265 : i32 to vector<16xi32>
      %add3A_267 = arith.addi %add3A_266, %iota3A : vector<16xi32>
      %parallel_loop3A_268 = arith.constant 0 : i32
      %parallel_loop3A_269 = arith.constant 80 : i32
      %parallel_loop3A_270 = arith.constant 1 : i32
      scf.for %parallel_loop3A_290 = %parallel_loop3A_268 to %parallel_loop3A_269 step %parallel_loop3A_270  : i32 {
        %parallel_loop3A_291 = vector.broadcast %parallel_loop3A_290 : i32 to vector<16xi32>
        %parallel_loop3A_292 = arith.addi %parallel_loop3A_291, %iota3A : vector<16xi32>
        %parallel_loop3A_293 = arith.constant 80 : i32
        %parallel_loop3A_294 = vector.broadcast %parallel_loop3A_293 : i32 to vector<16xi32>
        %parallel_loop3A_295 = arith.cmpi slt, %parallel_loop3A_292, %parallel_loop3A_294 : vector<16xi32>
        %parallel_loop3A_296 = arith.constant 80 : i32
        %parallel_loop3A_297 = vector.broadcast %parallel_loop3A_296 : i32 to vector<16xi32>
        %parallel_loop3A_298 = arith.subi %parallel_loop3A_292, %parallel_loop3A_297 : vector<16xi32>
        %parallel_loop3A_299 = arith.select %parallel_loop3A_295, %parallel_loop3A_292, %parallel_loop3A_298 : vector<16xi1>, vector<16xi32>
        %parallel_loop3A_300 = arith.addi %mul3A_264, %parallel_loop3A_299 : vector<16xi32>
        %parallel_loop3A_301 = tpu.vector_load_idx %arg5[%parallel_loop3A_300] : memref<12800xf32, #tpu.memory_space<vmem>>[vector<16xi32>], vector<16xf32>,
        %parallel_loop3A_302 = arith.constant 0 : i32
        %parallel_loop3A_303 = arith.constant 0 : i32
        %parallel_loop3A_304 = tpu.memref_slice %arg7[%rem3A_253, %parallel_loop3A_302, %parallel_loop3A_303] : memref<3x200x80xf32, #tpu.memory_space<vmem>> -> memref<1x200x80xf32, #tpu.memory_space<vmem>>
        %parallel_loop3A_305 = tpu.memref_squeeze %parallel_loop3A_304 : memref<1x200x80xf32, #tpu.memory_space<vmem>> -> memref<200x80xf32, #tpu.memory_space<vmem>>
        tpu.vector_store_idx %parallel_loop3A_305[%add3A_267, %parallel_loop3A_299], %parallel_loop3A_301 : memref<200x80xf32, #tpu.memory_space<vmem>>[vector<16xi32>, vector<16xi32>], vector<16xf32>,
      } {sc.loop_unroll_factor = 16 : i64, sc.parallel_access}
      %add3A_271 = arith.addi %mul3A_2, %add3A_252 : i32
      %dma_start3A_272 = arith.constant 0 : i32
      %dma_start3A_273 = arith.constant 0 : i32
      %dma_start3A_274 = tpu.memref_slice %arg7[%rem3A_253, %dma_start3A_272, %dma_start3A_273] : memref<3x200x80xf32, #tpu.memory_space<vmem>> -> memref<1x200x80xf32, #tpu.memory_space<vmem>>
      %dma_start3A_275 = tpu.memref_squeeze %dma_start3A_274 : memref<1x200x80xf32, #tpu.memory_space<vmem>> -> memref<200x80xf32, #tpu.memory_space<vmem>>
      %dma_start3A_276 = arith.constant 0 : i32
      %dma_start3A_277 = arith.constant 0 : i32
      %dma_start3A_278 = tpu.memref_slice %arg4[%add3A_271, %dma_start3A_276, %dma_start3A_277] : memref<4096x200x80xf32, #tpu.memory_space<hbm>> -> memref<1x200x80xf32, #tpu.memory_space<hbm>>
      %dma_start3A_279 = tpu.memref_squeeze %dma_start3A_278 : memref<1x200x80xf32, #tpu.memory_space<hbm>> -> memref<200x80xf32, #tpu.memory_space<hbm>>
      %dma_start3A_280 = tpu.memref_slice %arg9[%rem3A_253] : memref<3x!tpu.dma_semaphore, #tpu.memory_space<semaphore_mem>> -> memref<1x!tpu.dma_semaphore, #tpu.memory_space<semaphore_mem>>
      %dma_start3A_281 = tpu.memref_squeeze %dma_start3A_280 : memref<1x!tpu.dma_semaphore, #tpu.memory_space<semaphore_mem>> -> memref<!tpu.dma_semaphore, #tpu.memory_space<semaphore_mem>>
      %dma_start3A_282 = arith.constant 0 : i32
      %dma_start3A_283 = arith.constant 0 : i32
      %dma_start3A_284 = tpu.memref_slice %arg4[%add3A_271, %dma_start3A_282, %dma_start3A_283] : memref<4096x200x80xf32, #tpu.memory_space<hbm>> -> memref<1x200x80xf32, #tpu.memory_space<hbm>>
      %dma_start3A_285 = tpu.memref_squeeze %dma_start3A_284 : memref<1x200x80xf32, #tpu.memory_space<hbm>> -> memref<200x80xf32, #tpu.memory_space<hbm>>
      %dma_start3A_286 = arith.constant 0 : i32
      %dma_start3A_287 = arith.constant 0 : i32
      %dma_start3A_288 = tpu.memref_slice %arg7[%rem3A_253, %dma_start3A_286, %dma_start3A_287] : memref<3x200x80xf32, #tpu.memory_space<vmem>> -> memref<1x200x80xf32, #tpu.memory_space<vmem>>
      %dma_start3A_289 = tpu.memref_squeeze %dma_start3A_288 : memref<1x200x80xf32, #tpu.memory_space<vmem>> -> memref<200x80xf32, #tpu.memory_space<vmem>>
      tpu.enqueue_dma source(%dma_start3A_289 : memref<200x80xf32, #tpu.memory_space<vmem>>) target(%dma_start3A_285 : memref<200x80xf32, #tpu.memory_space<hbm>>) target_semaphore(%dma_start3A_281 : memref<!tpu.dma_semaphore, #tpu.memory_space<semaphore_mem>>)
    }
    %scan3A_157 = arith.constant 32 : i32
    %dma_wait3A_158 = arith.constant 1 : i32
    %dma_wait3A_159 = arith.constant 1 : i32
    %dma_wait3A_160 = arith.constant 0 : i32
    %dma_wait3A_161 = arith.constant 0 : i32
    %dma_wait3A_162 = tpu.memref_slice %arg6[%dma_wait3A_158, %dma_wait3A_160, %dma_wait3A_161] : memref<2x32x200xi32, #tpu.memory_space<vmem>> -> memref<1x32x200xi32, #tpu.memory_space<vmem>>
    %dma_wait3A_163 = tpu.memref_squeeze %dma_wait3A_162 : memref<1x32x200xi32, #tpu.memory_space<vmem>> -> memref<32x200xi32, #tpu.memory_space<vmem>>
    %dma_wait3A_164 = arith.constant 96 : i32
    %dma_wait3A_165 = arith.constant 0 : i32
    %dma_wait3A_166 = tpu.memref_slice %arg2[%add3A, %dma_wait3A_164, %dma_wait3A_165] : memref<32x128x200xi32, #tpu.memory_space<hbm>> -> memref<1x32x200xi32, #tpu.memory_space<hbm>>
    %dma_wait3A_167 = tpu.memref_squeeze %dma_wait3A_166 : memref<1x32x200xi32, #tpu.memory_space<hbm>> -> memref<32x200xi32, #tpu.memory_space<hbm>>
    %dma_wait3A_168 = tpu.memref_slice %arg8[%dma_wait3A_159] : memref<2x!tpu.dma_semaphore, #tpu.memory_space<semaphore_mem>> -> memref<1x!tpu.dma_semaphore, #tpu.memory_space<semaphore_mem>>
    %dma_wait3A_169 = tpu.memref_squeeze %dma_wait3A_168 : memref<1x!tpu.dma_semaphore, #tpu.memory_space<semaphore_mem>> -> memref<!tpu.dma_semaphore, #tpu.memory_space<semaphore_mem>>
    %dma_wait3A_170 = arith.constant 0 : i32
    %dma_wait3A_171 = arith.constant 0 : i32
    %dma_wait3A_172 = tpu.memref_slice %arg6[%dma_wait3A_158, %dma_wait3A_170, %dma_wait3A_171] : memref<2x32x200xi32, #tpu.memory_space<vmem>> -> memref<1x32x200xi32, #tpu.memory_space<vmem>>
    %dma_wait3A_173 = tpu.memref_squeeze %dma_wait3A_172 : memref<1x32x200xi32, #tpu.memory_space<vmem>> -> memref<32x200xi32, #tpu.memory_space<vmem>>
    %dma_wait3A_174 = arith.constant 96 : i32
    %dma_wait3A_175 = arith.constant 0 : i32
    %dma_wait3A_176 = tpu.memref_slice %arg2[%add3A, %dma_wait3A_174, %dma_wait3A_175] : memref<32x128x200xi32, #tpu.memory_space<hbm>> -> memref<1x32x200xi32, #tpu.memory_space<hbm>>
    %dma_wait3A_177 = tpu.memref_squeeze %dma_wait3A_176 : memref<1x32x200xi32, #tpu.memory_space<hbm>> -> memref<32x200xi32, #tpu.memory_space<hbm>>
    tpu.wait_dma2 semaphore(%dma_wait3A_169 : memref<!tpu.dma_semaphore, #tpu.memory_space<semaphore_mem>>) src(%dma_wait3A_177 : memref<32x200xi32, #tpu.memory_space<hbm>>) dst(%dma_wait3A_173 : memref<32x200xi32, #tpu.memory_space<vmem>>)
    %scan3A_178 = arith.constant 0 : i32
    %scan3A_179 = arith.constant 0 : i32
    %scan3A_180 = arith.constant 32 : i32
    %scan3A_181 = arith.addi %scan3A_179, %scan3A_180 : i32
    %scan3A_182 = arith.constant 1 : i32
    scf.for %scan3A_250 = %scan3A_179 to %scan3A_181 step %scan3A_182  : i32 {
      %add3A_251 = arith.constant 96 : i32
      %add3A_252 = arith.addi %add3A_251, %scan3A_250 : i32
      %rem3A = arith.constant 3 : i32
      %rem3A_253 = arith.remsi %add3A_252, %rem3A : i32
      %ge3A = arith.constant 3 : i32
      %ge3A_254 = arith.cmpi sge, %add3A_252, %ge3A : i32
      %convert_element_type3A = arith.extui %ge3A_254 : i1 to i32
      %cond3A = arith.constant 0 : i32
      %cond3A_255 = arith.cmpi ne, %convert_element_type3A, %cond3A : i32
      scf.if %cond3A_255 {
        %add3A_290 = arith.addi %mul3A_2, %add3A_252 : i32
        %sub3A = arith.constant 3 : i32
        %sub3A_291 = arith.subi %add3A_290, %sub3A : i32
        %dma_wait3A_292 = arith.constant 0 : i32
        %dma_wait3A_293 = arith.constant 0 : i32
        %dma_wait3A_294 = tpu.memref_slice %arg7[%rem3A_253, %dma_wait3A_292, %dma_wait3A_293] : memref<3x200x80xf32, #tpu.memory_space<vmem>> -> memref<1x200x80xf32, #tpu.memory_space<vmem>>
        %dma_wait3A_295 = tpu.memref_squeeze %dma_wait3A_294 : memref<1x200x80xf32, #tpu.memory_space<vmem>> -> memref<200x80xf32, #tpu.memory_space<vmem>>
        %dma_wait3A_296 = arith.constant 0 : i32
        %dma_wait3A_297 = arith.constant 0 : i32
        %dma_wait3A_298 = tpu.memref_slice %arg4[%sub3A_291, %dma_wait3A_296, %dma_wait3A_297] : memref<4096x200x80xf32, #tpu.memory_space<hbm>> -> memref<1x200x80xf32, #tpu.memory_space<hbm>>
        %dma_wait3A_299 = tpu.memref_squeeze %dma_wait3A_298 : memref<1x200x80xf32, #tpu.memory_space<hbm>> -> memref<200x80xf32, #tpu.memory_space<hbm>>
        %dma_wait3A_300 = tpu.memref_slice %arg9[%rem3A_253] : memref<3x!tpu.dma_semaphore, #tpu.memory_space<semaphore_mem>> -> memref<1x!tpu.dma_semaphore, #tpu.memory_space<semaphore_mem>>
        %dma_wait3A_301 = tpu.memref_squeeze %dma_wait3A_300 : memref<1x!tpu.dma_semaphore, #tpu.memory_space<semaphore_mem>> -> memref<!tpu.dma_semaphore, #tpu.memory_space<semaphore_mem>>
        %dma_wait3A_302 = arith.constant 0 : i32
        %dma_wait3A_303 = arith.constant 0 : i32
        %dma_wait3A_304 = tpu.memref_slice %arg4[%sub3A_291, %dma_wait3A_302, %dma_wait3A_303] : memref<4096x200x80xf32, #tpu.memory_space<hbm>> -> memref<1x200x80xf32, #tpu.memory_space<hbm>>
        %dma_wait3A_305 = tpu.memref_squeeze %dma_wait3A_304 : memref<1x200x80xf32, #tpu.memory_space<hbm>> -> memref<200x80xf32, #tpu.memory_space<hbm>>
        %dma_wait3A_306 = arith.constant 0 : i32
        %dma_wait3A_307 = arith.constant 0 : i32
        %dma_wait3A_308 = tpu.memref_slice %arg7[%rem3A_253, %dma_wait3A_306, %dma_wait3A_307] : memref<3x200x80xf32, #tpu.memory_space<vmem>> -> memref<1x200x80xf32, #tpu.memory_space<vmem>>
        %dma_wait3A_309 = tpu.memref_squeeze %dma_wait3A_308 : memref<1x200x80xf32, #tpu.memory_space<vmem>> -> memref<200x80xf32, #tpu.memory_space<vmem>>
        tpu.wait_dma2 semaphore(%dma_wait3A_301 : memref<!tpu.dma_semaphore, #tpu.memory_space<semaphore_mem>>) src(%dma_wait3A_309 : memref<200x80xf32, #tpu.memory_space<vmem>>) dst(%dma_wait3A_305 : memref<200x80xf32, #tpu.memory_space<hbm>>)
      } else {
      }
      %parallel_loop3A = arith.constant 0 : i32
      %parallel_loop3A_256 = arith.constant 12 : i32
      %parallel_loop3A_257 = arith.constant 1 : i32
      scf.for %parallel_loop3A_290 = %parallel_loop3A to %parallel_loop3A_256 step %parallel_loop3A_257  : i32 {
        %parallel_loop3A_291 = arith.constant 16 : i32
        %parallel_loop3A_292 = arith.muli %parallel_loop3A_290, %parallel_loop3A_291 : i32
        %parallel_loop3A_293 = arith.constant 1 : i32
        %parallel_loop3A_294 = arith.index_cast %parallel_loop3A_293 : i32 to index
        %parallel_loop3A_295 = arith.index_cast %scan3A_250 : i32 to index
        %parallel_loop3A_296 = arith.index_cast %parallel_loop3A_292 : i32 to index
        %parallel_loop3A_297 = tpu.vector_load %arg6[%parallel_loop3A_294, %parallel_loop3A_295, %parallel_loop3A_296] {strides = array<i32>} : memref<2x32x200xi32, #tpu.memory_space<vmem>>, vector<16xi32>,
        %parallel_loop3A_298 = arith.constant 128 : i32
        %parallel_loop3A_299 = vector.broadcast %parallel_loop3A_298 : i32 to vector<16xi32>
        %parallel_loop3A_300 = arith.muli %parallel_loop3A_297, %parallel_loop3A_299 : vector<16xi32>
        %parallel_loop3A_301 = vector.broadcast %parallel_loop3A_292 : i32 to vector<16xi32>
        %parallel_loop3A_302 = arith.addi %parallel_loop3A_301, %iota3A : vector<16xi32>
        %parallel_loop3A_303 = arith.constant 0 : i32
        %parallel_loop3A_304 = arith.constant 80 : i32
        %parallel_loop3A_305 = arith.constant 1 : i32
        scf.for %parallel_loop3A_306 = %parallel_loop3A_303 to %parallel_loop3A_304 step %parallel_loop3A_305  : i32 {
          %parallel_loop3A_307 = vector.broadcast %parallel_loop3A_306 : i32 to vector<16xi32>
          %parallel_loop3A_308 = arith.addi %parallel_loop3A_307, %iota3A : vector<16xi32>
          %parallel_loop3A_309 = arith.constant 80 : i32
          %parallel_loop3A_310 = vector.broadcast %parallel_loop3A_309 : i32 to vector<16xi32>
          %parallel_loop3A_311 = arith.cmpi slt, %parallel_loop3A_308, %parallel_loop3A_310 : vector<16xi32>
          %parallel_loop3A_312 = arith.constant 80 : i32
          %parallel_loop3A_313 = vector.broadcast %parallel_loop3A_312 : i32 to vector<16xi32>
          %parallel_loop3A_314 = arith.subi %parallel_loop3A_308, %parallel_loop3A_313 : vector<16xi32>
          %parallel_loop3A_315 = arith.select %parallel_loop3A_311, %parallel_loop3A_308, %parallel_loop3A_314 : vector<16xi1>, vector<16xi32>
          %parallel_loop3A_316 = arith.addi %parallel_loop3A_300, %parallel_loop3A_315 : vector<16xi32>
          %parallel_loop3A_317 = tpu.vector_load_idx %arg5[%parallel_loop3A_316] : memref<12800xf32, #tpu.memory_space<vmem>>[vector<16xi32>], vector<16xf32>,
          %parallel_loop3A_318 = arith.constant 0 : i32
          %parallel_loop3A_319 = arith.constant 0 : i32
          %parallel_loop3A_320 = tpu.memref_slice %arg7[%rem3A_253, %parallel_loop3A_318, %parallel_loop3A_319] : memref<3x200x80xf32, #tpu.memory_space<vmem>> -> memref<1x200x80xf32, #tpu.memory_space<vmem>>
          %parallel_loop3A_321 = tpu.memref_squeeze %parallel_loop3A_320 : memref<1x200x80xf32, #tpu.memory_space<vmem>> -> memref<200x80xf32, #tpu.memory_space<vmem>>
          tpu.vector_store_idx %parallel_loop3A_321[%parallel_loop3A_302, %parallel_loop3A_315], %parallel_loop3A_317 : memref<200x80xf32, #tpu.memory_space<vmem>>[vector<16xi32>, vector<16xi32>], vector<16xf32>,
        } {sc.loop_unroll_factor = 16 : i64, sc.parallel_access}
      } {sc.loop_unroll_factor = 4 : i64, sc.parallel_access}
      %get3A = arith.constant 1 : i32
      %get3A_258 = arith.index_cast %get3A : i32 to index
      %get3A_259 = arith.index_cast %scan3A_250 : i32 to index
      %get3A_260 = arith.constant 184 : index
      %get3A_261 = tpu.vector_load %arg6[%get3A_258, %get3A_259, %get3A_260] {strides = array<i32>} : memref<2x32x200xi32, #tpu.memory_space<vmem>>, vector<16xi32>,
      %mul3A_262 = arith.constant 128 : i32
      %mul3A_263 = vector.broadcast %mul3A_262 : i32 to vector<16xi32>
      %mul3A_264 = arith.muli %get3A_261, %mul3A_263 : vector<16xi32>
      %add3A_265 = arith.constant 184 : i32
      %add3A_266 = vector.broadcast %add3A_265 : i32 to vector<16xi32>
      %add3A_267 = arith.addi %add3A_266, %iota3A : vector<16xi32>
      %parallel_loop3A_268 = arith.constant 0 : i32
      %parallel_loop3A_269 = arith.constant 80 : i32
      %parallel_loop3A_270 = arith.constant 1 : i32
      scf.for %parallel_loop3A_290 = %parallel_loop3A_268 to %parallel_loop3A_269 step %parallel_loop3A_270  : i32 {
        %parallel_loop3A_291 = vector.broadcast %parallel_loop3A_290 : i32 to vector<16xi32>
        %parallel_loop3A_292 = arith.addi %parallel_loop3A_291, %iota3A : vector<16xi32>
        %parallel_loop3A_293 = arith.constant 80 : i32
        %parallel_loop3A_294 = vector.broadcast %parallel_loop3A_293 : i32 to vector<16xi32>
        %parallel_loop3A_295 = arith.cmpi slt, %parallel_loop3A_292, %parallel_loop3A_294 : vector<16xi32>
        %parallel_loop3A_296 = arith.constant 80 : i32
        %parallel_loop3A_297 = vector.broadcast %parallel_loop3A_296 : i32 to vector<16xi32>
        %parallel_loop3A_298 = arith.subi %parallel_loop3A_292, %parallel_loop3A_297 : vector<16xi32>
        %parallel_loop3A_299 = arith.select %parallel_loop3A_295, %parallel_loop3A_292, %parallel_loop3A_298 : vector<16xi1>, vector<16xi32>
        %parallel_loop3A_300 = arith.addi %mul3A_264, %parallel_loop3A_299 : vector<16xi32>
        %parallel_loop3A_301 = tpu.vector_load_idx %arg5[%parallel_loop3A_300] : memref<12800xf32, #tpu.memory_space<vmem>>[vector<16xi32>], vector<16xf32>,
        %parallel_loop3A_302 = arith.constant 0 : i32
        %parallel_loop3A_303 = arith.constant 0 : i32
        %parallel_loop3A_304 = tpu.memref_slice %arg7[%rem3A_253, %parallel_loop3A_302, %parallel_loop3A_303] : memref<3x200x80xf32, #tpu.memory_space<vmem>> -> memref<1x200x80xf32, #tpu.memory_space<vmem>>
        %parallel_loop3A_305 = tpu.memref_squeeze %parallel_loop3A_304 : memref<1x200x80xf32, #tpu.memory_space<vmem>> -> memref<200x80xf32, #tpu.memory_space<vmem>>
        tpu.vector_store_idx %parallel_loop3A_305[%add3A_267, %parallel_loop3A_299], %parallel_loop3A_301 : memref<200x80xf32, #tpu.memory_space<vmem>>[vector<16xi32>, vector<16xi32>], vector<16xf32>,
      } {sc.loop_unroll_factor = 16 : i64, sc.parallel_access}
      %add3A_271 = arith.addi %mul3A_2, %add3A_252 : i32
      %dma_start3A_272 = arith.constant 0 : i32
      %dma_start3A_273 = arith.constant 0 : i32
      %dma_start3A_274 = tpu.memref_slice %arg7[%rem3A_253, %dma_start3A_272, %dma_start3A_273] : memref<3x200x80xf32, #tpu.memory_space<vmem>> -> memref<1x200x80xf32, #tpu.memory_space<vmem>>
      %dma_start3A_275 = tpu.memref_squeeze %dma_start3A_274 : memref<1x200x80xf32, #tpu.memory_space<vmem>> -> memref<200x80xf32, #tpu.memory_space<vmem>>
      %dma_start3A_276 = arith.constant 0 : i32
      %dma_start3A_277 = arith.constant 0 : i32
      %dma_start3A_278 = tpu.memref_slice %arg4[%add3A_271, %dma_start3A_276, %dma_start3A_277] : memref<4096x200x80xf32, #tpu.memory_space<hbm>> -> memref<1x200x80xf32, #tpu.memory_space<hbm>>
      %dma_start3A_279 = tpu.memref_squeeze %dma_start3A_278 : memref<1x200x80xf32, #tpu.memory_space<hbm>> -> memref<200x80xf32, #tpu.memory_space<hbm>>
      %dma_start3A_280 = tpu.memref_slice %arg9[%rem3A_253] : memref<3x!tpu.dma_semaphore, #tpu.memory_space<semaphore_mem>> -> memref<1x!tpu.dma_semaphore, #tpu.memory_space<semaphore_mem>>
      %dma_start3A_281 = tpu.memref_squeeze %dma_start3A_280 : memref<1x!tpu.dma_semaphore, #tpu.memory_space<semaphore_mem>> -> memref<!tpu.dma_semaphore, #tpu.memory_space<semaphore_mem>>
      %dma_start3A_282 = arith.constant 0 : i32
      %dma_start3A_283 = arith.constant 0 : i32
      %dma_start3A_284 = tpu.memref_slice %arg4[%add3A_271, %dma_start3A_282, %dma_start3A_283] : memref<4096x200x80xf32, #tpu.memory_space<hbm>> -> memref<1x200x80xf32, #tpu.memory_space<hbm>>
      %dma_start3A_285 = tpu.memref_squeeze %dma_start3A_284 : memref<1x200x80xf32, #tpu.memory_space<hbm>> -> memref<200x80xf32, #tpu.memory_space<hbm>>
      %dma_start3A_286 = arith.constant 0 : i32
      %dma_start3A_287 = arith.constant 0 : i32
      %dma_start3A_288 = tpu.memref_slice %arg7[%rem3A_253, %dma_start3A_286, %dma_start3A_287] : memref<3x200x80xf32, #tpu.memory_space<vmem>> -> memref<1x200x80xf32, #tpu.memory_space<vmem>>
      %dma_start3A_289 = tpu.memref_squeeze %dma_start3A_288 : memref<1x200x80xf32, #tpu.memory_space<vmem>> -> memref<200x80xf32, #tpu.memory_space<vmem>>
      tpu.enqueue_dma source(%dma_start3A_289 : memref<200x80xf32, #tpu.memory_space<vmem>>) target(%dma_start3A_285 : memref<200x80xf32, #tpu.memory_space<hbm>>) target_semaphore(%dma_start3A_281 : memref<!tpu.dma_semaphore, #tpu.memory_space<semaphore_mem>>)
    }
    %scan3A_183 = arith.constant 32 : i32
    %add3A_184 = arith.constant 125 : i32
    %add3A_185 = arith.addi %mul3A_2, %add3A_184 : i32
    %dma_wait3A_186 = arith.constant 2 : i32
    %dma_wait3A_187 = arith.constant 2 : i32
    %dma_wait3A_188 = arith.constant 0 : i32
    %dma_wait3A_189 = arith.constant 0 : i32
    %dma_wait3A_190 = tpu.memref_slice %arg7[%dma_wait3A_186, %dma_wait3A_188, %dma_wait3A_189] : memref<3x200x80xf32, #tpu.memory_space<vmem>> -> memref<1x200x80xf32, #tpu.memory_space<vmem>>
    %dma_wait3A_191 = tpu.memref_squeeze %dma_wait3A_190 : memref<1x200x80xf32, #tpu.memory_space<vmem>> -> memref<200x80xf32, #tpu.memory_space<vmem>>
    %dma_wait3A_192 = arith.constant 0 : i32
    %dma_wait3A_193 = arith.constant 0 : i32
    %dma_wait3A_194 = tpu.memref_slice %arg4[%add3A_185, %dma_wait3A_192, %dma_wait3A_193] : memref<4096x200x80xf32, #tpu.memory_space<hbm>> -> memref<1x200x80xf32, #tpu.memory_space<hbm>>
    %dma_wait3A_195 = tpu.memref_squeeze %dma_wait3A_194 : memref<1x200x80xf32, #tpu.memory_space<hbm>> -> memref<200x80xf32, #tpu.memory_space<hbm>>
    %dma_wait3A_196 = tpu.memref_slice %arg9[%dma_wait3A_187] : memref<3x!tpu.dma_semaphore, #tpu.memory_space<semaphore_mem>> -> memref<1x!tpu.dma_semaphore, #tpu.memory_space<semaphore_mem>>
    %dma_wait3A_197 = tpu.memref_squeeze %dma_wait3A_196 : memref<1x!tpu.dma_semaphore, #tpu.memory_space<semaphore_mem>> -> memref<!tpu.dma_semaphore, #tpu.memory_space<semaphore_mem>>
    %dma_wait3A_198 = arith.constant 0 : i32
    %dma_wait3A_199 = arith.constant 0 : i32
    %dma_wait3A_200 = tpu.memref_slice %arg4[%add3A_185, %dma_wait3A_198, %dma_wait3A_199] : memref<4096x200x80xf32, #tpu.memory_space<hbm>> -> memref<1x200x80xf32, #tpu.memory_space<hbm>>
    %dma_wait3A_201 = tpu.memref_squeeze %dma_wait3A_200 : memref<1x200x80xf32, #tpu.memory_space<hbm>> -> memref<200x80xf32, #tpu.memory_space<hbm>>
    %dma_wait3A_202 = arith.constant 0 : i32
    %dma_wait3A_203 = arith.constant 0 : i32
    %dma_wait3A_204 = tpu.memref_slice %arg7[%dma_wait3A_186, %dma_wait3A_202, %dma_wait3A_203] : memref<3x200x80xf32, #tpu.memory_space<vmem>> -> memref<1x200x80xf32, #tpu.memory_space<vmem>>
    %dma_wait3A_205 = tpu.memref_squeeze %dma_wait3A_204 : memref<1x200x80xf32, #tpu.memory_space<vmem>> -> memref<200x80xf32, #tpu.memory_space<vmem>>
    tpu.wait_dma2 semaphore(%dma_wait3A_197 : memref<!tpu.dma_semaphore, #tpu.memory_space<semaphore_mem>>) src(%dma_wait3A_205 : memref<200x80xf32, #tpu.memory_space<vmem>>) dst(%dma_wait3A_201 : memref<200x80xf32, #tpu.memory_space<hbm>>)
    %add3A_206 = arith.constant 126 : i32
    %add3A_207 = arith.addi %mul3A_2, %add3A_206 : i32
    %dma_wait3A_208 = arith.constant 0 : i32
    %dma_wait3A_209 = arith.constant 0 : i32
    %dma_wait3A_210 = arith.constant 0 : i32
    %dma_wait3A_211 = arith.constant 0 : i32
    %dma_wait3A_212 = tpu.memref_slice %arg7[%dma_wait3A_208, %dma_wait3A_210, %dma_wait3A_211] : memref<3x200x80xf32, #tpu.memory_space<vmem>> -> memref<1x200x80xf32, #tpu.memory_space<vmem>>
    %dma_wait3A_213 = tpu.memref_squeeze %dma_wait3A_212 : memref<1x200x80xf32, #tpu.memory_space<vmem>> -> memref<200x80xf32, #tpu.memory_space<vmem>>
    %dma_wait3A_214 = arith.constant 0 : i32
    %dma_wait3A_215 = arith.constant 0 : i32
    %dma_wait3A_216 = tpu.memref_slice %arg4[%add3A_207, %dma_wait3A_214, %dma_wait3A_215] : memref<4096x200x80xf32, #tpu.memory_space<hbm>> -> memref<1x200x80xf32, #tpu.memory_space<hbm>>
    %dma_wait3A_217 = tpu.memref_squeeze %dma_wait3A_216 : memref<1x200x80xf32, #tpu.memory_space<hbm>> -> memref<200x80xf32, #tpu.memory_space<hbm>>
    %dma_wait3A_218 = tpu.memref_slice %arg9[%dma_wait3A_209] : memref<3x!tpu.dma_semaphore, #tpu.memory_space<semaphore_mem>> -> memref<1x!tpu.dma_semaphore, #tpu.memory_space<semaphore_mem>>
    %dma_wait3A_219 = tpu.memref_squeeze %dma_wait3A_218 : memref<1x!tpu.dma_semaphore, #tpu.memory_space<semaphore_mem>> -> memref<!tpu.dma_semaphore, #tpu.memory_space<semaphore_mem>>
    %dma_wait3A_220 = arith.constant 0 : i32
    %dma_wait3A_221 = arith.constant 0 : i32
    %dma_wait3A_222 = tpu.memref_slice %arg4[%add3A_207, %dma_wait3A_220, %dma_wait3A_221] : memref<4096x200x80xf32, #tpu.memory_space<hbm>> -> memref<1x200x80xf32, #tpu.memory_space<hbm>>
    %dma_wait3A_223 = tpu.memref_squeeze %dma_wait3A_222 : memref<1x200x80xf32, #tpu.memory_space<hbm>> -> memref<200x80xf32, #tpu.memory_space<hbm>>
    %dma_wait3A_224 = arith.constant 0 : i32
    %dma_wait3A_225 = arith.constant 0 : i32
    %dma_wait3A_226 = tpu.memref_slice %arg7[%dma_wait3A_208, %dma_wait3A_224, %dma_wait3A_225] : memref<3x200x80xf32, #tpu.memory_space<vmem>> -> memref<1x200x80xf32, #tpu.memory_space<vmem>>
    %dma_wait3A_227 = tpu.memref_squeeze %dma_wait3A_226 : memref<1x200x80xf32, #tpu.memory_space<vmem>> -> memref<200x80xf32, #tpu.memory_space<vmem>>
    tpu.wait_dma2 semaphore(%dma_wait3A_219 : memref<!tpu.dma_semaphore, #tpu.memory_space<semaphore_mem>>) src(%dma_wait3A_227 : memref<200x80xf32, #tpu.memory_space<vmem>>) dst(%dma_wait3A_223 : memref<200x80xf32, #tpu.memory_space<hbm>>)
    %add3A_228 = arith.constant 127 : i32
    %add3A_229 = arith.addi %mul3A_2, %add3A_228 : i32
    %dma_wait3A_230 = arith.constant 1 : i32
    %dma_wait3A_231 = arith.constant 1 : i32
    %dma_wait3A_232 = arith.constant 0 : i32
    %dma_wait3A_233 = arith.constant 0 : i32
    %dma_wait3A_234 = tpu.memref_slice %arg7[%dma_wait3A_230, %dma_wait3A_232, %dma_wait3A_233] : memref<3x200x80xf32, #tpu.memory_space<vmem>> -> memref<1x200x80xf32, #tpu.memory_space<vmem>>
    %dma_wait3A_235 = tpu.memref_squeeze %dma_wait3A_234 : memref<1x200x80xf32, #tpu.memory_space<vmem>> -> memref<200x80xf32, #tpu.memory_space<vmem>>
    %dma_wait3A_236 = arith.constant 0 : i32
    %dma_wait3A_237 = arith.constant 0 : i32
    %dma_wait3A_238 = tpu.memref_slice %arg4[%add3A_229, %dma_wait3A_236, %dma_wait3A_237] : memref<4096x200x80xf32, #tpu.memory_space<hbm>> -> memref<1x200x80xf32, #tpu.memory_space<hbm>>
    %dma_wait3A_239 = tpu.memref_squeeze %dma_wait3A_238 : memref<1x200x80xf32, #tpu.memory_space<hbm>> -> memref<200x80xf32, #tpu.memory_space<hbm>>
    %dma_wait3A_240 = tpu.memref_slice %arg9[%dma_wait3A_231] : memref<3x!tpu.dma_semaphore, #tpu.memory_space<semaphore_mem>> -> memref<1x!tpu.dma_semaphore, #tpu.memory_space<semaphore_mem>>
    %dma_wait3A_241 = tpu.memref_squeeze %dma_wait3A_240 : memref<1x!tpu.dma_semaphore, #tpu.memory_space<semaphore_mem>> -> memref<!tpu.dma_semaphore, #tpu.memory_space<semaphore_mem>>
    %dma_wait3A_242 = arith.constant 0 : i32
    %dma_wait3A_243 = arith.constant 0 : i32
    %dma_wait3A_244 = tpu.memref_slice %arg4[%add3A_229, %dma_wait3A_242, %dma_wait3A_243] : memref<4096x200x80xf32, #tpu.memory_space<hbm>> -> memref<1x200x80xf32, #tpu.memory_space<hbm>>
    %dma_wait3A_245 = tpu.memref_squeeze %dma_wait3A_244 : memref<1x200x80xf32, #tpu.memory_space<hbm>> -> memref<200x80xf32, #tpu.memory_space<hbm>>
    %dma_wait3A_246 = arith.constant 0 : i32
    %dma_wait3A_247 = arith.constant 0 : i32
    %dma_wait3A_248 = tpu.memref_slice %arg7[%dma_wait3A_230, %dma_wait3A_246, %dma_wait3A_247] : memref<3x200x80xf32, #tpu.memory_space<vmem>> -> memref<1x200x80xf32, #tpu.memory_space<vmem>>
    %dma_wait3A_249 = tpu.memref_squeeze %dma_wait3A_248 : memref<1x200x80xf32, #tpu.memory_space<vmem>> -> memref<200x80xf32, #tpu.memory_space<vmem>>
    tpu.wait_dma2 semaphore(%dma_wait3A_241 : memref<!tpu.dma_semaphore, #tpu.memory_space<semaphore_mem>>) src(%dma_wait3A_249 : memref<200x80xf32, #tpu.memory_space<vmem>>) dst(%dma_wait3A_245 : memref<200x80xf32, #tpu.memory_space<hbm>>)
    return
  }
}

</mosaic_0001>

<sc_bundles>
// kernel: kernel.3.cloned.1.call-start
scs
__scs_entry_jumppad:
0x0: {  	(pc) =	sbr.rel $0x88, $3  }
0x1: {  	(tag) =	ssettag $0x0;
	lr =	simm.s32 $0x1  }
0x2: {  	[smem:$0x3F9F] =	sst lr;
	_ =	strace $0xD0000000  }
0x3: {  	_ = 	snop  }
0x4: {  	_ = 	snop  }
0x5: {  	_ = 	snop  }
0x6: {  	_ = 	snop  }
0x7: {  	_ = 	snop  }
__scs_overlays_trampoline_lowered:
0x8: {  	[smem:$0x3FAE] =	sst s0  }
0x9: {  	[smem:$0x3FAF] =	sst s1  }
0xa: {  	[smem:$0x3FB0] =	sst s2  }
0xb: {  	[smem:$0x3FB1] =	sst s3  }
0xc: {  	[smem:$0x3FB2] =	sst s4  }
0xd: {  	[smem:$0x3FB3] =	sst s5  }
0xe: {  	[smem:$0x3FB4] =	sst s6  }
0xf: {  	[smem:$0x3FB5] =	sst s7  }
0x10: {  	[smem:$0x3FB6] =	sst s8  }
0x11: {  	[smem:$0x3FB7] =	sst s9;
	s0 =	simm.s32 @!p0 $0x0  }
0x12: {  	s1 =	sld [smem:$0x3F9D];
	s0 =	simm.s32 @p0 $0x1  }
0x13: {  	[smem:$0x3FB8] =	sst s0;
	s0 =	simm.s32 @!p1 $0x0  }
0x14: {  	s2 =	sld [smem:$0x3F9C];
	s0 =	simm.s32 @p1 $0x1  }
0x15: {  	[smem:$0x3FB9] =	sst s0;
	s0 =	simm.s32 @!p2 $0x0  }
0x16: {  	s3 =	sld [smem:$0x3FDB];
	s0 =	simm.s32 @p2 $0x1  }
0x17: {  	s4 =	simm.s32 $0x1BF5;
	[smem:$0x3FBB] =	sst s0  }
0x18: {  	s0 =	sld [smem:$0x3F9E];
	_ =	swait.ge [sflag:s4], $0x0  }
0x19: {  	s7 =	sld [smem:$0x3F9F]  }
0x1a: {  	s8 =	sadd.s32 $0xFFFFE003, lr  }
0x1b: {  	s9 =	sadd.s32 $0xFFFFFEF7, lr;
	s5 =	simm.s32 $0xFFFFFFFF;
	p2 =	slt.u32 s8, $0xFFFFF086  }
0x1c: {  	p1 =	slt.u32 s9, $0xF7A;
	s5 =	simm.s32 @!p2 $0x0  }
0x1d: {  	s5 =	simm.s32 @p1 $0x1;
	p0 =	seq.s32 s7, s2  }
0x1e: {  	s7 =	smul.u32 @!p0 $0xF7A, s2;
	p2 =	seq.s32 @!p0 s5, $0x0  }
0x1f: {  	s9 =	smul.u32 $0xF7A, s1;
	s8 =	simm.s32 @!p0 $0x1BF5;
	p2 =	por !p2, p0  }
0x20: {  	[sflag:s8] =	ssyncset.s32 @!p0 $0xFFFFF086;
	s6 =	sadd.s32 @!p0 s3, s7;
	s7 =	simm.s32 @!p0 $0x108  }
0x21: {  	s3 =	sadd.s32 s3, s9;
	s6 =	sadd.s32 @!p0 $0x88, s6;
	s7 =	simm.s32 @p2 $0x1082  }
0x22: {  	[simem:s7], [sflag:s8] =	dma.local @!p0 [hbm:s6], $0xF7A  }
0x23: {  	s9 =	sor.u32 $0xD0000000, s2;
	s6 =	simm.s32 $0x108;
	_ =	swait.ge @!p0 [sflag:s8], $0x0  }
0x24: {  	s3 =	sadd.s32 $0x88, s3;
	s6 =	simm.s32 @!p1 $0x1082;
	[sflag:s4] =	ssyncset.s32 $0xFFFFF086  }
0x25: {  	[simem:s6], [sflag:s4] =	dma.local [hbm:s3], $0xF7A  }
0x26: {  	[smem:$0x3F9F] =	sst s1;
	(tag) =	ssettag s2;
	_ =	strace s9  }
0x27: {  	s1 =	sld [smem:$0x3FAF]  }
0x28: {  	s2 =	sld [smem:$0x3FB0]  }
0x29: {  	s4 =	sld [smem:$0x3FB2]  }
0x2a: {  	p0 =	seq.s32 s5, $0x0;
	s5 =	sld [smem:$0x3FB3]  }
0x2b: {  	s6 =	sld [smem:$0x3FB4]  }
0x2c: {  	s7 =	sld [smem:$0x3FB5]  }
0x2d: {  	s3 =	simm.s32 $0x108;
	s8 =	sld [smem:$0x3FB6]  }
0x2e: {  	s3 =	simm.s32 @!p0 $0x1082;
	s9 =	sld [smem:$0x3FB7]  }
0x2f: {  	lr =	sadd.s32 s0, s3;
	s0 =	sld [smem:$0x3FAE]  }
0x30: {  	s3 =	sld [smem:$0x3FB1]  }
0x31: {  	[smem:$0x3FBA] =	sst s10  }
0x32: {  	s10 =	sld [smem:$0x3FB8];
	_ =	sdelay $0x3  }
0x33: {  	p0 =	seq.s32 s10, $0x1;
	s10 =	sld [smem:$0x3FBA];
	_ =	sdelay $0x3  }
0x34: {  	[smem:$0x3FBA] =	sst s10  }
0x35: {  	s10 =	sld [smem:$0x3FB9];
	_ =	sdelay $0x3  }
0x36: {  	p1 =	seq.s32 s10, $0x1;
	s10 =	sld [smem:$0x3FBA];
	_ =	sdelay $0x3  }
0x37: {  	[smem:$0x3FBA] =	sst s10  }
0x38: {  	s10 =	sld [smem:$0x3FBB]  }
0x39: {  	_ = 	snop;
	(pc) =	sbr.ind lr, $3  }
0x3a: {  	_ = 	snop  }
0x3b: {  	_ = 	snop  }
0x3c: {  	p2 =	seq.s32 s10, $0x1;
	s10 =	sld [smem:$0x3FBA]  }
0x3d: {  	_ =	shalt  }
0x3e: {  	_ =	shalt  }
0x3f: {  	_ =	shalt  }
0x40: {  	_ =	shalt  }
0x41: {  	_ =	shalt  }
0x42: {  	_ =	shalt  }
0x43: {  	_ =	shalt  }
0x44: {  	_ =	shalt  }
0x45: {  	_ =	shalt  }
0x46: {  	_ =	shalt  }
0x47: {  	_ =	shalt  }
0x48: {  	_ =	shalt  }
0x49: {  	_ =	shalt  }
0x4a: {  	_ =	shalt  }
0x4b: {  	_ =	shalt  }
0x4c: {  	_ =	shalt  }
0x4d: {  	_ =	shalt  }
0x4e: {  	_ =	shalt  }
0x4f: {  	_ =	shalt  }
0x50: {  	_ =	shalt  }
0x51: {  	_ =	shalt  }
0x52: {  	_ =	shalt  }
0x53: {  	_ =	shalt  }
0x54: {  	_ =	shalt  }
0x55: {  	_ =	shalt  }
0x56: {  	_ =	shalt  }
0x57: {  	_ =	shalt  }
0x58: {  	_ =	shalt  }
0x59: {  	_ =	shalt  }
0x5a: {  	_ =	shalt  }
0x5b: {  	_ =	shalt  }
0x5c: {  	_ =	shalt  }
0x5d: {  	_ =	shalt  }
0x5e: {  	_ =	shalt  }
0x5f: {  	_ =	shalt  }
0x60: {  	_ =	shalt  }
0x61: {  	_ =	shalt  }
0x62: {  	_ =	shalt  }
0x63: {  	_ =	shalt  }
0x64: {  	_ =	shalt  }
0x65: {  	_ =	shalt  }
0x66: {  	_ =	shalt  }
0x67: {  	_ =	shalt  }
0x68: {  	_ =	shalt  }
0x69: {  	_ =	shalt  }
0x6a: {  	_ =	shalt  }
0x6b: {  	_ =	shalt  }
0x6c: {  	_ =	shalt  }
0x6d: {  	_ =	shalt  }
0x6e: {  	_ =	shalt  }
0x6f: {  	_ =	shalt  }
0x70: {  	_ =	shalt  }
0x71: {  	_ =	shalt  }
0x72: {  	_ =	shalt  }
0x73: {  	_ =	shalt  }
0x74: {  	_ =	shalt  }
0x75: {  	_ =	shalt  }
0x76: {  	_ =	shalt  }
0x77: {  	_ =	shalt  }
0x78: {  	_ =	shalt  }
0x79: {  	_ =	shalt  }
0x7a: {  	_ =	shalt  }
0x7b: {  	_ =	shalt  }
0x7c: {  	_ =	shalt  }
0x7d: {  	_ =	shalt  }
0x7e: {  	_ =	shalt  }
0x7f: {  	_ =	shalt  }
0x80: {  	_ =	shalt  }
0x81: {  	_ =	shalt  }
0x82: {  	_ =	shalt  }
0x83: {  	_ =	shalt  }
0x84: {  	_ =	shalt  }
0x85: {  	_ =	shalt  }
0x86: {  	_ =	shalt  }
0x87: {  	_ =	shalt  }
.Lfunc_end0:
.L_simem_size_0:
called_computation_lowered:
.L_overlay_start_0:
0x88: {  	s2 =	sld [smem:$0x3FD9]  }
0x89: {  	s3 =	sld [smem:$0x3FFE];
	_ =	sdelay $0x1  }
0x8a: {  	s1 =	srdreg.scid  }
0x8b: {  	s0 =	sand.u32 $0x1, s1  }
0x8c: {  	s17 =	sshll.u32 s0, $0xA;
	s2 =	sadd.s32 s3, s2  }
0x8d: {  	s2 =	sadd.s32 s2, s17  }
0x8e: {  	[smem:$0x3FC6] =	sst s2  }
0x8f: {  	_ = 	snop  }
0x90: {  	s2 =	sld [smem:$0x3FD0];
	(tm) =	ssettm $0x1  }
0x91: {  	s18 =	sld [smem:$0x3FFB];
	_ =	sdelay $0x3  }
0x92: {  	_ =	strace s18  }
0x93: {  	s3 =	sld [smem:$0x3FFC];
	_ =	sdelay $0x3  }
0x94: {  	_ =	strace s3  }
0x95: {  	s3 =	sld [smem:$0x3FFD];
	_ =	sdelay $0x3  }
0x96: {  	_ =	strace s3  }
0x97: {  	_ =	strace $0x8FFFFFFF  }
0x98: {  	s19 =	sld [smem:$0x3FDB];
	_ =	sdelay $0x1  }
0x99: {  	s4 =	simm.s32 $_scs_section_size  }
0x9a: {  	s5 =	simm.s32 $_size__tile_overlayer_lowered;
	s6 =	simm.s32 $_tile_overlayer_lowered  }
0x9b: {  	s22 =	simm.s32 $0x1BFF;
	s21 =	sshll.u32 s6, $0x1;
	s3 =	sadd.s32 s4, s19  }
0x9c: {  	s7 =	simm.s32 $0x0;
	s20 =	sshll.u32 s5, $0x1;
	s5 =	sadd.s32 s21, s3  }
0x9d: {  	[timem:s7], [sflag:s22] =	dma.local [hbm:s5], s20  }
0x9e: {  	_ =	swait.ge [sflag:s22], s20  }
0x9f: {  	s4 =	ssub.s32 $0x0, s20;
	[sflag:s22] =	ssyncset.done $0x0  }
0xa0: {  	[sflag:s22] =	ssyncadd.s32 s4;
	_ =	sdelay $0x1  }
0xa1: {  	s23 =	simm.s32 $0x1B8B  }
0xa2: {  	_ =	swait.ge [sflag:s23], $0x1  }
0xa3: {  	[sflag:s23] =	ssyncset.done $0x0  }
0xa4: {  	s25 =	simm.s32 $0x1B8E;
	s24 =	sld [smem:$0x3FFE];
	[sflag:s23] =	ssyncadd.s32 $0xFFFFFFFF  }
0xa5: {  	s26 =	simm.s32 $execute0_lowered;
	[smem:$0x3FD2] =	sst s25  }
0xa6: {  	s5 =	sshll.u32 s26, $0x1;
	_ =	strace $0x80000046;
	[dreg:$0x1] =	wrdreg $0xFFFFFFFF  }
0xa7: {  	s28 =	simm.s32 $_size_execute0_lowered;
	s3 =	sadd.s32 s3, s5;
	[dreg:$0x0] =	wrdreg $0x0  }
0xa8: {  	s5 =	sshll.u32 s28, $0x1;
	[dreg:$0x2] =	wrdreg s3  }
0xa9: {  	[dreg:$0x3] =	wrdreg s5  }
0xaa: {  	[dreg:$0x4] =	wrdreg $0xC0  }
0xab: {  	_ =	task [dreg:s7], $0x5FFFF  }
0xac: {  	[dreg:$0x1] =	wrdreg $0xFFFFFFFF  }
0xad: {  	[dreg:$0x0] =	wrdreg $0x60  }
0xae: {  	[dreg:$0x2] =	wrdreg s2  }
0xaf: {  	[dreg:$0x3] =	wrdreg s24  }
0xb0: {  	[dreg:$0x4] =	wrdreg $0x9  }
0xb1: {  	_ =	task.clear_ibuf [dreg:s7], $0x5FFFF;
	_ =	strace $0x90000046  }
0xb2: {  	s29 =	simm.s32 $0x9;
	_ =	strace $0x80000048  }
0xb3: {  	_ =	swait.ge [sflag:s29], $0x1  }
0xb4: {  	[sflag:s29] =	ssyncadd.s32 $0xFFFFFFFF  }
0xb5: {  	_ =	strace $0x90000048  }
0xb6: {  	_ =	sfence  }
0xb7: {  	s30 =	sld [smem:$0x0];
	_ =	sdelay $0x2  }
0xb8: {  	s31 =	sshll.u32 s1, $0xD;
	s1 =	sshrl.u32 s1, $0x2  }
0xb9: {  	s3 =	sand.u32 $0x4000, s31;
	s1 =	sadd.s32 s1, s30  }
0xba: {  	s0 =	sor.u32 s3, s0;
	s1 =	sshll.u32 s1, $0x11  }
0xbb: {  	s0 =	sor.u32 s1, s0  }
0xbc: {  	s0 =	sadd.s32 $0x8F2B, s0  }
0xbd: {  	[sflag:s0] =	ssyncadd.remote.s32 $0x1  }
0xbe: {  	_ =	sfence.sel $0xFFFF  }
0xbf: {  	[dreg:$0x0] =	wrdreg $0xFFFFFFFF;
	(pc) =	sbr.abs _section_cstart, $3  }
0xc0: {  	[dreg:$0x1] =	wrdreg $0xFFFFFFFF  }
0xc1: {  	_ =	task.clear_ibuf [dreg:s7], $0x2FFFF;
	_ =	strace $0x9FFFFFFF  }
0xc2: {  	(tm) =	ssettm $0x7FFFFFFF  }
0xc3: {  	_ =	shalt  }
tec
execute0_lowered:
.L_overlay_start_1:
0x0: {  	(tag) =	ssettag $0x1  }
0x1: {  	s0 =	rddreg [dreg:$0x0]  }
0x2: {  	s1 =	rddreg [dreg:$0x1];
	s2 =	simm.s32 $0x0  }
0x3: {  	s3 =	srdreg.scid;
	s5 =	stileid.u32;
	s12 =	simm.s32 $0x6  }
0x4: {  	s14 =	simm.s32 $0x1;
	s15 =	simm.s32 $0x2;
	s16 =	simm.s32 $0x5  }
0x5: {  	s17 =	simm.s32 $0x3;
	s4 =	sand.u32 $0x1, s3;
	s23 =	sshll.u32 s5, $0x1  }
0x6: {  	s18 =	simm.s32 $0x4;
	s19 =	simm.s32 $0x0;
	s6 =	sor.u32 s4, s23  }
0x7: {  	[smem:$0x7FF] =	sst s2;
	s24 =	sadd.s32 $0x400, s1;
	s25 =	sshll.u32 s6, $0xC  }
0x8: {  	_ =	strace $0x80000047;
	[dreg:$0x3] =	wrdreg s24;
	s5 =	sadd.s32 s0, s25  }
0x9: {  	s7 =	ssub.s32 $0x2, s4;
	s4 =	sadd.s32 $0xC00, s1;
	s29 =	sadd.s32 $0x400, s5  }
0xa: {  	s26 =	sshrl.u32 s7, $0x1;
	s30 =	sadd.s32 $0x800, s5;
	[dreg:$0x4] =	wrdreg s29  }
0xb: {  	v0 =	vlaneseq.u32;
	s28 =	ssub.s32 s7, s26;
	s31 =	sadd.s32 $0xC00, s5;
	[dreg:$0x5] =	wrdreg s30  }
0xc: {  	v1 =	vmul.u32 $0x80, v0;
	v2 =	vor.u32 $0xFFFFFFB0, v0;
	s6 =	sshll.u32 s6, $0x7;
	s10 =	smax.u32 s28, $0x1;
	[dreg:$0x6] =	wrdreg s31  }
.LBB2_1:
0xd: {  	s0 =	simm.s32 $0x3200  }
0xe: {  	[tilespmem:s0], [sflag:$0x1] =	stream.linear.gather [hbm4b:s5+s2], $0x2000, $0x38;
	[tilespmem:$0x19E00] =	vst v63  }
0xf: {  	s30 =	rddreg [dreg:$0x3]  }
0x10: {  	[tilespmem:s2], [sflag:$0x6] =	stream.linear.gather [hbm4b:s30+s2], $0x3200, $0x38;
	[tilespmem:$0x19E00] =	vst v63  }
0x11: {  	_ =	swait.ge [sflag:s12], $0x3200  }
0x12: {  	[sflag:s12] =	ssyncset.done $0x0  }
0x13: {  	s1 =	simm.s32 $0x5200;
	s31 =	rddreg [dreg:$0x4];
	[sflag:s12] =	ssyncadd.s32 $0xFFFFCE00  }
0x14: {  	[tilespmem:s1], [sflag:$0x2] =	stream.linear.gather [hbm4b:s31+s2], $0x2000, $0x38;
	[tilespmem:$0x19E00] =	vst v63  }
0x15: {  	_ =	swait.ge [sflag:s14], $0x2000  }
0x16: {  	[sflag:s14] =	ssyncset.done $0x0  }
0x17: {  	s20 =	simm.s32 $0x0;
	[sflag:s14] =	ssyncadd.s32 $0xFFFFE000  }
.LBB2_2:
0x18: {  	s0 =	smul.u32 $0xAB, s20;
	_ =	sdelay $0x1  }
0x19: {  	s0 =	sshrl.u32 s0, $0x9  }
0x1a: {  	s0 =	sand.u32 $0x7F, s0  }
0x1b: {  	s0 =	smul.u32 $0x3, s0;
	_ =	sdelay $0x1  }
0x1c: {  	p0 =	slt.u32 s20, $0x3;
	s0 =	ssub.s32 s20, s0  }
0x1d: {  	s1 =	sshll.u32 s20, $0x8;
	s30 =	sshll.u32 s20, $0x7;
	s21 =	sand.u32 $0xFF, s0  }
0x1e: {  	s25 =	simm.s32 $0x0;
	s0 =	sadd.s32 @!p0 $0x3, s21;
	s11 =	smul.u32 $0x19000, s21  }
0x1f: {  	s26 =	simm.s32 $0x0;
	s29 =	sand.u32 $0x1800, s1;
	_ =	swait.ge @!p0 [sflag:s0], $0x6400  }
0x20: {  	s23 =	sand.u32 $0x380, s30;
	[sflag:s0] =	ssyncset.done @!p0 $0x0;
	s31 =	sshrl.u32 s11, $0x2  }
0x21: {  	s24 =	sadd.s32 $0x3200, s29;
	v3 =	vmov s23;
	[sflag:s0] =	ssyncadd.s32 @!p0 $0xFFFF9C00;
	s22 =	sadd.s32 $0x7200, s31  }
.LBB2_3:
0x22: {  	s0 =	sshll.u32 s26, $0x7  }
0x23: {  	s29 =	sshll.u32 s26, $0x4;
	s0 =	sand.u32 $0x400, s0  }
0x24: {  	s1 =	sand.u32 $0x40, s29;
	s28 =	sadd.s32 s0, s24  }
0x25: {  	s0 =	sadd.s32 s1, s28  }
0x26: {  	v4 =	vld.idx.msk [tilespmem:v3+s0+$0x0 ss:$0x1], $0xffff;
	_ =	sdelay $0x1  }
0x27: {  	v7 =	vor.u32 s25, v0;
	s8 =	simm.s32 $0xF;
	s9 =	simm.s32 $0xE  }
0x28: {  	s11 =	simm.s32 $0xD;
	s31 =	simm.s32 $0xB;
	s3 =	simm.s32 $0x9;
	v6 =	vmov s29;
	v9 =	vadd.s32 s8, v2;
	v12 =	vadd.s32 s9, v2  }
0x29: {  	v13 =	vadd.s32 s11, v0;
	v17 =	vadd.s32 s31, v0;
	v21 =	vadd.s32 s3, v0  }
0x2a: {  	v5 =	vshll.u32 v4, $0x7;
	v4 =	vshll.u32 v6, $0x7;
	v6 =	vmov s25  }
0x2b: {  	vm6 =	vlt.u32 v13, $0x50;
	vm0 =	vlt.u32 v6, $0x50;
	v6 =	vadd.s32 s25, v2  }
0x2c: {  	vm8 =	vlt.u32 v17, $0x50;
	vm10 =	vlt.u32 v21, $0x50;
	v6 =	vsel vm0, v7, v6  }
0x2d: {  	v4 =	vor.u32 v1, v4;
	v7 =	vadd.s32 s8, v0;
	s8 =	simm.s32 $0x7;
	v8 =	vand.u32 $0xFFFFFF80, v6  }
0x2e: {  	vm4 =	vlt.u32 v7, $0x50;
	v10 =	vand.u32 $0x7F, v6;
	v24 =	vadd.s32 s8, v0  }
0x2f: {  	v8 =	vadd.s32 v4, v8;
	v7 =	vsel vm4, v7, v9;
	v9 =	vadd.s32 v5, v6  }
0x30: {  	v11 =	vor.u32 v10, v8;
	v6 =	vand.u32 $0x7F, v7;
	v8 =	vadd.s32 s9, v0  }
0x31: {  	v10 =	vadd.s32 v5, v7;
	v7 =	vand.u32 $0xFFFFFF80, v7;
	vm5 =	vlt.u32 v8, $0x50  }
0x32: {  	vm12 =	vlt.u32 v24, $0x50;
	v7 =	vadd.s32 v4, v7;
	v8 =	vsel vm5, v8, v12  }
0x33: {  	v12 =	vor.u32 v6, v7;
	v6 =	vadd.s32 s11, v2;
	v7 =	vand.u32 $0xFFFFFF80, v8  }
0x34: {  	v6 =	vsel vm6, v13, v6;
	v13 =	vand.u32 $0x7F, v8;
	v15 =	vadd.s32 v5, v8  }
0x35: {  	s13 =	simm.s32 $0xC;
	v7 =	vadd.s32 v4, v7;
	v14 =	vand.u32 $0x7F, v6;
	v16 =	vadd.s32 v5, v6  }
0x36: {  	v6 =	vand.u32 $0xFFFFFF80, v6;
	v13 =	vor.u32 v13, v7;
	v7 =	vadd.s32 s13, v0  }
0x37: {  	v8 =	vadd.s32 s13, v2;
	v6 =	vadd.s32 v4, v6;
	vm7 =	vlt.u32 v7, $0x50  }
0x38: {  	v14 =	vor.u32 v14, v6;
	v6 =	vadd.s32 s31, v2;
	v7 =	vsel vm7, v7, v8  }
0x39: {  	s1 =	simm.s32 $0xA;
	v26 =	vld.idx.msk [tilespmem:v9+s2+$0x0], $0xffff;
	v6 =	vsel vm8, v17, v6;
	v8 =	vand.u32 $0xFFFFFF80, v7;
	v17 =	vand.u32 $0x7F, v7  }
0x3a: {  	v18 =	vand.u32 $0x7F, v6;
	v19 =	vadd.s32 v5, v7;
	v7 =	vadd.s32 s1, v0  }
0x3b: {  	v20 =	vadd.s32 v5, v6;
	v6 =	vand.u32 $0xFFFFFF80, v6;
	v8 =	vadd.s32 v4, v8  }
0x3c: {  	v15 =	vld.idx.msk [tilespmem:v15+s2+$0x0], $0xffff;
	vm9 =	vlt.u32 v7, $0x50;
	v6 =	vadd.s32 v4, v6;
	v17 =	vor.u32 v17, v8  }
0x3d: {  	s11 =	simm.s32 $0x5;
	v16 =	vld.idx.msk [tilespmem:v16+s2+$0x0], $0xffff;
	v8 =	vadd.s32 s1, v2;
	v25 =	vor.u32 v18, v6;
	v6 =	vadd.s32 s3, v2  }
0x3e: {  	[tilespmem:v11+s22+$0x0] =	vst.idx.msk $0xffff, v26;
	v11 =	vadd.s32 s11, v2;
	v7 =	vsel vm9, v7, v8;
	v18 =	vsel vm10, v21, v6  }
0x3f: {  	s7 =	simm.s32 $0x8;
	v8 =	vand.u32 $0xFFFFFF80, v7;
	v6 =	vand.u32 $0x7F, v7;
	v21 =	vand.u32 $0x7F, v18  }
0x40: {  	s13 =	simm.s32 $0x3;
	v22 =	vadd.s32 v5, v7;
	v7 =	vadd.s32 s7, v0;
	v23 =	vadd.s32 v5, v18  }
0x41: {  	v8 =	vadd.s32 v4, v8;
	vm11 =	vlt.u32 v7, $0x50;
	[tilespmem:v13+s22+$0x0] =	vst.idx.msk $0xffff, v15;
	v15 =	vadd.s32 s13, v0  }
0x42: {  	v6 =	vor.u32 v6, v8;
	v8 =	vand.u32 $0xFFFFFF80, v18;
	v18 =	vadd.s32 s7, v2  }
0x43: {  	[tilespmem:v14+s22+$0x0] =	vst.idx.msk $0xffff, v16;
	vm15 =	vlt.u32 v15, $0x50;
	v16 =	vadd.s32 s13, v2;
	v8 =	vadd.s32 v4, v8  }
0x44: {  	v18 =	vsel vm11, v7, v18;
	v7 =	vor.u32 v21, v8;
	v8 =	vadd.s32 s8, v2  }
0x45: {  	s9 =	simm.s32 $0x6;
	v21 =	vand.u32 $0xFFFFFF80, v18;
	v28 =	vadd.s32 v5, v18;
	v9 =	vsel vm12, v24, v8  }
0x46: {  	v8 =	vand.u32 $0x7F, v18;
	v21 =	vadd.s32 v4, v21;
	v24 =	vld.idx.msk [tilespmem:v10+s2+$0x0], $0xffff;
	v18 =	vadd.s32 s9, v0  }
0x47: {  	v29 =	vld.idx.msk [tilespmem:v19+s2+$0x0], $0xffff;
	v27 =	vand.u32 $0x7F, v9;
	v8 =	vor.u32 v8, v21;
	v10 =	vadd.s32 v5, v9  }
0x48: {  	v26 =	vld.idx.msk [tilespmem:v20+s2+$0x0], $0xffff;
	v9 =	vand.u32 $0xFFFFFF80, v9;
	vm13 =	vlt.u32 v18, $0x50;
	v21 =	vadd.s32 s9, v2  }
0x49: {  	v9 =	vadd.s32 v4, v9;
	v19 =	vsel vm13, v18, v21;
	v21 =	vadd.s32 s11, v0  }
0x4a: {  	s31 =	simm.s32 $0x4;
	v13 =	vld.idx.msk [tilespmem:v22+s2+$0x0], $0xffff;
	v22 =	vsel vm15, v15, v16;
	v9 =	vor.u32 v27, v9;
	vm14 =	vlt.u32 v21, $0x50  }
0x4b: {  	v18 =	vand.u32 $0x7F, v19;
	v27 =	vadd.s32 s31, v2;
	[tilespmem:v12+s22+$0x0] =	vst.idx.msk $0xffff, v24;
	v12 =	vsel vm14, v21, v11  }
0x4c: {  	v14 =	vld.idx.msk [tilespmem:v23+s2+$0x0], $0xffff;
	[tilespmem:v17+s22+$0x0] =	vst.idx.msk $0xffff, v29;
	v11 =	vadd.s32 v5, v19;
	v19 =	vand.u32 $0xFFFFFF80, v19;
	v24 =	vadd.s32 s31, v0  }
0x4d: {  	[tilespmem:v25+s22+$0x0] =	vst.idx.msk $0xffff, v26;
	v21 =	vand.u32 $0xFFFFFF80, v12;
	v20 =	vand.u32 $0x7F, v12;
	vm1 =	vlt.u32 v24, $0x50  }
0x4e: {  	s0 =	simm.s32 $0x2;
	v19 =	vadd.s32 v4, v19;
	v15 =	vadd.s32 v5, v12;
	v23 =	vsel vm1, v24, v27  }
0x4f: {  	s30 =	simm.s32 $0x10;
	s1 =	simm.s32 $0x1;
	v16 =	vld.idx.msk [tilespmem:v28+s2+$0x0], $0xffff;
	v12 =	vadd.s32 v5, v22;
	v24 =	vadd.s32 s0, v0;
	v17 =	vadd.s32 v5, v23  }
.LBB2_4:
0x50: {  	p0 =	slt.u32 s30, $0x40;
	v25 =	vadd.s32 s1, v0;
	vm0 =	vlt.u32 v24, $0x50;
	v26 =	vadd.s32 s0, v2;
	[tilespmem:v6+s22+$0x0] =	vst.idx.msk $0xffff, v13  }
0x51: {  	v6 =	vadd.s32 s1, v2;
	vm1 =	vlt.u32 v25, $0x50;
	v13 =	vsel vm0, v24, v26;
	v10 =	vld.idx.msk [tilespmem:v10+s2+$0x0], $0xffff;
	[tilespmem:v7+s22+$0x0] =	vst.idx.msk $0xffff, v14  }
0x52: {  	v14 =	vadd.s32 v4, v21;
	v6 =	vsel vm1, v25, v6;
	v7 =	vadd.s32 v5, v13  }
0x53: {  	v18 =	vor.u32 v18, v19;
	v14 =	vor.u32 v20, v14;
	v21 =	vadd.s32 v5, v6;
	v11 =	vld.idx.msk [tilespmem:v11+s2+$0x0], $0xffff  }
0x54: {  	v19 =	vand.u32 $0xFFFFFF80, v22;
	v20 =	vand.u32 $0xFFFFFF80, v23;
	v23 =	vand.u32 $0x7F, v23;
	v15 =	vld.idx.msk [tilespmem:v15+s2+$0x0], $0xffff;
	[tilespmem:v8+s22+$0x0] =	vst.idx.msk $0xffff, v16  }
0x55: {  	v8 =	vand.u32 $0x7F, v22;
	v16 =	vadd.s32 v4, v19;
	v19 =	vadd.s32 v4, v20;
	v17 =	vld.idx.msk [tilespmem:v17+s2+$0x0], $0xffff  }
0x56: {  	v20 =	vand.u32 $0xFFFFFF80, v13;
	v8 =	vor.u32 v8, v16;
	v16 =	vor.u32 v23, v19;
	v12 =	vld.idx.msk [tilespmem:v12+s2+$0x0], $0xffff  }
0x57: {  	v13 =	vand.u32 $0x7F, v13;
	v19 =	vand.u32 $0xFFFFFF80, v6;
	v20 =	vadd.s32 v4, v20;
	v7 =	vld.idx.msk [tilespmem:v7+s2+$0x0], $0xffff;
	[tilespmem:v9+s22+$0x0] =	vst.idx.msk $0xffff, v10  }
0x58: {  	v6 =	vand.u32 $0x7F, v6;
	v13 =	vor.u32 v13, v20;
	v10 =	vadd.s32 v4, v19;
	v9 =	vld.idx.msk [tilespmem:v21+s2+$0x0], $0xffff  }
0x59: {  	v19 =	vmov s30;
	v6 =	vor.u32 v6, v10;
	[tilespmem:v18+s22+$0x0] =	vst.idx.msk $0xffff, v11  }
0x5a: {  	s0 =	sadd.s32 $0xF, s30;
	v10 =	vor.u32 s30, v0;
	vm0 =	vlt.u32 v19, $0x50;
	v11 =	vadd.s32 s30, v2;
	[tilespmem:v14+s22+$0x0] =	vst.idx.msk $0xffff, v15  }
0x5b: {  	v10 =	vsel vm0, v10, v11;
	v11 =	vadd.s32 s0, v0;
	[tilespmem:v16+s22+$0x0] =	vst.idx.msk $0xffff, v17  }
0x5c: {  	v15 =	vadd.s32 s0, v2;
	v14 =	vand.u32 $0xFFFFFF80, v10;
	vm0 =	vlt.u32 v11, $0x50;
	[tilespmem:v8+s22+$0x0] =	vst.idx.msk $0xffff, v12  }
0x5d: {  	v8 =	vand.u32 $0x7F, v10;
	v12 =	vadd.s32 v4, v14;
	v11 =	vsel vm0, v11, v15;
	[tilespmem:v13+s22+$0x0] =	vst.idx.msk $0xffff, v7  }
0x5e: {  	s0 =	sadd.s32 $0xE, s30;
	v7 =	vadd.s32 v5, v10;
	v12 =	vor.u32 v8, v12;
	v8 =	vand.u32 $0x7F, v11;
	[tilespmem:v6+s22+$0x0] =	vst.idx.msk $0xffff, v9  }
0x5f: {  	v10 =	vand.u32 $0xFFFFFF80, v11;
	v6 =	vadd.s32 s0, v0;
	v9 =	vadd.s32 v5, v11  }
0x60: {  	s1 =	sadd.s32 $0xD, s30;
	v11 =	vadd.s32 s0, v2;
	v10 =	vadd.s32 v4, v10;
	vm0 =	vlt.u32 v6, $0x50  }
0x61: {  	v13 =	vadd.s32 s1, v0;
	v6 =	vsel vm0, v6, v11;
	v11 =	vor.u32 v8, v10  }
0x62: {  	vm0 =	vlt.u32 v13, $0x50;
	v8 =	vadd.s32 s1, v2;
	v10 =	vand.u32 $0xFFFFFF80, v6  }
0x63: {  	v8 =	vsel vm0, v13, v8;
	v13 =	vand.u32 $0x7F, v6;
	v10 =	vadd.s32 v4, v10  }
0x64: {  	s0 =	sadd.s32 $0xC, s30;
	v15 =	vadd.s32 v5, v6;
	v14 =	vand.u32 $0x7F, v8;
	v16 =	vor.u32 v13, v10  }
0x65: {  	v6 =	vadd.s32 s0, v0;
	v13 =	vadd.s32 v5, v8;
	v8 =	vand.u32 $0xFFFFFF80, v8  }
0x66: {  	s1 =	sadd.s32 $0xB, s30;
	vm0 =	vlt.u32 v6, $0x50;
	v10 =	vadd.s32 s0, v2;
	v8 =	vadd.s32 v4, v8  }
0x67: {  	v17 =	vadd.s32 s1, v0;
	v6 =	vsel vm0, v6, v10;
	v22 =	vor.u32 v14, v8  }
0x68: {  	vm0 =	vlt.u32 v17, $0x50;
	v8 =	vadd.s32 s1, v2;
	v10 =	vand.u32 $0xFFFFFF80, v6  }
0x69: {  	v14 =	vand.u32 $0x7F, v6;
	v8 =	vsel vm0, v17, v8;
	v10 =	vadd.s32 v4, v10  }
0x6a: {  	s0 =	sadd.s32 $0xA, s30;
	v18 =	vadd.s32 v5, v6;
	v17 =	vand.u32 $0x7F, v8;
	v23 =	vor.u32 v14, v10  }
0x6b: {  	v6 =	vadd.s32 s0, v0;
	v14 =	vadd.s32 v5, v8;
	v8 =	vand.u32 $0xFFFFFF80, v8  }
0x6c: {  	s1 =	sadd.s32 $0x9, s30;
	vm0 =	vlt.u32 v6, $0x50;
	v10 =	vadd.s32 s0, v2;
	v8 =	vadd.s32 v4, v8  }
0x6d: {  	v19 =	vadd.s32 s1, v0;
	v6 =	vsel vm0, v6, v10;
	v25 =	vor.u32 v17, v8  }
0x6e: {  	vm0 =	vlt.u32 v19, $0x50;
	v8 =	vadd.s32 s1, v2;
	v10 =	vand.u32 $0xFFFFFF80, v6  }
0x6f: {  	v17 =	vand.u32 $0x7F, v6;
	v8 =	vsel vm0, v19, v8;
	v10 =	vadd.s32 v4, v10  }
0x70: {  	s0 =	sadd.s32 $0x8, s30;
	v20 =	vadd.s32 v5, v6;
	v19 =	vand.u32 $0x7F, v8;
	v6 =	vor.u32 v17, v10  }
0x71: {  	v10 =	vadd.s32 s0, v0;
	v17 =	vadd.s32 v5, v8;
	v8 =	vand.u32 $0xFFFFFF80, v8  }
0x72: {  	v21 =	vadd.s32 s0, v2;
	s1 =	sadd.s32 $0x7, s30;
	vm0 =	vlt.u32 v10, $0x50;
	v8 =	vadd.s32 v4, v8  }
0x73: {  	v26 =	vadd.s32 s1, v0;
	v10 =	vsel vm0, v10, v21;
	v24 =	vld.idx.msk [tilespmem:v7+s2+$0x0], $0xffff;
	v7 =	vor.u32 v19, v8  }
0x74: {  	vm0 =	vlt.u32 v26, $0x50;
	v8 =	vadd.s32 s1, v2;
	v19 =	vand.u32 $0xFFFFFF80, v10;
	v21 =	vld.idx.msk [tilespmem:v9+s2+$0x0], $0xffff  }
0x75: {  	v9 =	vsel vm0, v26, v8;
	v8 =	vand.u32 $0x7F, v10;
	v19 =	vadd.s32 v4, v19  }
0x76: {  	s0 =	sadd.s32 $0x6, s30;
	v27 =	vadd.s32 v5, v10;
	v26 =	vand.u32 $0x7F, v9;
	v8 =	vor.u32 v8, v19;
	v15 =	vld.idx.msk [tilespmem:v15+s2+$0x0], $0xffff  }
0x77: {  	v19 =	vadd.s32 s0, v0;
	v10 =	vadd.s32 v5, v9;
	v9 =	vand.u32 $0xFFFFFF80, v9;
	v28 =	vld.idx.msk [tilespmem:v13+s2+$0x0], $0xffff  }
0x78: {  	s1 =	sadd.s32 $0x5, s30;
	vm0 =	vlt.u32 v19, $0x50;
	v9 =	vadd.s32 v4, v9;
	v13 =	vadd.s32 s0, v2;
	v29 =	vld.idx.msk [tilespmem:v18+s2+$0x0], $0xffff  }
0x79: {  	v9 =	vor.u32 v26, v9;
	v13 =	vsel vm0, v19, v13;
	[tilespmem:v12+s22+$0x0] =	vst.idx.msk $0xffff, v24;
	v12 =	vadd.s32 s1, v0  }
0x7a: {  	v19 =	vadd.s32 s1, v2;
	v18 =	vand.u32 $0x7F, v13;
	vm0 =	vlt.u32 v12, $0x50;
	v26 =	vld.idx.msk [tilespmem:v14+s2+$0x0], $0xffff;
	[tilespmem:v11+s22+$0x0] =	vst.idx.msk $0xffff, v21  }
0x7b: {  	v11 =	vadd.s32 v5, v13;
	v14 =	vand.u32 $0xFFFFFF80, v13;
	v12 =	vsel vm0, v12, v19;
	v13 =	vld.idx.msk [tilespmem:v20+s2+$0x0], $0xffff  }
.Ltmp0:
0x7c: {  	s0 =	sadd.s32 $0x3, s30;
	s1 =	sadd.s32 $0x4, s30;
	v19 =	vadd.s32 v4, v14;
	v21 =	vand.u32 $0xFFFFFF80, v12;
	v20 =	vand.u32 $0x7F, v12;
	v14 =	vld.idx.msk [tilespmem:v17+s2+$0x0], $0xffff;
	[tilespmem:v16+s22+$0x0] =	vst.idx.msk $0xffff, v15;
	(pc) =	sbr.rel @p0 .LBB2_4-.Ltmp0, $4  }
0x7d: {  	v15 =	vadd.s32 s0, v0;
	v16 =	vadd.s32 s1, v0;
	v17 =	vadd.s32 s1, v2;
	[tilespmem:v22+s22+$0x0] =	vst.idx.msk $0xffff, v28  }
0x7e: {  	vm0 =	vlt.u32 v15, $0x50;
	v22 =	vadd.s32 s0, v2;
	vm1 =	vlt.u32 v16, $0x50;
	[tilespmem:v23+s22+$0x0] =	vst.idx.msk $0xffff, v29  }
0x7f: {  	s0 =	sadd.s32 $0x2, s30;
	v22 =	vsel vm0, v15, v22;
	v23 =	vsel vm1, v16, v17;
	v15 =	vadd.s32 v5, v12;
	v16 =	vld.idx.msk [tilespmem:v27+s2+$0x0], $0xffff  }
0x80: {  	s1 =	sadd.s32 $0x1, s30;
	s30 =	sadd.s32 $0x10, s30;
	v24 =	vadd.s32 s0, v0;
	v12 =	vadd.s32 v5, v22;
	v17 =	vadd.s32 v5, v23;
	[tilespmem:v25+s22+$0x0] =	vst.idx.msk $0xffff, v26  }
0x81: {  	v25 =	vadd.s32 s1, v0;
	vm0 =	vlt.u32 v24, $0x50  }
0x82: {  	v26 =	vadd.s32 s0, v2;
	v27 =	vadd.s32 s1, v2;
	v21 =	vadd.s32 v4, v21  }
0x83: {  	v18 =	vor.u32 v18, v19;
	v19 =	vand.u32 $0xFFFFFF80, v23;
	vm1 =	vlt.u32 v25, $0x50  }
0x84: {  	s7 =	simm.s32 $0xF;
	s8 =	simm.s32 $0xE;
	v24 =	vsel vm0, v24, v26;
	v20 =	vor.u32 v20, v21;
	v21 =	vand.u32 $0x7F, v23  }
0x85: {  	s9 =	simm.s32 $0xD;
	s11 =	simm.s32 $0xC;
	v19 =	vadd.s32 v4, v19;
	v29 =	vadd.s32 s7, v2;
	v50 =	vadd.s32 s8, v0  }
0x86: {  	v51 =	vadd.s32 s8, v2;
	v31 =	vadd.s32 s9, v0;
	v52 =	vadd.s32 s11, v0  }
0x87: {  	v32 =	vadd.s32 s9, v2;
	v33 =	vadd.s32 s11, v2;
	v25 =	vsel vm1, v25, v27  }
0x88: {  	v26 =	vadd.s32 v5, v24;
	v28 =	vand.u32 $0xFFFFFF80, v24;
	v19 =	vor.u32 v21, v19  }
0x89: {  	s13 =	sor.u32 $0x10, s29;
	s8 =	simm.s32 $0x7;
	v21 =	vand.u32 $0x7F, v24;
	vm4 =	vlt.u32 v50, $0x50;
	vm5 =	vlt.u32 v31, $0x50  }
0x8a: {  	s31 =	sand.u32 $0x50, s13;
	vm6 =	vlt.u32 v52, $0x50;
	v37 =	vadd.s32 s8, v0;
	v58 =	vadd.s32 s8, v2  }
0x8b: {  	s1 =	sadd.s32 s31, s28;
	s31 =	simm.s32 $0xA;
	v27 =	vadd.s32 v5, v25;
	v5 =	vand.u32 $0xFFFFFF80, v22;
	v22 =	vand.u32 $0x7F, v22  }
0x8c: {  	v24 =	vadd.s32 v4, v28;
	v31 =	vsel vm5, v31, v32;
	v34 =	vadd.s32 s31, v0  }
0x8d: {  	v23 =	vld.idx.msk [tilespmem:v3+s1+$0x0 ss:$0x1], $0xffff;
	v35 =	vadd.s32 s31, v2;
	vm11 =	vlt.u32 v37, $0x50;
	v5 =	vadd.s32 v4, v5  }
0x8e: {  	[tilespmem:v6+s22+$0x0] =	vst.idx.msk $0xffff, v13;
	v21 =	vor.u32 v21, v24;
	vm8 =	vlt.u32 v34, $0x50;
	v13 =	vsel vm11, v37, v58  }
0x8f: {  	v6 =	vld.idx.msk [tilespmem:v10+s2+$0x0], $0xffff;
	[tilespmem:v8+s22+$0x0] =	vst.idx.msk $0xffff, v16;
	v8 =	vand.u32 $0x7F, v31;
	v22 =	vor.u32 v22, v5;
	v5 =	vand.u32 $0xFFFFFF80, v25  }
0x90: {  	v60 =	vand.u32 $0xFFFFFF80, v31;
	v25 =	vand.u32 $0x7F, v25;
	v4 =	vadd.s32 v4, v5  }
0x91: {  	s3 =	simm.s32 $0x0;
	v34 =	vsel vm8, v34, v35;
	v24 =	vor.u32 v25, v4;
	v4 =	vmov s13  }
0x92: {  	v25 =	vor.u32 s3, v0;
	s13 =	simm.s32 $0xB;
	v5 =	vshll.u32 v23, $0x7;
	v4 =	vshll.u32 v4, $0x7  }
0x93: {  	v11 =	vld.idx.msk [tilespmem:v11+s2+$0x0], $0xffff;
	v23 =	vmov s3;
	v53 =	vadd.s32 s13, v0;
	v54 =	vadd.s32 s13, v2  }
0x94: {  	v15 =	vld.idx.msk [tilespmem:v15+s2+$0x0], $0xffff;
	[tilespmem:v9+s22+$0x0] =	vst.idx.msk $0xffff, v6;
	vm14 =	vlt.u32 v23, $0x50;
	v23 =	vadd.s32 s3, v2;
	v4 =	vor.u32 v1, v4  }
0x95: {  	v9 =	vld.idx.msk [tilespmem:v12+s2+$0x0], $0xffff;
	vm7 =	vlt.u32 v53, $0x50;
	s3 =	simm.s32 $0x9;
	v12 =	vadd.s32 v5, v31;
	v23 =	vsel vm14, v25, v23  }
0x96: {  	v25 =	vadd.s32 s7, v0;
	v32 =	vsel vm7, v53, v54;
	v55 =	vadd.s32 s3, v0  }
0x97: {  	v36 =	vadd.s32 s3, v2;
	v49 =	vand.u32 $0xFFFFFF80, v23;
	vm15 =	vlt.u32 v25, $0x50  }
0x98: {  	[tilespmem:v18+s22+$0x0] =	vst.idx.msk $0xffff, v11;
	s7 =	simm.s32 $0x8;
	v30 =	vand.u32 $0x7F, v23;
	v23 =	vadd.s32 v5, v23;
	vm9 =	vlt.u32 v55, $0x50  }
0x99: {  	[tilespmem:v20+s22+$0x0] =	vst.idx.msk $0xffff, v15;
	v18 =	vld.idx.msk [tilespmem:v27+s2+$0x0], $0xffff;
	v56 =	vadd.s32 s7, v0;
	v57 =	vadd.s32 s7, v2;
	v15 =	vadd.s32 v5, v32  }
0x9a: {  	v28 =	vadd.s32 v4, v49;
	v25 =	vsel vm15, v25, v29;
	v29 =	vsel vm4, v50, v51  }
0x9b: {  	v17 =	vld.idx.msk [tilespmem:v17+s2+$0x0], $0xffff;
	vm10 =	vlt.u32 v56, $0x50;
	v28 =	vor.u32 v30, v28;
	v30 =	vsel vm6, v52, v33  }
0x9c: {  	v33 =	vsel vm9, v55, v36;
	v35 =	vsel vm10, v56, v57;
	v10 =	vand.u32 $0x7F, v25  }
0x9d: {  	[tilespmem:v7+s22+$0x0] =	vst.idx.msk $0xffff, v14;
	s9 =	simm.s32 $0x6;
	s31 =	simm.s32 $0x4;
	v59 =	vand.u32 $0xFFFFFF80, v25;
	v7 =	vadd.s32 v5, v25;
	v25 =	vand.u32 $0xFFFFFF80, v29  }
0x9e: {  	v16 =	vadd.s32 v5, v29;
	[tilespmem:v24+s22+$0x0] =	vst.idx.msk $0xffff, v18;
	v18 =	vadd.s32 s9, v2;
	v24 =	vadd.s32 s31, v0  }
0x9f: {  	v14 =	vadd.s32 v4, v59;
	v25 =	vadd.s32 v4, v25;
	v61 =	vand.u32 $0xFFFFFF80, v30  }
0xa0: {  	[tilespmem:v19+s22+$0x0] =	vst.idx.msk $0xffff, v17;
	v6 =	vand.u32 $0x7F, v30;
	v14 =	vor.u32 v10, v14;
	v10 =	vand.u32 $0x7F, v29  }
0xa1: {  	v11 =	vadd.s32 v5, v30;
	v25 =	vor.u32 v10, v25;
	v10 =	vadd.s32 v4, v60  }
0xa2: {  	[tilespmem:v22+s22+$0x0] =	vst.idx.msk $0xffff, v9;
	v17 =	vand.u32 $0x7F, v33;
	v62 =	vor.u32 v8, v10;
	v8 =	vadd.s32 v4, v61  }
0xa3: {  	v22 =	vadd.s32 v5, v33;
	v10 =	vld.idx.msk [tilespmem:v26+s2+$0x0], $0xffff;
	v29 =	vor.u32 v6, v8;
	v6 =	vand.u32 $0xFFFFFF80, v32  }
0xa4: {  	v9 =	vand.u32 $0xFFFFFF80, v35;
	v8 =	vand.u32 $0x7F, v32;
	v6 =	vadd.s32 v4, v6  }
0xa5: {  	v12 =	vld.idx.msk [tilespmem:v12+s2+$0x0], $0xffff;
	vm15 =	vlt.u32 v24, $0x50;
	v63 =	vor.u32 v8, v6;
	v6 =	vand.u32 $0xFFFFFF80, v34  }
0xa6: {  	v9 =	vadd.s32 v4, v9;
	v19 =	vld.idx.msk [tilespmem:v23+s2+$0x0], $0xffff;
	v8 =	vand.u32 $0x7F, v34;
	v6 =	vadd.s32 v4, v6  }
0xa7: {  	s11 =	simm.s32 $0x5;
	v26 =	vadd.s32 v5, v34;
	v20 =	vld.idx.msk [tilespmem:v7+s2+$0x0], $0xffff;
	v6 =	vor.u32 v8, v6;
	v8 =	vand.u32 $0xFFFFFF80, v33  }
0xa8: {  	v23 =	vld.idx.msk [tilespmem:v11+s2+$0x0], $0xffff;
	v11 =	vadd.s32 s11, v0;
	[tilespmem:v21+s22+$0x0] =	vst.idx.msk $0xffff, v10;
	v21 =	vadd.s32 s9, v0;
	v8 =	vadd.s32 v4, v8  }
0xa9: {  	v16 =	vld.idx.msk [tilespmem:v16+s2+$0x0], $0xffff;
	v10 =	vadd.s32 v5, v13;
	v8 =	vor.u32 v17, v8;
	v17 =	vand.u32 $0x7F, v35  }
0xaa: {  	v7 =	vor.u32 v17, v9;
	v9 =	vand.u32 $0x7F, v13;
	v13 =	vand.u32 $0xFFFFFF80, v13  }
0xab: {  	v27 =	vld.idx.msk [tilespmem:v15+s2+$0x0], $0xffff;
	vm13 =	vlt.u32 v11, $0x50;
	[tilespmem:v28+s22+$0x0] =	vst.idx.msk $0xffff, v19;
	vm12 =	vlt.u32 v21, $0x50;
	v13 =	vadd.s32 v4, v13  }
0xac: {  	[tilespmem:v62+s22+$0x0] =	vst.idx.msk $0xffff, v12;
	v21 =	vsel vm12, v21, v18;
	v9 =	vor.u32 v9, v13;
	v13 =	vadd.s32 s11, v2  }
0xad: {  	s13 =	simm.s32 $0x3;
	[tilespmem:v14+s22+$0x0] =	vst.idx.msk $0xffff, v20;
	v17 =	vadd.s32 v5, v35;
	v15 =	vsel vm13, v11, v13;
	v13 =	vand.u32 $0xFFFFFF80, v21  }
0xae: {  	[tilespmem:v25+s22+$0x0] =	vst.idx.msk $0xffff, v16;
	v16 =	vadd.s32 s13, v0;
	v25 =	vadd.s32 s31, v2;
	v19 =	vadd.s32 v4, v13;
	v13 =	vld.idx.msk [tilespmem:v26+s2+$0x0], $0xffff  }
0xaf: {  	s0 =	simm.s32 $0x2;
	v12 =	vadd.s32 s13, v2;
	v14 =	vld.idx.msk [tilespmem:v22+s2+$0x0], $0xffff;
	vm14 =	vlt.u32 v16, $0x50;
	[tilespmem:v29+s22+$0x0] =	vst.idx.msk $0xffff, v23;
	v23 =	vsel vm15, v24, v25  }
0xb0: {  	v24 =	vadd.s32 s0, v0;
	v18 =	vand.u32 $0x7F, v21;
	v22 =	vsel vm14, v16, v12  }
0xb1: {  	[tilespmem:v63+s22+$0x0] =	vst.idx.msk $0xffff, v27;
	v12 =	vadd.s32 v5, v22;
	v11 =	vadd.s32 v5, v21;
	v21 =	vand.u32 $0xFFFFFF80, v15  }
0xb2: {  	s30 =	simm.s32 $0x10;
	s1 =	simm.s32 $0x1;
	v20 =	vand.u32 $0x7F, v15;
	v15 =	vadd.s32 v5, v15;
	v16 =	vld.idx.msk [tilespmem:v17+s2+$0x0], $0xffff;
	v17 =	vadd.s32 v5, v23  }
.LBB2_6:
0xb3: {  	p0 =	slt.u32 s30, $0x40;
	v25 =	vadd.s32 s1, v0;
	vm0 =	vlt.u32 v24, $0x50;
	v26 =	vadd.s32 s0, v2;
	[tilespmem:v6+s22+$0x0] =	vst.idx.msk $0xffff, v13  }
0xb4: {  	v6 =	vadd.s32 s1, v2;
	vm1 =	vlt.u32 v25, $0x50;
	v13 =	vsel vm0, v24, v26;
	v10 =	vld.idx.msk [tilespmem:v10+s2+$0x0], $0xffff;
	[tilespmem:v8+s22+$0x0] =	vst.idx.msk $0xffff, v14  }
0xb5: {  	v14 =	vadd.s32 v4, v21;
	v6 =	vsel vm1, v25, v6;
	v8 =	vadd.s32 v5, v13  }
0xb6: {  	v18 =	vor.u32 v18, v19;
	v14 =	vor.u32 v20, v14;
	v21 =	vadd.s32 v5, v6;
	v11 =	vld.idx.msk [tilespmem:v11+s2+$0x0], $0xffff  }
0xb7: {  	v19 =	vand.u32 $0xFFFFFF80, v22;
	v20 =	vand.u32 $0xFFFFFF80, v23;
	v23 =	vand.u32 $0x7F, v23;
	v15 =	vld.idx.msk [tilespmem:v15+s2+$0x0], $0xffff;
	[tilespmem:v7+s22+$0x0] =	vst.idx.msk $0xffff, v16  }
0xb8: {  	v7 =	vand.u32 $0x7F, v22;
	v16 =	vadd.s32 v4, v19;
	v19 =	vadd.s32 v4, v20;
	v17 =	vld.idx.msk [tilespmem:v17+s2+$0x0], $0xffff  }
0xb9: {  	v20 =	vand.u32 $0xFFFFFF80, v13;
	v7 =	vor.u32 v7, v16;
	v16 =	vor.u32 v23, v19;
	v12 =	vld.idx.msk [tilespmem:v12+s2+$0x0], $0xffff  }
0xba: {  	v13 =	vand.u32 $0x7F, v13;
	v19 =	vand.u32 $0xFFFFFF80, v6;
	v20 =	vadd.s32 v4, v20;
	v8 =	vld.idx.msk [tilespmem:v8+s2+$0x0], $0xffff;
	[tilespmem:v9+s22+$0x0] =	vst.idx.msk $0xffff, v10  }
0xbb: {  	v6 =	vand.u32 $0x7F, v6;
	v13 =	vor.u32 v13, v20;
	v10 =	vadd.s32 v4, v19;
	v9 =	vld.idx.msk [tilespmem:v21+s2+$0x0], $0xffff  }
0xbc: {  	v19 =	vmov s30;
	v6 =	vor.u32 v6, v10;
	[tilespmem:v18+s22+$0x0] =	vst.idx.msk $0xffff, v11  }
0xbd: {  	s0 =	sadd.s32 $0xF, s30;
	v10 =	vor.u32 s30, v0;
	vm0 =	vlt.u32 v19, $0x50;
	v11 =	vadd.s32 s30, v2;
	[tilespmem:v14+s22+$0x0] =	vst.idx.msk $0xffff, v15  }
0xbe: {  	v10 =	vsel vm0, v10, v11;
	v11 =	vadd.s32 s0, v0;
	[tilespmem:v16+s22+$0x0] =	vst.idx.msk $0xffff, v17  }
0xbf: {  	v15 =	vadd.s32 s0, v2;
	v14 =	vand.u32 $0xFFFFFF80, v10;
	vm0 =	vlt.u32 v11, $0x50;
	[tilespmem:v7+s22+$0x0] =	vst.idx.msk $0xffff, v12  }
0xc0: {  	v7 =	vand.u32 $0x7F, v10;
	v12 =	vadd.s32 v4, v14;
	v11 =	vsel vm0, v11, v15;
	[tilespmem:v13+s22+$0x0] =	vst.idx.msk $0xffff, v8  }
0xc1: {  	s0 =	sadd.s32 $0xE, s30;
	v8 =	vadd.s32 v5, v10;
	v12 =	vor.u32 v7, v12;
	v7 =	vand.u32 $0x7F, v11;
	[tilespmem:v6+s22+$0x0] =	vst.idx.msk $0xffff, v9  }
0xc2: {  	v10 =	vand.u32 $0xFFFFFF80, v11;
	v6 =	vadd.s32 s0, v0;
	v9 =	vadd.s32 v5, v11  }
0xc3: {  	s1 =	sadd.s32 $0xD, s30;
	v11 =	vadd.s32 s0, v2;
	v10 =	vadd.s32 v4, v10;
	vm0 =	vlt.u32 v6, $0x50  }
0xc4: {  	v13 =	vadd.s32 s1, v0;
	v6 =	vsel vm0, v6, v11;
	v11 =	vor.u32 v7, v10  }
0xc5: {  	vm0 =	vlt.u32 v13, $0x50;
	v7 =	vadd.s32 s1, v2;
	v10 =	vand.u32 $0xFFFFFF80, v6  }
0xc6: {  	v7 =	vsel vm0, v13, v7;
	v13 =	vand.u32 $0x7F, v6;
	v10 =	vadd.s32 v4, v10  }
0xc7: {  	s0 =	sadd.s32 $0xC, s30;
	v15 =	vadd.s32 v5, v6;
	v14 =	vand.u32 $0x7F, v7;
	v16 =	vor.u32 v13, v10  }
0xc8: {  	v6 =	vadd.s32 s0, v0;
	v13 =	vadd.s32 v5, v7;
	v7 =	vand.u32 $0xFFFFFF80, v7  }
0xc9: {  	s1 =	sadd.s32 $0xB, s30;
	vm0 =	vlt.u32 v6, $0x50;
	v10 =	vadd.s32 s0, v2;
	v7 =	vadd.s32 v4, v7  }
0xca: {  	v17 =	vadd.s32 s1, v0;
	v6 =	vsel vm0, v6, v10;
	v22 =	vor.u32 v14, v7  }
0xcb: {  	vm0 =	vlt.u32 v17, $0x50;
	v7 =	vadd.s32 s1, v2;
	v10 =	vand.u32 $0xFFFFFF80, v6  }
0xcc: {  	v14 =	vand.u32 $0x7F, v6;
	v7 =	vsel vm0, v17, v7;
	v10 =	vadd.s32 v4, v10  }
0xcd: {  	s0 =	sadd.s32 $0xA, s30;
	v18 =	vadd.s32 v5, v6;
	v17 =	vand.u32 $0x7F, v7;
	v23 =	vor.u32 v14, v10  }
0xce: {  	v6 =	vadd.s32 s0, v0;
	v14 =	vadd.s32 v5, v7;
	v7 =	vand.u32 $0xFFFFFF80, v7  }
0xcf: {  	s1 =	sadd.s32 $0x9, s30;
	vm0 =	vlt.u32 v6, $0x50;
	v10 =	vadd.s32 s0, v2;
	v7 =	vadd.s32 v4, v7  }
0xd0: {  	v19 =	vadd.s32 s1, v0;
	v6 =	vsel vm0, v6, v10;
	v25 =	vor.u32 v17, v7  }
0xd1: {  	vm0 =	vlt.u32 v19, $0x50;
	v7 =	vadd.s32 s1, v2;
	v10 =	vand.u32 $0xFFFFFF80, v6  }
0xd2: {  	v17 =	vand.u32 $0x7F, v6;
	v7 =	vsel vm0, v19, v7;
	v10 =	vadd.s32 v4, v10  }
0xd3: {  	s0 =	sadd.s32 $0x8, s30;
	v20 =	vadd.s32 v5, v6;
	v19 =	vand.u32 $0x7F, v7;
	v6 =	vor.u32 v17, v10  }
0xd4: {  	v10 =	vadd.s32 s0, v0;
	v17 =	vadd.s32 v5, v7;
	v7 =	vand.u32 $0xFFFFFF80, v7  }
0xd5: {  	v21 =	vadd.s32 s0, v2;
	s1 =	sadd.s32 $0x7, s30;
	vm0 =	vlt.u32 v10, $0x50;
	v7 =	vadd.s32 v4, v7  }
0xd6: {  	v26 =	vadd.s32 s1, v0;
	v10 =	vsel vm0, v10, v21;
	v24 =	vld.idx.msk [tilespmem:v8+s2+$0x0], $0xffff;
	v8 =	vor.u32 v19, v7  }
0xd7: {  	vm0 =	vlt.u32 v26, $0x50;
	v7 =	vadd.s32 s1, v2;
	v19 =	vand.u32 $0xFFFFFF80, v10;
	v21 =	vld.idx.msk [tilespmem:v9+s2+$0x0], $0xffff  }
0xd8: {  	v9 =	vsel vm0, v26, v7;
	v7 =	vand.u32 $0x7F, v10;
	v19 =	vadd.s32 v4, v19  }
0xd9: {  	s0 =	sadd.s32 $0x6, s30;
	v27 =	vadd.s32 v5, v10;
	v26 =	vand.u32 $0x7F, v9;
	v7 =	vor.u32 v7, v19;
	v15 =	vld.idx.msk [tilespmem:v15+s2+$0x0], $0xffff  }
0xda: {  	v19 =	vadd.s32 s0, v0;
	v10 =	vadd.s32 v5, v9;
	v9 =	vand.u32 $0xFFFFFF80, v9;
	v28 =	vld.idx.msk [tilespmem:v13+s2+$0x0], $0xffff  }
0xdb: {  	s1 =	sadd.s32 $0x5, s30;
	vm0 =	vlt.u32 v19, $0x50;
	v9 =	vadd.s32 v4, v9;
	v13 =	vadd.s32 s0, v2;
	v29 =	vld.idx.msk [tilespmem:v18+s2+$0x0], $0xffff  }
0xdc: {  	v9 =	vor.u32 v26, v9;
	v13 =	vsel vm0, v19, v13;
	[tilespmem:v12+s22+$0x0] =	vst.idx.msk $0xffff, v24;
	v12 =	vadd.s32 s1, v0  }
0xdd: {  	v19 =	vadd.s32 s1, v2;
	v18 =	vand.u32 $0x7F, v13;
	vm0 =	vlt.u32 v12, $0x50;
	v26 =	vld.idx.msk [tilespmem:v14+s2+$0x0], $0xffff;
	[tilespmem:v11+s22+$0x0] =	vst.idx.msk $0xffff, v21  }
0xde: {  	v11 =	vadd.s32 v5, v13;
	v14 =	vand.u32 $0xFFFFFF80, v13;
	v12 =	vsel vm0, v12, v19;
	v13 =	vld.idx.msk [tilespmem:v20+s2+$0x0], $0xffff  }
.Ltmp1:
0xdf: {  	s0 =	sadd.s32 $0x3, s30;
	s1 =	sadd.s32 $0x4, s30;
	v19 =	vadd.s32 v4, v14;
	v21 =	vand.u32 $0xFFFFFF80, v12;
	v20 =	vand.u32 $0x7F, v12;
	v14 =	vld.idx.msk [tilespmem:v17+s2+$0x0], $0xffff;
	[tilespmem:v16+s22+$0x0] =	vst.idx.msk $0xffff, v15;
	(pc) =	sbr.rel @p0 .LBB2_6-.Ltmp1, $4  }
0xe0: {  	v15 =	vadd.s32 s0, v0;
	v16 =	vadd.s32 s1, v0;
	v17 =	vadd.s32 s1, v2;
	[tilespmem:v22+s22+$0x0] =	vst.idx.msk $0xffff, v28  }
0xe1: {  	vm0 =	vlt.u32 v15, $0x50;
	v22 =	vadd.s32 s0, v2;
	vm1 =	vlt.u32 v16, $0x50;
	[tilespmem:v23+s22+$0x0] =	vst.idx.msk $0xffff, v29  }
0xe2: {  	s0 =	sadd.s32 $0x2, s30;
	v22 =	vsel vm0, v15, v22;
	v23 =	vsel vm1, v16, v17;
	v15 =	vadd.s32 v5, v12;
	v16 =	vld.idx.msk [tilespmem:v27+s2+$0x0], $0xffff  }
0xe3: {  	s1 =	sadd.s32 $0x1, s30;
	s30 =	sadd.s32 $0x10, s30;
	v24 =	vadd.s32 s0, v0;
	v12 =	vadd.s32 v5, v22;
	v17 =	vadd.s32 v5, v23;
	[tilespmem:v25+s22+$0x0] =	vst.idx.msk $0xffff, v26  }
0xe4: {  	v25 =	vadd.s32 s1, v0;
	vm0 =	vlt.u32 v24, $0x50  }
0xe5: {  	v26 =	vadd.s32 s0, v2;
	v27 =	vadd.s32 s1, v2;
	v21 =	vadd.s32 v4, v21  }
0xe6: {  	v18 =	vor.u32 v18, v19;
	v19 =	vand.u32 $0xFFFFFF80, v23;
	vm1 =	vlt.u32 v25, $0x50  }
0xe7: {  	s7 =	simm.s32 $0xF;
	s8 =	simm.s32 $0xE;
	v24 =	vsel vm0, v24, v26;
	v20 =	vor.u32 v20, v21;
	v21 =	vand.u32 $0x7F, v23  }
0xe8: {  	s9 =	simm.s32 $0xD;
	s11 =	simm.s32 $0xC;
	v19 =	vadd.s32 v4, v19;
	v29 =	vadd.s32 s7, v2;
	v51 =	vadd.s32 s8, v0  }
0xe9: {  	v52 =	vadd.s32 s8, v2;
	v31 =	vadd.s32 s9, v0;
	v53 =	vadd.s32 s11, v0  }
0xea: {  	v32 =	vadd.s32 s9, v2;
	v33 =	vadd.s32 s11, v2;
	v25 =	vsel vm1, v25, v27  }
0xeb: {  	v26 =	vadd.s32 v5, v24;
	v28 =	vand.u32 $0xFFFFFF80, v24;
	v19 =	vor.u32 v21, v19  }
0xec: {  	s13 =	sor.u32 $0x20, s29;
	s8 =	simm.s32 $0x7;
	v21 =	vand.u32 $0x7F, v24;
	vm4 =	vlt.u32 v51, $0x50;
	vm5 =	vlt.u32 v31, $0x50  }
0xed: {  	s31 =	sand.u32 $0x60, s13;
	vm6 =	vlt.u32 v53, $0x50;
	v37 =	vadd.s32 s8, v0;
	v59 =	vadd.s32 s8, v2  }
0xee: {  	s1 =	sadd.s32 s31, s28;
	s31 =	simm.s32 $0xA;
	v27 =	vadd.s32 v5, v25;
	v5 =	vand.u32 $0xFFFFFF80, v22;
	v22 =	vand.u32 $0x7F, v22  }
0xef: {  	v24 =	vadd.s32 v4, v28;
	v31 =	vsel vm5, v31, v32;
	v34 =	vadd.s32 s31, v0  }
0xf0: {  	v23 =	vld.idx.msk [tilespmem:v3+s1+$0x0 ss:$0x1], $0xffff;
	v35 =	vadd.s32 s31, v2;
	vm11 =	vlt.u32 v37, $0x50;
	v5 =	vadd.s32 v4, v5  }
0xf1: {  	[tilespmem:v6+s22+$0x0] =	vst.idx.msk $0xffff, v13;
	v21 =	vor.u32 v21, v24;
	vm8 =	vlt.u32 v34, $0x50;
	v13 =	vsel vm11, v37, v59  }
0xf2: {  	[tilespmem:v7+s22+$0x0] =	vst.idx.msk $0xffff, v16;
	v7 =	vand.u32 $0x7F, v31;
	v22 =	vor.u32 v22, v5;
	v5 =	vand.u32 $0xFFFFFF80, v25  }
0xf3: {  	s3 =	simm.s32 $0x0;
	v6 =	vld.idx.msk [tilespmem:v10+s2+$0x0], $0xffff;
	v25 =	vand.u32 $0x7F, v25;
	v34 =	vsel vm8, v34, v35;
	v4 =	vadd.s32 v4, v5  }
0xf4: {  	v24 =	vor.u32 v25, v4;
	v4 =	vmov s13;
	v25 =	vor.u32 s3, v0  }
0xf5: {  	s13 =	simm.s32 $0xB;
	v5 =	vshll.u32 v23, $0x7;
	v4 =	vshll.u32 v4, $0x7;
	v23 =	vmov s3  }
0xf6: {  	v54 =	vadd.s32 s13, v0;
	v55 =	vadd.s32 s13, v2;
	vm14 =	vlt.u32 v23, $0x50  }
0xf7: {  	v15 =	vld.idx.msk [tilespmem:v15+s2+$0x0], $0xffff;
	v23 =	vadd.s32 s3, v2;
	v4 =	vor.u32 v1, v4;
	vm7 =	vlt.u32 v54, $0x50  }
0xf8: {  	[tilespmem:v9+s22+$0x0] =	vst.idx.msk $0xffff, v6;
	s3 =	simm.s32 $0x9;
	v9 =	vadd.s32 v5, v31;
	v23 =	vsel vm14, v25, v23;
	v25 =	vadd.s32 s7, v0  }
0xf9: {  	v32 =	vsel vm7, v54, v55;
	v56 =	vadd.s32 s3, v0;
	v36 =	vadd.s32 s3, v2  }
0xfa: {  	s7 =	simm.s32 $0x8;
	v50 =	vand.u32 $0xFFFFFF80, v23;
	vm15 =	vlt.u32 v25, $0x50;
	v30 =	vand.u32 $0x7F, v23  }
0xfb: {  	v23 =	vadd.s32 v5, v23;
	vm9 =	vlt.u32 v56, $0x50;
	v57 =	vadd.s32 s7, v0  }
0xfc: {  	[tilespmem:v20+s22+$0x0] =	vst.idx.msk $0xffff, v15;
	v58 =	vadd.s32 s7, v2;
	v15 =	vadd.s32 v5, v32;
	v28 =	vadd.s32 v4, v50  }
0xfd: {  	v11 =	vld.idx.msk [tilespmem:v11+s2+$0x0], $0xffff;
	v25 =	vsel vm15, v25, v29;
	v29 =	vsel vm4, v51, v52;
	vm10 =	vlt.u32 v57, $0x50  }
0xfe: {  	v28 =	vor.u32 v30, v28;
	v30 =	vsel vm6, v53, v33;
	v33 =	vsel vm9, v56, v36  }
0xff: {  	[tilespmem:v8+s22+$0x0] =	vst.idx.msk $0xffff, v14;
	v35 =	vsel vm10, v57, v58;
	v10 =	vand.u32 $0x7F, v25;
	v60 =	vand.u32 $0xFFFFFF80, v25  }
0x100: {  	v17 =	vld.idx.msk [tilespmem:v17+s2+$0x0], $0xffff;
	v14 =	vadd.s32 v5, v25;
	v25 =	vand.u32 $0xFFFFFF80, v29;
	v8 =	vadd.s32 v4, v60  }
0x101: {  	v16 =	vadd.s32 v5, v29;
	v6 =	vand.u32 $0x7F, v30;
	v36 =	vor.u32 v10, v8  }
0x102: {  	[tilespmem:v18+s22+$0x0] =	vst.idx.msk $0xffff, v11;
	v18 =	vld.idx.msk [tilespmem:v27+s2+$0x0], $0xffff;
	v8 =	vand.u32 $0x7F, v29;
	v10 =	vadd.s32 v4, v25;
	v25 =	vand.u32 $0xFFFFFF80, v31  }
0x103: {  	v61 =	vor.u32 v8, v10;
	v8 =	vadd.s32 v4, v25;
	v10 =	vand.u32 $0xFFFFFF80, v30;
	v20 =	vld.idx.msk [tilespmem:v23+s2+$0x0], $0xffff  }
0x104: {  	v11 =	vadd.s32 v5, v30;
	v23 =	vld.idx.msk [tilespmem:v9+s2+$0x0], $0xffff;
	v25 =	vor.u32 v7, v8;
	v7 =	vadd.s32 v4, v10  }
0x105: {  	[tilespmem:v19+s22+$0x0] =	vst.idx.msk $0xffff, v17;
	v17 =	vand.u32 $0x7F, v33;
	v8 =	vld.idx.msk [tilespmem:v12+s2+$0x0], $0xffff;
	v12 =	vor.u32 v6, v7;
	v6 =	vand.u32 $0xFFFFFF80, v32  }
0x106: {  	v19 =	vand.u32 $0xFFFFFF80, v35;
	v10 =	vld.idx.msk [tilespmem:v26+s2+$0x0], $0xffff;
	v7 =	vand.u32 $0x7F, v32;
	v6 =	vadd.s32 v4, v6  }
0x107: {  	s9 =	simm.s32 $0x6;
	v27 =	vadd.s32 v5, v35;
	v14 =	vld.idx.msk [tilespmem:v14+s2+$0x0], $0xffff;
	v62 =	vor.u32 v7, v6;
	v6 =	vand.u32 $0xFFFFFF80, v34  }
0x108: {  	[tilespmem:v24+s22+$0x0] =	vst.idx.msk $0xffff, v18;
	v9 =	vadd.s32 s9, v2;
	v16 =	vld.idx.msk [tilespmem:v16+s2+$0x0], $0xffff;
	v7 =	vand.u32 $0x7F, v34;
	v6 =	vadd.s32 v4, v6  }
0x109: {  	s11 =	simm.s32 $0x5;
	v26 =	vadd.s32 v5, v34;
	v24 =	vld.idx.msk [tilespmem:v11+s2+$0x0], $0xffff;
	v6 =	vor.u32 v7, v6;
	v7 =	vand.u32 $0xFFFFFF80, v33  }
0x10a: {  	v11 =	vadd.s32 s11, v0;
	[tilespmem:v22+s22+$0x0] =	vst.idx.msk $0xffff, v8;
	v22 =	vadd.s32 v5, v33;
	v7 =	vadd.s32 v4, v7  }
0x10b: {  	vm13 =	vlt.u32 v11, $0x50;
	[tilespmem:v21+s22+$0x0] =	vst.idx.msk $0xffff, v10;
	v10 =	vadd.s32 v5, v13;
	v8 =	vor.u32 v17, v7  }
0x10c: {  	v7 =	vand.u32 $0x7F, v35;
	v17 =	vadd.s32 v4, v19;
	v19 =	vadd.s32 s9, v0  }
0x10d: {  	s13 =	simm.s32 $0x3;
	[tilespmem:v28+s22+$0x0] =	vst.idx.msk $0xffff, v20;
	v7 =	vor.u32 v7, v17;
	v17 =	vand.u32 $0x7F, v13;
	v13 =	vand.u32 $0xFFFFFF80, v13  }
0x10e: {  	v63 =	vld.idx.msk [tilespmem:v15+s2+$0x0], $0xffff;
	[tilespmem:v61+s22+$0x0] =	vst.idx.msk $0xffff, v16;
	v16 =	vadd.s32 s13, v0;
	vm12 =	vlt.u32 v19, $0x50;
	v13 =	vadd.s32 v4, v13  }
0x10f: {  	[tilespmem:v36+s22+$0x0] =	vst.idx.msk $0xffff, v14;
	v19 =	vsel vm12, v19, v9;
	v9 =	vor.u32 v17, v13;
	v13 =	vadd.s32 s11, v2  }
0x110: {  	vm14 =	vlt.u32 v16, $0x50;
	[tilespmem:v12+s22+$0x0] =	vst.idx.msk $0xffff, v24;
	v15 =	vsel vm13, v11, v13;
	v13 =	vand.u32 $0xFFFFFF80, v19  }
0x111: {  	s0 =	simm.s32 $0x2;
	s31 =	simm.s32 $0x4;
	v18 =	vand.u32 $0x7F, v19;
	v11 =	vadd.s32 v5, v19;
	v19 =	vadd.s32 v4, v13;
	v13 =	vld.idx.msk [tilespmem:v26+s2+$0x0], $0xffff  }
0x112: {  	v24 =	vadd.s32 s0, v0;
	v17 =	vadd.s32 s31, v0;
	v14 =	vld.idx.msk [tilespmem:v22+s2+$0x0], $0xffff;
	v22 =	vadd.s32 s13, v2  }
0x113: {  	[tilespmem:v25+s22+$0x0] =	vst.idx.msk $0xffff, v23;
	vm15 =	vlt.u32 v17, $0x50;
	v22 =	vsel vm14, v16, v22;
	v26 =	vadd.s32 s31, v2  }
0x114: {  	[tilespmem:v62+s22+$0x0] =	vst.idx.msk $0xffff, v63;
	v21 =	vand.u32 $0xFFFFFF80, v15;
	v20 =	vand.u32 $0x7F, v15;
	v23 =	vsel vm15, v17, v26  }
0x115: {  	s30 =	simm.s32 $0x10;
	s1 =	simm.s32 $0x1;
	v16 =	vld.idx.msk [tilespmem:v27+s2+$0x0], $0xffff;
	v15 =	vadd.s32 v5, v15;
	v12 =	vadd.s32 v5, v22;
	v17 =	vadd.s32 v5, v23  }
.LBB2_8:
0x116: {  	p0 =	slt.u32 s30, $0x40;
	v25 =	vadd.s32 s1, v0;
	vm0 =	vlt.u32 v24, $0x50;
	v26 =	vadd.s32 s0, v2;
	[tilespmem:v6+s22+$0x0] =	vst.idx.msk $0xffff, v13  }
0x117: {  	v6 =	vadd.s32 s1, v2;
	vm1 =	vlt.u32 v25, $0x50;
	v13 =	vsel vm0, v24, v26;
	v10 =	vld.idx.msk [tilespmem:v10+s2+$0x0], $0xffff;
	[tilespmem:v8+s22+$0x0] =	vst.idx.msk $0xffff, v14  }
0x118: {  	v14 =	vadd.s32 v4, v21;
	v6 =	vsel vm1, v25, v6;
	v8 =	vadd.s32 v5, v13  }
0x119: {  	v18 =	vor.u32 v18, v19;
	v14 =	vor.u32 v20, v14;
	v21 =	vadd.s32 v5, v6;
	v11 =	vld.idx.msk [tilespmem:v11+s2+$0x0], $0xffff  }
0x11a: {  	v19 =	vand.u32 $0xFFFFFF80, v22;
	v20 =	vand.u32 $0xFFFFFF80, v23;
	v23 =	vand.u32 $0x7F, v23;
	v15 =	vld.idx.msk [tilespmem:v15+s2+$0x0], $0xffff;
	[tilespmem:v7+s22+$0x0] =	vst.idx.msk $0xffff, v16  }
0x11b: {  	v7 =	vand.u32 $0x7F, v22;
	v16 =	vadd.s32 v4, v19;
	v19 =	vadd.s32 v4, v20;
	v17 =	vld.idx.msk [tilespmem:v17+s2+$0x0], $0xffff  }
0x11c: {  	v20 =	vand.u32 $0xFFFFFF80, v13;
	v7 =	vor.u32 v7, v16;
	v16 =	vor.u32 v23, v19;
	v12 =	vld.idx.msk [tilespmem:v12+s2+$0x0], $0xffff  }
0x11d: {  	v13 =	vand.u32 $0x7F, v13;
	v19 =	vand.u32 $0xFFFFFF80, v6;
	v20 =	vadd.s32 v4, v20;
	v8 =	vld.idx.msk [tilespmem:v8+s2+$0x0], $0xffff;
	[tilespmem:v9+s22+$0x0] =	vst.idx.msk $0xffff, v10  }
0x11e: {  	v6 =	vand.u32 $0x7F, v6;
	v13 =	vor.u32 v13, v20;
	v10 =	vadd.s32 v4, v19;
	v9 =	vld.idx.msk [tilespmem:v21+s2+$0x0], $0xffff  }
0x11f: {  	v19 =	vmov s30;
	v6 =	vor.u32 v6, v10;
	[tilespmem:v18+s22+$0x0] =	vst.idx.msk $0xffff, v11  }
0x120: {  	s0 =	sadd.s32 $0xF, s30;
	v10 =	vor.u32 s30, v0;
	vm0 =	vlt.u32 v19, $0x50;
	v11 =	vadd.s32 s30, v2;
	[tilespmem:v14+s22+$0x0] =	vst.idx.msk $0xffff, v15  }
0x121: {  	v10 =	vsel vm0, v10, v11;
	v11 =	vadd.s32 s0, v0;
	[tilespmem:v16+s22+$0x0] =	vst.idx.msk $0xffff, v17  }
0x122: {  	v15 =	vadd.s32 s0, v2;
	v14 =	vand.u32 $0xFFFFFF80, v10;
	vm0 =	vlt.u32 v11, $0x50;
	[tilespmem:v7+s22+$0x0] =	vst.idx.msk $0xffff, v12  }
0x123: {  	v7 =	vand.u32 $0x7F, v10;
	v12 =	vadd.s32 v4, v14;
	v11 =	vsel vm0, v11, v15;
	[tilespmem:v13+s22+$0x0] =	vst.idx.msk $0xffff, v8  }
0x124: {  	s0 =	sadd.s32 $0xE, s30;
	v8 =	vadd.s32 v5, v10;
	v12 =	vor.u32 v7, v12;
	v7 =	vand.u32 $0x7F, v11;
	[tilespmem:v6+s22+$0x0] =	vst.idx.msk $0xffff, v9  }
0x125: {  	v10 =	vand.u32 $0xFFFFFF80, v11;
	v6 =	vadd.s32 s0, v0;
	v9 =	vadd.s32 v5, v11  }
0x126: {  	s1 =	sadd.s32 $0xD, s30;
	v11 =	vadd.s32 s0, v2;
	v10 =	vadd.s32 v4, v10;
	vm0 =	vlt.u32 v6, $0x50  }
0x127: {  	v13 =	vadd.s32 s1, v0;
	v6 =	vsel vm0, v6, v11;
	v11 =	vor.u32 v7, v10  }
0x128: {  	vm0 =	vlt.u32 v13, $0x50;
	v7 =	vadd.s32 s1, v2;
	v10 =	vand.u32 $0xFFFFFF80, v6  }
0x129: {  	v7 =	vsel vm0, v13, v7;
	v13 =	vand.u32 $0x7F, v6;
	v10 =	vadd.s32 v4, v10  }
0x12a: {  	s0 =	sadd.s32 $0xC, s30;
	v15 =	vadd.s32 v5, v6;
	v14 =	vand.u32 $0x7F, v7;
	v16 =	vor.u32 v13, v10  }
0x12b: {  	v6 =	vadd.s32 s0, v0;
	v13 =	vadd.s32 v5, v7;
	v7 =	vand.u32 $0xFFFFFF80, v7  }
0x12c: {  	s1 =	sadd.s32 $0xB, s30;
	vm0 =	vlt.u32 v6, $0x50;
	v10 =	vadd.s32 s0, v2;
	v7 =	vadd.s32 v4, v7  }
0x12d: {  	v17 =	vadd.s32 s1, v0;
	v6 =	vsel vm0, v6, v10;
	v22 =	vor.u32 v14, v7  }
0x12e: {  	vm0 =	vlt.u32 v17, $0x50;
	v7 =	vadd.s32 s1, v2;
	v10 =	vand.u32 $0xFFFFFF80, v6  }
0x12f: {  	v14 =	vand.u32 $0x7F, v6;
	v7 =	vsel vm0, v17, v7;
	v10 =	vadd.s32 v4, v10  }
0x130: {  	s0 =	sadd.s32 $0xA, s30;
	v18 =	vadd.s32 v5, v6;
	v17 =	vand.u32 $0x7F, v7;
	v23 =	vor.u32 v14, v10  }
0x131: {  	v6 =	vadd.s32 s0, v0;
	v14 =	vadd.s32 v5, v7;
	v7 =	vand.u32 $0xFFFFFF80, v7  }
0x132: {  	s1 =	sadd.s32 $0x9, s30;
	vm0 =	vlt.u32 v6, $0x50;
	v10 =	vadd.s32 s0, v2;
	v7 =	vadd.s32 v4, v7  }
0x133: {  	v19 =	vadd.s32 s1, v0;
	v6 =	vsel vm0, v6, v10;
	v25 =	vor.u32 v17, v7  }
0x134: {  	vm0 =	vlt.u32 v19, $0x50;
	v7 =	vadd.s32 s1, v2;
	v10 =	vand.u32 $0xFFFFFF80, v6  }
0x135: {  	v17 =	vand.u32 $0x7F, v6;
	v7 =	vsel vm0, v19, v7;
	v10 =	vadd.s32 v4, v10  }
0x136: {  	s0 =	sadd.s32 $0x8, s30;
	v20 =	vadd.s32 v5, v6;
	v19 =	vand.u32 $0x7F, v7;
	v6 =	vor.u32 v17, v10  }
0x137: {  	v10 =	vadd.s32 s0, v0;
	v17 =	vadd.s32 v5, v7;
	v7 =	vand.u32 $0xFFFFFF80, v7  }
0x138: {  	v21 =	vadd.s32 s0, v2;
	s1 =	sadd.s32 $0x7, s30;
	vm0 =	vlt.u32 v10, $0x50;
	v7 =	vadd.s32 v4, v7  }
0x139: {  	v26 =	vadd.s32 s1, v0;
	v10 =	vsel vm0, v10, v21;
	v24 =	vld.idx.msk [tilespmem:v8+s2+$0x0], $0xffff;
	v8 =	vor.u32 v19, v7  }
0x13a: {  	vm0 =	vlt.u32 v26, $0x50;
	v7 =	vadd.s32 s1, v2;
	v19 =	vand.u32 $0xFFFFFF80, v10;
	v21 =	vld.idx.msk [tilespmem:v9+s2+$0x0], $0xffff  }
0x13b: {  	v9 =	vsel vm0, v26, v7;
	v7 =	vand.u32 $0x7F, v10;
	v19 =	vadd.s32 v4, v19  }
0x13c: {  	s0 =	sadd.s32 $0x6, s30;
	v27 =	vadd.s32 v5, v10;
	v26 =	vand.u32 $0x7F, v9;
	v7 =	vor.u32 v7, v19;
	v15 =	vld.idx.msk [tilespmem:v15+s2+$0x0], $0xffff  }
0x13d: {  	v19 =	vadd.s32 s0, v0;
	v10 =	vadd.s32 v5, v9;
	v9 =	vand.u32 $0xFFFFFF80, v9;
	v28 =	vld.idx.msk [tilespmem:v13+s2+$0x0], $0xffff  }
0x13e: {  	s1 =	sadd.s32 $0x5, s30;
	vm0 =	vlt.u32 v19, $0x50;
	v9 =	vadd.s32 v4, v9;
	v13 =	vadd.s32 s0, v2;
	v29 =	vld.idx.msk [tilespmem:v18+s2+$0x0], $0xffff  }
0x13f: {  	v9 =	vor.u32 v26, v9;
	v13 =	vsel vm0, v19, v13;
	[tilespmem:v12+s22+$0x0] =	vst.idx.msk $0xffff, v24;
	v12 =	vadd.s32 s1, v0  }
0x140: {  	v19 =	vadd.s32 s1, v2;
	v18 =	vand.u32 $0x7F, v13;
	vm0 =	vlt.u32 v12, $0x50;
	v26 =	vld.idx.msk [tilespmem:v14+s2+$0x0], $0xffff;
	[tilespmem:v11+s22+$0x0] =	vst.idx.msk $0xffff, v21  }
0x141: {  	v11 =	vadd.s32 v5, v13;
	v14 =	vand.u32 $0xFFFFFF80, v13;
	v12 =	vsel vm0, v12, v19;
	v13 =	vld.idx.msk [tilespmem:v20+s2+$0x0], $0xffff  }
.Ltmp2:
0x142: {  	s0 =	sadd.s32 $0x3, s30;
	s1 =	sadd.s32 $0x4, s30;
	v19 =	vadd.s32 v4, v14;
	v21 =	vand.u32 $0xFFFFFF80, v12;
	v20 =	vand.u32 $0x7F, v12;
	v14 =	vld.idx.msk [tilespmem:v17+s2+$0x0], $0xffff;
	[tilespmem:v16+s22+$0x0] =	vst.idx.msk $0xffff, v15;
	(pc) =	sbr.rel @p0 .LBB2_8-.Ltmp2, $4  }
0x143: {  	v15 =	vadd.s32 s0, v0;
	v16 =	vadd.s32 s1, v0;
	v17 =	vadd.s32 s1, v2;
	[tilespmem:v22+s22+$0x0] =	vst.idx.msk $0xffff, v28  }
0x144: {  	vm0 =	vlt.u32 v15, $0x50;
	v22 =	vadd.s32 s0, v2;
	vm1 =	vlt.u32 v16, $0x50;
	[tilespmem:v23+s22+$0x0] =	vst.idx.msk $0xffff, v29  }
0x145: {  	s0 =	sadd.s32 $0x2, s30;
	v22 =	vsel vm0, v15, v22;
	v23 =	vsel vm1, v16, v17;
	v15 =	vadd.s32 v5, v12;
	v16 =	vld.idx.msk [tilespmem:v27+s2+$0x0], $0xffff  }
0x146: {  	s1 =	sadd.s32 $0x1, s30;
	s30 =	sadd.s32 $0x10, s30;
	v24 =	vadd.s32 s0, v0;
	v12 =	vadd.s32 v5, v22;
	v17 =	vadd.s32 v5, v23;
	[tilespmem:v25+s22+$0x0] =	vst.idx.msk $0xffff, v26  }
0x147: {  	v25 =	vadd.s32 s1, v0;
	vm0 =	vlt.u32 v24, $0x50  }
0x148: {  	v26 =	vadd.s32 s0, v2;
	v27 =	vadd.s32 s1, v2;
	v21 =	vadd.s32 v4, v21  }
0x149: {  	v18 =	vor.u32 v18, v19;
	v19 =	vand.u32 $0xFFFFFF80, v23;
	vm1 =	vlt.u32 v25, $0x50  }
0x14a: {  	s8 =	sor.u32 $0x30, s29;
	s13 =	simm.s32 $0xF;
	s29 =	simm.s32 $0xE;
	v24 =	vsel vm0, v24, v26;
	v20 =	vor.u32 v20, v21;
	v21 =	vand.u32 $0x7F, v23  }
0x14b: {  	s30 =	simm.s32 $0xD;
	s31 =	simm.s32 $0xC;
	v19 =	vadd.s32 v4, v19;
	v29 =	vadd.s32 s13, v2;
	v51 =	vadd.s32 s29, v0  }
0x14c: {  	s3 =	simm.s32 $0xB;
	v52 =	vadd.s32 s29, v2;
	v31 =	vadd.s32 s30, v0;
	v53 =	vadd.s32 s31, v0  }
0x14d: {  	s7 =	simm.s32 $0xA;
	v32 =	vadd.s32 s30, v2;
	v33 =	vadd.s32 s31, v2;
	v54 =	vadd.s32 s3, v0  }
0x14e: {  	v55 =	vadd.s32 s3, v2;
	v34 =	vadd.s32 s7, v0;
	v35 =	vadd.s32 s7, v2  }
0x14f: {  	v25 =	vsel vm1, v25, v27;
	v26 =	vadd.s32 v5, v24;
	v28 =	vand.u32 $0xFFFFFF80, v24  }
0x150: {  	v19 =	vor.u32 v21, v19;
	v21 =	vand.u32 $0x7F, v24;
	vm4 =	vlt.u32 v51, $0x50  }
0x151: {  	vm5 =	vlt.u32 v31, $0x50;
	vm6 =	vlt.u32 v53, $0x50;
	vm7 =	vlt.u32 v54, $0x50  }
0x152: {  	s9 =	sand.u32 $0x70, s8;
	vm8 =	vlt.u32 v34, $0x50;
	v27 =	vadd.s32 v5, v25;
	v5 =	vand.u32 $0xFFFFFF80, v22  }
0x153: {  	v15 =	vld.idx.msk [tilespmem:v15+s2+$0x0], $0xffff;
	s1 =	sadd.s32 s9, s28;
	s9 =	simm.s32 $0x8;
	v22 =	vand.u32 $0x7F, v22;
	v24 =	vadd.s32 v4, v28;
	v31 =	vsel vm5, v31, v32  }
0x154: {  	v23 =	vld.idx.msk [tilespmem:v3+s1+$0x0 ss:$0x1], $0xffff;
	v32 =	vsel vm7, v54, v55;
	v34 =	vsel vm8, v34, v35;
	v57 =	vadd.s32 s9, v0  }
0x155: {  	v58 =	vadd.s32 s9, v2;
	v5 =	vadd.s32 v4, v5;
	v21 =	vor.u32 v21, v24  }
0x156: {  	[tilespmem:v6+s22+$0x0] =	vst.idx.msk $0xffff, v13;
	v6 =	vld.idx.msk [tilespmem:v10+s2+$0x0], $0xffff;
	vm10 =	vlt.u32 v57, $0x50;
	v22 =	vor.u32 v22, v5;
	v5 =	vand.u32 $0xFFFFFF80, v25  }
0x157: {  	[tilespmem:v7+s22+$0x0] =	vst.idx.msk $0xffff, v16;
	v25 =	vand.u32 $0x7F, v25;
	v35 =	vsel vm10, v57, v58;
	v4 =	vadd.s32 v4, v5  }
0x158: {  	s11 =	simm.s32 $0x0;
	v11 =	vld.idx.msk [tilespmem:v11+s2+$0x0], $0xffff;
	v7 =	vand.u32 $0x7F, v31;
	[tilespmem:v20+s22+$0x0] =	vst.idx.msk $0xffff, v15;
	v20 =	vand.u32 $0xFFFFFF80, v35;
	v24 =	vor.u32 v25, v4  }
0x159: {  	v4 =	vmov s8;
	v25 =	vor.u32 s11, v0;
	s8 =	simm.s32 $0x9;
	v5 =	vshll.u32 v23, $0x7  }
0x15a: {  	v4 =	vshll.u32 v4, $0x7;
	v23 =	vmov s11;
	v56 =	vadd.s32 s8, v0  }
0x15b: {  	v17 =	vld.idx.msk [tilespmem:v17+s2+$0x0], $0xffff;
	v36 =	vadd.s32 s8, v2;
	vm14 =	vlt.u32 v23, $0x50;
	v23 =	vadd.s32 s11, v2  }
0x15c: {  	[tilespmem:v9+s22+$0x0] =	vst.idx.msk $0xffff, v6;
	v4 =	vor.u32 v1, v4;
	vm9 =	vlt.u32 v56, $0x50;
	v9 =	vadd.s32 v5, v31  }
0x15d: {  	[tilespmem:v18+s22+$0x0] =	vst.idx.msk $0xffff, v11;
	s11 =	simm.s32 $0x7;
	v18 =	vadd.s32 v5, v34;
	v23 =	vsel vm14, v25, v23;
	v25 =	vadd.s32 s13, v0  }
0x15e: {  	v37 =	vadd.s32 s11, v0;
	v59 =	vadd.s32 s11, v2;
	v50 =	vand.u32 $0xFFFFFF80, v23  }
0x15f: {  	vm15 =	vlt.u32 v25, $0x50;
	v30 =	vand.u32 $0x7F, v23;
	v23 =	vadd.s32 v5, v23  }
0x160: {  	[tilespmem:v8+s22+$0x0] =	vst.idx.msk $0xffff, v14;
	vm11 =	vlt.u32 v37, $0x50;
	v28 =	vadd.s32 v4, v50;
	v25 =	vsel vm15, v25, v29  }
0x161: {  	v29 =	vsel vm4, v51, v52;
	v13 =	vsel vm11, v37, v59;
	v28 =	vor.u32 v30, v28  }
0x162: {  	[tilespmem:v19+s22+$0x0] =	vst.idx.msk $0xffff, v17;
	v30 =	vsel vm6, v53, v33;
	v33 =	vsel vm9, v56, v36;
	v60 =	vand.u32 $0xFFFFFF80, v25  }
0x163: {  	v17 =	vld.idx.msk [tilespmem:v27+s2+$0x0], $0xffff;
	v10 =	vand.u32 $0x7F, v25;
	v14 =	vadd.s32 v5, v25;
	v8 =	vadd.s32 v4, v60  }
0x164: {  	v25 =	vand.u32 $0xFFFFFF80, v29;
	v16 =	vadd.s32 v5, v29;
	v36 =	vor.u32 v10, v8  }
0x165: {  	v8 =	vand.u32 $0x7F, v29;
	v10 =	vadd.s32 v4, v25;
	v25 =	vand.u32 $0xFFFFFF80, v31  }
0x166: {  	v61 =	vor.u32 v8, v10;
	v8 =	vadd.s32 v4, v25;
	v10 =	vand.u32 $0xFFFFFF80, v30  }
0x167: {  	s29 =	simm.s32 $0x5;
	v6 =	vand.u32 $0x7F, v30;
	v25 =	vor.u32 v7, v8;
	v7 =	vadd.s32 v4, v10;
	v8 =	vld.idx.msk [tilespmem:v12+s2+$0x0], $0xffff  }
0x168: {  	[tilespmem:v24+s22+$0x0] =	vst.idx.msk $0xffff, v17;
	v24 =	vadd.s32 s29, v0;
	v10 =	vld.idx.msk [tilespmem:v26+s2+$0x0], $0xffff;
	v62 =	vor.u32 v6, v7;
	v6 =	vand.u32 $0xFFFFFF80, v32  }
0x169: {  	v11 =	vadd.s32 v5, v30;
	v17 =	vld.idx.msk [tilespmem:v9+s2+$0x0], $0xffff;
	v7 =	vand.u32 $0x7F, v32;
	v6 =	vadd.s32 v4, v6  }
0x16a: {  	v15 =	vand.u32 $0x7F, v33;
	v63 =	vor.u32 v7, v6;
	v6 =	vand.u32 $0xFFFFFF80, v34  }
0x16b: {  	s13 =	simm.s32 $0x6;
	v19 =	vadd.s32 v5, v33;
	v16 =	vld.idx.msk [tilespmem:v16+s2+$0x0], $0xffff;
	v7 =	vand.u32 $0x7F, v34;
	v6 =	vadd.s32 v4, v6  }
0x16c: {  	v9 =	vadd.s32 s13, v2;
	v12 =	vadd.s32 v5, v32;
	v7 =	vor.u32 v7, v6;
	[tilespmem:v22+s22+$0x0] =	vst.idx.msk $0xffff, v8  }
0x16d: {  	s30 =	simm.s32 $0x3;
	vm13 =	vlt.u32 v24, $0x50;
	v6 =	vand.u32 $0xFFFFFF80, v33;
	v22 =	vld.idx.msk [tilespmem:v23+s2+$0x0], $0xffff;
	v23 =	vadd.s32 v5, v35;
	[tilespmem:v21+s22+$0x0] =	vst.idx.msk $0xffff, v10  }
0x16e: {  	v10 =	vadd.s32 v5, v13;
	[tilespmem:v25+s22+$0x0] =	vst.idx.msk $0xffff, v17;
	v17 =	vadd.s32 s30, v2;
	v6 =	vadd.s32 v4, v6  }
0x16f: {  	v8 =	vor.u32 v15, v6;
	v6 =	vand.u32 $0x7F, v35;
	v15 =	vadd.s32 v4, v20  }
0x170: {  	v14 =	vld.idx.msk [tilespmem:v14+s2+$0x0], $0xffff;
	[tilespmem:v61+s22+$0x0] =	vst.idx.msk $0xffff, v16;
	v16 =	vadd.s32 s30, v0;
	v20 =	vadd.s32 s13, v0;
	v6 =	vor.u32 v6, v15  }
0x171: {  	v21 =	vld.idx.msk [tilespmem:v11+s2+$0x0], $0xffff;
	v15 =	vand.u32 $0x7F, v13;
	v13 =	vand.u32 $0xFFFFFF80, v13;
	vm12 =	vlt.u32 v20, $0x50  }
0x172: {  	vm14 =	vlt.u32 v16, $0x50;
	v13 =	vadd.s32 v4, v13;
	v20 =	vsel vm12, v20, v9  }
0x173: {  	v26 =	vld.idx.msk [tilespmem:v12+s2+$0x0], $0xffff;
	v9 =	vor.u32 v15, v13;
	[tilespmem:v28+s22+$0x0] =	vst.idx.msk $0xffff, v22;
	v13 =	vadd.s32 s29, v2;
	v11 =	vand.u32 $0x7F, v20  }
0x174: {  	s31 =	simm.s32 $0x4;
	v12 =	vadd.s32 v5, v20;
	v22 =	vsel vm13, v24, v13;
	v13 =	vand.u32 $0xFFFFFF80, v20;
	v20 =	vld.idx.msk [tilespmem:v18+s2+$0x0], $0xffff  }
0x175: {  	v27 =	vadd.s32 s31, v2;
	[tilespmem:v36+s22+$0x0] =	vst.idx.msk $0xffff, v14;
	v16 =	vsel vm14, v16, v17;
	v24 =	vadd.s32 s31, v0;
	v18 =	vld.idx.msk [tilespmem:v19+s2+$0x0], $0xffff  }
0x176: {  	[tilespmem:v62+s22+$0x0] =	vst.idx.msk $0xffff, v21;
	v19 =	vadd.s32 v5, v16;
	v15 =	vand.u32 $0xFFFFFF80, v22;
	vm15 =	vlt.u32 v24, $0x50  }
0x177: {  	s0 =	simm.s32 $0x2;
	v17 =	vld.idx.msk [tilespmem:v23+s2+$0x0], $0xffff;
	v14 =	vand.u32 $0x7F, v22;
	v13 =	vadd.s32 v4, v13;
	v21 =	vsel vm15, v24, v27  }
0x178: {  	s28 =	simm.s32 $0x10;
	s1 =	simm.s32 $0x1;
	[tilespmem:v63+s22+$0x0] =	vst.idx.msk $0xffff, v26;
	v22 =	vadd.s32 v5, v22;
	v24 =	vadd.s32 s0, v0;
	v23 =	vadd.s32 v5, v21  }
.LBB2_10:
0x179: {  	p0 =	slt.u32 s28, $0x40;
	v25 =	vadd.s32 s1, v0;
	vm0 =	vlt.u32 v24, $0x50;
	v26 =	vadd.s32 s0, v2;
	[tilespmem:v7+s22+$0x0] =	vst.idx.msk $0xffff, v20  }
0x17a: {  	v7 =	vadd.s32 s1, v2;
	vm1 =	vlt.u32 v25, $0x50;
	v20 =	vsel vm0, v24, v26;
	v10 =	vld.idx.msk [tilespmem:v10+s2+$0x0], $0xffff;
	[tilespmem:v8+s22+$0x0] =	vst.idx.msk $0xffff, v18  }
0x17b: {  	v15 =	vadd.s32 v4, v15;
	v7 =	vsel vm1, v25, v7;
	v8 =	vadd.s32 v5, v20  }
0x17c: {  	v11 =	vor.u32 v11, v13;
	v14 =	vor.u32 v14, v15;
	v18 =	vadd.s32 v5, v7;
	v12 =	vld.idx.msk [tilespmem:v12+s2+$0x0], $0xffff  }
0x17d: {  	v13 =	vand.u32 $0xFFFFFF80, v16;
	v15 =	vand.u32 $0xFFFFFF80, v21;
	v21 =	vand.u32 $0x7F, v21;
	v22 =	vld.idx.msk [tilespmem:v22+s2+$0x0], $0xffff;
	[tilespmem:v6+s22+$0x0] =	vst.idx.msk $0xffff, v17  }
0x17e: {  	v13 =	vadd.s32 v4, v13;
	v15 =	vadd.s32 v4, v15;
	v6 =	vand.u32 $0x7F, v16;
	v16 =	vld.idx.msk [tilespmem:v23+s2+$0x0], $0xffff  }
0x17f: {  	v17 =	vand.u32 $0xFFFFFF80, v20;
	v6 =	vor.u32 v6, v13;
	v13 =	vor.u32 v21, v15;
	v19 =	vld.idx.msk [tilespmem:v19+s2+$0x0], $0xffff  }
0x180: {  	v20 =	vand.u32 $0x7F, v20;
	v15 =	vand.u32 $0xFFFFFF80, v7;
	v17 =	vadd.s32 v4, v17;
	v8 =	vld.idx.msk [tilespmem:v8+s2+$0x0], $0xffff;
	[tilespmem:v9+s22+$0x0] =	vst.idx.msk $0xffff, v10  }
0x181: {  	v7 =	vand.u32 $0x7F, v7;
	v10 =	vadd.s32 v4, v15;
	v15 =	vor.u32 v20, v17;
	v9 =	vld.idx.msk [tilespmem:v18+s2+$0x0], $0xffff  }
0x182: {  	v17 =	vmov s28;
	v7 =	vor.u32 v7, v10;
	[tilespmem:v11+s22+$0x0] =	vst.idx.msk $0xffff, v12  }
0x183: {  	s0 =	sadd.s32 $0xF, s28;
	v10 =	vor.u32 s28, v0;
	vm0 =	vlt.u32 v17, $0x50;
	v11 =	vadd.s32 s28, v2;
	[tilespmem:v14+s22+$0x0] =	vst.idx.msk $0xffff, v22  }
0x184: {  	v10 =	vsel vm0, v10, v11;
	v11 =	vadd.s32 s0, v0;
	[tilespmem:v13+s22+$0x0] =	vst.idx.msk $0xffff, v16  }
0x185: {  	v12 =	vand.u32 $0xFFFFFF80, v10;
	vm0 =	vlt.u32 v11, $0x50;
	v13 =	vadd.s32 s0, v2;
	[tilespmem:v6+s22+$0x0] =	vst.idx.msk $0xffff, v19  }
0x186: {  	v6 =	vand.u32 $0x7F, v10;
	v12 =	vadd.s32 v4, v12;
	v11 =	vsel vm0, v11, v13;
	[tilespmem:v15+s22+$0x0] =	vst.idx.msk $0xffff, v8  }
0x187: {  	s0 =	sadd.s32 $0xE, s28;
	v8 =	vadd.s32 v5, v10;
	v12 =	vor.u32 v6, v12;
	v6 =	vand.u32 $0x7F, v11;
	[tilespmem:v7+s22+$0x0] =	vst.idx.msk $0xffff, v9  }
0x188: {  	v10 =	vand.u32 $0xFFFFFF80, v11;
	v7 =	vadd.s32 s0, v0;
	v9 =	vadd.s32 v5, v11  }
0x189: {  	s1 =	sadd.s32 $0xD, s28;
	v11 =	vadd.s32 s0, v2;
	v10 =	vadd.s32 v4, v10;
	vm0 =	vlt.u32 v7, $0x50  }
0x18a: {  	v13 =	vadd.s32 s1, v0;
	v14 =	vor.u32 v6, v10;
	v7 =	vsel vm0, v7, v11  }
0x18b: {  	v6 =	vadd.s32 s1, v2;
	vm0 =	vlt.u32 v13, $0x50;
	v10 =	vand.u32 $0xFFFFFF80, v7  }
0x18c: {  	v6 =	vsel vm0, v13, v6;
	v11 =	vand.u32 $0x7F, v7;
	v10 =	vadd.s32 v4, v10  }
0x18d: {  	s0 =	sadd.s32 $0xC, s28;
	v15 =	vadd.s32 v5, v7;
	v13 =	vand.u32 $0x7F, v6;
	v16 =	vor.u32 v11, v10  }
0x18e: {  	v7 =	vadd.s32 s0, v0;
	v11 =	vadd.s32 v5, v6;
	v6 =	vand.u32 $0xFFFFFF80, v6  }
0x18f: {  	s1 =	sadd.s32 $0xB, s28;
	vm0 =	vlt.u32 v7, $0x50;
	v10 =	vadd.s32 s0, v2;
	v6 =	vadd.s32 v4, v6  }
0x190: {  	v17 =	vadd.s32 s1, v0;
	v7 =	vsel vm0, v7, v10;
	v19 =	vor.u32 v13, v6  }
0x191: {  	vm0 =	vlt.u32 v17, $0x50;
	v6 =	vadd.s32 s1, v2;
	v10 =	vand.u32 $0xFFFFFF80, v7  }
0x192: {  	v13 =	vand.u32 $0x7F, v7;
	v6 =	vsel vm0, v17, v6;
	v10 =	vadd.s32 v4, v10  }
0x193: {  	s0 =	sadd.s32 $0xA, s28;
	v18 =	vadd.s32 v5, v7;
	v17 =	vand.u32 $0x7F, v6;
	v21 =	vor.u32 v13, v10  }
0x194: {  	v7 =	vadd.s32 s0, v0;
	v13 =	vadd.s32 v5, v6;
	v6 =	vand.u32 $0xFFFFFF80, v6  }
0x195: {  	s1 =	sadd.s32 $0x9, s28;
	vm0 =	vlt.u32 v7, $0x50;
	v10 =	vadd.s32 s0, v2;
	v6 =	vadd.s32 v4, v6  }
0x196: {  	v20 =	vadd.s32 s1, v0;
	v7 =	vsel vm0, v7, v10;
	v25 =	vor.u32 v17, v6  }
0x197: {  	vm0 =	vlt.u32 v20, $0x50;
	v6 =	vadd.s32 s1, v2;
	v10 =	vand.u32 $0xFFFFFF80, v7  }
0x198: {  	v17 =	vand.u32 $0x7F, v7;
	v6 =	vsel vm0, v20, v6;
	v10 =	vadd.s32 v4, v10  }
0x199: {  	s0 =	sadd.s32 $0x8, s28;
	v22 =	vadd.s32 v5, v7;
	v20 =	vand.u32 $0x7F, v6;
	v7 =	vor.u32 v17, v10  }
0x19a: {  	v10 =	vadd.s32 s0, v0;
	v17 =	vadd.s32 v5, v6;
	v6 =	vand.u32 $0xFFFFFF80, v6  }
0x19b: {  	v23 =	vadd.s32 s0, v2;
	s1 =	sadd.s32 $0x7, s28;
	vm0 =	vlt.u32 v10, $0x50;
	v6 =	vadd.s32 v4, v6  }
0x19c: {  	v26 =	vadd.s32 s1, v0;
	v10 =	vsel vm0, v10, v23;
	v24 =	vld.idx.msk [tilespmem:v8+s2+$0x0], $0xffff;
	v8 =	vor.u32 v20, v6  }
0x19d: {  	vm0 =	vlt.u32 v26, $0x50;
	v6 =	vadd.s32 s1, v2;
	v20 =	vand.u32 $0xFFFFFF80, v10;
	v23 =	vld.idx.msk [tilespmem:v9+s2+$0x0], $0xffff  }
0x19e: {  	v9 =	vsel vm0, v26, v6;
	v6 =	vand.u32 $0x7F, v10;
	v20 =	vadd.s32 v4, v20  }
0x19f: {  	s0 =	sadd.s32 $0x6, s28;
	v27 =	vadd.s32 v5, v10;
	v26 =	vand.u32 $0x7F, v9;
	v6 =	vor.u32 v6, v20;
	v28 =	vld.idx.msk [tilespmem:v15+s2+$0x0], $0xffff  }
0x1a0: {  	v10 =	vadd.s32 v5, v9;
	v9 =	vand.u32 $0xFFFFFF80, v9;
	v15 =	vadd.s32 s0, v0;
	v29 =	vld.idx.msk [tilespmem:v11+s2+$0x0], $0xffff  }
0x1a1: {  	s1 =	sadd.s32 $0x5, s28;
	v9 =	vadd.s32 v4, v9;
	vm0 =	vlt.u32 v15, $0x50;
	v11 =	vadd.s32 s0, v2;
	v30 =	vld.idx.msk [tilespmem:v18+s2+$0x0], $0xffff  }
0x1a2: {  	v9 =	vor.u32 v26, v9;
	v15 =	vsel vm0, v15, v11;
	[tilespmem:v12+s22+$0x0] =	vst.idx.msk $0xffff, v24;
	v12 =	vadd.s32 s1, v0  }
0x1a3: {  	v18 =	vadd.s32 s1, v2;
	v11 =	vand.u32 $0x7F, v15;
	vm0 =	vlt.u32 v12, $0x50;
	v26 =	vld.idx.msk [tilespmem:v13+s2+$0x0], $0xffff;
	[tilespmem:v14+s22+$0x0] =	vst.idx.msk $0xffff, v23  }
0x1a4: {  	v13 =	vand.u32 $0xFFFFFF80, v15;
	v23 =	vsel vm0, v12, v18;
	v12 =	vadd.s32 v5, v15;
	v20 =	vld.idx.msk [tilespmem:v22+s2+$0x0], $0xffff  }
.Ltmp3:
0x1a5: {  	s0 =	sadd.s32 $0x3, s28;
	s1 =	sadd.s32 $0x4, s28;
	v13 =	vadd.s32 v4, v13;
	v15 =	vand.u32 $0xFFFFFF80, v23;
	v14 =	vand.u32 $0x7F, v23;
	v18 =	vld.idx.msk [tilespmem:v17+s2+$0x0], $0xffff;
	[tilespmem:v16+s22+$0x0] =	vst.idx.msk $0xffff, v28;
	(pc) =	sbr.rel @p0 .LBB2_10-.Ltmp3, $4  }
0x1a6: {  	v22 =	vadd.s32 s1, v2;
	v16 =	vadd.s32 s0, v0;
	v17 =	vadd.s32 s1, v0;
	[tilespmem:v19+s22+$0x0] =	vst.idx.msk $0xffff, v29  }
0x1a7: {  	vm0 =	vlt.u32 v16, $0x50;
	v19 =	vadd.s32 s0, v2;
	vm1 =	vlt.u32 v17, $0x50;
	[tilespmem:v21+s22+$0x0] =	vst.idx.msk $0xffff, v30  }
0x1a8: {  	s0 =	sadd.s32 $0x2, s28;
	v16 =	vsel vm0, v16, v19;
	v21 =	vsel vm1, v17, v22;
	v22 =	vadd.s32 v5, v23;
	v17 =	vld.idx.msk [tilespmem:v27+s2+$0x0], $0xffff  }
0x1a9: {  	s1 =	sadd.s32 $0x1, s28;
	s28 =	sadd.s32 $0x10, s28;
	v24 =	vadd.s32 s0, v0;
	v19 =	vadd.s32 v5, v16;
	v23 =	vadd.s32 v5, v21;
	[tilespmem:v25+s22+$0x0] =	vst.idx.msk $0xffff, v26  }
0x1aa: {  	_ = 	snop  }
0x1ab: {  	v25 =	vadd.s32 s1, v0  }
0x1ac: {  	vm0 =	vlt.u32 v24, $0x50;
	v26 =	vadd.s32 s0, v2;
	v50 =	vadd.s32 s1, v2  }
0x1ad: {  	v15 =	vadd.s32 v4, v15;
	v11 =	vor.u32 v11, v13;
	v52 =	vand.u32 $0xFFFFFF80, v16  }
0x1ae: {  	[tilespmem:v7+s22+$0x0] =	vst.idx.msk $0xffff, v20;
	v10 =	vld.idx.msk [tilespmem:v10+s2+$0x0], $0xffff;
	v53 =	vand.u32 $0xFFFFFF80, v21;
	vm1 =	vlt.u32 v25, $0x50;
	v51 =	vsel vm0, v24, v26  }
0x1af: {  	v12 =	vld.idx.msk [tilespmem:v12+s2+$0x0], $0xffff;
	v54 =	vand.u32 $0x7F, v21;
	v7 =	vsel vm1, v25, v50;
	v24 =	vadd.s32 v5, v51  }
0x1b0: {  	[tilespmem:v8+s22+$0x0] =	vst.idx.msk $0xffff, v18;
	v56 =	vand.u32 $0x7F, v16;
	v14 =	vor.u32 v14, v15;
	v5 =	vadd.s32 v5, v7  }
0x1b1: {  	v55 =	vld.idx.msk [tilespmem:v22+s2+$0x0], $0xffff;
	v8 =	vadd.s32 v4, v52;
	v13 =	vadd.s32 v4, v53;
	v58 =	vand.u32 $0xFFFFFF80, v51  }
0x1b2: {  	v57 =	vld.idx.msk [tilespmem:v23+s2+$0x0], $0xffff;
	v8 =	vor.u32 v56, v8;
	v13 =	vor.u32 v54, v13;
	v61 =	vand.u32 $0x7F, v51  }
0x1b3: {  	v19 =	vld.idx.msk [tilespmem:v19+s2+$0x0], $0xffff;
	[tilespmem:v6+s22+$0x0] =	vst.idx.msk $0xffff, v17;
	v59 =	vand.u32 $0xFFFFFF80, v7;
	v62 =	vadd.s32 v4, v58;
	v7 =	vand.u32 $0x7F, v7  }
0x1b4: {  	v4 =	vadd.s32 v4, v59;
	v63 =	vor.u32 v61, v62;
	[tilespmem:v9+s22+$0x0] =	vst.idx.msk $0xffff, v10;
	v60 =	vld.idx.msk [tilespmem:v24+s2+$0x0], $0xffff  }
0x1b5: {  	p0 =	slt.u32 s26, $0x8;
	v4 =	vor.u32 v7, v4;
	[tilespmem:v11+s22+$0x0] =	vst.idx.msk $0xffff, v12;
	v5 =	vld.idx.msk [tilespmem:v5+s2+$0x0], $0xffff  }
.Ltmp4:
0x1b6: {  	[tilespmem:v14+s22+$0x0] =	vst.idx.msk $0xffff, v55;
	(pc) =	sbr.rel @p0 .LBB2_3-.Ltmp4, $4  }
0x1b7: {  	[tilespmem:v13+s22+$0x0] =	vst.idx.msk $0xffff, v57  }
0x1b8: {  	[tilespmem:v8+s22+$0x0] =	vst.idx.msk $0xffff, v19  }
0x1b9: {  	s31 =	sadd.s32 $0x4, s26;
	[tilespmem:v63+s22+$0x0] =	vst.idx.msk $0xffff, v60  }
0x1ba: {  	s26 =	smov.u32 s31;
	[tilespmem:v4+s22+$0x0] =	vst.idx.msk $0xffff, v5  }
0x1bb: {  	s1 =	simm.s32 $0x1;
	s11 =	simm.s32 $0x2  }
0x1bc: {  	s3 =	simm.s32 $0x4;
	s8 =	simm.s32 $0x7;
	s25 =	simm.s32 $0x8;
	v7 =	vadd.s32 s1, v0;
	v8 =	vadd.s32 s11, v0;
	v9 =	vadd.s32 s11, v2  }
0x1bd: {  	s7 =	simm.s32 $0x3;
	s26 =	simm.s32 $0xB;
	s28 =	simm.s32 $0xC;
	v10 =	vadd.s32 s3, v0;
	v12 =	vadd.s32 s8, v0;
	v15 =	vadd.s32 s25, v0  }
0x1be: {  	s29 =	simm.s32 $0xD;
	s30 =	simm.s32 $0x6;
	s31 =	simm.s32 $0xE;
	v5 =	vadd.s32 s7, v2;
	v16 =	vadd.s32 s26, v0;
	v19 =	vadd.s32 s28, v0  }
0x1bf: {  	s13 =	simm.s32 $0x5;
	v13 =	vadd.s32 s29, v0;
	v14 =	vadd.s32 s31, v0;
	v17 =	vadd.s32 s30, v0  }
0x1c0: {  	s0 =	sadd.s32 s23, s24;
	s24 =	simm.s32 $0x9;
	v18 =	vadd.s32 s7, v0;
	v20 =	vadd.s32 s13, v0;
	v21 =	vadd.s32 s31, v2  }
0x1c1: {  	v22 =	vadd.s32 s1, v2;
	v23 =	vadd.s32 s3, v2;
	v24 =	vadd.s32 s24, v2  }
0x1c2: {  	v3 =	vld [tilespmem:s0+$0x438];
	s0 =	simm.s32 $0x0;
	v25 =	vadd.s32 s29, v2;
	v26 =	vadd.s32 s25, v2;
	v29 =	vadd.s32 s26, v2  }
0x1c3: {  	v31 =	vadd.s32 s24, v0;
	v33 =	vadd.s32 s28, v2;
	v6 =	vadd.s32 s0, v2  }
0x1c4: {  	v11 =	vor.u32 s0, v0;
	vm1 =	vlt.u32 v12, $0x50;
	vm0 =	vlt.u32 v19, $0x50  }
0x1c5: {  	vm2 =	vlt.u32 v18, $0x50;
	vm3 =	vlt.u32 v14, $0x50;
	vm4 =	vlt.u32 v13, $0x50  }
0x1c6: {  	vm5 =	vlt.u32 v8, $0x50;
	vm6 =	vlt.u32 v17, $0x50;
	vm13 =	vlt.u32 v16, $0x50  }
0x1c7: {  	s9 =	simm.s32 $0xA;
	v32 =	vmov s0;
	vm14 =	vlt.u32 v15, $0x50;
	v5 =	vsel vm2, v18, v5  }
0x1c8: {  	vm2 =	vlt.u32 v10, $0x50;
	v18 =	vadd.s32 s9, v0;
	v14 =	vsel vm3, v14, v21  }
0x1c9: {  	vm3 =	vlt.u32 v7, $0x50;
	v8 =	vsel vm5, v8, v9;
	v21 =	vadd.s32 s9, v2  }
0x1ca: {  	v9 =	vadd.s32 s8, v2;
	v25 =	vsel vm4, v13, v25;
	v13 =	vadd.s32 s30, v2  }
0x1cb: {  	vm15 =	vlt.u32 v32, $0x50;
	v7 =	vsel vm3, v7, v22;
	vm3 =	vlt.u32 v20, $0x50  }
0x1cc: {  	v17 =	vsel vm6, v17, v13;
	v9 =	vsel vm1, v12, v9;
	v6 =	vsel vm15, v11, v6  }
0x1cd: {  	vm1 =	vlt.u32 v18, $0x50;
	v4 =	vshll.u32 v3, $0x7;
	v3 =	vadd.s32 $0x5C00, v1  }
0x1ce: {  	v22 =	vadd.s32 v4, v8;
	v27 =	vadd.s32 v3, v14;
	v28 =	vadd.s32 v4, v14  }
0x1cf: {  	v13 =	vadd.s32 v4, v25;
	v14 =	vadd.s32 s13, v2;
	v30 =	vadd.s32 v4, v17  }
0x1d0: {  	v34 =	vadd.s32 v4, v7;
	v11 =	vadd.s32 v4, v9;
	v35 =	vadd.s32 v4, v6  }
0x1d1: {  	v36 =	vadd.s32 v3, v8;
	v8 =	vsel vm2, v10, v23;
	v10 =	vsel vm14, v15, v26  }
0x1d2: {  	v37 =	vadd.s32 v3, v17;
	v15 =	vadd.s32 v3, v25;
	v63 =	vsel vm3, v20, v14  }
0x1d3: {  	v20 =	vadd.s32 v3, v9;
	v14 =	vadd.s32 v3, v7;
	v7 =	vadd.s32 v3, v8;
	v23 =	vld.idx.msk [tilespmem:v28+s2+$0x0], $0xffff  }
0x1d4: {  	v38 =	vadd.s32 v4, v10;
	v17 =	vadd.s32 v3, v10;
	v10 =	vsel vm1, v18, v21;
	v39 =	vld.idx.msk [tilespmem:v22+s2+$0x0], $0xffff  }
0x1d5: {  	v12 =	vadd.s32 v4, v8;
	vm1 =	vlt.u32 v31, $0x50;
	v8 =	vadd.s32 v3, v10;
	v21 =	vld.idx.msk [tilespmem:v30+s2+$0x0], $0xffff  }
0x1d6: {  	v18 =	vadd.s32 v3, v63;
	v31 =	vsel vm1, v31, v24;
	v30 =	vadd.s32 v4, v63;
	v26 =	vld.idx.msk [tilespmem:v11+s2+$0x0], $0xffff  }
0x1d7: {  	s31 =	simm.s32 $0xF;
	v28 =	vsel vm13, v16, v29;
	v11 =	vadd.s32 v3, v6;
	v16 =	vadd.s32 v4, v10;
	v10 =	vld.idx.msk [tilespmem:v35+s2+$0x0], $0xffff  }
0x1d8: {  	v6 =	vsel vm0, v19, v33;
	v29 =	vadd.s32 s31, v0;
	v22 =	vld.idx.msk [tilespmem:v34+s2+$0x0], $0xffff;
	v9 =	vadd.s32 v3, v28  }
0x1d9: {  	v24 =	vld.idx.msk [tilespmem:v38+s2+$0x0], $0xffff;
	v19 =	vadd.s32 v3, v6;
	[tilespmem:v27+s22+$0x0] =	vst.idx.msk $0xffff, v23;
	v23 =	vadd.s32 v4, v28  }
0x1da: {  	vm0 =	vlt.u32 v29, $0x50;
	v28 =	vadd.s32 v4, v6;
	[tilespmem:v36+s22+$0x0] =	vst.idx.msk $0xffff, v39;
	v27 =	vadd.s32 v4, v31  }
0x1db: {  	s24 =	simm.s32 $0x10;
	v25 =	vld.idx.msk [tilespmem:v30+s2+$0x0], $0xffff;
	[tilespmem:v37+s22+$0x0] =	vst.idx.msk $0xffff, v21;
	v21 =	vadd.s32 v3, v31;
	v30 =	vadd.s32 s31, v2;
	v6 =	vmov v3  }
.LBB2_13:
0x1dc: {  	s13 =	sadd.s32 $0x1, s24  }
0x1dd: {  	v31 =	vadd.s32 s24, v2;
	s0 =	sadd.s32 $0x2, s24;
	s3 =	sadd.s32 $0x3, s24;
	[tilespmem:v20+s22+$0x0] =	vst.idx.msk $0xffff, v26;
	v13 =	vld.idx.msk [tilespmem:v13+s2+$0x0], $0xffff;
	v20 =	vsel vm0, v29, v30;
	s25 =	smov.u32 s24  }
0x1de: {  	s1 =	sadd.s32 $0x4, s24;
	s28 =	sadd.s32 $0x6, s24;
	s23 =	sadd.s32 $0xF, s24;
	v30 =	vadd.s32 v6, v5;
	v26 =	vadd.s32 s13, v0;
	v29 =	vadd.s32 s0, v0  }
0x1df: {  	s26 =	sadd.s32 $0x5, s24;
	s31 =	sadd.s32 $0x8, s24;
	v32 =	vadd.s32 s0, v2;
	v33 =	vadd.s32 s1, v0;
	s0 =	sadd.s32 $0x7, s24;
	v34 =	vadd.s32 v6, v20;
	v6 =	vmovc v3;
	v28 =	vld.idx.msk [tilespmem:v28+s2+$0x0], $0xffff  }
0x1e0: {  	v35 =	vor.u32 s24, v0;
	s7 =	sadd.s32 $0xA, s24;
	s30 =	sadd.s32 $0xB, s24;
	s29 =	sadd.s32 $0xC, s24;
	v37 =	vadd.s32 s31, v0;
	v36 =	vadd.s32 s0, v0;
	v27 =	vld.idx.msk [tilespmem:v27+s2+$0x0], $0xffff  }
0x1e1: {  	s11 =	sadd.s32 $0x10, s24;
	v38 =	vadd.s32 s3, v2;
	v39 =	vadd.s32 s30, v0;
	v40 =	vadd.s32 s29, v0;
	s8 =	sadd.s32 $0xD, s25;
	s9 =	sadd.s32 $0xE, s25;
	[tilespmem:v14+s22+$0x0] =	vst.idx.msk $0xffff, v22  }
0x1e2: {  	p0 =	slt.u32 s24, $0x40;
	v41 =	vadd.s32 v4, v5;
	v14 =	vadd.s32 s8, v0;
	v22 =	vadd.s32 s9, v0;
	[tilespmem:v17+s22+$0x0] =	vst.idx.msk $0xffff, v24;
	v17 =	vld.idx.msk [tilespmem:v23+s2+$0x0], $0xffff  }
0x1e3: {  	v20 =	vadd.s32 v4, v20;
	vm1 =	vlt.u32 v36, $0x50;
	v23 =	vadd.s32 s28, v0  }
0x1e4: {  	v5 =	vadd.s32 s3, v0;
	vm0 =	vlt.u32 v40, $0x50;
	v24 =	vadd.s32 s26, v0;
	[tilespmem:v18+s22+$0x0] =	vst.idx.msk $0xffff, v25  }
0x1e5: {  	vm2 =	vlt.u32 v5, $0x50;
	vm4 =	vlt.u32 v22, $0x50;
	v18 =	vadd.s32 s9, v2;
	v12 =	vld.idx.msk [tilespmem:v12+s2+$0x0], $0xffff;
	[tilespmem:v15+s22+$0x0] =	vst.idx.msk $0xffff, v13  }
0x1e6: {  	v5 =	vsel vm2, v5, v38;
	vm3 =	vlt.u32 v14, $0x50;
	v13 =	vadd.s32 s13, v2;
	v15 =	vld.idx.msk [tilespmem:v16+s2+$0x0], $0xffff  }
0x1e7: {  	vm5 =	vlt.u32 v29, $0x50;
	vm2 =	vlt.u32 v33, $0x50;
	v16 =	vadd.s32 s7, v0;
	v25 =	vld.idx.msk [tilespmem:v41+s2+$0x0], $0xffff;
	[tilespmem:v21+s22+$0x0] =	vst.idx.msk $0xffff, v27  }
0x1e8: {  	vm6 =	vlt.u32 v23, $0x50;
	v18 =	vsel vm4, v22, v18;
	v21 =	vadd.s32 s1, v2;
	[tilespmem:v19+s22+$0x0] =	vst.idx.msk $0xffff, v28;
	v19 =	vld.idx.msk [tilespmem:v20+s2+$0x0], $0xffff  }
0x1e9: {  	vm4 =	vlt.u32 v26, $0x50;
	v22 =	vadd.s32 s7, v2;
	s1 =	sadd.s32 $0x9, s25;
	v20 =	vsel vm5, v29, v32;
	[tilespmem:v9+s22+$0x0] =	vst.idx.msk $0xffff, v17  }
0x1ea: {  	v9 =	vsel vm4, v26, v13;
	v17 =	vadd.s32 v4, v20;
	v26 =	vadd.s32 s0, v2;
	[tilespmem:v11+s22+$0x0] =	vst.idx.msk $0xffff, v10  }
0x1eb: {  	v27 =	vadd.s32 s1, v2;
	v28 =	vadd.s32 v6, v18;
	v10 =	vadd.s32 s8, v2;
	[tilespmem:v7+s22+$0x0] =	vst.idx.msk $0xffff, v12  }
0x1ec: {  	vm4 =	vlt.u32 v24, $0x50;
	v7 =	vadd.s32 s31, v2;
	v11 =	vsel vm3, v14, v10;
	[tilespmem:v8+s22+$0x0] =	vst.idx.msk $0xffff, v15  }
0x1ed: {  	vm3 =	vlt.u32 v39, $0x50;
	v10 =	vadd.s32 v4, v18;
	v8 =	vadd.s32 s28, v2;
	[tilespmem:v30+s22+$0x0] =	vst.idx.msk $0xffff, v25  }
0x1ee: {  	v12 =	vadd.s32 s30, v2;
	v13 =	vadd.s32 v4, v11;
	v8 =	vsel vm6, v23, v8;
	[tilespmem:v34+s22+$0x0] =	vst.idx.msk $0xffff, v19  }
0x1ef: {  	v14 =	vadd.s32 s26, v2;
	v23 =	vadd.s32 s1, v0;
	v15 =	vadd.s32 v4, v8;
	v19 =	vld.idx.msk [tilespmem:v17+s2+$0x0], $0xffff  }
0x1f0: {  	vm5 =	vlt.u32 v37, $0x50;
	v25 =	vadd.s32 s29, v2;
	v17 =	vmov s25  }
0x1f1: {  	v18 =	vsel vm4, v24, v14;
	v14 =	vsel vm1, v36, v26;
	vm6 =	vlt.u32 v17, $0x50  }
0x1f2: {  	v29 =	vadd.s32 v4, v9;
	v17 =	vadd.s32 v4, v14;
	v24 =	vsel vm6, v35, v31;
	v30 =	vld.idx.msk [tilespmem:v10+s2+$0x0], $0xffff  }
0x1f3: {  	v31 =	vadd.s32 v6, v20;
	v20 =	vadd.s32 v6, v14;
	v10 =	vadd.s32 v4, v24  }
0x1f4: {  	v21 =	vsel vm2, v33, v21;
	v32 =	vsel vm5, v37, v7;
	v14 =	vadd.s32 v6, v9  }
0x1f5: {  	v7 =	vadd.s32 v6, v21;
	vm1 =	vlt.u32 v16, $0x50;
	v33 =	vsel vm3, v39, v12  }
0x1f6: {  	v36 =	vadd.s32 v4, v32;
	v35 =	vadd.s32 v6, v8;
	v9 =	vadd.s32 v6, v33;
	v34 =	vld.idx.msk [tilespmem:v15+s2+$0x0], $0xffff  }
0x1f7: {  	v12 =	vadd.s32 v4, v21;
	v16 =	vsel vm1, v16, v22;
	v26 =	vld.idx.msk [tilespmem:v17+s2+$0x0], $0xffff;
	v17 =	vadd.s32 v6, v32  }
0x1f8: {  	v21 =	vadd.s32 v4, v18;
	v8 =	vadd.s32 v6, v16;
	v15 =	vadd.s32 v6, v11;
	v10 =	vld.idx.msk [tilespmem:v10+s2+$0x0], $0xffff  }
.Ltmp5:
0x1f9: {  	v18 =	vadd.s32 v6, v18;
	v16 =	vadd.s32 v4, v16;
	v11 =	vadd.s32 v6, v24;
	v22 =	vld.idx.msk [tilespmem:v29+s2+$0x0], $0xffff;
	(pc) =	sbr.rel @p0 .LBB2_13-.Ltmp5, $4  }
0x1fa: {  	vm1 =	vlt.u32 v23, $0x50;
	v25 =	vsel vm0, v40, v25;
	v29 =	vadd.s32 s23, v0;
	[tilespmem:v28+s22+$0x0] =	vst.idx.msk $0xffff, v30  }
0x1fb: {  	v30 =	vsel vm1, v23, v27;
	v23 =	vadd.s32 v4, v33;
	v28 =	vadd.s32 v4, v25;
	v24 =	vld.idx.msk [tilespmem:v36+s2+$0x0], $0xffff  }
0x1fc: {  	v27 =	vadd.s32 v4, v30;
	[tilespmem:v31+s22+$0x0] =	vst.idx.msk $0xffff, v19;
	v19 =	vadd.s32 v6, v25  }
0x1fd: {  	s24 =	smov.u32 s11;
	vm0 =	vlt.u32 v29, $0x50;
	v25 =	vld.idx.msk [tilespmem:v21+s2+$0x0], $0xffff;
	[tilespmem:v35+s22+$0x0] =	vst.idx.msk $0xffff, v34;
	v21 =	vadd.s32 v6, v30;
	v30 =	vadd.s32 s23, v2  }
0x1fe: {  	_ =	sdelay $0x3  }
0x1ff: {  	v13 =	vld.idx.msk [tilespmem:v13+s2+$0x0], $0xffff;
	[tilespmem:v20+s22+$0x0] =	vst.idx.msk $0xffff, v26  }
0x200: {  	v57 =	vld.idx.msk [tilespmem:v27+s2+$0x0], $0xffff;
	v58 =	vsel vm0, v29, v30;
	[tilespmem:v14+s22+$0x0] =	vst.idx.msk $0xffff, v22;
	v60 =	vadd.s32 v4, v5  }
0x201: {  	v59 =	vld.idx.msk [tilespmem:v28+s2+$0x0], $0xffff;
	[tilespmem:v11+s22+$0x0] =	vst.idx.msk $0xffff, v10;
	v4 =	vadd.s32 v4, v58  }
0x202: {  	v61 =	vld.idx.msk [tilespmem:v23+s2+$0x0], $0xffff;
	[tilespmem:v17+s22+$0x0] =	vst.idx.msk $0xffff, v24  }
0x203: {  	v12 =	vld.idx.msk [tilespmem:v12+s2+$0x0], $0xffff;
	[tilespmem:v18+s22+$0x0] =	vst.idx.msk $0xffff, v25  }
0x204: {  	v62 =	vld.idx.msk [tilespmem:v16+s2+$0x0], $0xffff;
	[tilespmem:v15+s22+$0x0] =	vst.idx.msk $0xffff, v13  }
0x205: {  	v5 =	vadd.s32 v6, v5;
	[tilespmem:v21+s22+$0x0] =	vst.idx.msk $0xffff, v57;
	v14 =	vld.idx.msk [tilespmem:v60+s2+$0x0], $0xffff  }
0x206: {  	s0 =	sadd.s32 s6, s20;
	s20 =	sadd.s32 $0x1, s20;
	v63 =	vadd.s32 v6, v58;
	[tilespmem:v19+s22+$0x0] =	vst.idx.msk $0xffff, v59;
	v4 =	vld.idx.msk [tilespmem:v4+s2+$0x0], $0xffff  }
0x207: {  	p0 =	sne.s32 s20, $0x20;
	[tilespmem:v9+s22+$0x0] =	vst.idx.msk $0xffff, v61  }
.Ltmp6:
0x208: {  	[tilespmem:v7+s22+$0x0] =	vst.idx.msk $0xffff, v12;
	(pc) =	sbr.rel @p0 .LBB2_2-.Ltmp6, $4  }
0x209: {  	s0 =	smul.u32 $0xC80, s0;
	[tilespmem:v8+s22+$0x0] =	vst.idx.msk $0xffff, v62  }
0x20a: {  	[tilespmem:v5+s22+$0x0] =	vst.idx.msk $0xffff, v14  }
0x20b: {  	s1 =	sadd.s32 $0x3, s21;
	s0 =	sadd.s32 s4, s0;
	[tilespmem:v63+s22+$0x0] =	vst.idx.msk $0xffff, v4  }
0x20c: {  	[hbm4b:s0+s2] =	stream.linear.scatter [tilespmem:s22], [sflag:s1], $0x6400, $0x38;
	[tilespmem:$0x19E00] =	vst v63  }
0x20d: {  	s20 =	simm.s32 $0x0;
	s0 =	rddreg [dreg:$0x5];
	s1 =	simm.s32 $0x3200  }
0x20e: {  	[tilespmem:s1], [sflag:$0x1] =	stream.linear.gather [hbm4b:s0+s20], $0x2000, $0x38;
	[tilespmem:$0x19E00] =	vst v63  }
0x20f: {  	_ =	swait.ge [sflag:s15], $0x2000  }
0x210: {  	[sflag:s15] =	ssyncset.done $0x0  }
0x211: {  	[sflag:s15] =	ssyncadd.s32 $0xFFFFE000  }
.LBB2_16:
0x212: {  	s21 =	sor.u32 $0x20, s20  }
0x213: {  	s0 =	smul.u32 $0xAB, s21;
	_ =	sdelay $0x1  }
0x214: {  	s0 =	sshrl.u32 s0, $0x9  }
0x215: {  	s0 =	sand.u32 $0x7F, s0  }
0x216: {  	s0 =	smul.u32 $0x3, s0;
	_ =	sdelay $0x1  }
0x217: {  	s0 =	ssub.s32 s21, s0  }
0x218: {  	s1 =	sshll.u32 s20, $0x8;
	s3 =	sshll.u32 s20, $0x7;
	s0 =	sand.u32 $0xFF, s0  }
0x219: {  	s28 =	simm.s32 $0x0;
	s22 =	sadd.s32 $0x3, s0;
	s0 =	smul.u32 $0x19000, s0  }
0x21a: {  	s1 =	sand.u32 $0x1800, s1;
	s24 =	sand.u32 $0x380, s3;
	_ =	swait.ge [sflag:s22], $0x6400  }
0x21b: {  	s25 =	sadd.s32 $0x3200, s1;
	[sflag:s22] =	ssyncset.done $0x0;
	s0 =	sshrl.u32 s0, $0x2  }
0x21c: {  	s26 =	sadd.s32 $0x5200, s1;
	v4 =	vmov s24;
	[sflag:s22] =	ssyncadd.s32 $0xFFFF9C00;
	s23 =	sadd.s32 $0x7200, s0  }
.LBB2_17:
0x21d: {  	s0 =	sshll.u32 s28, $0x7  }
0x21e: {  	s30 =	sshll.u32 s28, $0x4;
	s0 =	sand.u32 $0x400, s0  }
0x21f: {  	s1 =	sand.u32 $0x40, s30;
	s29 =	sadd.s32 s0, s26  }
0x220: {  	s0 =	sadd.s32 s1, s29  }
0x221: {  	v5 =	vld.idx.msk [tilespmem:v4+s0+$0x0 ss:$0x1], $0xffff;
	_ =	sdelay $0x1  }
0x222: {  	s13 =	simm.s32 $0x0;
	s7 =	simm.s32 $0xD;
	s9 =	simm.s32 $0xB;
	v7 =	vmov s30  }
0x223: {  	s3 =	simm.s32 $0xE;
	v8 =	vor.u32 s13, v0;
	v14 =	vadd.s32 s7, v0;
	v18 =	vadd.s32 s9, v0  }
0x224: {  	v13 =	vadd.s32 s3, v2;
	vm6 =	vlt.u32 v14, $0x50;
	vm8 =	vlt.u32 v18, $0x50  }
0x225: {  	s1 =	simm.s32 $0xF;
	v6 =	vshll.u32 v5, $0x7;
	v5 =	vshll.u32 v7, $0x7;
	v7 =	vmov s13  }
0x226: {  	v10 =	vadd.s32 s1, v2;
	vm0 =	vlt.u32 v7, $0x50;
	v7 =	vadd.s32 s13, v2  }
0x227: {  	v5 =	vor.u32 v1, v5;
	s13 =	simm.s32 $0x9;
	v7 =	vsel vm0, v8, v7;
	v8 =	vadd.s32 s1, v0  }
0x228: {  	v22 =	vadd.s32 s13, v0;
	v9 =	vand.u32 $0xFFFFFF80, v7;
	vm4 =	vlt.u32 v8, $0x50  }
0x229: {  	v11 =	vand.u32 $0x7F, v7;
	v9 =	vadd.s32 v5, v9;
	v8 =	vsel vm4, v8, v10  }
0x22a: {  	v10 =	vadd.s32 v6, v7;
	v12 =	vor.u32 v11, v9;
	v7 =	vand.u32 $0x7F, v8  }
0x22b: {  	v9 =	vadd.s32 s3, v0;
	v11 =	vadd.s32 v6, v8;
	v8 =	vand.u32 $0xFFFFFF80, v8  }
0x22c: {  	vm10 =	vlt.u32 v22, $0x50;
	vm5 =	vlt.u32 v9, $0x50;
	v8 =	vadd.s32 v5, v8  }
0x22d: {  	v9 =	vsel vm5, v9, v13;
	v13 =	vor.u32 v7, v8;
	v7 =	vadd.s32 s7, v2  }
0x22e: {  	s8 =	simm.s32 $0xC;
	s7 =	simm.s32 $0x7;
	v8 =	vand.u32 $0xFFFFFF80, v9;
	v7 =	vsel vm6, v14, v7;
	v14 =	vand.u32 $0x7F, v9  }
0x22f: {  	v16 =	vadd.s32 v6, v9;
	v9 =	vadd.s32 s8, v2;
	v25 =	vadd.s32 s7, v0  }
0x230: {  	v8 =	vadd.s32 v5, v8;
	v15 =	vand.u32 $0x7F, v7;
	v17 =	vadd.s32 v6, v7  }
0x231: {  	v7 =	vand.u32 $0xFFFFFF80, v7;
	v14 =	vor.u32 v14, v8;
	v8 =	vadd.s32 s8, v0  }
0x232: {  	vm12 =	vlt.u32 v25, $0x50;
	v7 =	vadd.s32 v5, v7;
	vm7 =	vlt.u32 v8, $0x50  }
0x233: {  	v15 =	vor.u32 v15, v7;
	v7 =	vadd.s32 s9, v2;
	v8 =	vsel vm7, v8, v9  }
0x234: {  	s11 =	simm.s32 $0xA;
	v27 =	vld.idx.msk [tilespmem:v10+s2+$0x0], $0xffff;
	v7 =	vsel vm8, v18, v7;
	v9 =	vand.u32 $0xFFFFFF80, v8;
	v18 =	vand.u32 $0x7F, v8  }
0x235: {  	v19 =	vand.u32 $0x7F, v7;
	v20 =	vadd.s32 v6, v8;
	v8 =	vadd.s32 s11, v0  }
0x236: {  	v21 =	vadd.s32 v6, v7;
	v7 =	vand.u32 $0xFFFFFF80, v7;
	v9 =	vadd.s32 v5, v9  }
0x237: {  	vm9 =	vlt.u32 v8, $0x50;
	v7 =	vadd.s32 v5, v7;
	v18 =	vor.u32 v18, v9  }
0x238: {  	s9 =	simm.s32 $0x5;
	v16 =	vld.idx.msk [tilespmem:v16+s2+$0x0], $0xffff;
	v9 =	vadd.s32 s11, v2;
	v26 =	vor.u32 v19, v7;
	v7 =	vadd.s32 s13, v2  }
0x239: {  	[tilespmem:v12+s23+$0x0] =	vst.idx.msk $0xffff, v27;
	v12 =	vadd.s32 s9, v2;
	s13 =	simm.s32 $0x4;
	v8 =	vsel vm9, v8, v9;
	v19 =	vsel vm10, v22, v7  }
0x23a: {  	s3 =	simm.s32 $0x8;
	v17 =	vld.idx.msk [tilespmem:v17+s2+$0x0], $0xffff;
	v63 =	vadd.s32 s13, v2;
	v9 =	vand.u32 $0xFFFFFF80, v8;
	v7 =	vand.u32 $0x7F, v8  }
0x23b: {  	v22 =	vand.u32 $0x7F, v19;
	v23 =	vadd.s32 v6, v8;
	v8 =	vadd.s32 s3, v0  }
0x23c: {  	s11 =	simm.s32 $0x3;
	v24 =	vadd.s32 v6, v19;
	v9 =	vadd.s32 v5, v9;
	vm11 =	vlt.u32 v8, $0x50  }
0x23d: {  	[tilespmem:v14+s23+$0x0] =	vst.idx.msk $0xffff, v16;
	v16 =	vadd.s32 s11, v0;
	v7 =	vor.u32 v7, v9;
	v9 =	vand.u32 $0xFFFFFF80, v19  }
0x23e: {  	v19 =	vadd.s32 s3, v2;
	vm15 =	vlt.u32 v16, $0x50;
	v9 =	vadd.s32 v5, v9  }
0x23f: {  	[tilespmem:v15+s23+$0x0] =	vst.idx.msk $0xffff, v17;
	v17 =	vadd.s32 s11, v2;
	v19 =	vsel vm11, v8, v19;
	v8 =	vor.u32 v22, v9  }
0x240: {  	v9 =	vadd.s32 s7, v2;
	v22 =	vand.u32 $0xFFFFFF80, v19;
	v29 =	vadd.s32 v6, v19  }
0x241: {  	s8 =	simm.s32 $0x6;
	v10 =	vsel vm12, v25, v9;
	v9 =	vand.u32 $0x7F, v19;
	v22 =	vadd.s32 v5, v22;
	v25 =	vld.idx.msk [tilespmem:v11+s2+$0x0], $0xffff  }
0x242: {  	v30 =	vld.idx.msk [tilespmem:v20+s2+$0x0], $0xffff;
	v19 =	vadd.s32 s8, v0;
	v28 =	vand.u32 $0x7F, v10;
	v9 =	vor.u32 v9, v22  }
0x243: {  	v27 =	vld.idx.msk [tilespmem:v21+s2+$0x0], $0xffff;
	v11 =	vadd.s32 v6, v10;
	vm13 =	vlt.u32 v19, $0x50;
	v22 =	vadd.s32 s8, v2  }
0x244: {  	v10 =	vand.u32 $0xFFFFFF80, v10;
	v20 =	vsel vm13, v19, v22;
	v22 =	vadd.s32 s9, v0  }
0x245: {  	v14 =	vld.idx.msk [tilespmem:v23+s2+$0x0], $0xffff;
	v23 =	vsel vm15, v16, v17;
	v10 =	vadd.s32 v5, v10;
	vm14 =	vlt.u32 v22, $0x50  }
0x246: {  	v10 =	vor.u32 v28, v10;
	v19 =	vand.u32 $0x7F, v20;
	[tilespmem:v13+s23+$0x0] =	vst.idx.msk $0xffff, v25;
	v13 =	vsel vm14, v22, v12  }
0x247: {  	v15 =	vld.idx.msk [tilespmem:v24+s2+$0x0], $0xffff;
	[tilespmem:v18+s23+$0x0] =	vst.idx.msk $0xffff, v30;
	v12 =	vadd.s32 v6, v20;
	v20 =	vand.u32 $0xFFFFFF80, v20;
	v25 =	vadd.s32 s13, v0  }
0x248: {  	[tilespmem:v26+s23+$0x0] =	vst.idx.msk $0xffff, v27;
	v22 =	vand.u32 $0xFFFFFF80, v13;
	v21 =	vand.u32 $0x7F, v13;
	vm1 =	vlt.u32 v25, $0x50  }
0x249: {  	s0 =	simm.s32 $0x2;
	v20 =	vadd.s32 v5, v20;
	v16 =	vadd.s32 v6, v13;
	v24 =	vsel vm1, v25, v63  }
0x24a: {  	s31 =	simm.s32 $0x10;
	s1 =	simm.s32 $0x1;
	v17 =	vld.idx.msk [tilespmem:v29+s2+$0x0], $0xffff;
	v13 =	vadd.s32 v6, v23;
	v25 =	vadd.s32 s0, v0;
	v18 =	vadd.s32 v6, v24  }
.LBB2_18:
0x24b: {  	p0 =	slt.u32 s31, $0x40;
	v26 =	vadd.s32 s1, v0;
	vm0 =	vlt.u32 v25, $0x50;
	v27 =	vadd.s32 s0, v2;
	[tilespmem:v7+s23+$0x0] =	vst.idx.msk $0xffff, v14  }
0x24c: {  	v7 =	vadd.s32 s1, v2;
	vm1 =	vlt.u32 v26, $0x50;
	v14 =	vsel vm0, v25, v27;
	v11 =	vld.idx.msk [tilespmem:v11+s2+$0x0], $0xffff;
	[tilespmem:v8+s23+$0x0] =	vst.idx.msk $0xffff, v15  }
0x24d: {  	v15 =	vadd.s32 v5, v22;
	v7 =	vsel vm1, v26, v7;
	v8 =	vadd.s32 v6, v14  }
0x24e: {  	v19 =	vor.u32 v19, v20;
	v15 =	vor.u32 v21, v15;
	v22 =	vadd.s32 v6, v7;
	v12 =	vld.idx.msk [tilespmem:v12+s2+$0x0], $0xffff  }
0x24f: {  	v20 =	vand.u32 $0xFFFFFF80, v23;
	v21 =	vand.u32 $0xFFFFFF80, v24;
	v24 =	vand.u32 $0x7F, v24;
	v16 =	vld.idx.msk [tilespmem:v16+s2+$0x0], $0xffff;
	[tilespmem:v9+s23+$0x0] =	vst.idx.msk $0xffff, v17  }
0x250: {  	v9 =	vand.u32 $0x7F, v23;
	v17 =	vadd.s32 v5, v20;
	v20 =	vadd.s32 v5, v21;
	v18 =	vld.idx.msk [tilespmem:v18+s2+$0x0], $0xffff  }
0x251: {  	v21 =	vand.u32 $0xFFFFFF80, v14;
	v9 =	vor.u32 v9, v17;
	v17 =	vor.u32 v24, v20;
	v13 =	vld.idx.msk [tilespmem:v13+s2+$0x0], $0xffff  }
0x252: {  	v14 =	vand.u32 $0x7F, v14;
	v20 =	vand.u32 $0xFFFFFF80, v7;
	v21 =	vadd.s32 v5, v21;
	v8 =	vld.idx.msk [tilespmem:v8+s2+$0x0], $0xffff;
	[tilespmem:v10+s23+$0x0] =	vst.idx.msk $0xffff, v11  }
0x253: {  	v7 =	vand.u32 $0x7F, v7;
	v14 =	vor.u32 v14, v21;
	v11 =	vadd.s32 v5, v20;
	v10 =	vld.idx.msk [tilespmem:v22+s2+$0x0], $0xffff  }
0x254: {  	v20 =	vmov s31;
	v7 =	vor.u32 v7, v11;
	[tilespmem:v19+s23+$0x0] =	vst.idx.msk $0xffff, v12  }
0x255: {  	s0 =	sadd.s32 $0xF, s31;
	v11 =	vor.u32 s31, v0;
	vm0 =	vlt.u32 v20, $0x50;
	v12 =	vadd.s32 s31, v2;
	[tilespmem:v15+s23+$0x0] =	vst.idx.msk $0xffff, v16  }
0x256: {  	v11 =	vsel vm0, v11, v12;
	v12 =	vadd.s32 s0, v0;
	[tilespmem:v17+s23+$0x0] =	vst.idx.msk $0xffff, v18  }
0x257: {  	v16 =	vadd.s32 s0, v2;
	v15 =	vand.u32 $0xFFFFFF80, v11;
	vm0 =	vlt.u32 v12, $0x50;
	[tilespmem:v9+s23+$0x0] =	vst.idx.msk $0xffff, v13  }
0x258: {  	v9 =	vand.u32 $0x7F, v11;
	v13 =	vadd.s32 v5, v15;
	v12 =	vsel vm0, v12, v16;
	[tilespmem:v14+s23+$0x0] =	vst.idx.msk $0xffff, v8  }
0x259: {  	s0 =	sadd.s32 $0xE, s31;
	v8 =	vadd.s32 v6, v11;
	v13 =	vor.u32 v9, v13;
	v9 =	vand.u32 $0x7F, v12;
	[tilespmem:v7+s23+$0x0] =	vst.idx.msk $0xffff, v10  }
0x25a: {  	v11 =	vand.u32 $0xFFFFFF80, v12;
	v7 =	vadd.s32 s0, v0;
	v10 =	vadd.s32 v6, v12  }
0x25b: {  	s1 =	sadd.s32 $0xD, s31;
	v12 =	vadd.s32 s0, v2;
	v11 =	vadd.s32 v5, v11;
	vm0 =	vlt.u32 v7, $0x50  }
0x25c: {  	v14 =	vadd.s32 s1, v0;
	v7 =	vsel vm0, v7, v12;
	v12 =	vor.u32 v9, v11  }
0x25d: {  	vm0 =	vlt.u32 v14, $0x50;
	v9 =	vadd.s32 s1, v2;
	v11 =	vand.u32 $0xFFFFFF80, v7  }
0x25e: {  	v9 =	vsel vm0, v14, v9;
	v14 =	vand.u32 $0x7F, v7;
	v11 =	vadd.s32 v5, v11  }
0x25f: {  	s0 =	sadd.s32 $0xC, s31;
	v16 =	vadd.s32 v6, v7;
	v15 =	vand.u32 $0x7F, v9;
	v17 =	vor.u32 v14, v11  }
0x260: {  	v7 =	vadd.s32 s0, v0;
	v14 =	vadd.s32 v6, v9;
	v9 =	vand.u32 $0xFFFFFF80, v9  }
0x261: {  	s1 =	sadd.s32 $0xB, s31;
	vm0 =	vlt.u32 v7, $0x50;
	v11 =	vadd.s32 s0, v2;
	v9 =	vadd.s32 v5, v9  }
0x262: {  	v18 =	vadd.s32 s1, v0;
	v7 =	vsel vm0, v7, v11;
	v23 =	vor.u32 v15, v9  }
0x263: {  	vm0 =	vlt.u32 v18, $0x50;
	v9 =	vadd.s32 s1, v2;
	v11 =	vand.u32 $0xFFFFFF80, v7  }
0x264: {  	v15 =	vand.u32 $0x7F, v7;
	v9 =	vsel vm0, v18, v9;
	v11 =	vadd.s32 v5, v11  }
0x265: {  	s0 =	sadd.s32 $0xA, s31;
	v19 =	vadd.s32 v6, v7;
	v18 =	vand.u32 $0x7F, v9;
	v24 =	vor.u32 v15, v11  }
0x266: {  	v7 =	vadd.s32 s0, v0;
	v15 =	vadd.s32 v6, v9;
	v9 =	vand.u32 $0xFFFFFF80, v9  }
0x267: {  	s1 =	sadd.s32 $0x9, s31;
	vm0 =	vlt.u32 v7, $0x50;
	v11 =	vadd.s32 s0, v2;
	v9 =	vadd.s32 v5, v9  }
0x268: {  	v20 =	vadd.s32 s1, v0;
	v7 =	vsel vm0, v7, v11;
	v26 =	vor.u32 v18, v9  }
0x269: {  	vm0 =	vlt.u32 v20, $0x50;
	v9 =	vadd.s32 s1, v2;
	v11 =	vand.u32 $0xFFFFFF80, v7  }
0x26a: {  	v18 =	vand.u32 $0x7F, v7;
	v9 =	vsel vm0, v20, v9;
	v11 =	vadd.s32 v5, v11  }
0x26b: {  	s0 =	sadd.s32 $0x8, s31;
	v21 =	vadd.s32 v6, v7;
	v20 =	vand.u32 $0x7F, v9;
	v7 =	vor.u32 v18, v11  }
0x26c: {  	v11 =	vadd.s32 s0, v0;
	v18 =	vadd.s32 v6, v9;
	v9 =	vand.u32 $0xFFFFFF80, v9  }
0x26d: {  	v22 =	vadd.s32 s0, v2;
	s1 =	sadd.s32 $0x7, s31;
	vm0 =	vlt.u32 v11, $0x50;
	v9 =	vadd.s32 v5, v9  }
0x26e: {  	v27 =	vadd.s32 s1, v0;
	v11 =	vsel vm0, v11, v22;
	v25 =	vld.idx.msk [tilespmem:v8+s2+$0x0], $0xffff;
	v8 =	vor.u32 v20, v9  }
0x26f: {  	vm0 =	vlt.u32 v27, $0x50;
	v9 =	vadd.s32 s1, v2;
	v20 =	vand.u32 $0xFFFFFF80, v11;
	v22 =	vld.idx.msk [tilespmem:v10+s2+$0x0], $0xffff  }
0x270: {  	v10 =	vsel vm0, v27, v9;
	v9 =	vand.u32 $0x7F, v11;
	v20 =	vadd.s32 v5, v20  }
0x271: {  	s0 =	sadd.s32 $0x6, s31;
	v28 =	vadd.s32 v6, v11;
	v27 =	vand.u32 $0x7F, v10;
	v9 =	vor.u32 v9, v20;
	v16 =	vld.idx.msk [tilespmem:v16+s2+$0x0], $0xffff  }
0x272: {  	v20 =	vadd.s32 s0, v0;
	v11 =	vadd.s32 v6, v10;
	v10 =	vand.u32 $0xFFFFFF80, v10;
	v29 =	vld.idx.msk [tilespmem:v14+s2+$0x0], $0xffff  }
0x273: {  	s1 =	sadd.s32 $0x5, s31;
	vm0 =	vlt.u32 v20, $0x50;
	v10 =	vadd.s32 v5, v10;
	v14 =	vadd.s32 s0, v2;
	v30 =	vld.idx.msk [tilespmem:v19+s2+$0x0], $0xffff  }
0x274: {  	v10 =	vor.u32 v27, v10;
	v14 =	vsel vm0, v20, v14;
	[tilespmem:v13+s23+$0x0] =	vst.idx.msk $0xffff, v25;
	v13 =	vadd.s32 s1, v0  }
0x275: {  	v20 =	vadd.s32 s1, v2;
	v19 =	vand.u32 $0x7F, v14;
	vm0 =	vlt.u32 v13, $0x50;
	v27 =	vld.idx.msk [tilespmem:v15+s2+$0x0], $0xffff;
	[tilespmem:v12+s23+$0x0] =	vst.idx.msk $0xffff, v22  }
0x276: {  	v12 =	vadd.s32 v6, v14;
	v15 =	vand.u32 $0xFFFFFF80, v14;
	v13 =	vsel vm0, v13, v20;
	v14 =	vld.idx.msk [tilespmem:v21+s2+$0x0], $0xffff  }
.Ltmp7:
0x277: {  	s0 =	sadd.s32 $0x3, s31;
	s1 =	sadd.s32 $0x4, s31;
	v20 =	vadd.s32 v5, v15;
	v22 =	vand.u32 $0xFFFFFF80, v13;
	v21 =	vand.u32 $0x7F, v13;
	v15 =	vld.idx.msk [tilespmem:v18+s2+$0x0], $0xffff;
	[tilespmem:v17+s23+$0x0] =	vst.idx.msk $0xffff, v16;
	(pc) =	sbr.rel @p0 .LBB2_18-.Ltmp7, $4  }
0x278: {  	v16 =	vadd.s32 s0, v0;
	v17 =	vadd.s32 s1, v0;
	v18 =	vadd.s32 s1, v2;
	[tilespmem:v23+s23+$0x0] =	vst.idx.msk $0xffff, v29  }
0x279: {  	vm0 =	vlt.u32 v16, $0x50;
	v23 =	vadd.s32 s0, v2;
	vm1 =	vlt.u32 v17, $0x50;
	[tilespmem:v24+s23+$0x0] =	vst.idx.msk $0xffff, v30  }
0x27a: {  	s0 =	sadd.s32 $0x2, s31;
	v23 =	vsel vm0, v16, v23;
	v24 =	vsel vm1, v17, v18;
	v16 =	vadd.s32 v6, v13;
	v17 =	vld.idx.msk [tilespmem:v28+s2+$0x0], $0xffff  }
0x27b: {  	s1 =	sadd.s32 $0x1, s31;
	s31 =	sadd.s32 $0x10, s31;
	v25 =	vadd.s32 s0, v0;
	v13 =	vadd.s32 v6, v23;
	v18 =	vadd.s32 v6, v24;
	[tilespmem:v26+s23+$0x0] =	vst.idx.msk $0xffff, v27  }
0x27c: {  	v26 =	vadd.s32 s1, v0;
	vm0 =	vlt.u32 v25, $0x50  }
0x27d: {  	v27 =	vadd.s32 s0, v2;
	v28 =	vadd.s32 s1, v2;
	v22 =	vadd.s32 v5, v22  }
0x27e: {  	v19 =	vor.u32 v19, v20;
	v20 =	vand.u32 $0xFFFFFF80, v24;
	vm1 =	vlt.u32 v26, $0x50  }
0x27f: {  	s3 =	simm.s32 $0xE;
	v25 =	vsel vm0, v25, v27;
	v21 =	vor.u32 v21, v22;
	v22 =	vand.u32 $0x7F, v24  }
0x280: {  	s7 =	simm.s32 $0xD;
	s8 =	simm.s32 $0xC;
	v20 =	vadd.s32 v5, v20;
	v49 =	vadd.s32 s3, v0;
	v50 =	vadd.s32 s3, v2  }
0x281: {  	v32 =	vadd.s32 s7, v0;
	v51 =	vadd.s32 s8, v0;
	v33 =	vadd.s32 s7, v2  }
0x282: {  	v34 =	vadd.s32 s8, v2;
	v26 =	vsel vm1, v26, v28;
	v27 =	vadd.s32 v6, v25  }
0x283: {  	v29 =	vand.u32 $0xFFFFFF80, v25;
	v20 =	vor.u32 v22, v20;
	v22 =	vand.u32 $0x7F, v25  }
0x284: {  	s3 =	simm.s32 $0x8;
	s7 =	simm.s32 $0x7;
	vm4 =	vlt.u32 v49, $0x50;
	vm5 =	vlt.u32 v32, $0x50;
	vm6 =	vlt.u32 v51, $0x50  }
0x285: {  	s9 =	sor.u32 $0x10, s30;
	v55 =	vadd.s32 s3, v0;
	v56 =	vadd.s32 s3, v2;
	v38 =	vadd.s32 s7, v0  }
0x286: {  	s11 =	sand.u32 $0x50, s9;
	v57 =	vadd.s32 s7, v2;
	v28 =	vadd.s32 v6, v26;
	v6 =	vand.u32 $0xFFFFFF80, v23  }
0x287: {  	s1 =	sadd.s32 s11, s29;
	s11 =	simm.s32 $0xA;
	v23 =	vand.u32 $0x7F, v23;
	v25 =	vadd.s32 v5, v29;
	v32 =	vsel vm5, v32, v33  }
0x288: {  	[tilespmem:v7+s23+$0x0] =	vst.idx.msk $0xffff, v14;
	v7 =	vld.idx.msk [tilespmem:v11+s2+$0x0], $0xffff;
	v35 =	vadd.s32 s11, v0;
	v36 =	vadd.s32 s11, v2;
	vm10 =	vlt.u32 v55, $0x50  }
0x289: {  	v24 =	vld.idx.msk [tilespmem:v4+s1+$0x0 ss:$0x1], $0xffff;
	s1 =	simm.s32 $0xF;
	vm11 =	vlt.u32 v38, $0x50;
	v6 =	vadd.s32 v5, v6;
	v22 =	vor.u32 v22, v25  }
0x28a: {  	v30 =	vadd.s32 s1, v2;
	vm8 =	vlt.u32 v35, $0x50;
	v14 =	vsel vm11, v38, v57  }
0x28b: {  	[tilespmem:v9+s23+$0x0] =	vst.idx.msk $0xffff, v17;
	v9 =	vand.u32 $0x7F, v32;
	v23 =	vor.u32 v23, v6;
	v6 =	vand.u32 $0xFFFFFF80, v26  }
0x28c: {  	v59 =	vand.u32 $0xFFFFFF80, v32;
	v26 =	vand.u32 $0x7F, v26;
	v5 =	vadd.s32 v5, v6  }
0x28d: {  	s13 =	simm.s32 $0x0;
	v12 =	vld.idx.msk [tilespmem:v12+s2+$0x0], $0xffff;
	v35 =	vsel vm8, v35, v36;
	v36 =	vsel vm10, v55, v56;
	v25 =	vor.u32 v26, v5  }
0x28e: {  	[tilespmem:v10+s23+$0x0] =	vst.idx.msk $0xffff, v7;
	v10 =	vld.idx.msk [tilespmem:v13+s2+$0x0], $0xffff;
	v5 =	vmov s9;
	v26 =	vor.u32 s13, v0;
	s9 =	simm.s32 $0xB;
	v6 =	vshll.u32 v24, $0x7  }
0x28f: {  	v16 =	vld.idx.msk [tilespmem:v16+s2+$0x0], $0xffff;
	v5 =	vshll.u32 v5, $0x7;
	v24 =	vmov s13;
	v52 =	vadd.s32 s9, v0  }
0x290: {  	v53 =	vadd.s32 s9, v2;
	vm14 =	vlt.u32 v24, $0x50;
	v24 =	vadd.s32 s13, v2  }
0x291: {  	v5 =	vor.u32 v1, v5;
	vm7 =	vlt.u32 v52, $0x50;
	v13 =	vadd.s32 v6, v32  }
0x292: {  	[tilespmem:v19+s23+$0x0] =	vst.idx.msk $0xffff, v12;
	s13 =	simm.s32 $0x9;
	v24 =	vsel vm14, v26, v24;
	v26 =	vadd.s32 s1, v0;
	v33 =	vsel vm7, v52, v53  }
0x293: {  	v54 =	vadd.s32 s13, v0;
	v37 =	vadd.s32 s13, v2;
	[tilespmem:v23+s23+$0x0] =	vst.idx.msk $0xffff, v10;
	v10 =	vand.u32 $0xFFFFFF80, v36  }
0x294: {  	[tilespmem:v21+s23+$0x0] =	vst.idx.msk $0xffff, v16;
	v48 =	vand.u32 $0xFFFFFF80, v24;
	vm15 =	vlt.u32 v26, $0x50;
	v31 =	vand.u32 $0x7F, v24  }
0x295: {  	v19 =	vld.idx.msk [tilespmem:v28+s2+$0x0], $0xffff;
	v24 =	vadd.s32 v6, v24;
	vm9 =	vlt.u32 v54, $0x50;
	v16 =	vadd.s32 v6, v33  }
0x296: {  	v10 =	vadd.s32 v5, v10;
	v29 =	vadd.s32 v5, v48;
	v26 =	vsel vm15, v26, v30  }
0x297: {  	v30 =	vsel vm4, v49, v50;
	v29 =	vor.u32 v31, v29;
	v31 =	vsel vm6, v51, v34  }
0x298: {  	v34 =	vsel vm9, v54, v37;
	v11 =	vand.u32 $0x7F, v26;
	v58 =	vand.u32 $0xFFFFFF80, v26  }
0x299: {  	[tilespmem:v8+s23+$0x0] =	vst.idx.msk $0xffff, v15;
	s8 =	simm.s32 $0x6;
	s13 =	simm.s32 $0x4;
	v8 =	vadd.s32 v6, v26;
	v26 =	vand.u32 $0xFFFFFF80, v30;
	v17 =	vadd.s32 v6, v30  }
0x29a: {  	v18 =	vld.idx.msk [tilespmem:v18+s2+$0x0], $0xffff;
	[tilespmem:v25+s23+$0x0] =	vst.idx.msk $0xffff, v19;
	v19 =	vadd.s32 s8, v2;
	v25 =	vadd.s32 s13, v0;
	v15 =	vadd.s32 v5, v58  }
0x29b: {  	v26 =	vadd.s32 v5, v26;
	v15 =	vor.u32 v11, v15;
	v11 =	vand.u32 $0x7F, v30  }
0x29c: {  	v60 =	vand.u32 $0xFFFFFF80, v31;
	v26 =	vor.u32 v11, v26;
	v11 =	vadd.s32 v5, v59  }
0x29d: {  	v7 =	vand.u32 $0x7F, v31;
	v61 =	vor.u32 v9, v11;
	v9 =	vadd.s32 v5, v60  }
0x29e: {  	v12 =	vadd.s32 v6, v31;
	v11 =	vld.idx.msk [tilespmem:v27+s2+$0x0], $0xffff;
	v30 =	vor.u32 v7, v9;
	v7 =	vand.u32 $0xFFFFFF80, v33  }
0x29f: {  	[tilespmem:v20+s23+$0x0] =	vst.idx.msk $0xffff, v18;
	v18 =	vand.u32 $0x7F, v34;
	v9 =	vand.u32 $0x7F, v33;
	v7 =	vadd.s32 v5, v7  }
0x2a0: {  	v23 =	vadd.s32 v6, v34;
	v13 =	vld.idx.msk [tilespmem:v13+s2+$0x0], $0xffff;
	v62 =	vor.u32 v9, v7;
	v7 =	vand.u32 $0xFFFFFF80, v35  }
0x2a1: {  	vm15 =	vlt.u32 v25, $0x50;
	v20 =	vld.idx.msk [tilespmem:v24+s2+$0x0], $0xffff;
	v9 =	vand.u32 $0x7F, v35;
	v7 =	vadd.s32 v5, v7  }
0x2a2: {  	s9 =	simm.s32 $0x5;
	v27 =	vadd.s32 v6, v35;
	v21 =	vld.idx.msk [tilespmem:v8+s2+$0x0], $0xffff;
	v7 =	vor.u32 v9, v7;
	v9 =	vand.u32 $0xFFFFFF80, v34  }
0x2a3: {  	v24 =	vld.idx.msk [tilespmem:v12+s2+$0x0], $0xffff;
	v12 =	vadd.s32 s9, v0;
	[tilespmem:v22+s23+$0x0] =	vst.idx.msk $0xffff, v11;
	v22 =	vadd.s32 s8, v0;
	v9 =	vadd.s32 v5, v9  }
0x2a4: {  	v17 =	vld.idx.msk [tilespmem:v17+s2+$0x0], $0xffff;
	v11 =	vadd.s32 v6, v14;
	v9 =	vor.u32 v18, v9;
	v18 =	vand.u32 $0x7F, v36  }
0x2a5: {  	v8 =	vor.u32 v18, v10;
	v10 =	vand.u32 $0x7F, v14;
	v14 =	vand.u32 $0xFFFFFF80, v14  }
0x2a6: {  	v63 =	vld.idx.msk [tilespmem:v16+s2+$0x0], $0xffff;
	vm13 =	vlt.u32 v12, $0x50;
	[tilespmem:v29+s23+$0x0] =	vst.idx.msk $0xffff, v20;
	vm12 =	vlt.u32 v22, $0x50;
	v14 =	vadd.s32 v5, v14  }
0x2a7: {  	[tilespmem:v61+s23+$0x0] =	vst.idx.msk $0xffff, v13;
	v22 =	vsel vm12, v22, v19;
	v10 =	vor.u32 v10, v14;
	v14 =	vadd.s32 s9, v2  }
0x2a8: {  	s11 =	simm.s32 $0x3;
	[tilespmem:v15+s23+$0x0] =	vst.idx.msk $0xffff, v21;
	v18 =	vadd.s32 v6, v36;
	v16 =	vsel vm13, v12, v14;
	v14 =	vand.u32 $0xFFFFFF80, v22  }
0x2a9: {  	[tilespmem:v26+s23+$0x0] =	vst.idx.msk $0xffff, v17;
	v17 =	vadd.s32 s11, v0;
	v26 =	vadd.s32 s13, v2;
	v20 =	vadd.s32 v5, v14;
	v14 =	vld.idx.msk [tilespmem:v27+s2+$0x0], $0xffff  }
0x2aa: {  	s0 =	simm.s32 $0x2;
	v13 =	vadd.s32 s11, v2;
	v15 =	vld.idx.msk [tilespmem:v23+s2+$0x0], $0xffff;
	vm14 =	vlt.u32 v17, $0x50;
	[tilespmem:v30+s23+$0x0] =	vst.idx.msk $0xffff, v24;
	v24 =	vsel vm15, v25, v26  }
0x2ab: {  	v25 =	vadd.s32 s0, v0;
	v19 =	vand.u32 $0x7F, v22;
	v23 =	vsel vm14, v17, v13  }
0x2ac: {  	[tilespmem:v62+s23+$0x0] =	vst.idx.msk $0xffff, v63;
	v13 =	vadd.s32 v6, v23;
	v12 =	vadd.s32 v6, v22;
	v22 =	vand.u32 $0xFFFFFF80, v16  }
0x2ad: {  	s31 =	simm.s32 $0x10;
	s1 =	simm.s32 $0x1;
	v21 =	vand.u32 $0x7F, v16;
	v16 =	vadd.s32 v6, v16;
	v17 =	vld.idx.msk [tilespmem:v18+s2+$0x0], $0xffff;
	v18 =	vadd.s32 v6, v24  }
.LBB2_20:
0x2ae: {  	p0 =	slt.u32 s31, $0x40;
	v26 =	vadd.s32 s1, v0;
	vm0 =	vlt.u32 v25, $0x50;
	v27 =	vadd.s32 s0, v2;
	[tilespmem:v7+s23+$0x0] =	vst.idx.msk $0xffff, v14  }
0x2af: {  	v7 =	vadd.s32 s1, v2;
	vm1 =	vlt.u32 v26, $0x50;
	v14 =	vsel vm0, v25, v27;
	v11 =	vld.idx.msk [tilespmem:v11+s2+$0x0], $0xffff;
	[tilespmem:v9+s23+$0x0] =	vst.idx.msk $0xffff, v15  }
0x2b0: {  	v15 =	vadd.s32 v5, v22;
	v7 =	vsel vm1, v26, v7;
	v9 =	vadd.s32 v6, v14  }
0x2b1: {  	v19 =	vor.u32 v19, v20;
	v15 =	vor.u32 v21, v15;
	v22 =	vadd.s32 v6, v7;
	v12 =	vld.idx.msk [tilespmem:v12+s2+$0x0], $0xffff  }
0x2b2: {  	v20 =	vand.u32 $0xFFFFFF80, v23;
	v21 =	vand.u32 $0xFFFFFF80, v24;
	v24 =	vand.u32 $0x7F, v24;
	v16 =	vld.idx.msk [tilespmem:v16+s2+$0x0], $0xffff;
	[tilespmem:v8+s23+$0x0] =	vst.idx.msk $0xffff, v17  }
0x2b3: {  	v8 =	vand.u32 $0x7F, v23;
	v17 =	vadd.s32 v5, v20;
	v20 =	vadd.s32 v5, v21;
	v18 =	vld.idx.msk [tilespmem:v18+s2+$0x0], $0xffff  }
0x2b4: {  	v21 =	vand.u32 $0xFFFFFF80, v14;
	v8 =	vor.u32 v8, v17;
	v17 =	vor.u32 v24, v20;
	v13 =	vld.idx.msk [tilespmem:v13+s2+$0x0], $0xffff  }
0x2b5: {  	v14 =	vand.u32 $0x7F, v14;
	v20 =	vand.u32 $0xFFFFFF80, v7;
	v21 =	vadd.s32 v5, v21;
	v9 =	vld.idx.msk [tilespmem:v9+s2+$0x0], $0xffff;
	[tilespmem:v10+s23+$0x0] =	vst.idx.msk $0xffff, v11  }
0x2b6: {  	v7 =	vand.u32 $0x7F, v7;
	v14 =	vor.u32 v14, v21;
	v11 =	vadd.s32 v5, v20;
	v10 =	vld.idx.msk [tilespmem:v22+s2+$0x0], $0xffff  }
0x2b7: {  	v20 =	vmov s31;
	v7 =	vor.u32 v7, v11;
	[tilespmem:v19+s23+$0x0] =	vst.idx.msk $0xffff, v12  }
0x2b8: {  	s0 =	sadd.s32 $0xF, s31;
	v11 =	vor.u32 s31, v0;
	vm0 =	vlt.u32 v20, $0x50;
	v12 =	vadd.s32 s31, v2;
	[tilespmem:v15+s23+$0x0] =	vst.idx.msk $0xffff, v16  }
0x2b9: {  	v11 =	vsel vm0, v11, v12;
	v12 =	vadd.s32 s0, v0;
	[tilespmem:v17+s23+$0x0] =	vst.idx.msk $0xffff, v18  }
0x2ba: {  	v16 =	vadd.s32 s0, v2;
	v15 =	vand.u32 $0xFFFFFF80, v11;
	vm0 =	vlt.u32 v12, $0x50;
	[tilespmem:v8+s23+$0x0] =	vst.idx.msk $0xffff, v13  }
0x2bb: {  	v8 =	vand.u32 $0x7F, v11;
	v13 =	vadd.s32 v5, v15;
	v12 =	vsel vm0, v12, v16;
	[tilespmem:v14+s23+$0x0] =	vst.idx.msk $0xffff, v9  }
0x2bc: {  	s0 =	sadd.s32 $0xE, s31;
	v9 =	vadd.s32 v6, v11;
	v13 =	vor.u32 v8, v13;
	v8 =	vand.u32 $0x7F, v12;
	[tilespmem:v7+s23+$0x0] =	vst.idx.msk $0xffff, v10  }
0x2bd: {  	v11 =	vand.u32 $0xFFFFFF80, v12;
	v7 =	vadd.s32 s0, v0;
	v10 =	vadd.s32 v6, v12  }
0x2be: {  	s1 =	sadd.s32 $0xD, s31;
	v12 =	vadd.s32 s0, v2;
	v11 =	vadd.s32 v5, v11;
	vm0 =	vlt.u32 v7, $0x50  }
0x2bf: {  	v14 =	vadd.s32 s1, v0;
	v7 =	vsel vm0, v7, v12;
	v12 =	vor.u32 v8, v11  }
0x2c0: {  	vm0 =	vlt.u32 v14, $0x50;
	v8 =	vadd.s32 s1, v2;
	v11 =	vand.u32 $0xFFFFFF80, v7  }
0x2c1: {  	v8 =	vsel vm0, v14, v8;
	v14 =	vand.u32 $0x7F, v7;
	v11 =	vadd.s32 v5, v11  }
0x2c2: {  	s0 =	sadd.s32 $0xC, s31;
	v16 =	vadd.s32 v6, v7;
	v15 =	vand.u32 $0x7F, v8;
	v17 =	vor.u32 v14, v11  }
0x2c3: {  	v7 =	vadd.s32 s0, v0;
	v14 =	vadd.s32 v6, v8;
	v8 =	vand.u32 $0xFFFFFF80, v8  }
0x2c4: {  	s1 =	sadd.s32 $0xB, s31;
	vm0 =	vlt.u32 v7, $0x50;
	v11 =	vadd.s32 s0, v2;
	v8 =	vadd.s32 v5, v8  }
0x2c5: {  	v18 =	vadd.s32 s1, v0;
	v7 =	vsel vm0, v7, v11;
	v23 =	vor.u32 v15, v8  }
0x2c6: {  	vm0 =	vlt.u32 v18, $0x50;
	v8 =	vadd.s32 s1, v2;
	v11 =	vand.u32 $0xFFFFFF80, v7  }
0x2c7: {  	v15 =	vand.u32 $0x7F, v7;
	v8 =	vsel vm0, v18, v8;
	v11 =	vadd.s32 v5, v11  }
0x2c8: {  	s0 =	sadd.s32 $0xA, s31;
	v19 =	vadd.s32 v6, v7;
	v18 =	vand.u32 $0x7F, v8;
	v24 =	vor.u32 v15, v11  }
0x2c9: {  	v7 =	vadd.s32 s0, v0;
	v15 =	vadd.s32 v6, v8;
	v8 =	vand.u32 $0xFFFFFF80, v8  }
0x2ca: {  	s1 =	sadd.s32 $0x9, s31;
	vm0 =	vlt.u32 v7, $0x50;
	v11 =	vadd.s32 s0, v2;
	v8 =	vadd.s32 v5, v8  }
0x2cb: {  	v20 =	vadd.s32 s1, v0;
	v7 =	vsel vm0, v7, v11;
	v26 =	vor.u32 v18, v8  }
0x2cc: {  	vm0 =	vlt.u32 v20, $0x50;
	v8 =	vadd.s32 s1, v2;
	v11 =	vand.u32 $0xFFFFFF80, v7  }
0x2cd: {  	v18 =	vand.u32 $0x7F, v7;
	v8 =	vsel vm0, v20, v8;
	v11 =	vadd.s32 v5, v11  }
0x2ce: {  	s0 =	sadd.s32 $0x8, s31;
	v21 =	vadd.s32 v6, v7;
	v20 =	vand.u32 $0x7F, v8;
	v7 =	vor.u32 v18, v11  }
0x2cf: {  	v11 =	vadd.s32 s0, v0;
	v18 =	vadd.s32 v6, v8;
	v8 =	vand.u32 $0xFFFFFF80, v8  }
0x2d0: {  	v22 =	vadd.s32 s0, v2;
	s1 =	sadd.s32 $0x7, s31;
	vm0 =	vlt.u32 v11, $0x50;
	v8 =	vadd.s32 v5, v8  }
0x2d1: {  	v27 =	vadd.s32 s1, v0;
	v11 =	vsel vm0, v11, v22;
	v25 =	vld.idx.msk [tilespmem:v9+s2+$0x0], $0xffff;
	v9 =	vor.u32 v20, v8  }
0x2d2: {  	vm0 =	vlt.u32 v27, $0x50;
	v8 =	vadd.s32 s1, v2;
	v20 =	vand.u32 $0xFFFFFF80, v11;
	v22 =	vld.idx.msk [tilespmem:v10+s2+$0x0], $0xffff  }
0x2d3: {  	v10 =	vsel vm0, v27, v8;
	v8 =	vand.u32 $0x7F, v11;
	v20 =	vadd.s32 v5, v20  }
0x2d4: {  	s0 =	sadd.s32 $0x6, s31;
	v28 =	vadd.s32 v6, v11;
	v27 =	vand.u32 $0x7F, v10;
	v8 =	vor.u32 v8, v20;
	v16 =	vld.idx.msk [tilespmem:v16+s2+$0x0], $0xffff  }
0x2d5: {  	v20 =	vadd.s32 s0, v0;
	v11 =	vadd.s32 v6, v10;
	v10 =	vand.u32 $0xFFFFFF80, v10;
	v29 =	vld.idx.msk [tilespmem:v14+s2+$0x0], $0xffff  }
0x2d6: {  	s1 =	sadd.s32 $0x5, s31;
	vm0 =	vlt.u32 v20, $0x50;
	v10 =	vadd.s32 v5, v10;
	v14 =	vadd.s32 s0, v2;
	v30 =	vld.idx.msk [tilespmem:v19+s2+$0x0], $0xffff  }
0x2d7: {  	v10 =	vor.u32 v27, v10;
	v14 =	vsel vm0, v20, v14;
	[tilespmem:v13+s23+$0x0] =	vst.idx.msk $0xffff, v25;
	v13 =	vadd.s32 s1, v0  }
0x2d8: {  	v20 =	vadd.s32 s1, v2;
	v19 =	vand.u32 $0x7F, v14;
	vm0 =	vlt.u32 v13, $0x50;
	v27 =	vld.idx.msk [tilespmem:v15+s2+$0x0], $0xffff;
	[tilespmem:v12+s23+$0x0] =	vst.idx.msk $0xffff, v22  }
0x2d9: {  	v12 =	vadd.s32 v6, v14;
	v15 =	vand.u32 $0xFFFFFF80, v14;
	v13 =	vsel vm0, v13, v20;
	v14 =	vld.idx.msk [tilespmem:v21+s2+$0x0], $0xffff  }
.Ltmp8:
0x2da: {  	s0 =	sadd.s32 $0x3, s31;
	s1 =	sadd.s32 $0x4, s31;
	v20 =	vadd.s32 v5, v15;
	v22 =	vand.u32 $0xFFFFFF80, v13;
	v21 =	vand.u32 $0x7F, v13;
	v15 =	vld.idx.msk [tilespmem:v18+s2+$0x0], $0xffff;
	[tilespmem:v17+s23+$0x0] =	vst.idx.msk $0xffff, v16;
	(pc) =	sbr.rel @p0 .LBB2_20-.Ltmp8, $4  }
0x2db: {  	v16 =	vadd.s32 s0, v0;
	v17 =	vadd.s32 s1, v0;
	v18 =	vadd.s32 s1, v2;
	[tilespmem:v23+s23+$0x0] =	vst.idx.msk $0xffff, v29  }
0x2dc: {  	vm0 =	vlt.u32 v16, $0x50;
	v23 =	vadd.s32 s0, v2;
	vm1 =	vlt.u32 v17, $0x50;
	[tilespmem:v24+s23+$0x0] =	vst.idx.msk $0xffff, v30  }
0x2dd: {  	s0 =	sadd.s32 $0x2, s31;
	v23 =	vsel vm0, v16, v23;
	v24 =	vsel vm1, v17, v18;
	v16 =	vadd.s32 v6, v13;
	v17 =	vld.idx.msk [tilespmem:v28+s2+$0x0], $0xffff  }
0x2de: {  	s1 =	sadd.s32 $0x1, s31;
	s31 =	sadd.s32 $0x10, s31;
	v25 =	vadd.s32 s0, v0;
	v13 =	vadd.s32 v6, v23;
	v18 =	vadd.s32 v6, v24;
	[tilespmem:v26+s23+$0x0] =	vst.idx.msk $0xffff, v27  }
0x2df: {  	v26 =	vadd.s32 s1, v0;
	vm0 =	vlt.u32 v25, $0x50  }
0x2e0: {  	v27 =	vadd.s32 s0, v2;
	v28 =	vadd.s32 s1, v2;
	v22 =	vadd.s32 v5, v22  }
0x2e1: {  	v19 =	vor.u32 v19, v20;
	v20 =	vand.u32 $0xFFFFFF80, v24;
	vm1 =	vlt.u32 v26, $0x50  }
0x2e2: {  	s3 =	simm.s32 $0xE;
	v25 =	vsel vm0, v25, v27;
	v21 =	vor.u32 v21, v22;
	v22 =	vand.u32 $0x7F, v24  }
0x2e3: {  	s7 =	simm.s32 $0xD;
	s8 =	simm.s32 $0xC;
	v20 =	vadd.s32 v5, v20;
	v50 =	vadd.s32 s3, v0;
	v51 =	vadd.s32 s3, v2  }
0x2e4: {  	v32 =	vadd.s32 s7, v0;
	v52 =	vadd.s32 s8, v0;
	v33 =	vadd.s32 s7, v2  }
0x2e5: {  	v34 =	vadd.s32 s8, v2;
	v26 =	vsel vm1, v26, v28;
	v27 =	vadd.s32 v6, v25  }
0x2e6: {  	v29 =	vand.u32 $0xFFFFFF80, v25;
	v20 =	vor.u32 v22, v20;
	v22 =	vand.u32 $0x7F, v25  }
0x2e7: {  	s3 =	simm.s32 $0x8;
	s7 =	simm.s32 $0x7;
	vm4 =	vlt.u32 v50, $0x50;
	vm5 =	vlt.u32 v32, $0x50;
	vm6 =	vlt.u32 v52, $0x50  }
0x2e8: {  	s9 =	sor.u32 $0x20, s30;
	v56 =	vadd.s32 s3, v0;
	v57 =	vadd.s32 s3, v2;
	v38 =	vadd.s32 s7, v0  }
0x2e9: {  	s11 =	sand.u32 $0x60, s9;
	v58 =	vadd.s32 s7, v2;
	v28 =	vadd.s32 v6, v26;
	v6 =	vand.u32 $0xFFFFFF80, v23  }
0x2ea: {  	s1 =	sadd.s32 s11, s29;
	s11 =	simm.s32 $0xA;
	v23 =	vand.u32 $0x7F, v23;
	v25 =	vadd.s32 v5, v29;
	v32 =	vsel vm5, v32, v33  }
0x2eb: {  	v18 =	vld.idx.msk [tilespmem:v18+s2+$0x0], $0xffff;
	v35 =	vadd.s32 s11, v0;
	v36 =	vadd.s32 s11, v2;
	vm10 =	vlt.u32 v56, $0x50  }
0x2ec: {  	v24 =	vld.idx.msk [tilespmem:v4+s1+$0x0 ss:$0x1], $0xffff;
	s1 =	simm.s32 $0xF;
	vm11 =	vlt.u32 v38, $0x50;
	v6 =	vadd.s32 v5, v6;
	v22 =	vor.u32 v22, v25  }
0x2ed: {  	[tilespmem:v7+s23+$0x0] =	vst.idx.msk $0xffff, v14;
	v30 =	vadd.s32 s1, v2;
	vm8 =	vlt.u32 v35, $0x50;
	v14 =	vsel vm11, v38, v58  }
0x2ee: {  	[tilespmem:v8+s23+$0x0] =	vst.idx.msk $0xffff, v17;
	v8 =	vand.u32 $0x7F, v32;
	v23 =	vor.u32 v23, v6;
	v6 =	vand.u32 $0xFFFFFF80, v26  }
0x2ef: {  	v7 =	vld.idx.msk [tilespmem:v11+s2+$0x0], $0xffff;
	v26 =	vand.u32 $0x7F, v26;
	v35 =	vsel vm8, v35, v36;
	v5 =	vadd.s32 v5, v6  }
0x2f0: {  	s13 =	simm.s32 $0x0;
	v36 =	vsel vm10, v56, v57;
	v25 =	vor.u32 v26, v5;
	v5 =	vmov s9  }
0x2f1: {  	v26 =	vor.u32 s13, v0;
	s9 =	simm.s32 $0xB;
	[tilespmem:v20+s23+$0x0] =	vst.idx.msk $0xffff, v18;
	v20 =	vand.u32 $0xFFFFFF80, v36;
	v6 =	vshll.u32 v24, $0x7  }
0x2f2: {  	v5 =	vshll.u32 v5, $0x7;
	v24 =	vmov s13;
	v53 =	vadd.s32 s9, v0  }
0x2f3: {  	v54 =	vadd.s32 s9, v2;
	vm14 =	vlt.u32 v24, $0x50;
	v24 =	vadd.s32 s13, v2  }
0x2f4: {  	[tilespmem:v10+s23+$0x0] =	vst.idx.msk $0xffff, v7;
	v5 =	vor.u32 v1, v5;
	vm7 =	vlt.u32 v53, $0x50;
	v10 =	vadd.s32 v6, v32  }
0x2f5: {  	s13 =	simm.s32 $0x9;
	v24 =	vsel vm14, v26, v24;
	v26 =	vadd.s32 s1, v0;
	v33 =	vsel vm7, v53, v54  }
0x2f6: {  	v55 =	vadd.s32 s13, v0;
	v37 =	vadd.s32 s13, v2;
	v49 =	vand.u32 $0xFFFFFF80, v24  }
0x2f7: {  	v12 =	vld.idx.msk [tilespmem:v12+s2+$0x0], $0xffff;
	vm15 =	vlt.u32 v26, $0x50;
	v31 =	vand.u32 $0x7F, v24;
	v24 =	vadd.s32 v6, v24  }
0x2f8: {  	v16 =	vld.idx.msk [tilespmem:v16+s2+$0x0], $0xffff;
	vm9 =	vlt.u32 v55, $0x50;
	v29 =	vadd.s32 v5, v49;
	v26 =	vsel vm15, v26, v30  }
0x2f9: {  	v30 =	vsel vm4, v50, v51;
	v29 =	vor.u32 v31, v29;
	v31 =	vsel vm6, v52, v34  }
0x2fa: {  	v34 =	vsel vm9, v55, v37;
	v11 =	vand.u32 $0x7F, v26;
	v59 =	vand.u32 $0xFFFFFF80, v26  }
0x2fb: {  	[tilespmem:v9+s23+$0x0] =	vst.idx.msk $0xffff, v15;
	v15 =	vadd.s32 v6, v26;
	v26 =	vand.u32 $0xFFFFFF80, v30;
	v9 =	vadd.s32 v5, v59  }
0x2fc: {  	[tilespmem:v19+s23+$0x0] =	vst.idx.msk $0xffff, v12;
	v17 =	vadd.s32 v6, v30;
	v7 =	vand.u32 $0x7F, v31;
	v37 =	vor.u32 v11, v9  }
0x2fd: {  	[tilespmem:v21+s23+$0x0] =	vst.idx.msk $0xffff, v16;
	v19 =	vld.idx.msk [tilespmem:v28+s2+$0x0], $0xffff;
	v9 =	vand.u32 $0x7F, v30;
	v11 =	vadd.s32 v5, v26;
	v26 =	vand.u32 $0xFFFFFF80, v32  }
0x2fe: {  	v60 =	vor.u32 v9, v11;
	v9 =	vadd.s32 v5, v26;
	v11 =	vand.u32 $0xFFFFFF80, v31;
	v21 =	vld.idx.msk [tilespmem:v24+s2+$0x0], $0xffff  }
0x2ff: {  	v12 =	vadd.s32 v6, v31;
	v24 =	vld.idx.msk [tilespmem:v10+s2+$0x0], $0xffff;
	v26 =	vor.u32 v8, v9;
	v8 =	vadd.s32 v5, v11  }
0x300: {  	v62 =	vadd.s32 v6, v36;
	v9 =	vld.idx.msk [tilespmem:v13+s2+$0x0], $0xffff;
	v13 =	vor.u32 v7, v8;
	v7 =	vand.u32 $0xFFFFFF80, v33  }
0x301: {  	v16 =	vadd.s32 v6, v33;
	v11 =	vld.idx.msk [tilespmem:v27+s2+$0x0], $0xffff;
	v8 =	vand.u32 $0x7F, v33;
	v7 =	vadd.s32 v5, v7  }
0x302: {  	s8 =	simm.s32 $0x6;
	v18 =	vand.u32 $0x7F, v34;
	v15 =	vld.idx.msk [tilespmem:v15+s2+$0x0], $0xffff;
	v61 =	vor.u32 v8, v7;
	v7 =	vand.u32 $0xFFFFFF80, v35  }
0x303: {  	[tilespmem:v25+s23+$0x0] =	vst.idx.msk $0xffff, v19;
	v10 =	vadd.s32 s8, v2;
	v17 =	vld.idx.msk [tilespmem:v17+s2+$0x0], $0xffff;
	v8 =	vand.u32 $0x7F, v35;
	v7 =	vadd.s32 v5, v7  }
0x304: {  	s9 =	simm.s32 $0x5;
	v27 =	vadd.s32 v6, v35;
	v25 =	vld.idx.msk [tilespmem:v12+s2+$0x0], $0xffff;
	v7 =	vor.u32 v8, v7;
	v8 =	vand.u32 $0xFFFFFF80, v34  }
0x305: {  	v12 =	vadd.s32 s9, v0;
	[tilespmem:v23+s23+$0x0] =	vst.idx.msk $0xffff, v9;
	v23 =	vadd.s32 v6, v34;
	v8 =	vadd.s32 v5, v8  }
0x306: {  	vm13 =	vlt.u32 v12, $0x50;
	[tilespmem:v22+s23+$0x0] =	vst.idx.msk $0xffff, v11;
	v11 =	vadd.s32 v6, v14;
	v9 =	vor.u32 v18, v8  }
0x307: {  	v8 =	vand.u32 $0x7F, v36;
	v18 =	vadd.s32 v5, v20;
	v20 =	vadd.s32 s8, v0  }
0x308: {  	s11 =	simm.s32 $0x3;
	[tilespmem:v29+s23+$0x0] =	vst.idx.msk $0xffff, v21;
	v8 =	vor.u32 v8, v18;
	v18 =	vand.u32 $0x7F, v14;
	v14 =	vand.u32 $0xFFFFFF80, v14  }
0x309: {  	v63 =	vld.idx.msk [tilespmem:v16+s2+$0x0], $0xffff;
	[tilespmem:v60+s23+$0x0] =	vst.idx.msk $0xffff, v17;
	v17 =	vadd.s32 s11, v0;
	vm12 =	vlt.u32 v20, $0x50;
	v14 =	vadd.s32 v5, v14  }
0x30a: {  	[tilespmem:v37+s23+$0x0] =	vst.idx.msk $0xffff, v15;
	v20 =	vsel vm12, v20, v10;
	v10 =	vor.u32 v18, v14;
	v14 =	vadd.s32 s9, v2  }
0x30b: {  	vm14 =	vlt.u32 v17, $0x50;
	[tilespmem:v13+s23+$0x0] =	vst.idx.msk $0xffff, v25;
	v16 =	vsel vm13, v12, v14;
	v14 =	vand.u32 $0xFFFFFF80, v20  }
0x30c: {  	s0 =	simm.s32 $0x2;
	s13 =	simm.s32 $0x4;
	v19 =	vand.u32 $0x7F, v20;
	v12 =	vadd.s32 v6, v20;
	v20 =	vadd.s32 v5, v14;
	v14 =	vld.idx.msk [tilespmem:v27+s2+$0x0], $0xffff  }
0x30d: {  	v25 =	vadd.s32 s0, v0;
	v18 =	vadd.s32 s13, v0;
	v15 =	vld.idx.msk [tilespmem:v23+s2+$0x0], $0xffff;
	v23 =	vadd.s32 s11, v2  }
0x30e: {  	[tilespmem:v26+s23+$0x0] =	vst.idx.msk $0xffff, v24;
	vm15 =	vlt.u32 v18, $0x50;
	v23 =	vsel vm14, v17, v23;
	v27 =	vadd.s32 s13, v2  }
0x30f: {  	[tilespmem:v61+s23+$0x0] =	vst.idx.msk $0xffff, v63;
	v22 =	vand.u32 $0xFFFFFF80, v16;
	v21 =	vand.u32 $0x7F, v16;
	v24 =	vsel vm15, v18, v27  }
0x310: {  	s31 =	simm.s32 $0x10;
	s1 =	simm.s32 $0x1;
	v17 =	vld.idx.msk [tilespmem:v62+s2+$0x0], $0xffff;
	v16 =	vadd.s32 v6, v16;
	v13 =	vadd.s32 v6, v23;
	v18 =	vadd.s32 v6, v24  }
.LBB2_22:
0x311: {  	p0 =	slt.u32 s31, $0x40;
	v26 =	vadd.s32 s1, v0;
	vm0 =	vlt.u32 v25, $0x50;
	v27 =	vadd.s32 s0, v2;
	[tilespmem:v7+s23+$0x0] =	vst.idx.msk $0xffff, v14  }
0x312: {  	v7 =	vadd.s32 s1, v2;
	vm1 =	vlt.u32 v26, $0x50;
	v14 =	vsel vm0, v25, v27;
	v11 =	vld.idx.msk [tilespmem:v11+s2+$0x0], $0xffff;
	[tilespmem:v9+s23+$0x0] =	vst.idx.msk $0xffff, v15  }
0x313: {  	v15 =	vadd.s32 v5, v22;
	v7 =	vsel vm1, v26, v7;
	v9 =	vadd.s32 v6, v14  }
0x314: {  	v19 =	vor.u32 v19, v20;
	v15 =	vor.u32 v21, v15;
	v22 =	vadd.s32 v6, v7;
	v12 =	vld.idx.msk [tilespmem:v12+s2+$0x0], $0xffff  }
0x315: {  	v20 =	vand.u32 $0xFFFFFF80, v23;
	v21 =	vand.u32 $0xFFFFFF80, v24;
	v24 =	vand.u32 $0x7F, v24;
	v16 =	vld.idx.msk [tilespmem:v16+s2+$0x0], $0xffff;
	[tilespmem:v8+s23+$0x0] =	vst.idx.msk $0xffff, v17  }
0x316: {  	v8 =	vand.u32 $0x7F, v23;
	v17 =	vadd.s32 v5, v20;
	v20 =	vadd.s32 v5, v21;
	v18 =	vld.idx.msk [tilespmem:v18+s2+$0x0], $0xffff  }
0x317: {  	v21 =	vand.u32 $0xFFFFFF80, v14;
	v8 =	vor.u32 v8, v17;
	v17 =	vor.u32 v24, v20;
	v13 =	vld.idx.msk [tilespmem:v13+s2+$0x0], $0xffff  }
0x318: {  	v14 =	vand.u32 $0x7F, v14;
	v20 =	vand.u32 $0xFFFFFF80, v7;
	v21 =	vadd.s32 v5, v21;
	v9 =	vld.idx.msk [tilespmem:v9+s2+$0x0], $0xffff;
	[tilespmem:v10+s23+$0x0] =	vst.idx.msk $0xffff, v11  }
0x319: {  	v7 =	vand.u32 $0x7F, v7;
	v14 =	vor.u32 v14, v21;
	v11 =	vadd.s32 v5, v20;
	v10 =	vld.idx.msk [tilespmem:v22+s2+$0x0], $0xffff  }
0x31a: {  	v20 =	vmov s31;
	v7 =	vor.u32 v7, v11;
	[tilespmem:v19+s23+$0x0] =	vst.idx.msk $0xffff, v12  }
0x31b: {  	s0 =	sadd.s32 $0xF, s31;
	v11 =	vor.u32 s31, v0;
	vm0 =	vlt.u32 v20, $0x50;
	v12 =	vadd.s32 s31, v2;
	[tilespmem:v15+s23+$0x0] =	vst.idx.msk $0xffff, v16  }
0x31c: {  	v11 =	vsel vm0, v11, v12;
	v12 =	vadd.s32 s0, v0;
	[tilespmem:v17+s23+$0x0] =	vst.idx.msk $0xffff, v18  }
0x31d: {  	v16 =	vadd.s32 s0, v2;
	v15 =	vand.u32 $0xFFFFFF80, v11;
	vm0 =	vlt.u32 v12, $0x50;
	[tilespmem:v8+s23+$0x0] =	vst.idx.msk $0xffff, v13  }
0x31e: {  	v8 =	vand.u32 $0x7F, v11;
	v13 =	vadd.s32 v5, v15;
	v12 =	vsel vm0, v12, v16;
	[tilespmem:v14+s23+$0x0] =	vst.idx.msk $0xffff, v9  }
0x31f: {  	s0 =	sadd.s32 $0xE, s31;
	v9 =	vadd.s32 v6, v11;
	v13 =	vor.u32 v8, v13;
	v8 =	vand.u32 $0x7F, v12;
	[tilespmem:v7+s23+$0x0] =	vst.idx.msk $0xffff, v10  }
0x320: {  	v11 =	vand.u32 $0xFFFFFF80, v12;
	v7 =	vadd.s32 s0, v0;
	v10 =	vadd.s32 v6, v12  }
0x321: {  	s1 =	sadd.s32 $0xD, s31;
	v12 =	vadd.s32 s0, v2;
	v11 =	vadd.s32 v5, v11;
	vm0 =	vlt.u32 v7, $0x50  }
0x322: {  	v14 =	vadd.s32 s1, v0;
	v7 =	vsel vm0, v7, v12;
	v12 =	vor.u32 v8, v11  }
0x323: {  	vm0 =	vlt.u32 v14, $0x50;
	v8 =	vadd.s32 s1, v2;
	v11 =	vand.u32 $0xFFFFFF80, v7  }
0x324: {  	v8 =	vsel vm0, v14, v8;
	v14 =	vand.u32 $0x7F, v7;
	v11 =	vadd.s32 v5, v11  }
0x325: {  	s0 =	sadd.s32 $0xC, s31;
	v16 =	vadd.s32 v6, v7;
	v15 =	vand.u32 $0x7F, v8;
	v17 =	vor.u32 v14, v11  }
0x326: {  	v7 =	vadd.s32 s0, v0;
	v14 =	vadd.s32 v6, v8;
	v8 =	vand.u32 $0xFFFFFF80, v8  }
0x327: {  	s1 =	sadd.s32 $0xB, s31;
	vm0 =	vlt.u32 v7, $0x50;
	v11 =	vadd.s32 s0, v2;
	v8 =	vadd.s32 v5, v8  }
0x328: {  	v18 =	vadd.s32 s1, v0;
	v7 =	vsel vm0, v7, v11;
	v23 =	vor.u32 v15, v8  }
0x329: {  	vm0 =	vlt.u32 v18, $0x50;
	v8 =	vadd.s32 s1, v2;
	v11 =	vand.u32 $0xFFFFFF80, v7  }
0x32a: {  	v15 =	vand.u32 $0x7F, v7;
	v8 =	vsel vm0, v18, v8;
	v11 =	vadd.s32 v5, v11  }
0x32b: {  	s0 =	sadd.s32 $0xA, s31;
	v19 =	vadd.s32 v6, v7;
	v18 =	vand.u32 $0x7F, v8;
	v24 =	vor.u32 v15, v11  }
0x32c: {  	v7 =	vadd.s32 s0, v0;
	v15 =	vadd.s32 v6, v8;
	v8 =	vand.u32 $0xFFFFFF80, v8  }
0x32d: {  	s1 =	sadd.s32 $0x9, s31;
	vm0 =	vlt.u32 v7, $0x50;
	v11 =	vadd.s32 s0, v2;
	v8 =	vadd.s32 v5, v8  }
0x32e: {  	v20 =	vadd.s32 s1, v0;
	v7 =	vsel vm0, v7, v11;
	v26 =	vor.u32 v18, v8  }
0x32f: {  	vm0 =	vlt.u32 v20, $0x50;
	v8 =	vadd.s32 s1, v2;
	v11 =	vand.u32 $0xFFFFFF80, v7  }
0x330: {  	v18 =	vand.u32 $0x7F, v7;
	v8 =	vsel vm0, v20, v8;
	v11 =	vadd.s32 v5, v11  }
0x331: {  	s0 =	sadd.s32 $0x8, s31;
	v21 =	vadd.s32 v6, v7;
	v20 =	vand.u32 $0x7F, v8;
	v7 =	vor.u32 v18, v11  }
0x332: {  	v11 =	vadd.s32 s0, v0;
	v18 =	vadd.s32 v6, v8;
	v8 =	vand.u32 $0xFFFFFF80, v8  }
0x333: {  	v22 =	vadd.s32 s0, v2;
	s1 =	sadd.s32 $0x7, s31;
	vm0 =	vlt.u32 v11, $0x50;
	v8 =	vadd.s32 v5, v8  }
0x334: {  	v27 =	vadd.s32 s1, v0;
	v11 =	vsel vm0, v11, v22;
	v25 =	vld.idx.msk [tilespmem:v9+s2+$0x0], $0xffff;
	v9 =	vor.u32 v20, v8  }
0x335: {  	vm0 =	vlt.u32 v27, $0x50;
	v8 =	vadd.s32 s1, v2;
	v20 =	vand.u32 $0xFFFFFF80, v11;
	v22 =	vld.idx.msk [tilespmem:v10+s2+$0x0], $0xffff  }
0x336: {  	v10 =	vsel vm0, v27, v8;
	v8 =	vand.u32 $0x7F, v11;
	v20 =	vadd.s32 v5, v20  }
0x337: {  	s0 =	sadd.s32 $0x6, s31;
	v28 =	vadd.s32 v6, v11;
	v27 =	vand.u32 $0x7F, v10;
	v8 =	vor.u32 v8, v20;
	v16 =	vld.idx.msk [tilespmem:v16+s2+$0x0], $0xffff  }
0x338: {  	v20 =	vadd.s32 s0, v0;
	v11 =	vadd.s32 v6, v10;
	v10 =	vand.u32 $0xFFFFFF80, v10;
	v29 =	vld.idx.msk [tilespmem:v14+s2+$0x0], $0xffff  }
0x339: {  	s1 =	sadd.s32 $0x5, s31;
	vm0 =	vlt.u32 v20, $0x50;
	v10 =	vadd.s32 v5, v10;
	v14 =	vadd.s32 s0, v2;
	v30 =	vld.idx.msk [tilespmem:v19+s2+$0x0], $0xffff  }
0x33a: {  	v10 =	vor.u32 v27, v10;
	v14 =	vsel vm0, v20, v14;
	[tilespmem:v13+s23+$0x0] =	vst.idx.msk $0xffff, v25;
	v13 =	vadd.s32 s1, v0  }
0x33b: {  	v20 =	vadd.s32 s1, v2;
	v19 =	vand.u32 $0x7F, v14;
	vm0 =	vlt.u32 v13, $0x50;
	v27 =	vld.idx.msk [tilespmem:v15+s2+$0x0], $0xffff;
	[tilespmem:v12+s23+$0x0] =	vst.idx.msk $0xffff, v22  }
0x33c: {  	v12 =	vadd.s32 v6, v14;
	v15 =	vand.u32 $0xFFFFFF80, v14;
	v13 =	vsel vm0, v13, v20;
	v14 =	vld.idx.msk [tilespmem:v21+s2+$0x0], $0xffff  }
.Ltmp9:
0x33d: {  	s0 =	sadd.s32 $0x3, s31;
	s1 =	sadd.s32 $0x4, s31;
	v20 =	vadd.s32 v5, v15;
	v22 =	vand.u32 $0xFFFFFF80, v13;
	v21 =	vand.u32 $0x7F, v13;
	v15 =	vld.idx.msk [tilespmem:v18+s2+$0x0], $0xffff;
	[tilespmem:v17+s23+$0x0] =	vst.idx.msk $0xffff, v16;
	(pc) =	sbr.rel @p0 .LBB2_22-.Ltmp9, $4  }
0x33e: {  	v16 =	vadd.s32 s0, v0;
	v17 =	vadd.s32 s1, v0;
	v18 =	vadd.s32 s1, v2;
	[tilespmem:v23+s23+$0x0] =	vst.idx.msk $0xffff, v29  }
0x33f: {  	vm0 =	vlt.u32 v16, $0x50;
	v23 =	vadd.s32 s0, v2;
	vm1 =	vlt.u32 v17, $0x50;
	[tilespmem:v24+s23+$0x0] =	vst.idx.msk $0xffff, v30  }
0x340: {  	s0 =	sadd.s32 $0x2, s31;
	v23 =	vsel vm0, v16, v23;
	v24 =	vsel vm1, v17, v18;
	v16 =	vadd.s32 v6, v13;
	v17 =	vld.idx.msk [tilespmem:v28+s2+$0x0], $0xffff  }
0x341: {  	s1 =	sadd.s32 $0x1, s31;
	s31 =	sadd.s32 $0x10, s31;
	v25 =	vadd.s32 s0, v0;
	v13 =	vadd.s32 v6, v23;
	v18 =	vadd.s32 v6, v24;
	[tilespmem:v26+s23+$0x0] =	vst.idx.msk $0xffff, v27  }
0x342: {  	v26 =	vadd.s32 s1, v0;
	vm0 =	vlt.u32 v25, $0x50  }
0x343: {  	v27 =	vadd.s32 s0, v2;
	v28 =	vadd.s32 s1, v2;
	v22 =	vadd.s32 v5, v22  }
0x344: {  	v19 =	vor.u32 v19, v20;
	v20 =	vand.u32 $0xFFFFFF80, v24;
	vm1 =	vlt.u32 v26, $0x50  }
0x345: {  	s9 =	simm.s32 $0xF;
	s11 =	simm.s32 $0xE;
	v25 =	vsel vm0, v25, v27;
	v21 =	vor.u32 v21, v22;
	v22 =	vand.u32 $0x7F, v24  }
0x346: {  	s3 =	sor.u32 $0x30, s30;
	s13 =	simm.s32 $0xD;
	s30 =	simm.s32 $0xC;
	v20 =	vadd.s32 v5, v20;
	v30 =	vadd.s32 s9, v2;
	v50 =	vadd.s32 s11, v0  }
0x347: {  	s31 =	simm.s32 $0xB;
	v51 =	vadd.s32 s11, v2;
	v32 =	vadd.s32 s13, v0;
	v52 =	vadd.s32 s30, v0  }
0x348: {  	v33 =	vadd.s32 s13, v2;
	v34 =	vadd.s32 s30, v2;
	v53 =	vadd.s32 s31, v0  }
0x349: {  	v54 =	vadd.s32 s31, v2;
	v26 =	vsel vm1, v26, v28;
	v27 =	vadd.s32 v6, v25  }
0x34a: {  	v29 =	vand.u32 $0xFFFFFF80, v25;
	v20 =	vor.u32 v22, v20;
	v22 =	vand.u32 $0x7F, v25  }
0x34b: {  	s7 =	sand.u32 $0x70, s3;
	vm4 =	vlt.u32 v50, $0x50;
	vm5 =	vlt.u32 v32, $0x50;
	vm6 =	vlt.u32 v52, $0x50  }
0x34c: {  	s1 =	sadd.s32 s7, s29;
	vm7 =	vlt.u32 v53, $0x50;
	v28 =	vadd.s32 v6, v26;
	v6 =	vand.u32 $0xFFFFFF80, v23  }
0x34d: {  	s7 =	simm.s32 $0x9;
	v23 =	vand.u32 $0x7F, v23;
	v24 =	vld.idx.msk [tilespmem:v4+s1+$0x0 ss:$0x1], $0xffff;
	v25 =	vadd.s32 v5, v29;
	v32 =	vsel vm5, v32, v33  }
0x34e: {  	v33 =	vsel vm7, v53, v54;
	v55 =	vadd.s32 s7, v0;
	v6 =	vadd.s32 v5, v6  }
0x34f: {  	[tilespmem:v7+s23+$0x0] =	vst.idx.msk $0xffff, v14;
	v37 =	vadd.s32 s7, v2;
	v23 =	vor.u32 v23, v6;
	v6 =	vand.u32 $0xFFFFFF80, v26  }
0x350: {  	v7 =	vld.idx.msk [tilespmem:v11+s2+$0x0], $0xffff;
	v22 =	vor.u32 v22, v25;
	v26 =	vand.u32 $0x7F, v26;
	v5 =	vadd.s32 v5, v6  }
0x351: {  	s8 =	simm.s32 $0x0;
	[tilespmem:v8+s23+$0x0] =	vst.idx.msk $0xffff, v17;
	vm9 =	vlt.u32 v55, $0x50;
	v8 =	vand.u32 $0x7F, v32;
	v25 =	vor.u32 v26, v5  }
0x352: {  	v5 =	vmov s3;
	v26 =	vor.u32 s8, v0;
	s3 =	simm.s32 $0xA;
	v6 =	vshll.u32 v24, $0x7  }
0x353: {  	v5 =	vshll.u32 v5, $0x7;
	v24 =	vmov s8;
	v35 =	vadd.s32 s3, v0  }
0x354: {  	v12 =	vld.idx.msk [tilespmem:v12+s2+$0x0], $0xffff;
	v36 =	vadd.s32 s3, v2;
	vm14 =	vlt.u32 v24, $0x50;
	v24 =	vadd.s32 s8, v2  }
0x355: {  	[tilespmem:v10+s23+$0x0] =	vst.idx.msk $0xffff, v7;
	v5 =	vor.u32 v1, v5;
	vm8 =	vlt.u32 v35, $0x50;
	v10 =	vadd.s32 v6, v32  }
0x356: {  	s8 =	simm.s32 $0x8;
	v24 =	vsel vm14, v26, v24;
	v26 =	vadd.s32 s9, v0;
	v35 =	vsel vm8, v35, v36  }
0x357: {  	v56 =	vadd.s32 s8, v0;
	v57 =	vadd.s32 s8, v2;
	v49 =	vand.u32 $0xFFFFFF80, v24  }
0x358: {  	v18 =	vld.idx.msk [tilespmem:v18+s2+$0x0], $0xffff;
	s9 =	simm.s32 $0x7;
	vm15 =	vlt.u32 v26, $0x50;
	v31 =	vand.u32 $0x7F, v24;
	v24 =	vadd.s32 v6, v24  }
0x359: {  	[tilespmem:v19+s23+$0x0] =	vst.idx.msk $0xffff, v12;
	vm10 =	vlt.u32 v56, $0x50;
	v38 =	vadd.s32 s9, v0;
	v58 =	vadd.s32 s9, v2  }
0x35a: {  	v16 =	vld.idx.msk [tilespmem:v16+s2+$0x0], $0xffff;
	v19 =	vadd.s32 v6, v35;
	v29 =	vadd.s32 v5, v49;
	v26 =	vsel vm15, v26, v30  }
0x35b: {  	[tilespmem:v9+s23+$0x0] =	vst.idx.msk $0xffff, v15;
	v30 =	vsel vm4, v50, v51;
	v36 =	vsel vm10, v56, v57;
	vm11 =	vlt.u32 v38, $0x50  }
0x35c: {  	v29 =	vor.u32 v31, v29;
	v31 =	vsel vm6, v52, v34;
	v34 =	vsel vm9, v55, v37  }
0x35d: {  	[tilespmem:v20+s23+$0x0] =	vst.idx.msk $0xffff, v18;
	v14 =	vsel vm11, v38, v58;
	v11 =	vand.u32 $0x7F, v26;
	v59 =	vand.u32 $0xFFFFFF80, v26  }
0x35e: {  	v18 =	vld.idx.msk [tilespmem:v28+s2+$0x0], $0xffff;
	v15 =	vadd.s32 v6, v26;
	v26 =	vand.u32 $0xFFFFFF80, v30;
	v9 =	vadd.s32 v5, v59  }
0x35f: {  	[tilespmem:v21+s23+$0x0] =	vst.idx.msk $0xffff, v16;
	v17 =	vadd.s32 v6, v30;
	v21 =	vand.u32 $0xFFFFFF80, v36;
	v37 =	vor.u32 v11, v9  }
0x360: {  	v9 =	vand.u32 $0x7F, v30;
	v11 =	vadd.s32 v5, v26;
	v26 =	vand.u32 $0xFFFFFF80, v32  }
0x361: {  	v60 =	vor.u32 v9, v11;
	v9 =	vadd.s32 v5, v26;
	v11 =	vand.u32 $0xFFFFFF80, v31  }
0x362: {  	s13 =	simm.s32 $0x5;
	v7 =	vand.u32 $0x7F, v31;
	v26 =	vor.u32 v8, v9;
	v8 =	vadd.s32 v5, v11;
	v9 =	vld.idx.msk [tilespmem:v13+s2+$0x0], $0xffff  }
0x363: {  	[tilespmem:v25+s23+$0x0] =	vst.idx.msk $0xffff, v18;
	v25 =	vadd.s32 s13, v0;
	v11 =	vld.idx.msk [tilespmem:v27+s2+$0x0], $0xffff;
	v61 =	vor.u32 v7, v8;
	v7 =	vand.u32 $0xFFFFFF80, v33  }
0x364: {  	v12 =	vadd.s32 v6, v31;
	v18 =	vld.idx.msk [tilespmem:v10+s2+$0x0], $0xffff;
	v8 =	vand.u32 $0x7F, v33;
	v7 =	vadd.s32 v5, v7  }
0x365: {  	v16 =	vand.u32 $0x7F, v34;
	v62 =	vor.u32 v8, v7;
	v7 =	vand.u32 $0xFFFFFF80, v35  }
0x366: {  	s11 =	simm.s32 $0x6;
	v20 =	vadd.s32 v6, v34;
	v17 =	vld.idx.msk [tilespmem:v17+s2+$0x0], $0xffff;
	v8 =	vand.u32 $0x7F, v35;
	v7 =	vadd.s32 v5, v7  }
0x367: {  	v10 =	vadd.s32 s11, v2;
	v13 =	vadd.s32 v6, v33;
	v8 =	vor.u32 v8, v7;
	[tilespmem:v23+s23+$0x0] =	vst.idx.msk $0xffff, v9  }
0x368: {  	s30 =	simm.s32 $0x3;
	vm13 =	vlt.u32 v25, $0x50;
	v7 =	vand.u32 $0xFFFFFF80, v34;
	v23 =	vld.idx.msk [tilespmem:v24+s2+$0x0], $0xffff;
	v24 =	vadd.s32 v6, v36;
	[tilespmem:v22+s23+$0x0] =	vst.idx.msk $0xffff, v11  }
0x369: {  	v11 =	vadd.s32 v6, v14;
	[tilespmem:v26+s23+$0x0] =	vst.idx.msk $0xffff, v18;
	v18 =	vadd.s32 s30, v2;
	v7 =	vadd.s32 v5, v7  }
0x36a: {  	v9 =	vor.u32 v16, v7;
	v7 =	vand.u32 $0x7F, v36;
	v16 =	vadd.s32 v5, v21  }
0x36b: {  	v15 =	vld.idx.msk [tilespmem:v15+s2+$0x0], $0xffff;
	[tilespmem:v60+s23+$0x0] =	vst.idx.msk $0xffff, v17;
	v17 =	vadd.s32 s30, v0;
	v21 =	vadd.s32 s11, v0;
	v7 =	vor.u32 v7, v16  }
0x36c: {  	v22 =	vld.idx.msk [tilespmem:v12+s2+$0x0], $0xffff;
	v16 =	vand.u32 $0x7F, v14;
	v14 =	vand.u32 $0xFFFFFF80, v14;
	vm12 =	vlt.u32 v21, $0x50  }
0x36d: {  	vm14 =	vlt.u32 v17, $0x50;
	v14 =	vadd.s32 v5, v14;
	v21 =	vsel vm12, v21, v10  }
0x36e: {  	v27 =	vld.idx.msk [tilespmem:v13+s2+$0x0], $0xffff;
	v10 =	vor.u32 v16, v14;
	[tilespmem:v29+s23+$0x0] =	vst.idx.msk $0xffff, v23;
	v14 =	vadd.s32 s13, v2;
	v12 =	vand.u32 $0x7F, v21  }
0x36f: {  	s31 =	simm.s32 $0x4;
	v13 =	vadd.s32 v6, v21;
	v23 =	vsel vm13, v25, v14;
	v14 =	vand.u32 $0xFFFFFF80, v21;
	v21 =	vld.idx.msk [tilespmem:v19+s2+$0x0], $0xffff  }
0x370: {  	v63 =	vadd.s32 s31, v2;
	[tilespmem:v37+s23+$0x0] =	vst.idx.msk $0xffff, v15;
	v17 =	vsel vm14, v17, v18;
	v25 =	vadd.s32 s31, v0;
	v19 =	vld.idx.msk [tilespmem:v20+s2+$0x0], $0xffff  }
0x371: {  	[tilespmem:v61+s23+$0x0] =	vst.idx.msk $0xffff, v22;
	v20 =	vadd.s32 v6, v17;
	v16 =	vand.u32 $0xFFFFFF80, v23;
	vm15 =	vlt.u32 v25, $0x50  }
0x372: {  	s0 =	simm.s32 $0x2;
	v18 =	vld.idx.msk [tilespmem:v24+s2+$0x0], $0xffff;
	v15 =	vand.u32 $0x7F, v23;
	v14 =	vadd.s32 v5, v14;
	v22 =	vsel vm15, v25, v63  }
0x373: {  	s29 =	simm.s32 $0x10;
	s1 =	simm.s32 $0x1;
	[tilespmem:v62+s23+$0x0] =	vst.idx.msk $0xffff, v27;
	v23 =	vadd.s32 v6, v23;
	v25 =	vadd.s32 s0, v0;
	v24 =	vadd.s32 v6, v22  }
.LBB2_24:
0x374: {  	p0 =	slt.u32 s29, $0x40;
	v26 =	vadd.s32 s1, v0;
	vm0 =	vlt.u32 v25, $0x50;
	v27 =	vadd.s32 s0, v2;
	[tilespmem:v8+s23+$0x0] =	vst.idx.msk $0xffff, v21  }
0x375: {  	v8 =	vadd.s32 s1, v2;
	vm1 =	vlt.u32 v26, $0x50;
	v21 =	vsel vm0, v25, v27;
	v11 =	vld.idx.msk [tilespmem:v11+s2+$0x0], $0xffff;
	[tilespmem:v9+s23+$0x0] =	vst.idx.msk $0xffff, v19  }
0x376: {  	v16 =	vadd.s32 v5, v16;
	v8 =	vsel vm1, v26, v8;
	v9 =	vadd.s32 v6, v21  }
0x377: {  	v12 =	vor.u32 v12, v14;
	v15 =	vor.u32 v15, v16;
	v19 =	vadd.s32 v6, v8;
	v13 =	vld.idx.msk [tilespmem:v13+s2+$0x0], $0xffff  }
0x378: {  	v14 =	vand.u32 $0xFFFFFF80, v17;
	v16 =	vand.u32 $0xFFFFFF80, v22;
	v22 =	vand.u32 $0x7F, v22;
	v23 =	vld.idx.msk [tilespmem:v23+s2+$0x0], $0xffff;
	[tilespmem:v7+s23+$0x0] =	vst.idx.msk $0xffff, v18  }
0x379: {  	v14 =	vadd.s32 v5, v14;
	v16 =	vadd.s32 v5, v16;
	v7 =	vand.u32 $0x7F, v17;
	v17 =	vld.idx.msk [tilespmem:v24+s2+$0x0], $0xffff  }
0x37a: {  	v18 =	vand.u32 $0xFFFFFF80, v21;
	v7 =	vor.u32 v7, v14;
	v14 =	vor.u32 v22, v16;
	v20 =	vld.idx.msk [tilespmem:v20+s2+$0x0], $0xffff  }
0x37b: {  	v21 =	vand.u32 $0x7F, v21;
	v16 =	vand.u32 $0xFFFFFF80, v8;
	v18 =	vadd.s32 v5, v18;
	v9 =	vld.idx.msk [tilespmem:v9+s2+$0x0], $0xffff;
	[tilespmem:v10+s23+$0x0] =	vst.idx.msk $0xffff, v11  }
0x37c: {  	v8 =	vand.u32 $0x7F, v8;
	v11 =	vadd.s32 v5, v16;
	v16 =	vor.u32 v21, v18;
	v10 =	vld.idx.msk [tilespmem:v19+s2+$0x0], $0xffff  }
0x37d: {  	v18 =	vmov s29;
	v8 =	vor.u32 v8, v11;
	[tilespmem:v12+s23+$0x0] =	vst.idx.msk $0xffff, v13  }
0x37e: {  	s0 =	sadd.s32 $0xF, s29;
	v11 =	vor.u32 s29, v0;
	vm0 =	vlt.u32 v18, $0x50;
	v12 =	vadd.s32 s29, v2;
	[tilespmem:v15+s23+$0x0] =	vst.idx.msk $0xffff, v23  }
0x37f: {  	v11 =	vsel vm0, v11, v12;
	v12 =	vadd.s32 s0, v0;
	[tilespmem:v14+s23+$0x0] =	vst.idx.msk $0xffff, v17  }
0x380: {  	v13 =	vand.u32 $0xFFFFFF80, v11;
	vm0 =	vlt.u32 v12, $0x50;
	v14 =	vadd.s32 s0, v2;
	[tilespmem:v7+s23+$0x0] =	vst.idx.msk $0xffff, v20  }
0x381: {  	v7 =	vand.u32 $0x7F, v11;
	v13 =	vadd.s32 v5, v13;
	v12 =	vsel vm0, v12, v14;
	[tilespmem:v16+s23+$0x0] =	vst.idx.msk $0xffff, v9  }
0x382: {  	s0 =	sadd.s32 $0xE, s29;
	v9 =	vadd.s32 v6, v11;
	v13 =	vor.u32 v7, v13;
	v7 =	vand.u32 $0x7F, v12;
	[tilespmem:v8+s23+$0x0] =	vst.idx.msk $0xffff, v10  }
0x383: {  	v11 =	vand.u32 $0xFFFFFF80, v12;
	v8 =	vadd.s32 s0, v0;
	v10 =	vadd.s32 v6, v12  }
0x384: {  	s1 =	sadd.s32 $0xD, s29;
	v12 =	vadd.s32 s0, v2;
	v11 =	vadd.s32 v5, v11;
	vm0 =	vlt.u32 v8, $0x50  }
0x385: {  	v14 =	vadd.s32 s1, v0;
	v15 =	vor.u32 v7, v11;
	v8 =	vsel vm0, v8, v12  }
0x386: {  	v7 =	vadd.s32 s1, v2;
	vm0 =	vlt.u32 v14, $0x50;
	v11 =	vand.u32 $0xFFFFFF80, v8  }
0x387: {  	v7 =	vsel vm0, v14, v7;
	v12 =	vand.u32 $0x7F, v8;
	v11 =	vadd.s32 v5, v11  }
0x388: {  	s0 =	sadd.s32 $0xC, s29;
	v16 =	vadd.s32 v6, v8;
	v14 =	vand.u32 $0x7F, v7;
	v17 =	vor.u32 v12, v11  }
0x389: {  	v8 =	vadd.s32 s0, v0;
	v12 =	vadd.s32 v6, v7;
	v7 =	vand.u32 $0xFFFFFF80, v7  }
0x38a: {  	s1 =	sadd.s32 $0xB, s29;
	vm0 =	vlt.u32 v8, $0x50;
	v11 =	vadd.s32 s0, v2;
	v7 =	vadd.s32 v5, v7  }
0x38b: {  	v18 =	vadd.s32 s1, v0;
	v8 =	vsel vm0, v8, v11;
	v20 =	vor.u32 v14, v7  }
0x38c: {  	vm0 =	vlt.u32 v18, $0x50;
	v7 =	vadd.s32 s1, v2;
	v11 =	vand.u32 $0xFFFFFF80, v8  }
0x38d: {  	v14 =	vand.u32 $0x7F, v8;
	v7 =	vsel vm0, v18, v7;
	v11 =	vadd.s32 v5, v11  }
0x38e: {  	s0 =	sadd.s32 $0xA, s29;
	v19 =	vadd.s32 v6, v8;
	v18 =	vand.u32 $0x7F, v7;
	v22 =	vor.u32 v14, v11  }
0x38f: {  	v8 =	vadd.s32 s0, v0;
	v14 =	vadd.s32 v6, v7;
	v7 =	vand.u32 $0xFFFFFF80, v7  }
0x390: {  	s1 =	sadd.s32 $0x9, s29;
	vm0 =	vlt.u32 v8, $0x50;
	v11 =	vadd.s32 s0, v2;
	v7 =	vadd.s32 v5, v7  }
0x391: {  	v21 =	vadd.s32 s1, v0;
	v8 =	vsel vm0, v8, v11;
	v26 =	vor.u32 v18, v7  }
0x392: {  	vm0 =	vlt.u32 v21, $0x50;
	v7 =	vadd.s32 s1, v2;
	v11 =	vand.u32 $0xFFFFFF80, v8  }
0x393: {  	v18 =	vand.u32 $0x7F, v8;
	v7 =	vsel vm0, v21, v7;
	v11 =	vadd.s32 v5, v11  }
0x394: {  	s0 =	sadd.s32 $0x8, s29;
	v23 =	vadd.s32 v6, v8;
	v21 =	vand.u32 $0x7F, v7;
	v8 =	vor.u32 v18, v11  }
0x395: {  	v11 =	vadd.s32 s0, v0;
	v18 =	vadd.s32 v6, v7;
	v7 =	vand.u32 $0xFFFFFF80, v7  }
0x396: {  	v24 =	vadd.s32 s0, v2;
	s1 =	sadd.s32 $0x7, s29;
	vm0 =	vlt.u32 v11, $0x50;
	v7 =	vadd.s32 v5, v7  }
0x397: {  	v27 =	vadd.s32 s1, v0;
	v11 =	vsel vm0, v11, v24;
	v25 =	vld.idx.msk [tilespmem:v9+s2+$0x0], $0xffff;
	v9 =	vor.u32 v21, v7  }
0x398: {  	vm0 =	vlt.u32 v27, $0x50;
	v7 =	vadd.s32 s1, v2;
	v21 =	vand.u32 $0xFFFFFF80, v11;
	v24 =	vld.idx.msk [tilespmem:v10+s2+$0x0], $0xffff  }
0x399: {  	v10 =	vsel vm0, v27, v7;
	v7 =	vand.u32 $0x7F, v11;
	v21 =	vadd.s32 v5, v21  }
0x39a: {  	s0 =	sadd.s32 $0x6, s29;
	v28 =	vadd.s32 v6, v11;
	v27 =	vand.u32 $0x7F, v10;
	v7 =	vor.u32 v7, v21;
	v29 =	vld.idx.msk [tilespmem:v16+s2+$0x0], $0xffff  }
0x39b: {  	v11 =	vadd.s32 v6, v10;
	v10 =	vand.u32 $0xFFFFFF80, v10;
	v16 =	vadd.s32 s0, v0;
	v30 =	vld.idx.msk [tilespmem:v12+s2+$0x0], $0xffff  }
0x39c: {  	s1 =	sadd.s32 $0x5, s29;
	v10 =	vadd.s32 v5, v10;
	vm0 =	vlt.u32 v16, $0x50;
	v12 =	vadd.s32 s0, v2;
	v31 =	vld.idx.msk [tilespmem:v19+s2+$0x0], $0xffff  }
0x39d: {  	v10 =	vor.u32 v27, v10;
	v16 =	vsel vm0, v16, v12;
	[tilespmem:v13+s23+$0x0] =	vst.idx.msk $0xffff, v25;
	v13 =	vadd.s32 s1, v0  }
0x39e: {  	v19 =	vadd.s32 s1, v2;
	v12 =	vand.u32 $0x7F, v16;
	vm0 =	vlt.u32 v13, $0x50;
	v27 =	vld.idx.msk [tilespmem:v14+s2+$0x0], $0xffff;
	[tilespmem:v15+s23+$0x0] =	vst.idx.msk $0xffff, v24  }
0x39f: {  	v14 =	vand.u32 $0xFFFFFF80, v16;
	v24 =	vsel vm0, v13, v19;
	v13 =	vadd.s32 v6, v16;
	v21 =	vld.idx.msk [tilespmem:v23+s2+$0x0], $0xffff  }
.Ltmp10:
0x3a0: {  	s0 =	sadd.s32 $0x3, s29;
	s1 =	sadd.s32 $0x4, s29;
	v14 =	vadd.s32 v5, v14;
	v16 =	vand.u32 $0xFFFFFF80, v24;
	v15 =	vand.u32 $0x7F, v24;
	v19 =	vld.idx.msk [tilespmem:v18+s2+$0x0], $0xffff;
	[tilespmem:v17+s23+$0x0] =	vst.idx.msk $0xffff, v29;
	(pc) =	sbr.rel @p0 .LBB2_24-.Ltmp10, $4  }
0x3a1: {  	v23 =	vadd.s32 s1, v2;
	v17 =	vadd.s32 s0, v0;
	v18 =	vadd.s32 s1, v0;
	[tilespmem:v20+s23+$0x0] =	vst.idx.msk $0xffff, v30  }
0x3a2: {  	vm0 =	vlt.u32 v17, $0x50;
	v20 =	vadd.s32 s0, v2;
	vm1 =	vlt.u32 v18, $0x50;
	[tilespmem:v22+s23+$0x0] =	vst.idx.msk $0xffff, v31  }
0x3a3: {  	s0 =	sadd.s32 $0x2, s29;
	v17 =	vsel vm0, v17, v20;
	v22 =	vsel vm1, v18, v23;
	v23 =	vadd.s32 v6, v24;
	v18 =	vld.idx.msk [tilespmem:v28+s2+$0x0], $0xffff  }
0x3a4: {  	s1 =	sadd.s32 $0x1, s29;
	s29 =	sadd.s32 $0x10, s29;
	v25 =	vadd.s32 s0, v0;
	v20 =	vadd.s32 v6, v17;
	v24 =	vadd.s32 v6, v22;
	[tilespmem:v26+s23+$0x0] =	vst.idx.msk $0xffff, v27  }
0x3a5: {  	_ = 	snop  }
0x3a6: {  	v26 =	vadd.s32 s1, v0  }
0x3a7: {  	vm0 =	vlt.u32 v25, $0x50;
	v27 =	vadd.s32 s0, v2;
	v52 =	vadd.s32 s1, v2  }
0x3a8: {  	v16 =	vadd.s32 v5, v16;
	v12 =	vor.u32 v12, v14;
	v54 =	vand.u32 $0xFFFFFF80, v17  }
0x3a9: {  	[tilespmem:v8+s23+$0x0] =	vst.idx.msk $0xffff, v21;
	v11 =	vld.idx.msk [tilespmem:v11+s2+$0x0], $0xffff;
	v55 =	vand.u32 $0xFFFFFF80, v22;
	vm1 =	vlt.u32 v26, $0x50;
	v53 =	vsel vm0, v25, v27  }
0x3aa: {  	v13 =	vld.idx.msk [tilespmem:v13+s2+$0x0], $0xffff;
	v56 =	vand.u32 $0x7F, v22;
	v8 =	vsel vm1, v26, v52;
	v25 =	vadd.s32 v6, v53  }
0x3ab: {  	[tilespmem:v9+s23+$0x0] =	vst.idx.msk $0xffff, v19;
	v58 =	vand.u32 $0x7F, v17;
	v15 =	vor.u32 v15, v16;
	v6 =	vadd.s32 v6, v8  }
0x3ac: {  	v57 =	vld.idx.msk [tilespmem:v23+s2+$0x0], $0xffff;
	v9 =	vadd.s32 v5, v54;
	v14 =	vadd.s32 v5, v55;
	v60 =	vand.u32 $0xFFFFFF80, v53  }
0x3ad: {  	v59 =	vld.idx.msk [tilespmem:v24+s2+$0x0], $0xffff;
	v9 =	vor.u32 v58, v9;
	v14 =	vor.u32 v56, v14;
	v62 =	vand.u32 $0x7F, v53  }
0x3ae: {  	v20 =	vld.idx.msk [tilespmem:v20+s2+$0x0], $0xffff;
	[tilespmem:v7+s23+$0x0] =	vst.idx.msk $0xffff, v18;
	v7 =	vand.u32 $0xFFFFFF80, v8;
	v63 =	vadd.s32 v5, v60;
	v8 =	vand.u32 $0x7F, v8  }
0x3af: {  	v5 =	vadd.s32 v5, v7;
	v7 =	vor.u32 v62, v63;
	[tilespmem:v10+s23+$0x0] =	vst.idx.msk $0xffff, v11;
	v61 =	vld.idx.msk [tilespmem:v25+s2+$0x0], $0xffff  }
0x3b0: {  	p0 =	slt.u32 s28, $0x8;
	v5 =	vor.u32 v8, v5;
	[tilespmem:v12+s23+$0x0] =	vst.idx.msk $0xffff, v13;
	v6 =	vld.idx.msk [tilespmem:v6+s2+$0x0], $0xffff  }
.Ltmp11:
0x3b1: {  	[tilespmem:v15+s23+$0x0] =	vst.idx.msk $0xffff, v57;
	(pc) =	sbr.rel @p0 .LBB2_17-.Ltmp11, $4  }
0x3b2: {  	[tilespmem:v14+s23+$0x0] =	vst.idx.msk $0xffff, v59  }
0x3b3: {  	[tilespmem:v9+s23+$0x0] =	vst.idx.msk $0xffff, v20  }
0x3b4: {  	s31 =	sadd.s32 $0x4, s28;
	[tilespmem:v7+s23+$0x0] =	vst.idx.msk $0xffff, v61  }
0x3b5: {  	s28 =	smov.u32 s31;
	[tilespmem:v5+s23+$0x0] =	vst.idx.msk $0xffff, v6  }
0x3b6: {  	s0 =	sadd.s32 s24, s25;
	s24 =	simm.s32 $0x0;
	s31 =	simm.s32 $0x1  }
0x3b7: {  	s1 =	simm.s32 $0x2;
	s3 =	simm.s32 $0x4;
	v6 =	vor.u32 s24, v0;
	v8 =	vadd.s32 s24, v2;
	v5 =	vadd.s32 s31, v0  }
0x3b8: {  	s7 =	simm.s32 $0x5;
	s8 =	simm.s32 $0x7;
	s9 =	simm.s32 $0x8;
	v7 =	vadd.s32 s1, v0;
	v9 =	vadd.s32 s1, v2;
	v10 =	vadd.s32 s3, v0  }
0x3b9: {  	s11 =	simm.s32 $0x9;
	s13 =	simm.s32 $0xA;
	v11 =	vadd.s32 s7, v0;
	v13 =	vadd.s32 s8, v0;
	v14 =	vadd.s32 s9, v0  }
0x3ba: {  	s25 =	simm.s32 $0xC;
	s29 =	simm.s32 $0xD;
	v15 =	vadd.s32 s31, v2;
	v16 =	vadd.s32 s11, v0;
	v17 =	vadd.s32 s13, v0  }
0x3bb: {  	s30 =	simm.s32 $0x6;
	s26 =	simm.s32 $0xB;
	v20 =	vadd.s32 s3, v2;
	v18 =	vadd.s32 s25, v0;
	v22 =	vadd.s32 s29, v0  }
0x3bc: {  	s28 =	simm.s32 $0xE;
	v23 =	vadd.s32 s30, v0;
	v24 =	vadd.s32 s30, v2;
	v21 =	vadd.s32 s26, v0  }
0x3bd: {  	v25 =	vadd.s32 s28, v2;
	v28 =	vadd.s32 s26, v2;
	v29 =	vadd.s32 s7, v2  }
0x3be: {  	v30 =	vadd.s32 s11, v2;
	v31 =	vadd.s32 s13, v2;
	v32 =	vadd.s32 s9, v2  }
0x3bf: {  	s1 =	simm.s32 $0x3;
	v34 =	vadd.s32 s28, v0;
	v37 =	vadd.s32 s29, v2;
	vm1 =	vlt.u32 v7, $0x50  }
0x3c0: {  	v12 =	vadd.s32 s1, v2;
	vm4 =	vlt.u32 v13, $0x50;
	vm2 =	vlt.u32 v14, $0x50  }
0x3c1: {  	s31 =	simm.s32 $0xF;
	vm5 =	vlt.u32 v18, $0x50;
	vm3 =	vlt.u32 v5, $0x50;
	vm0 =	vlt.u32 v11, $0x50  }
0x3c2: {  	vm15 =	vlt.u32 v21, $0x50;
	v19 =	vadd.s32 s31, v0;
	v26 =	vadd.s32 s31, v2  }
0x3c3: {  	vm7 =	vlt.u32 v16, $0x50;
	vm8 =	vlt.u32 v17, $0x50;
	vm10 =	vlt.u32 v10, $0x50  }
0x3c4: {  	v4 =	vld [tilespmem:s0+$0x2438];
	vm11 =	vlt.u32 v22, $0x50;
	vm14 =	vlt.u32 v23, $0x50;
	v5 =	vsel vm3, v5, v15  }
0x3c5: {  	v15 =	vadd.s32 s1, v0;
	v7 =	vsel vm1, v7, v9;
	v33 =	vsel vm7, v16, v30  }
0x3c6: {  	vm12 =	vlt.u32 v19, $0x50;
	v14 =	vsel vm2, v14, v32;
	v41 =	vsel vm8, v17, v31  }
0x3c7: {  	v21 =	vsel vm15, v21, v28;
	vm15 =	vlt.u32 v34, $0x50;
	v22 =	vsel vm11, v22, v37  }
0x3c8: {  	v63 =	vsel vm10, v10, v20;
	vm6 =	vlt.u32 v15, $0x50;
	v27 =	vadd.s32 v3, v5  }
0x3c9: {  	v9 =	vadd.s32 v3, v7;
	v38 =	vsel vm12, v19, v26;
	v4 =	vshll.u32 v4, $0x7  }
0x3ca: {  	v16 =	vadd.s32 v4, v5;
	v30 =	vadd.s32 v4, v7;
	v7 =	vadd.s32 s25, v2  }
0x3cb: {  	v31 =	vadd.s32 v3, v14;
	v10 =	vadd.s32 v3, v63;
	v35 =	vsel vm5, v18, v7  }
0x3cc: {  	v15 =	vsel vm6, v15, v12;
	v5 =	vadd.s32 s8, v2;
	v36 =	vadd.s32 v4, v35  }
0x3cd: {  	v40 =	vadd.s32 v4, v14;
	v13 =	vsel vm4, v13, v5;
	v5 =	vmov s24  }
0x3ce: {  	v62 =	vadd.s32 v4, v33;
	v32 =	vadd.s32 v4, v21;
	vm13 =	vlt.u32 v5, $0x50  }
0x3cf: {  	v7 =	vadd.s32 v3, v13;
	v12 =	vld.idx.msk [tilespmem:v16+s2+$0x0], $0xffff;
	v16 =	vsel vm13, v6, v8;
	v8 =	vsel vm0, v11, v29  }
0x3d0: {  	v19 =	vadd.s32 v4, v13;
	v13 =	vsel vm14, v23, v24;
	v28 =	vadd.s32 v4, v8  }
0x3d1: {  	v14 =	vadd.s32 v3, v41;
	v23 =	vadd.s32 v3, v35;
	v29 =	vadd.s32 v4, v13;
	v11 =	vld.idx.msk [tilespmem:v36+s2+$0x0], $0xffff  }
0x3d2: {  	v33 =	vadd.s32 v3, v33;
	v18 =	vadd.s32 v4, v41;
	v26 =	vld.idx.msk [tilespmem:v30+s2+$0x0], $0xffff;
	v39 =	vadd.s32 v4, v16  }
0x3d3: {  	v5 =	vadd.s32 v3, v15;
	v15 =	vadd.s32 v4, v15;
	v6 =	vadd.s32 v3, v38;
	v24 =	vld.idx.msk [tilespmem:v62+s2+$0x0], $0xffff  }
0x3d4: {  	v13 =	vadd.s32 v3, v13;
	v30 =	vld.idx.msk [tilespmem:v40+s2+$0x0], $0xffff;
	v17 =	vadd.s32 v3, v8;
	v8 =	vadd.s32 v3, v22  }
0x3d5: {  	[tilespmem:v27+s23+$0x0] =	vst.idx.msk $0xffff, v12;
	v12 =	vadd.s32 v3, v16;
	v27 =	vld.idx.msk [tilespmem:v28+s2+$0x0], $0xffff;
	v28 =	vadd.s32 v4, v63  }
0x3d6: {  	v20 =	vld.idx.msk [tilespmem:v29+s2+$0x0], $0xffff;
	[tilespmem:v23+s23+$0x0] =	vst.idx.msk $0xffff, v11;
	v11 =	vsel vm15, v34, v25;
	v25 =	vadd.s32 v4, v22  }
0x3d7: {  	s1 =	simm.s32 $0x10;
	v22 =	vld.idx.msk [tilespmem:v39+s2+$0x0], $0xffff;
	v23 =	vadd.s32 v4, v38;
	v29 =	vadd.s32 v4, v11;
	v16 =	vadd.s32 v3, v11  }
.LBB2_27:
0x3d8: {  	s0 =	sadd.s32 $0x1, s1  }
0x3d9: {  	v34 =	vor.u32 s1, v0;
	v35 =	vadd.s32 s1, v2;
	s3 =	sadd.s32 $0x2, s1;
	s26 =	sadd.s32 $0x5, s1;
	[tilespmem:v9+s23+$0x0] =	vst.idx.msk $0xffff, v26;
	v9 =	vld.idx.msk [tilespmem:v32+s2+$0x0], $0xffff;
	v21 =	vadd.s32 v3, v21;
	s25 =	smov.u32 s1  }
0x3da: {  	s7 =	sadd.s32 $0x4, s1;
	s8 =	sadd.s32 $0x6, s1;
	v26 =	vadd.s32 s0, v0;
	v32 =	vadd.s32 s3, v0;
	v36 =	vadd.s32 s3, v2;
	s3 =	sadd.s32 $0x3, s1;
	v19 =	vld.idx.msk [tilespmem:v19+s2+$0x0], $0xffff  }
0x3db: {  	s24 =	sadd.s32 $0x10, s1;
	v11 =	vadd.s32 s7, v0;
	v37 =	vadd.s32 s26, v0;
	s28 =	sadd.s32 $0x7, s25;
	s30 =	sadd.s32 $0x8, s25;
	vm2 =	vlt.u32 v32, $0x50;
	[tilespmem:v31+s23+$0x0] =	vst.idx.msk $0xffff, v30  }
0x3dc: {  	s9 =	sadd.s32 $0x9, s25;
	s11 =	sadd.s32 $0xA, s25;
	s13 =	sadd.s32 $0xB, s25;
	v30 =	vadd.s32 s3, v2;
	v31 =	vadd.s32 s28, v0;
	v38 =	vadd.s32 s30, v0;
	v18 =	vld.idx.msk [tilespmem:v18+s2+$0x0], $0xffff  }
0x3dd: {  	v39 =	vadd.s32 s0, v2;
	s0 =	sadd.s32 $0xC, s25;
	s29 =	sadd.s32 $0xD, s25;
	s31 =	sadd.s32 $0xE, s25;
	v40 =	vadd.s32 s9, v0;
	v41 =	vadd.s32 s11, v0;
	[tilespmem:v33+s23+$0x0] =	vst.idx.msk $0xffff, v24  }
0x3de: {  	p0 =	slt.u32 s1, $0x40;
	v42 =	vadd.s32 s29, v0;
	v33 =	vadd.s32 s7, v2;
	v24 =	vadd.s32 s0, v0;
	s7 =	sadd.s32 $0xF, s25;
	v29 =	vld.idx.msk [tilespmem:v29+s2+$0x0], $0xffff  }
0x3df: {  	vm4 =	vlt.u32 v31, $0x50;
	vm1 =	vlt.u32 v38, $0x50;
	vm5 =	vlt.u32 v24, $0x50;
	[tilespmem:v17+s23+$0x0] =	vst.idx.msk $0xffff, v27;
	v17 =	vld.idx.msk [tilespmem:v25+s2+$0x0], $0xffff  }
0x3e0: {  	vm3 =	vlt.u32 v26, $0x50;
	v25 =	vadd.s32 s8, v0;
	v27 =	vadd.s32 s8, v2;
	v28 =	vld.idx.msk [tilespmem:v28+s2+$0x0], $0xffff;
	[tilespmem:v7+s23+$0x0] =	vst.idx.msk $0xffff, v19  }
0x3e1: {  	vm0 =	vlt.u32 v37, $0x50;
	v43 =	vadd.s32 s13, v0;
	v44 =	vadd.s32 s31, v2;
	v7 =	vld.idx.msk [tilespmem:v15+s2+$0x0], $0xffff;
	[tilespmem:v13+s23+$0x0] =	vst.idx.msk $0xffff, v20  }
0x3e2: {  	v13 =	vsel vm3, v26, v39;
	v15 =	vadd.s32 s3, v0;
	vm3 =	vlt.u32 v43, $0x50;
	[tilespmem:v12+s23+$0x0] =	vst.idx.msk $0xffff, v22;
	v12 =	vld.idx.msk [tilespmem:v23+s2+$0x0], $0xffff  }
0x3e3: {  	v19 =	vadd.s32 s7, v0;
	v20 =	vadd.s32 s7, v2;
	vm7 =	vlt.u32 v15, $0x50;
	[tilespmem:v14+s23+$0x0] =	vst.idx.msk $0xffff, v18  }
0x3e4: {  	v22 =	vadd.s32 s13, v2;
	v14 =	vadd.s32 v3, v13;
	v18 =	vsel vm2, v32, v36;
	[tilespmem:v21+s23+$0x0] =	vst.idx.msk $0xffff, v9  }
0x3e5: {  	vm8 =	vlt.u32 v40, $0x50;
	vm6 =	vlt.u32 v41, $0x50;
	v9 =	vadd.s32 v3, v18;
	[tilespmem:v16+s23+$0x0] =	vst.idx.msk $0xffff, v29  }
0x3e6: {  	v23 =	vadd.s32 s11, v2;
	v21 =	vadd.s32 s9, v2;
	v16 =	vadd.s32 s26, v2;
	[tilespmem:v10+s23+$0x0] =	vst.idx.msk $0xffff, v28  }
0x3e7: {  	vm2 =	vlt.u32 v11, $0x50;
	v36 =	vsel vm8, v40, v21;
	v10 =	vadd.s32 s30, v2;
	[tilespmem:v5+s23+$0x0] =	vst.idx.msk $0xffff, v7  }
0x3e8: {  	v28 =	vadd.s32 s31, v0;
	v5 =	vadd.s32 v4, v13;
	v13 =	vadd.s32 v4, v18;
	[tilespmem:v6+s23+$0x0] =	vst.idx.msk $0xffff, v12  }
0x3e9: {  	vm8 =	vlt.u32 v42, $0x50;
	v7 =	vadd.s32 s0, v2;
	v6 =	vadd.s32 s28, v2;
	[tilespmem:v8+s23+$0x0] =	vst.idx.msk $0xffff, v17  }
0x3ea: {  	v12 =	vsel vm5, v24, v7;
	v8 =	vsel vm4, v31, v6;
	vm4 =	vlt.u32 v28, $0x50  }
0x3eb: {  	v24 =	vadd.s32 s29, v2;
	v17 =	vadd.s32 v4, v12;
	v7 =	vadd.s32 v3, v8  }
0x3ec: {  	v15 =	vsel vm7, v15, v30;
	vm5 =	vlt.u32 v19, $0x50;
	v6 =	vmov s25  }
0x3ed: {  	v39 =	vsel vm5, v19, v20;
	vm7 =	vlt.u32 v6, $0x50;
	v29 =	vld.idx.msk [tilespmem:v5+s2+$0x0], $0xffff;
	v5 =	vadd.s32 v3, v15  }
0x3ee: {  	v10 =	vsel vm1, v38, v10;
	v6 =	vadd.s32 v3, v39;
	v20 =	vsel vm7, v34, v35;
	v26 =	vld.idx.msk [tilespmem:v13+s2+$0x0], $0xffff  }
0x3ef: {  	v30 =	vadd.s32 v4, v10;
	v31 =	vadd.s32 v4, v36;
	v34 =	vadd.s32 v4, v20  }
0x3f0: {  	v23 =	vsel vm6, v41, v23;
	v21 =	vsel vm3, v43, v22;
	v19 =	vadd.s32 v4, v8;
	v22 =	vld.idx.msk [tilespmem:v17+s2+$0x0], $0xffff  }
0x3f1: {  	v18 =	vadd.s32 v4, v23;
	v8 =	vsel vm0, v37, v16;
	vm0 =	vlt.u32 v25, $0x50  }
0x3f2: {  	v16 =	vadd.s32 v4, v8;
	v13 =	vsel vm0, v25, v27;
	v25 =	vadd.s32 v3, v12  }
0x3f3: {  	v35 =	vsel vm8, v42, v24;
	[tilespmem:v14+s23+$0x0] =	vst.idx.msk $0xffff, v29;
	v29 =	vadd.s32 v4, v13  }
0x3f4: {  	v17 =	vadd.s32 v3, v8;
	v8 =	vadd.s32 v3, v35;
	v13 =	vadd.s32 v3, v13  }
.Ltmp12:
0x3f5: {  	v32 =	vadd.s32 v4, v21;
	v15 =	vadd.s32 v4, v15;
	v12 =	vadd.s32 v3, v20;
	v24 =	vld.idx.msk [tilespmem:v31+s2+$0x0], $0xffff;
	(pc) =	sbr.rel @p0 .LBB2_27-.Ltmp12, $4  }
0x3f6: {  	v11 =	vsel vm2, v11, v33;
	v14 =	vadd.s32 v3, v23;
	v31 =	vadd.s32 v3, v10;
	v30 =	vld.idx.msk [tilespmem:v30+s2+$0x0], $0xffff  }
0x3f7: {  	v10 =	vadd.s32 v3, v11;
	v27 =	vld.idx.msk [tilespmem:v16+s2+$0x0], $0xffff;
	[tilespmem:v25+s23+$0x0] =	vst.idx.msk $0xffff, v22;
	v16 =	vsel vm4, v28, v44  }
0x3f8: {  	v25 =	vadd.s32 v4, v35;
	v20 =	vld.idx.msk [tilespmem:v29+s2+$0x0], $0xffff;
	v29 =	vadd.s32 v4, v16;
	v16 =	vadd.s32 v3, v16  }
0x3f9: {  	s1 =	smov.u32 s24;
	v33 =	vadd.s32 v3, v36;
	v23 =	vadd.s32 v4, v39;
	v28 =	vadd.s32 v4, v11;
	v22 =	vld.idx.msk [tilespmem:v34+s2+$0x0], $0xffff  }
0x3fa: {  	_ =	sdelay $0x3  }
0x3fb: {  	[tilespmem:v9+s23+$0x0] =	vst.idx.msk $0xffff, v26  }
0x3fc: {  	v4 =	vld.idx.msk [tilespmem:v19+s2+$0x0], $0xffff;
	[tilespmem:v33+s23+$0x0] =	vst.idx.msk $0xffff, v24  }
0x3fd: {  	v58 =	vld.idx.msk [tilespmem:v18+s2+$0x0], $0xffff;
	[tilespmem:v31+s23+$0x0] =	vst.idx.msk $0xffff, v30  }
0x3fe: {  	v11 =	vld.idx.msk [tilespmem:v32+s2+$0x0], $0xffff;
	v59 =	vadd.s32 v3, v21;
	[tilespmem:v17+s23+$0x0] =	vst.idx.msk $0xffff, v27  }
0x3ff: {  	v60 =	vld.idx.msk [tilespmem:v29+s2+$0x0], $0xffff;
	[tilespmem:v13+s23+$0x0] =	vst.idx.msk $0xffff, v20  }
0x400: {  	v61 =	vld.idx.msk [tilespmem:v15+s2+$0x0], $0xffff;
	[tilespmem:v12+s23+$0x0] =	vst.idx.msk $0xffff, v22  }
0x401: {  	v62 =	vld.idx.msk [tilespmem:v23+s2+$0x0], $0xffff;
	[tilespmem:v7+s23+$0x0] =	vst.idx.msk $0xffff, v4  }
0x402: {  	v63 =	vld.idx.msk [tilespmem:v25+s2+$0x0], $0xffff;
	[tilespmem:v14+s23+$0x0] =	vst.idx.msk $0xffff, v58  }
0x403: {  	s20 =	sadd.s32 $0x1, s20;
	v4 =	vld.idx.msk [tilespmem:v28+s2+$0x0], $0xffff;
	[tilespmem:v59+s23+$0x0] =	vst.idx.msk $0xffff, v11  }
0x404: {  	p0 =	sne.s32 s20, $0x20;
	[tilespmem:v16+s23+$0x0] =	vst.idx.msk $0xffff, v60  }
.Ltmp13:
0x405: {  	s0 =	sadd.s32 s6, s21;
	[tilespmem:v5+s23+$0x0] =	vst.idx.msk $0xffff, v61;
	(pc) =	sbr.rel @p0 .LBB2_16-.Ltmp13, $4  }
0x406: {  	s0 =	smul.u32 $0xC80, s0;
	[tilespmem:v6+s23+$0x0] =	vst.idx.msk $0xffff, v62  }
0x407: {  	[tilespmem:v8+s23+$0x0] =	vst.idx.msk $0xffff, v63  }
0x408: {  	s0 =	sadd.s32 s4, s0;
	[tilespmem:v10+s23+$0x0] =	vst.idx.msk $0xffff, v4  }
0x409: {  	[hbm4b:s0+s2] =	stream.linear.scatter [tilespmem:s23], [sflag:s22], $0x6400, $0x38;
	[tilespmem:$0x19E00] =	vst v63  }
0x40a: {  	s20 =	simm.s32 $0x0;
	s0 =	rddreg [dreg:$0x6];
	s1 =	simm.s32 $0x5200  }
0x40b: {  	[tilespmem:s1], [sflag:$0x2] =	stream.linear.gather [hbm4b:s0+s20], $0x2000, $0x38;
	[tilespmem:$0x19E00] =	vst v63  }
0x40c: {  	_ =	swait.ge [sflag:s14], $0x2000  }
0x40d: {  	[sflag:s14] =	ssyncset.done $0x0  }
0x40e: {  	[sflag:s14] =	ssyncadd.s32 $0xFFFFE000  }
.LBB2_30:
0x40f: {  	s21 =	sor.u32 $0x40, s20  }
0x410: {  	s0 =	smul.u32 $0xAB, s21;
	_ =	sdelay $0x1  }
0x411: {  	s0 =	sshrl.u32 s0, $0x9  }
0x412: {  	s0 =	sand.u32 $0x7F, s0  }
0x413: {  	s0 =	smul.u32 $0x3, s0;
	_ =	sdelay $0x1  }
0x414: {  	s0 =	ssub.s32 s21, s0  }
0x415: {  	s1 =	sshll.u32 s20, $0x8;
	s0 =	sand.u32 $0xFF, s0  }
0x416: {  	s3 =	sshll.u32 s20, $0x7;
	s22 =	sadd.s32 $0x3, s0;
	s0 =	smul.u32 $0x19000, s0  }
0x417: {  	s26 =	simm.s32 $0x0;
	s1 =	sand.u32 $0x1800, s1;
	_ =	swait.ge [sflag:s22], $0x6400  }
0x418: {  	s24 =	sand.u32 $0x380, s3;
	[sflag:s22] =	ssyncset.done $0x0;
	s0 =	sshrl.u32 s0, $0x2  }
0x419: {  	s25 =	sadd.s32 $0x3200, s1;
	v4 =	vmov s24;
	[sflag:s22] =	ssyncadd.s32 $0xFFFF9C00;
	s23 =	sadd.s32 $0x7200, s0  }
.LBB2_31:
0x41a: {  	s0 =	sshll.u32 s26, $0x7  }
0x41b: {  	s29 =	sshll.u32 s26, $0x4;
	s0 =	sand.u32 $0x400, s0  }
0x41c: {  	s1 =	sand.u32 $0x40, s29;
	s28 =	sadd.s32 s0, s25  }
0x41d: {  	s0 =	sadd.s32 s1, s28  }
0x41e: {  	v5 =	vld.idx.msk [tilespmem:v4+s0+$0x0 ss:$0x1], $0xffff;
	_ =	sdelay $0x1  }
0x41f: {  	s7 =	simm.s32 $0x0;
	s8 =	simm.s32 $0xF;
	s9 =	simm.s32 $0xE;
	v7 =	vmov s29  }
0x420: {  	s11 =	simm.s32 $0xD;
	s31 =	simm.s32 $0xB;
	s3 =	simm.s32 $0x9;
	v8 =	vor.u32 s7, v0;
	v10 =	vadd.s32 s8, v2;
	v13 =	vadd.s32 s9, v2  }
0x421: {  	v14 =	vadd.s32 s11, v0;
	v18 =	vadd.s32 s31, v0;
	v22 =	vadd.s32 s3, v0  }
0x422: {  	v6 =	vshll.u32 v5, $0x7;
	v5 =	vshll.u32 v7, $0x7;
	v7 =	vmov s7  }
0x423: {  	vm6 =	vlt.u32 v14, $0x50;
	vm0 =	vlt.u32 v7, $0x50;
	v7 =	vadd.s32 s7, v2  }
0x424: {  	vm8 =	vlt.u32 v18, $0x50;
	vm10 =	vlt.u32 v22, $0x50;
	v7 =	vsel vm0, v8, v7  }
0x425: {  	v5 =	vor.u32 v1, v5;
	v8 =	vadd.s32 s8, v0;
	s8 =	simm.s32 $0x7;
	v9 =	vand.u32 $0xFFFFFF80, v7  }
0x426: {  	vm4 =	vlt.u32 v8, $0x50;
	v11 =	vand.u32 $0x7F, v7;
	v25 =	vadd.s32 s8, v0  }
0x427: {  	v9 =	vadd.s32 v5, v9;
	v8 =	vsel vm4, v8, v10;
	v10 =	vadd.s32 v6, v7  }
0x428: {  	v12 =	vor.u32 v11, v9;
	v7 =	vand.u32 $0x7F, v8;
	v9 =	vadd.s32 s9, v0  }
0x429: {  	v11 =	vadd.s32 v6, v8;
	v8 =	vand.u32 $0xFFFFFF80, v8;
	vm5 =	vlt.u32 v9, $0x50  }
0x42a: {  	vm12 =	vlt.u32 v25, $0x50;
	v8 =	vadd.s32 v5, v8;
	v9 =	vsel vm5, v9, v13  }
0x42b: {  	v13 =	vor.u32 v7, v8;
	v7 =	vadd.s32 s11, v2;
	v8 =	vand.u32 $0xFFFFFF80, v9  }
0x42c: {  	v7 =	vsel vm6, v14, v7;
	v14 =	vand.u32 $0x7F, v9;
	v16 =	vadd.s32 v6, v9  }
0x42d: {  	s13 =	simm.s32 $0xC;
	v8 =	vadd.s32 v5, v8;
	v15 =	vand.u32 $0x7F, v7;
	v17 =	vadd.s32 v6, v7  }
0x42e: {  	v7 =	vand.u32 $0xFFFFFF80, v7;
	v14 =	vor.u32 v14, v8;
	v8 =	vadd.s32 s13, v0  }
0x42f: {  	v9 =	vadd.s32 s13, v2;
	v7 =	vadd.s32 v5, v7;
	vm7 =	vlt.u32 v8, $0x50  }
0x430: {  	v27 =	vld.idx.msk [tilespmem:v10+s2+$0x0], $0xffff;
	v15 =	vor.u32 v15, v7;
	v7 =	vadd.s32 s31, v2;
	s31 =	simm.s32 $0x4;
	v8 =	vsel vm7, v8, v9  }
0x431: {  	v7 =	vsel vm8, v18, v7;
	v63 =	vadd.s32 s31, v2;
	v9 =	vand.u32 $0xFFFFFF80, v8  }
0x432: {  	s1 =	simm.s32 $0xA;
	v18 =	vand.u32 $0x7F, v8;
	v19 =	vand.u32 $0x7F, v7;
	v20 =	vadd.s32 v6, v8  }
0x433: {  	v8 =	vadd.s32 s1, v0;
	v21 =	vadd.s32 v6, v7;
	v7 =	vand.u32 $0xFFFFFF80, v7  }
0x434: {  	s11 =	simm.s32 $0x5;
	v9 =	vadd.s32 v5, v9;
	vm9 =	vlt.u32 v8, $0x50;
	v7 =	vadd.s32 v5, v7  }
0x435: {  	v16 =	vld.idx.msk [tilespmem:v16+s2+$0x0], $0xffff;
	[tilespmem:v12+s23+$0x0] =	vst.idx.msk $0xffff, v27;
	v12 =	vadd.s32 s11, v2;
	v18 =	vor.u32 v18, v9;
	v9 =	vadd.s32 s1, v2  }
0x436: {  	v26 =	vor.u32 v19, v7;
	v7 =	vadd.s32 s3, v2;
	v8 =	vsel vm9, v8, v9  }
0x437: {  	s7 =	simm.s32 $0x8;
	v17 =	vld.idx.msk [tilespmem:v17+s2+$0x0], $0xffff;
	v19 =	vsel vm10, v22, v7;
	v9 =	vand.u32 $0xFFFFFF80, v8;
	v7 =	vand.u32 $0x7F, v8  }
0x438: {  	v22 =	vand.u32 $0x7F, v19;
	v23 =	vadd.s32 v6, v8;
	v8 =	vadd.s32 s7, v0  }
0x439: {  	s13 =	simm.s32 $0x3;
	v24 =	vadd.s32 v6, v19;
	v9 =	vadd.s32 v5, v9;
	vm11 =	vlt.u32 v8, $0x50  }
0x43a: {  	[tilespmem:v14+s23+$0x0] =	vst.idx.msk $0xffff, v16;
	v16 =	vadd.s32 s13, v0;
	v7 =	vor.u32 v7, v9;
	v9 =	vand.u32 $0xFFFFFF80, v19  }
0x43b: {  	v19 =	vadd.s32 s7, v2;
	vm15 =	vlt.u32 v16, $0x50;
	v9 =	vadd.s32 v5, v9  }
0x43c: {  	[tilespmem:v15+s23+$0x0] =	vst.idx.msk $0xffff, v17;
	v17 =	vadd.s32 s13, v2;
	v19 =	vsel vm11, v8, v19;
	v8 =	vor.u32 v22, v9  }
0x43d: {  	v9 =	vadd.s32 s8, v2;
	v22 =	vand.u32 $0xFFFFFF80, v19;
	v29 =	vadd.s32 v6, v19  }
0x43e: {  	s9 =	simm.s32 $0x6;
	v10 =	vsel vm12, v25, v9;
	v9 =	vand.u32 $0x7F, v19;
	v22 =	vadd.s32 v5, v22;
	v25 =	vld.idx.msk [tilespmem:v11+s2+$0x0], $0xffff  }
0x43f: {  	v30 =	vld.idx.msk [tilespmem:v20+s2+$0x0], $0xffff;
	v19 =	vadd.s32 s9, v0;
	v28 =	vand.u32 $0x7F, v10;
	v9 =	vor.u32 v9, v22  }
0x440: {  	v27 =	vld.idx.msk [tilespmem:v21+s2+$0x0], $0xffff;
	v11 =	vadd.s32 v6, v10;
	vm13 =	vlt.u32 v19, $0x50;
	v22 =	vadd.s32 s9, v2  }
0x441: {  	v10 =	vand.u32 $0xFFFFFF80, v10;
	v20 =	vsel vm13, v19, v22;
	v22 =	vadd.s32 s11, v0  }
0x442: {  	v14 =	vld.idx.msk [tilespmem:v23+s2+$0x0], $0xffff;
	v23 =	vsel vm15, v16, v17;
	v10 =	vadd.s32 v5, v10;
	vm14 =	vlt.u32 v22, $0x50  }
0x443: {  	v10 =	vor.u32 v28, v10;
	v19 =	vand.u32 $0x7F, v20;
	[tilespmem:v13+s23+$0x0] =	vst.idx.msk $0xffff, v25;
	v13 =	vsel vm14, v22, v12  }
0x444: {  	v15 =	vld.idx.msk [tilespmem:v24+s2+$0x0], $0xffff;
	[tilespmem:v18+s23+$0x0] =	vst.idx.msk $0xffff, v30;
	v12 =	vadd.s32 v6, v20;
	v20 =	vand.u32 $0xFFFFFF80, v20;
	v25 =	vadd.s32 s31, v0  }
0x445: {  	[tilespmem:v26+s23+$0x0] =	vst.idx.msk $0xffff, v27;
	v22 =	vand.u32 $0xFFFFFF80, v13;
	v21 =	vand.u32 $0x7F, v13;
	vm1 =	vlt.u32 v25, $0x50  }
0x446: {  	s0 =	simm.s32 $0x2;
	v20 =	vadd.s32 v5, v20;
	v16 =	vadd.s32 v6, v13;
	v24 =	vsel vm1, v25, v63  }
0x447: {  	s30 =	simm.s32 $0x10;
	s1 =	simm.s32 $0x1;
	v17 =	vld.idx.msk [tilespmem:v29+s2+$0x0], $0xffff;
	v13 =	vadd.s32 v6, v23;
	v25 =	vadd.s32 s0, v0;
	v18 =	vadd.s32 v6, v24  }
.LBB2_32:
0x448: {  	p0 =	slt.u32 s30, $0x40;
	v26 =	vadd.s32 s1, v0;
	vm0 =	vlt.u32 v25, $0x50;
	v27 =	vadd.s32 s0, v2;
	[tilespmem:v7+s23+$0x0] =	vst.idx.msk $0xffff, v14  }
0x449: {  	v7 =	vadd.s32 s1, v2;
	vm1 =	vlt.u32 v26, $0x50;
	v14 =	vsel vm0, v25, v27;
	v11 =	vld.idx.msk [tilespmem:v11+s2+$0x0], $0xffff;
	[tilespmem:v8+s23+$0x0] =	vst.idx.msk $0xffff, v15  }
0x44a: {  	v15 =	vadd.s32 v5, v22;
	v7 =	vsel vm1, v26, v7;
	v8 =	vadd.s32 v6, v14  }
0x44b: {  	v19 =	vor.u32 v19, v20;
	v15 =	vor.u32 v21, v15;
	v22 =	vadd.s32 v6, v7;
	v12 =	vld.idx.msk [tilespmem:v12+s2+$0x0], $0xffff  }
0x44c: {  	v20 =	vand.u32 $0xFFFFFF80, v23;
	v21 =	vand.u32 $0xFFFFFF80, v24;
	v24 =	vand.u32 $0x7F, v24;
	v16 =	vld.idx.msk [tilespmem:v16+s2+$0x0], $0xffff;
	[tilespmem:v9+s23+$0x0] =	vst.idx.msk $0xffff, v17  }
0x44d: {  	v9 =	vand.u32 $0x7F, v23;
	v17 =	vadd.s32 v5, v20;
	v20 =	vadd.s32 v5, v21;
	v18 =	vld.idx.msk [tilespmem:v18+s2+$0x0], $0xffff  }
0x44e: {  	v21 =	vand.u32 $0xFFFFFF80, v14;
	v9 =	vor.u32 v9, v17;
	v17 =	vor.u32 v24, v20;
	v13 =	vld.idx.msk [tilespmem:v13+s2+$0x0], $0xffff  }
0x44f: {  	v14 =	vand.u32 $0x7F, v14;
	v20 =	vand.u32 $0xFFFFFF80, v7;
	v21 =	vadd.s32 v5, v21;
	v8 =	vld.idx.msk [tilespmem:v8+s2+$0x0], $0xffff;
	[tilespmem:v10+s23+$0x0] =	vst.idx.msk $0xffff, v11  }
0x450: {  	v7 =	vand.u32 $0x7F, v7;
	v14 =	vor.u32 v14, v21;
	v11 =	vadd.s32 v5, v20;
	v10 =	vld.idx.msk [tilespmem:v22+s2+$0x0], $0xffff  }
0x451: {  	v20 =	vmov s30;
	v7 =	vor.u32 v7, v11;
	[tilespmem:v19+s23+$0x0] =	vst.idx.msk $0xffff, v12  }
0x452: {  	s0 =	sadd.s32 $0xF, s30;
	v11 =	vor.u32 s30, v0;
	vm0 =	vlt.u32 v20, $0x50;
	v12 =	vadd.s32 s30, v2;
	[tilespmem:v15+s23+$0x0] =	vst.idx.msk $0xffff, v16  }
0x453: {  	v11 =	vsel vm0, v11, v12;
	v12 =	vadd.s32 s0, v0;
	[tilespmem:v17+s23+$0x0] =	vst.idx.msk $0xffff, v18  }
0x454: {  	v16 =	vadd.s32 s0, v2;
	v15 =	vand.u32 $0xFFFFFF80, v11;
	vm0 =	vlt.u32 v12, $0x50;
	[tilespmem:v9+s23+$0x0] =	vst.idx.msk $0xffff, v13  }
0x455: {  	v9 =	vand.u32 $0x7F, v11;
	v13 =	vadd.s32 v5, v15;
	v12 =	vsel vm0, v12, v16;
	[tilespmem:v14+s23+$0x0] =	vst.idx.msk $0xffff, v8  }
0x456: {  	s0 =	sadd.s32 $0xE, s30;
	v8 =	vadd.s32 v6, v11;
	v13 =	vor.u32 v9, v13;
	v9 =	vand.u32 $0x7F, v12;
	[tilespmem:v7+s23+$0x0] =	vst.idx.msk $0xffff, v10  }
0x457: {  	v11 =	vand.u32 $0xFFFFFF80, v12;
	v7 =	vadd.s32 s0, v0;
	v10 =	vadd.s32 v6, v12  }
0x458: {  	s1 =	sadd.s32 $0xD, s30;
	v12 =	vadd.s32 s0, v2;
	v11 =	vadd.s32 v5, v11;
	vm0 =	vlt.u32 v7, $0x50  }
0x459: {  	v14 =	vadd.s32 s1, v0;
	v7 =	vsel vm0, v7, v12;
	v12 =	vor.u32 v9, v11  }
0x45a: {  	vm0 =	vlt.u32 v14, $0x50;
	v9 =	vadd.s32 s1, v2;
	v11 =	vand.u32 $0xFFFFFF80, v7  }
0x45b: {  	v9 =	vsel vm0, v14, v9;
	v14 =	vand.u32 $0x7F, v7;
	v11 =	vadd.s32 v5, v11  }
0x45c: {  	s0 =	sadd.s32 $0xC, s30;
	v16 =	vadd.s32 v6, v7;
	v15 =	vand.u32 $0x7F, v9;
	v17 =	vor.u32 v14, v11  }
0x45d: {  	v7 =	vadd.s32 s0, v0;
	v14 =	vadd.s32 v6, v9;
	v9 =	vand.u32 $0xFFFFFF80, v9  }
0x45e: {  	s1 =	sadd.s32 $0xB, s30;
	vm0 =	vlt.u32 v7, $0x50;
	v11 =	vadd.s32 s0, v2;
	v9 =	vadd.s32 v5, v9  }
0x45f: {  	v18 =	vadd.s32 s1, v0;
	v7 =	vsel vm0, v7, v11;
	v23 =	vor.u32 v15, v9  }
0x460: {  	vm0 =	vlt.u32 v18, $0x50;
	v9 =	vadd.s32 s1, v2;
	v11 =	vand.u32 $0xFFFFFF80, v7  }
0x461: {  	v15 =	vand.u32 $0x7F, v7;
	v9 =	vsel vm0, v18, v9;
	v11 =	vadd.s32 v5, v11  }
0x462: {  	s0 =	sadd.s32 $0xA, s30;
	v19 =	vadd.s32 v6, v7;
	v18 =	vand.u32 $0x7F, v9;
	v24 =	vor.u32 v15, v11  }
0x463: {  	v7 =	vadd.s32 s0, v0;
	v15 =	vadd.s32 v6, v9;
	v9 =	vand.u32 $0xFFFFFF80, v9  }
0x464: {  	s1 =	sadd.s32 $0x9, s30;
	vm0 =	vlt.u32 v7, $0x50;
	v11 =	vadd.s32 s0, v2;
	v9 =	vadd.s32 v5, v9  }
0x465: {  	v20 =	vadd.s32 s1, v0;
	v7 =	vsel vm0, v7, v11;
	v26 =	vor.u32 v18, v9  }
0x466: {  	vm0 =	vlt.u32 v20, $0x50;
	v9 =	vadd.s32 s1, v2;
	v11 =	vand.u32 $0xFFFFFF80, v7  }
0x467: {  	v18 =	vand.u32 $0x7F, v7;
	v9 =	vsel vm0, v20, v9;
	v11 =	vadd.s32 v5, v11  }
0x468: {  	s0 =	sadd.s32 $0x8, s30;
	v21 =	vadd.s32 v6, v7;
	v20 =	vand.u32 $0x7F, v9;
	v7 =	vor.u32 v18, v11  }
0x469: {  	v11 =	vadd.s32 s0, v0;
	v18 =	vadd.s32 v6, v9;
	v9 =	vand.u32 $0xFFFFFF80, v9  }
0x46a: {  	v22 =	vadd.s32 s0, v2;
	s1 =	sadd.s32 $0x7, s30;
	vm0 =	vlt.u32 v11, $0x50;
	v9 =	vadd.s32 v5, v9  }
0x46b: {  	v27 =	vadd.s32 s1, v0;
	v11 =	vsel vm0, v11, v22;
	v25 =	vld.idx.msk [tilespmem:v8+s2+$0x0], $0xffff;
	v8 =	vor.u32 v20, v9  }
0x46c: {  	vm0 =	vlt.u32 v27, $0x50;
	v9 =	vadd.s32 s1, v2;
	v20 =	vand.u32 $0xFFFFFF80, v11;
	v22 =	vld.idx.msk [tilespmem:v10+s2+$0x0], $0xffff  }
0x46d: {  	v10 =	vsel vm0, v27, v9;
	v9 =	vand.u32 $0x7F, v11;
	v20 =	vadd.s32 v5, v20  }
0x46e: {  	s0 =	sadd.s32 $0x6, s30;
	v28 =	vadd.s32 v6, v11;
	v27 =	vand.u32 $0x7F, v10;
	v9 =	vor.u32 v9, v20;
	v16 =	vld.idx.msk [tilespmem:v16+s2+$0x0], $0xffff  }
0x46f: {  	v20 =	vadd.s32 s0, v0;
	v11 =	vadd.s32 v6, v10;
	v10 =	vand.u32 $0xFFFFFF80, v10;
	v29 =	vld.idx.msk [tilespmem:v14+s2+$0x0], $0xffff  }
0x470: {  	s1 =	sadd.s32 $0x5, s30;
	vm0 =	vlt.u32 v20, $0x50;
	v10 =	vadd.s32 v5, v10;
	v14 =	vadd.s32 s0, v2;
	v30 =	vld.idx.msk [tilespmem:v19+s2+$0x0], $0xffff  }
0x471: {  	v10 =	vor.u32 v27, v10;
	v14 =	vsel vm0, v20, v14;
	[tilespmem:v13+s23+$0x0] =	vst.idx.msk $0xffff, v25;
	v13 =	vadd.s32 s1, v0  }
0x472: {  	v20 =	vadd.s32 s1, v2;
	v19 =	vand.u32 $0x7F, v14;
	vm0 =	vlt.u32 v13, $0x50;
	v27 =	vld.idx.msk [tilespmem:v15+s2+$0x0], $0xffff;
	[tilespmem:v12+s23+$0x0] =	vst.idx.msk $0xffff, v22  }
0x473: {  	v12 =	vadd.s32 v6, v14;
	v15 =	vand.u32 $0xFFFFFF80, v14;
	v13 =	vsel vm0, v13, v20;
	v14 =	vld.idx.msk [tilespmem:v21+s2+$0x0], $0xffff  }
.Ltmp14:
0x474: {  	s0 =	sadd.s32 $0x3, s30;
	s1 =	sadd.s32 $0x4, s30;
	v20 =	vadd.s32 v5, v15;
	v22 =	vand.u32 $0xFFFFFF80, v13;
	v21 =	vand.u32 $0x7F, v13;
	v15 =	vld.idx.msk [tilespmem:v18+s2+$0x0], $0xffff;
	[tilespmem:v17+s23+$0x0] =	vst.idx.msk $0xffff, v16;
	(pc) =	sbr.rel @p0 .LBB2_32-.Ltmp14, $4  }
0x475: {  	v16 =	vadd.s32 s0, v0;
	v17 =	vadd.s32 s1, v0;
	v18 =	vadd.s32 s1, v2;
	[tilespmem:v23+s23+$0x0] =	vst.idx.msk $0xffff, v29  }
0x476: {  	vm0 =	vlt.u32 v16, $0x50;
	v23 =	vadd.s32 s0, v2;
	vm1 =	vlt.u32 v17, $0x50;
	[tilespmem:v24+s23+$0x0] =	vst.idx.msk $0xffff, v30  }
0x477: {  	s0 =	sadd.s32 $0x2, s30;
	v23 =	vsel vm0, v16, v23;
	v24 =	vsel vm1, v17, v18;
	v16 =	vadd.s32 v6, v13;
	v17 =	vld.idx.msk [tilespmem:v28+s2+$0x0], $0xffff  }
0x478: {  	s1 =	sadd.s32 $0x1, s30;
	s30 =	sadd.s32 $0x10, s30;
	v25 =	vadd.s32 s0, v0;
	v13 =	vadd.s32 v6, v23;
	v18 =	vadd.s32 v6, v24;
	[tilespmem:v26+s23+$0x0] =	vst.idx.msk $0xffff, v27  }
0x479: {  	v26 =	vadd.s32 s1, v0;
	vm0 =	vlt.u32 v25, $0x50  }
0x47a: {  	v27 =	vadd.s32 s0, v2;
	v28 =	vadd.s32 s1, v2;
	v22 =	vadd.s32 v5, v22  }
0x47b: {  	v19 =	vor.u32 v19, v20;
	v20 =	vand.u32 $0xFFFFFF80, v24;
	vm1 =	vlt.u32 v26, $0x50  }
0x47c: {  	s7 =	simm.s32 $0xF;
	s8 =	simm.s32 $0xE;
	v25 =	vsel vm0, v25, v27;
	v21 =	vor.u32 v21, v22;
	v22 =	vand.u32 $0x7F, v24  }
0x47d: {  	s9 =	simm.s32 $0xD;
	s11 =	simm.s32 $0xC;
	v20 =	vadd.s32 v5, v20;
	v30 =	vadd.s32 s7, v2;
	v49 =	vadd.s32 s8, v0  }
0x47e: {  	v50 =	vadd.s32 s8, v2;
	v32 =	vadd.s32 s9, v0;
	v51 =	vadd.s32 s11, v0  }
0x47f: {  	v33 =	vadd.s32 s9, v2;
	v34 =	vadd.s32 s11, v2;
	v26 =	vsel vm1, v26, v28  }
0x480: {  	v27 =	vadd.s32 v6, v25;
	v29 =	vand.u32 $0xFFFFFF80, v25;
	v20 =	vor.u32 v22, v20  }
0x481: {  	s13 =	sor.u32 $0x10, s29;
	s8 =	simm.s32 $0x7;
	v22 =	vand.u32 $0x7F, v25;
	vm4 =	vlt.u32 v49, $0x50;
	vm5 =	vlt.u32 v32, $0x50  }
0x482: {  	s31 =	sand.u32 $0x50, s13;
	vm6 =	vlt.u32 v51, $0x50;
	v38 =	vadd.s32 s8, v0;
	v57 =	vadd.s32 s8, v2  }
0x483: {  	s1 =	sadd.s32 s31, s28;
	s31 =	simm.s32 $0xA;
	v28 =	vadd.s32 v6, v26;
	v6 =	vand.u32 $0xFFFFFF80, v23;
	v23 =	vand.u32 $0x7F, v23  }
0x484: {  	v25 =	vadd.s32 v5, v29;
	v32 =	vsel vm5, v32, v33;
	v35 =	vadd.s32 s31, v0  }
0x485: {  	v24 =	vld.idx.msk [tilespmem:v4+s1+$0x0 ss:$0x1], $0xffff;
	v36 =	vadd.s32 s31, v2;
	vm11 =	vlt.u32 v38, $0x50;
	v6 =	vadd.s32 v5, v6  }
0x486: {  	[tilespmem:v7+s23+$0x0] =	vst.idx.msk $0xffff, v14;
	v22 =	vor.u32 v22, v25;
	vm8 =	vlt.u32 v35, $0x50;
	v14 =	vsel vm11, v38, v57  }
0x487: {  	v7 =	vld.idx.msk [tilespmem:v11+s2+$0x0], $0xffff;
	[tilespmem:v9+s23+$0x0] =	vst.idx.msk $0xffff, v17;
	v9 =	vand.u32 $0x7F, v32;
	v23 =	vor.u32 v23, v6;
	v6 =	vand.u32 $0xFFFFFF80, v26  }
0x488: {  	v59 =	vand.u32 $0xFFFFFF80, v32;
	v26 =	vand.u32 $0x7F, v26;
	v5 =	vadd.s32 v5, v6  }
0x489: {  	s3 =	simm.s32 $0x0;
	v35 =	vsel vm8, v35, v36;
	v25 =	vor.u32 v26, v5;
	v5 =	vmov s13  }
0x48a: {  	v26 =	vor.u32 s3, v0;
	s13 =	simm.s32 $0xB;
	v6 =	vshll.u32 v24, $0x7;
	v5 =	vshll.u32 v5, $0x7  }
0x48b: {  	v12 =	vld.idx.msk [tilespmem:v12+s2+$0x0], $0xffff;
	v24 =	vmov s3;
	v52 =	vadd.s32 s13, v0;
	v53 =	vadd.s32 s13, v2  }
0x48c: {  	v16 =	vld.idx.msk [tilespmem:v16+s2+$0x0], $0xffff;
	[tilespmem:v10+s23+$0x0] =	vst.idx.msk $0xffff, v7;
	vm14 =	vlt.u32 v24, $0x50;
	v24 =	vadd.s32 s3, v2;
	v5 =	vor.u32 v1, v5  }
0x48d: {  	v10 =	vld.idx.msk [tilespmem:v13+s2+$0x0], $0xffff;
	vm7 =	vlt.u32 v52, $0x50;
	s3 =	simm.s32 $0x9;
	v13 =	vadd.s32 v6, v32;
	v24 =	vsel vm14, v26, v24  }
0x48e: {  	v26 =	vadd.s32 s7, v0;
	v33 =	vsel vm7, v52, v53;
	v54 =	vadd.s32 s3, v0  }
0x48f: {  	v37 =	vadd.s32 s3, v2;
	v48 =	vand.u32 $0xFFFFFF80, v24;
	vm15 =	vlt.u32 v26, $0x50  }
0x490: {  	[tilespmem:v19+s23+$0x0] =	vst.idx.msk $0xffff, v12;
	s7 =	simm.s32 $0x8;
	v31 =	vand.u32 $0x7F, v24;
	v24 =	vadd.s32 v6, v24;
	vm9 =	vlt.u32 v54, $0x50  }
0x491: {  	[tilespmem:v21+s23+$0x0] =	vst.idx.msk $0xffff, v16;
	v19 =	vld.idx.msk [tilespmem:v28+s2+$0x0], $0xffff;
	v55 =	vadd.s32 s7, v0;
	v56 =	vadd.s32 s7, v2;
	v16 =	vadd.s32 v6, v33  }
0x492: {  	v29 =	vadd.s32 v5, v48;
	v26 =	vsel vm15, v26, v30;
	v30 =	vsel vm4, v49, v50  }
0x493: {  	v18 =	vld.idx.msk [tilespmem:v18+s2+$0x0], $0xffff;
	vm10 =	vlt.u32 v55, $0x50;
	v29 =	vor.u32 v31, v29;
	v31 =	vsel vm6, v51, v34  }
0x494: {  	v34 =	vsel vm9, v54, v37;
	v36 =	vsel vm10, v55, v56;
	v11 =	vand.u32 $0x7F, v26  }
0x495: {  	[tilespmem:v8+s23+$0x0] =	vst.idx.msk $0xffff, v15;
	s9 =	simm.s32 $0x6;
	s31 =	simm.s32 $0x4;
	v58 =	vand.u32 $0xFFFFFF80, v26;
	v8 =	vadd.s32 v6, v26;
	v26 =	vand.u32 $0xFFFFFF80, v30  }
0x496: {  	v17 =	vadd.s32 v6, v30;
	[tilespmem:v25+s23+$0x0] =	vst.idx.msk $0xffff, v19;
	v19 =	vadd.s32 s9, v2;
	v25 =	vadd.s32 s31, v0  }
0x497: {  	v15 =	vadd.s32 v5, v58;
	v26 =	vadd.s32 v5, v26;
	v60 =	vand.u32 $0xFFFFFF80, v31  }
0x498: {  	[tilespmem:v20+s23+$0x0] =	vst.idx.msk $0xffff, v18;
	v7 =	vand.u32 $0x7F, v31;
	v15 =	vor.u32 v11, v15;
	v11 =	vand.u32 $0x7F, v30  }
0x499: {  	v12 =	vadd.s32 v6, v31;
	v26 =	vor.u32 v11, v26;
	v11 =	vadd.s32 v5, v59  }
0x49a: {  	[tilespmem:v23+s23+$0x0] =	vst.idx.msk $0xffff, v10;
	v18 =	vand.u32 $0x7F, v34;
	v61 =	vor.u32 v9, v11;
	v9 =	vadd.s32 v5, v60  }
0x49b: {  	v23 =	vadd.s32 v6, v34;
	v11 =	vld.idx.msk [tilespmem:v27+s2+$0x0], $0xffff;
	v30 =	vor.u32 v7, v9;
	v7 =	vand.u32 $0xFFFFFF80, v33  }
0x49c: {  	v10 =	vand.u32 $0xFFFFFF80, v36;
	v9 =	vand.u32 $0x7F, v33;
	v7 =	vadd.s32 v5, v7  }
0x49d: {  	v13 =	vld.idx.msk [tilespmem:v13+s2+$0x0], $0xffff;
	vm15 =	vlt.u32 v25, $0x50;
	v62 =	vor.u32 v9, v7;
	v7 =	vand.u32 $0xFFFFFF80, v35  }
0x49e: {  	v10 =	vadd.s32 v5, v10;
	v20 =	vld.idx.msk [tilespmem:v24+s2+$0x0], $0xffff;
	v9 =	vand.u32 $0x7F, v35;
	v7 =	vadd.s32 v5, v7  }
0x49f: {  	s11 =	simm.s32 $0x5;
	v27 =	vadd.s32 v6, v35;
	v21 =	vld.idx.msk [tilespmem:v8+s2+$0x0], $0xffff;
	v7 =	vor.u32 v9, v7;
	v9 =	vand.u32 $0xFFFFFF80, v34  }
0x4a0: {  	v24 =	vld.idx.msk [tilespmem:v12+s2+$0x0], $0xffff;
	v12 =	vadd.s32 s11, v0;
	[tilespmem:v22+s23+$0x0] =	vst.idx.msk $0xffff, v11;
	v22 =	vadd.s32 s9, v0;
	v9 =	vadd.s32 v5, v9  }
0x4a1: {  	v17 =	vld.idx.msk [tilespmem:v17+s2+$0x0], $0xffff;
	v11 =	vadd.s32 v6, v14;
	v9 =	vor.u32 v18, v9;
	v18 =	vand.u32 $0x7F, v36  }
0x4a2: {  	v8 =	vor.u32 v18, v10;
	v10 =	vand.u32 $0x7F, v14;
	v14 =	vand.u32 $0xFFFFFF80, v14  }
0x4a3: {  	v63 =	vld.idx.msk [tilespmem:v16+s2+$0x0], $0xffff;
	vm13 =	vlt.u32 v12, $0x50;
	[tilespmem:v29+s23+$0x0] =	vst.idx.msk $0xffff, v20;
	vm12 =	vlt.u32 v22, $0x50;
	v14 =	vadd.s32 v5, v14  }
0x4a4: {  	[tilespmem:v61+s23+$0x0] =	vst.idx.msk $0xffff, v13;
	v22 =	vsel vm12, v22, v19;
	v10 =	vor.u32 v10, v14;
	v14 =	vadd.s32 s11, v2  }
0x4a5: {  	s13 =	simm.s32 $0x3;
	[tilespmem:v15+s23+$0x0] =	vst.idx.msk $0xffff, v21;
	v18 =	vadd.s32 v6, v36;
	v16 =	vsel vm13, v12, v14;
	v14 =	vand.u32 $0xFFFFFF80, v22  }
0x4a6: {  	[tilespmem:v26+s23+$0x0] =	vst.idx.msk $0xffff, v17;
	v17 =	vadd.s32 s13, v0;
	v26 =	vadd.s32 s31, v2;
	v20 =	vadd.s32 v5, v14;
	v14 =	vld.idx.msk [tilespmem:v27+s2+$0x0], $0xffff  }
0x4a7: {  	s0 =	simm.s32 $0x2;
	v13 =	vadd.s32 s13, v2;
	v15 =	vld.idx.msk [tilespmem:v23+s2+$0x0], $0xffff;
	vm14 =	vlt.u32 v17, $0x50;
	[tilespmem:v30+s23+$0x0] =	vst.idx.msk $0xffff, v24;
	v24 =	vsel vm15, v25, v26  }
0x4a8: {  	v25 =	vadd.s32 s0, v0;
	v19 =	vand.u32 $0x7F, v22;
	v23 =	vsel vm14, v17, v13  }
0x4a9: {  	[tilespmem:v62+s23+$0x0] =	vst.idx.msk $0xffff, v63;
	v13 =	vadd.s32 v6, v23;
	v12 =	vadd.s32 v6, v22;
	v22 =	vand.u32 $0xFFFFFF80, v16  }
0x4aa: {  	s30 =	simm.s32 $0x10;
	s1 =	simm.s32 $0x1;
	v21 =	vand.u32 $0x7F, v16;
	v16 =	vadd.s32 v6, v16;
	v17 =	vld.idx.msk [tilespmem:v18+s2+$0x0], $0xffff;
	v18 =	vadd.s32 v6, v24  }
.LBB2_34:
0x4ab: {  	p0 =	slt.u32 s30, $0x40;
	v26 =	vadd.s32 s1, v0;
	vm0 =	vlt.u32 v25, $0x50;
	v27 =	vadd.s32 s0, v2;
	[tilespmem:v7+s23+$0x0] =	vst.idx.msk $0xffff, v14  }
0x4ac: {  	v7 =	vadd.s32 s1, v2;
	vm1 =	vlt.u32 v26, $0x50;
	v14 =	vsel vm0, v25, v27;
	v11 =	vld.idx.msk [tilespmem:v11+s2+$0x0], $0xffff;
	[tilespmem:v9+s23+$0x0] =	vst.idx.msk $0xffff, v15  }
0x4ad: {  	v15 =	vadd.s32 v5, v22;
	v7 =	vsel vm1, v26, v7;
	v9 =	vadd.s32 v6, v14  }
0x4ae: {  	v19 =	vor.u32 v19, v20;
	v15 =	vor.u32 v21, v15;
	v22 =	vadd.s32 v6, v7;
	v12 =	vld.idx.msk [tilespmem:v12+s2+$0x0], $0xffff  }
0x4af: {  	v20 =	vand.u32 $0xFFFFFF80, v23;
	v21 =	vand.u32 $0xFFFFFF80, v24;
	v24 =	vand.u32 $0x7F, v24;
	v16 =	vld.idx.msk [tilespmem:v16+s2+$0x0], $0xffff;
	[tilespmem:v8+s23+$0x0] =	vst.idx.msk $0xffff, v17  }
0x4b0: {  	v8 =	vand.u32 $0x7F, v23;
	v17 =	vadd.s32 v5, v20;
	v20 =	vadd.s32 v5, v21;
	v18 =	vld.idx.msk [tilespmem:v18+s2+$0x0], $0xffff  }
0x4b1: {  	v21 =	vand.u32 $0xFFFFFF80, v14;
	v8 =	vor.u32 v8, v17;
	v17 =	vor.u32 v24, v20;
	v13 =	vld.idx.msk [tilespmem:v13+s2+$0x0], $0xffff  }
0x4b2: {  	v14 =	vand.u32 $0x7F, v14;
	v20 =	vand.u32 $0xFFFFFF80, v7;
	v21 =	vadd.s32 v5, v21;
	v9 =	vld.idx.msk [tilespmem:v9+s2+$0x0], $0xffff;
	[tilespmem:v10+s23+$0x0] =	vst.idx.msk $0xffff, v11  }
0x4b3: {  	v7 =	vand.u32 $0x7F, v7;
	v14 =	vor.u32 v14, v21;
	v11 =	vadd.s32 v5, v20;
	v10 =	vld.idx.msk [tilespmem:v22+s2+$0x0], $0xffff  }
0x4b4: {  	v20 =	vmov s30;
	v7 =	vor.u32 v7, v11;
	[tilespmem:v19+s23+$0x0] =	vst.idx.msk $0xffff, v12  }
0x4b5: {  	s0 =	sadd.s32 $0xF, s30;
	v11 =	vor.u32 s30, v0;
	vm0 =	vlt.u32 v20, $0x50;
	v12 =	vadd.s32 s30, v2;
	[tilespmem:v15+s23+$0x0] =	vst.idx.msk $0xffff, v16  }
0x4b6: {  	v11 =	vsel vm0, v11, v12;
	v12 =	vadd.s32 s0, v0;
	[tilespmem:v17+s23+$0x0] =	vst.idx.msk $0xffff, v18  }
0x4b7: {  	v16 =	vadd.s32 s0, v2;
	v15 =	vand.u32 $0xFFFFFF80, v11;
	vm0 =	vlt.u32 v12, $0x50;
	[tilespmem:v8+s23+$0x0] =	vst.idx.msk $0xffff, v13  }
0x4b8: {  	v8 =	vand.u32 $0x7F, v11;
	v13 =	vadd.s32 v5, v15;
	v12 =	vsel vm0, v12, v16;
	[tilespmem:v14+s23+$0x0] =	vst.idx.msk $0xffff, v9  }
0x4b9: {  	s0 =	sadd.s32 $0xE, s30;
	v9 =	vadd.s32 v6, v11;
	v13 =	vor.u32 v8, v13;
	v8 =	vand.u32 $0x7F, v12;
	[tilespmem:v7+s23+$0x0] =	vst.idx.msk $0xffff, v10  }
0x4ba: {  	v11 =	vand.u32 $0xFFFFFF80, v12;
	v7 =	vadd.s32 s0, v0;
	v10 =	vadd.s32 v6, v12  }
0x4bb: {  	s1 =	sadd.s32 $0xD, s30;
	v12 =	vadd.s32 s0, v2;
	v11 =	vadd.s32 v5, v11;
	vm0 =	vlt.u32 v7, $0x50  }
0x4bc: {  	v14 =	vadd.s32 s1, v0;
	v7 =	vsel vm0, v7, v12;
	v12 =	vor.u32 v8, v11  }
0x4bd: {  	vm0 =	vlt.u32 v14, $0x50;
	v8 =	vadd.s32 s1, v2;
	v11 =	vand.u32 $0xFFFFFF80, v7  }
0x4be: {  	v8 =	vsel vm0, v14, v8;
	v14 =	vand.u32 $0x7F, v7;
	v11 =	vadd.s32 v5, v11  }
0x4bf: {  	s0 =	sadd.s32 $0xC, s30;
	v16 =	vadd.s32 v6, v7;
	v15 =	vand.u32 $0x7F, v8;
	v17 =	vor.u32 v14, v11  }
0x4c0: {  	v7 =	vadd.s32 s0, v0;
	v14 =	vadd.s32 v6, v8;
	v8 =	vand.u32 $0xFFFFFF80, v8  }
0x4c1: {  	s1 =	sadd.s32 $0xB, s30;
	vm0 =	vlt.u32 v7, $0x50;
	v11 =	vadd.s32 s0, v2;
	v8 =	vadd.s32 v5, v8  }
0x4c2: {  	v18 =	vadd.s32 s1, v0;
	v7 =	vsel vm0, v7, v11;
	v23 =	vor.u32 v15, v8  }
0x4c3: {  	vm0 =	vlt.u32 v18, $0x50;
	v8 =	vadd.s32 s1, v2;
	v11 =	vand.u32 $0xFFFFFF80, v7  }
0x4c4: {  	v15 =	vand.u32 $0x7F, v7;
	v8 =	vsel vm0, v18, v8;
	v11 =	vadd.s32 v5, v11  }
0x4c5: {  	s0 =	sadd.s32 $0xA, s30;
	v19 =	vadd.s32 v6, v7;
	v18 =	vand.u32 $0x7F, v8;
	v24 =	vor.u32 v15, v11  }
0x4c6: {  	v7 =	vadd.s32 s0, v0;
	v15 =	vadd.s32 v6, v8;
	v8 =	vand.u32 $0xFFFFFF80, v8  }
0x4c7: {  	s1 =	sadd.s32 $0x9, s30;
	vm0 =	vlt.u32 v7, $0x50;
	v11 =	vadd.s32 s0, v2;
	v8 =	vadd.s32 v5, v8  }
0x4c8: {  	v20 =	vadd.s32 s1, v0;
	v7 =	vsel vm0, v7, v11;
	v26 =	vor.u32 v18, v8  }
0x4c9: {  	vm0 =	vlt.u32 v20, $0x50;
	v8 =	vadd.s32 s1, v2;
	v11 =	vand.u32 $0xFFFFFF80, v7  }
0x4ca: {  	v18 =	vand.u32 $0x7F, v7;
	v8 =	vsel vm0, v20, v8;
	v11 =	vadd.s32 v5, v11  }
0x4cb: {  	s0 =	sadd.s32 $0x8, s30;
	v21 =	vadd.s32 v6, v7;
	v20 =	vand.u32 $0x7F, v8;
	v7 =	vor.u32 v18, v11  }
0x4cc: {  	v11 =	vadd.s32 s0, v0;
	v18 =	vadd.s32 v6, v8;
	v8 =	vand.u32 $0xFFFFFF80, v8  }
0x4cd: {  	v22 =	vadd.s32 s0, v2;
	s1 =	sadd.s32 $0x7, s30;
	vm0 =	vlt.u32 v11, $0x50;
	v8 =	vadd.s32 v5, v8  }
0x4ce: {  	v27 =	vadd.s32 s1, v0;
	v11 =	vsel vm0, v11, v22;
	v25 =	vld.idx.msk [tilespmem:v9+s2+$0x0], $0xffff;
	v9 =	vor.u32 v20, v8  }
0x4cf: {  	vm0 =	vlt.u32 v27, $0x50;
	v8 =	vadd.s32 s1, v2;
	v20 =	vand.u32 $0xFFFFFF80, v11;
	v22 =	vld.idx.msk [tilespmem:v10+s2+$0x0], $0xffff  }
0x4d0: {  	v10 =	vsel vm0, v27, v8;
	v8 =	vand.u32 $0x7F, v11;
	v20 =	vadd.s32 v5, v20  }
0x4d1: {  	s0 =	sadd.s32 $0x6, s30;
	v28 =	vadd.s32 v6, v11;
	v27 =	vand.u32 $0x7F, v10;
	v8 =	vor.u32 v8, v20;
	v16 =	vld.idx.msk [tilespmem:v16+s2+$0x0], $0xffff  }
0x4d2: {  	v20 =	vadd.s32 s0, v0;
	v11 =	vadd.s32 v6, v10;
	v10 =	vand.u32 $0xFFFFFF80, v10;
	v29 =	vld.idx.msk [tilespmem:v14+s2+$0x0], $0xffff  }
0x4d3: {  	s1 =	sadd.s32 $0x5, s30;
	vm0 =	vlt.u32 v20, $0x50;
	v10 =	vadd.s32 v5, v10;
	v14 =	vadd.s32 s0, v2;
	v30 =	vld.idx.msk [tilespmem:v19+s2+$0x0], $0xffff  }
0x4d4: {  	v10 =	vor.u32 v27, v10;
	v14 =	vsel vm0, v20, v14;
	[tilespmem:v13+s23+$0x0] =	vst.idx.msk $0xffff, v25;
	v13 =	vadd.s32 s1, v0  }
0x4d5: {  	v20 =	vadd.s32 s1, v2;
	v19 =	vand.u32 $0x7F, v14;
	vm0 =	vlt.u32 v13, $0x50;
	v27 =	vld.idx.msk [tilespmem:v15+s2+$0x0], $0xffff;
	[tilespmem:v12+s23+$0x0] =	vst.idx.msk $0xffff, v22  }
0x4d6: {  	v12 =	vadd.s32 v6, v14;
	v15 =	vand.u32 $0xFFFFFF80, v14;
	v13 =	vsel vm0, v13, v20;
	v14 =	vld.idx.msk [tilespmem:v21+s2+$0x0], $0xffff  }
.Ltmp15:
0x4d7: {  	s0 =	sadd.s32 $0x3, s30;
	s1 =	sadd.s32 $0x4, s30;
	v20 =	vadd.s32 v5, v15;
	v22 =	vand.u32 $0xFFFFFF80, v13;
	v21 =	vand.u32 $0x7F, v13;
	v15 =	vld.idx.msk [tilespmem:v18+s2+$0x0], $0xffff;
	[tilespmem:v17+s23+$0x0] =	vst.idx.msk $0xffff, v16;
	(pc) =	sbr.rel @p0 .LBB2_34-.Ltmp15, $4  }
0x4d8: {  	v16 =	vadd.s32 s0, v0;
	v17 =	vadd.s32 s1, v0;
	v18 =	vadd.s32 s1, v2;
	[tilespmem:v23+s23+$0x0] =	vst.idx.msk $0xffff, v29  }
0x4d9: {  	vm0 =	vlt.u32 v16, $0x50;
	v23 =	vadd.s32 s0, v2;
	vm1 =	vlt.u32 v17, $0x50;
	[tilespmem:v24+s23+$0x0] =	vst.idx.msk $0xffff, v30  }
0x4da: {  	s0 =	sadd.s32 $0x2, s30;
	v23 =	vsel vm0, v16, v23;
	v24 =	vsel vm1, v17, v18;
	v16 =	vadd.s32 v6, v13;
	v17 =	vld.idx.msk [tilespmem:v28+s2+$0x0], $0xffff  }
0x4db: {  	s1 =	sadd.s32 $0x1, s30;
	s30 =	sadd.s32 $0x10, s30;
	v25 =	vadd.s32 s0, v0;
	v13 =	vadd.s32 v6, v23;
	v18 =	vadd.s32 v6, v24;
	[tilespmem:v26+s23+$0x0] =	vst.idx.msk $0xffff, v27  }
0x4dc: {  	v26 =	vadd.s32 s1, v0;
	vm0 =	vlt.u32 v25, $0x50  }
0x4dd: {  	v27 =	vadd.s32 s0, v2;
	v28 =	vadd.s32 s1, v2;
	v22 =	vadd.s32 v5, v22  }
0x4de: {  	v19 =	vor.u32 v19, v20;
	v20 =	vand.u32 $0xFFFFFF80, v24;
	vm1 =	vlt.u32 v26, $0x50  }
0x4df: {  	s7 =	simm.s32 $0xF;
	s8 =	simm.s32 $0xE;
	v25 =	vsel vm0, v25, v27;
	v21 =	vor.u32 v21, v22;
	v22 =	vand.u32 $0x7F, v24  }
0x4e0: {  	s9 =	simm.s32 $0xD;
	s11 =	simm.s32 $0xC;
	v20 =	vadd.s32 v5, v20;
	v30 =	vadd.s32 s7, v2;
	v50 =	vadd.s32 s8, v0  }
0x4e1: {  	v51 =	vadd.s32 s8, v2;
	v32 =	vadd.s32 s9, v0;
	v52 =	vadd.s32 s11, v0  }
0x4e2: {  	v33 =	vadd.s32 s9, v2;
	v34 =	vadd.s32 s11, v2;
	v26 =	vsel vm1, v26, v28  }
0x4e3: {  	v27 =	vadd.s32 v6, v25;
	v29 =	vand.u32 $0xFFFFFF80, v25;
	v20 =	vor.u32 v22, v20  }
0x4e4: {  	s13 =	sor.u32 $0x20, s29;
	s8 =	simm.s32 $0x7;
	v22 =	vand.u32 $0x7F, v25;
	vm4 =	vlt.u32 v50, $0x50;
	vm5 =	vlt.u32 v32, $0x50  }
0x4e5: {  	s31 =	sand.u32 $0x60, s13;
	vm6 =	vlt.u32 v52, $0x50;
	v38 =	vadd.s32 s8, v0;
	v58 =	vadd.s32 s8, v2  }
0x4e6: {  	s1 =	sadd.s32 s31, s28;
	s31 =	simm.s32 $0xA;
	v28 =	vadd.s32 v6, v26;
	v6 =	vand.u32 $0xFFFFFF80, v23;
	v23 =	vand.u32 $0x7F, v23  }
0x4e7: {  	v25 =	vadd.s32 v5, v29;
	v32 =	vsel vm5, v32, v33;
	v35 =	vadd.s32 s31, v0  }
0x4e8: {  	v24 =	vld.idx.msk [tilespmem:v4+s1+$0x0 ss:$0x1], $0xffff;
	v36 =	vadd.s32 s31, v2;
	vm11 =	vlt.u32 v38, $0x50;
	v6 =	vadd.s32 v5, v6  }
0x4e9: {  	[tilespmem:v7+s23+$0x0] =	vst.idx.msk $0xffff, v14;
	v22 =	vor.u32 v22, v25;
	vm8 =	vlt.u32 v35, $0x50;
	v14 =	vsel vm11, v38, v58  }
0x4ea: {  	[tilespmem:v8+s23+$0x0] =	vst.idx.msk $0xffff, v17;
	v8 =	vand.u32 $0x7F, v32;
	v23 =	vor.u32 v23, v6;
	v6 =	vand.u32 $0xFFFFFF80, v26  }
0x4eb: {  	s3 =	simm.s32 $0x0;
	v7 =	vld.idx.msk [tilespmem:v11+s2+$0x0], $0xffff;
	v26 =	vand.u32 $0x7F, v26;
	v35 =	vsel vm8, v35, v36;
	v5 =	vadd.s32 v5, v6  }
0x4ec: {  	v25 =	vor.u32 v26, v5;
	v5 =	vmov s13;
	v26 =	vor.u32 s3, v0  }
0x4ed: {  	s13 =	simm.s32 $0xB;
	v6 =	vshll.u32 v24, $0x7;
	v5 =	vshll.u32 v5, $0x7;
	v24 =	vmov s3  }
0x4ee: {  	v53 =	vadd.s32 s13, v0;
	v54 =	vadd.s32 s13, v2;
	vm14 =	vlt.u32 v24, $0x50  }
0x4ef: {  	v16 =	vld.idx.msk [tilespmem:v16+s2+$0x0], $0xffff;
	v24 =	vadd.s32 s3, v2;
	v5 =	vor.u32 v1, v5;
	vm7 =	vlt.u32 v53, $0x50  }
0x4f0: {  	[tilespmem:v10+s23+$0x0] =	vst.idx.msk $0xffff, v7;
	s3 =	simm.s32 $0x9;
	v10 =	vadd.s32 v6, v32;
	v24 =	vsel vm14, v26, v24;
	v26 =	vadd.s32 s7, v0  }
0x4f1: {  	v33 =	vsel vm7, v53, v54;
	v55 =	vadd.s32 s3, v0;
	v37 =	vadd.s32 s3, v2  }
0x4f2: {  	s7 =	simm.s32 $0x8;
	v49 =	vand.u32 $0xFFFFFF80, v24;
	vm15 =	vlt.u32 v26, $0x50;
	v31 =	vand.u32 $0x7F, v24  }
0x4f3: {  	v24 =	vadd.s32 v6, v24;
	vm9 =	vlt.u32 v55, $0x50;
	v56 =	vadd.s32 s7, v0  }
0x4f4: {  	[tilespmem:v21+s23+$0x0] =	vst.idx.msk $0xffff, v16;
	v57 =	vadd.s32 s7, v2;
	v16 =	vadd.s32 v6, v33;
	v29 =	vadd.s32 v5, v49  }
0x4f5: {  	v12 =	vld.idx.msk [tilespmem:v12+s2+$0x0], $0xffff;
	v26 =	vsel vm15, v26, v30;
	v30 =	vsel vm4, v50, v51;
	vm10 =	vlt.u32 v56, $0x50  }
0x4f6: {  	v29 =	vor.u32 v31, v29;
	v31 =	vsel vm6, v52, v34;
	v34 =	vsel vm9, v55, v37  }
0x4f7: {  	[tilespmem:v9+s23+$0x0] =	vst.idx.msk $0xffff, v15;
	v36 =	vsel vm10, v56, v57;
	v11 =	vand.u32 $0x7F, v26;
	v59 =	vand.u32 $0xFFFFFF80, v26  }
0x4f8: {  	v18 =	vld.idx.msk [tilespmem:v18+s2+$0x0], $0xffff;
	v15 =	vadd.s32 v6, v26;
	v26 =	vand.u32 $0xFFFFFF80, v30;
	v9 =	vadd.s32 v5, v59  }
0x4f9: {  	v17 =	vadd.s32 v6, v30;
	v7 =	vand.u32 $0x7F, v31;
	v37 =	vor.u32 v11, v9  }
0x4fa: {  	[tilespmem:v19+s23+$0x0] =	vst.idx.msk $0xffff, v12;
	v19 =	vld.idx.msk [tilespmem:v28+s2+$0x0], $0xffff;
	v9 =	vand.u32 $0x7F, v30;
	v11 =	vadd.s32 v5, v26;
	v26 =	vand.u32 $0xFFFFFF80, v32  }
0x4fb: {  	v60 =	vor.u32 v9, v11;
	v9 =	vadd.s32 v5, v26;
	v11 =	vand.u32 $0xFFFFFF80, v31;
	v21 =	vld.idx.msk [tilespmem:v24+s2+$0x0], $0xffff  }
0x4fc: {  	v12 =	vadd.s32 v6, v31;
	v24 =	vld.idx.msk [tilespmem:v10+s2+$0x0], $0xffff;
	v26 =	vor.u32 v8, v9;
	v8 =	vadd.s32 v5, v11  }
0x4fd: {  	[tilespmem:v20+s23+$0x0] =	vst.idx.msk $0xffff, v18;
	v18 =	vand.u32 $0x7F, v34;
	v9 =	vld.idx.msk [tilespmem:v13+s2+$0x0], $0xffff;
	v13 =	vor.u32 v7, v8;
	v7 =	vand.u32 $0xFFFFFF80, v33  }
0x4fe: {  	v20 =	vand.u32 $0xFFFFFF80, v36;
	v11 =	vld.idx.msk [tilespmem:v27+s2+$0x0], $0xffff;
	v8 =	vand.u32 $0x7F, v33;
	v7 =	vadd.s32 v5, v7  }
0x4ff: {  	s9 =	simm.s32 $0x6;
	v62 =	vadd.s32 v6, v36;
	v15 =	vld.idx.msk [tilespmem:v15+s2+$0x0], $0xffff;
	v61 =	vor.u32 v8, v7;
	v7 =	vand.u32 $0xFFFFFF80, v35  }
0x500: {  	[tilespmem:v25+s23+$0x0] =	vst.idx.msk $0xffff, v19;
	v10 =	vadd.s32 s9, v2;
	v17 =	vld.idx.msk [tilespmem:v17+s2+$0x0], $0xffff;
	v8 =	vand.u32 $0x7F, v35;
	v7 =	vadd.s32 v5, v7  }
0x501: {  	s11 =	simm.s32 $0x5;
	v27 =	vadd.s32 v6, v35;
	v25 =	vld.idx.msk [tilespmem:v12+s2+$0x0], $0xffff;
	v7 =	vor.u32 v8, v7;
	v8 =	vand.u32 $0xFFFFFF80, v34  }
0x502: {  	v12 =	vadd.s32 s11, v0;
	[tilespmem:v23+s23+$0x0] =	vst.idx.msk $0xffff, v9;
	v23 =	vadd.s32 v6, v34;
	v8 =	vadd.s32 v5, v8  }
0x503: {  	vm13 =	vlt.u32 v12, $0x50;
	[tilespmem:v22+s23+$0x0] =	vst.idx.msk $0xffff, v11;
	v11 =	vadd.s32 v6, v14;
	v9 =	vor.u32 v18, v8  }
0x504: {  	v8 =	vand.u32 $0x7F, v36;
	v18 =	vadd.s32 v5, v20;
	v20 =	vadd.s32 s9, v0  }
0x505: {  	s13 =	simm.s32 $0x3;
	[tilespmem:v29+s23+$0x0] =	vst.idx.msk $0xffff, v21;
	v8 =	vor.u32 v8, v18;
	v18 =	vand.u32 $0x7F, v14;
	v14 =	vand.u32 $0xFFFFFF80, v14  }
0x506: {  	v63 =	vld.idx.msk [tilespmem:v16+s2+$0x0], $0xffff;
	[tilespmem:v60+s23+$0x0] =	vst.idx.msk $0xffff, v17;
	v17 =	vadd.s32 s13, v0;
	vm12 =	vlt.u32 v20, $0x50;
	v14 =	vadd.s32 v5, v14  }
0x507: {  	[tilespmem:v37+s23+$0x0] =	vst.idx.msk $0xffff, v15;
	v20 =	vsel vm12, v20, v10;
	v10 =	vor.u32 v18, v14;
	v14 =	vadd.s32 s11, v2  }
0x508: {  	vm14 =	vlt.u32 v17, $0x50;
	[tilespmem:v13+s23+$0x0] =	vst.idx.msk $0xffff, v25;
	v16 =	vsel vm13, v12, v14;
	v14 =	vand.u32 $0xFFFFFF80, v20  }
0x509: {  	s0 =	simm.s32 $0x2;
	s31 =	simm.s32 $0x4;
	v19 =	vand.u32 $0x7F, v20;
	v12 =	vadd.s32 v6, v20;
	v20 =	vadd.s32 v5, v14;
	v14 =	vld.idx.msk [tilespmem:v27+s2+$0x0], $0xffff  }
0x50a: {  	v25 =	vadd.s32 s0, v0;
	v18 =	vadd.s32 s31, v0;
	v15 =	vld.idx.msk [tilespmem:v23+s2+$0x0], $0xffff;
	v23 =	vadd.s32 s13, v2  }
0x50b: {  	[tilespmem:v26+s23+$0x0] =	vst.idx.msk $0xffff, v24;
	vm15 =	vlt.u32 v18, $0x50;
	v23 =	vsel vm14, v17, v23;
	v27 =	vadd.s32 s31, v2  }
0x50c: {  	[tilespmem:v61+s23+$0x0] =	vst.idx.msk $0xffff, v63;
	v22 =	vand.u32 $0xFFFFFF80, v16;
	v21 =	vand.u32 $0x7F, v16;
	v24 =	vsel vm15, v18, v27  }
0x50d: {  	s30 =	simm.s32 $0x10;
	s1 =	simm.s32 $0x1;
	v17 =	vld.idx.msk [tilespmem:v62+s2+$0x0], $0xffff;
	v16 =	vadd.s32 v6, v16;
	v13 =	vadd.s32 v6, v23;
	v18 =	vadd.s32 v6, v24  }
.LBB2_36:
0x50e: {  	p0 =	slt.u32 s30, $0x40;
	v26 =	vadd.s32 s1, v0;
	vm0 =	vlt.u32 v25, $0x50;
	v27 =	vadd.s32 s0, v2;
	[tilespmem:v7+s23+$0x0] =	vst.idx.msk $0xffff, v14  }
0x50f: {  	v7 =	vadd.s32 s1, v2;
	vm1 =	vlt.u32 v26, $0x50;
	v14 =	vsel vm0, v25, v27;
	v11 =	vld.idx.msk [tilespmem:v11+s2+$0x0], $0xffff;
	[tilespmem:v9+s23+$0x0] =	vst.idx.msk $0xffff, v15  }
0x510: {  	v15 =	vadd.s32 v5, v22;
	v7 =	vsel vm1, v26, v7;
	v9 =	vadd.s32 v6, v14  }
0x511: {  	v19 =	vor.u32 v19, v20;
	v15 =	vor.u32 v21, v15;
	v22 =	vadd.s32 v6, v7;
	v12 =	vld.idx.msk [tilespmem:v12+s2+$0x0], $0xffff  }
0x512: {  	v20 =	vand.u32 $0xFFFFFF80, v23;
	v21 =	vand.u32 $0xFFFFFF80, v24;
	v24 =	vand.u32 $0x7F, v24;
	v16 =	vld.idx.msk [tilespmem:v16+s2+$0x0], $0xffff;
	[tilespmem:v8+s23+$0x0] =	vst.idx.msk $0xffff, v17  }
0x513: {  	v8 =	vand.u32 $0x7F, v23;
	v17 =	vadd.s32 v5, v20;
	v20 =	vadd.s32 v5, v21;
	v18 =	vld.idx.msk [tilespmem:v18+s2+$0x0], $0xffff  }
0x514: {  	v21 =	vand.u32 $0xFFFFFF80, v14;
	v8 =	vor.u32 v8, v17;
	v17 =	vor.u32 v24, v20;
	v13 =	vld.idx.msk [tilespmem:v13+s2+$0x0], $0xffff  }
0x515: {  	v14 =	vand.u32 $0x7F, v14;
	v20 =	vand.u32 $0xFFFFFF80, v7;
	v21 =	vadd.s32 v5, v21;
	v9 =	vld.idx.msk [tilespmem:v9+s2+$0x0], $0xffff;
	[tilespmem:v10+s23+$0x0] =	vst.idx.msk $0xffff, v11  }
0x516: {  	v7 =	vand.u32 $0x7F, v7;
	v14 =	vor.u32 v14, v21;
	v11 =	vadd.s32 v5, v20;
	v10 =	vld.idx.msk [tilespmem:v22+s2+$0x0], $0xffff  }
0x517: {  	v20 =	vmov s30;
	v7 =	vor.u32 v7, v11;
	[tilespmem:v19+s23+$0x0] =	vst.idx.msk $0xffff, v12  }
0x518: {  	s0 =	sadd.s32 $0xF, s30;
	v11 =	vor.u32 s30, v0;
	vm0 =	vlt.u32 v20, $0x50;
	v12 =	vadd.s32 s30, v2;
	[tilespmem:v15+s23+$0x0] =	vst.idx.msk $0xffff, v16  }
0x519: {  	v11 =	vsel vm0, v11, v12;
	v12 =	vadd.s32 s0, v0;
	[tilespmem:v17+s23+$0x0] =	vst.idx.msk $0xffff, v18  }
0x51a: {  	v16 =	vadd.s32 s0, v2;
	v15 =	vand.u32 $0xFFFFFF80, v11;
	vm0 =	vlt.u32 v12, $0x50;
	[tilespmem:v8+s23+$0x0] =	vst.idx.msk $0xffff, v13  }
0x51b: {  	v8 =	vand.u32 $0x7F, v11;
	v13 =	vadd.s32 v5, v15;
	v12 =	vsel vm0, v12, v16;
	[tilespmem:v14+s23+$0x0] =	vst.idx.msk $0xffff, v9  }
0x51c: {  	s0 =	sadd.s32 $0xE, s30;
	v9 =	vadd.s32 v6, v11;
	v13 =	vor.u32 v8, v13;
	v8 =	vand.u32 $0x7F, v12;
	[tilespmem:v7+s23+$0x0] =	vst.idx.msk $0xffff, v10  }
0x51d: {  	v11 =	vand.u32 $0xFFFFFF80, v12;
	v7 =	vadd.s32 s0, v0;
	v10 =	vadd.s32 v6, v12  }
0x51e: {  	s1 =	sadd.s32 $0xD, s30;
	v12 =	vadd.s32 s0, v2;
	v11 =	vadd.s32 v5, v11;
	vm0 =	vlt.u32 v7, $0x50  }
0x51f: {  	v14 =	vadd.s32 s1, v0;
	v7 =	vsel vm0, v7, v12;
	v12 =	vor.u32 v8, v11  }
0x520: {  	vm0 =	vlt.u32 v14, $0x50;
	v8 =	vadd.s32 s1, v2;
	v11 =	vand.u32 $0xFFFFFF80, v7  }
0x521: {  	v8 =	vsel vm0, v14, v8;
	v14 =	vand.u32 $0x7F, v7;
	v11 =	vadd.s32 v5, v11  }
0x522: {  	s0 =	sadd.s32 $0xC, s30;
	v16 =	vadd.s32 v6, v7;
	v15 =	vand.u32 $0x7F, v8;
	v17 =	vor.u32 v14, v11  }
0x523: {  	v7 =	vadd.s32 s0, v0;
	v14 =	vadd.s32 v6, v8;
	v8 =	vand.u32 $0xFFFFFF80, v8  }
0x524: {  	s1 =	sadd.s32 $0xB, s30;
	vm0 =	vlt.u32 v7, $0x50;
	v11 =	vadd.s32 s0, v2;
	v8 =	vadd.s32 v5, v8  }
0x525: {  	v18 =	vadd.s32 s1, v0;
	v7 =	vsel vm0, v7, v11;
	v23 =	vor.u32 v15, v8  }
0x526: {  	vm0 =	vlt.u32 v18, $0x50;
	v8 =	vadd.s32 s1, v2;
	v11 =	vand.u32 $0xFFFFFF80, v7  }
0x527: {  	v15 =	vand.u32 $0x7F, v7;
	v8 =	vsel vm0, v18, v8;
	v11 =	vadd.s32 v5, v11  }
0x528: {  	s0 =	sadd.s32 $0xA, s30;
	v19 =	vadd.s32 v6, v7;
	v18 =	vand.u32 $0x7F, v8;
	v24 =	vor.u32 v15, v11  }
0x529: {  	v7 =	vadd.s32 s0, v0;
	v15 =	vadd.s32 v6, v8;
	v8 =	vand.u32 $0xFFFFFF80, v8  }
0x52a: {  	s1 =	sadd.s32 $0x9, s30;
	vm0 =	vlt.u32 v7, $0x50;
	v11 =	vadd.s32 s0, v2;
	v8 =	vadd.s32 v5, v8  }
0x52b: {  	v20 =	vadd.s32 s1, v0;
	v7 =	vsel vm0, v7, v11;
	v26 =	vor.u32 v18, v8  }
0x52c: {  	vm0 =	vlt.u32 v20, $0x50;
	v8 =	vadd.s32 s1, v2;
	v11 =	vand.u32 $0xFFFFFF80, v7  }
0x52d: {  	v18 =	vand.u32 $0x7F, v7;
	v8 =	vsel vm0, v20, v8;
	v11 =	vadd.s32 v5, v11  }
0x52e: {  	s0 =	sadd.s32 $0x8, s30;
	v21 =	vadd.s32 v6, v7;
	v20 =	vand.u32 $0x7F, v8;
	v7 =	vor.u32 v18, v11  }
0x52f: {  	v11 =	vadd.s32 s0, v0;
	v18 =	vadd.s32 v6, v8;
	v8 =	vand.u32 $0xFFFFFF80, v8  }
0x530: {  	v22 =	vadd.s32 s0, v2;
	s1 =	sadd.s32 $0x7, s30;
	vm0 =	vlt.u32 v11, $0x50;
	v8 =	vadd.s32 v5, v8  }
0x531: {  	v27 =	vadd.s32 s1, v0;
	v11 =	vsel vm0, v11, v22;
	v25 =	vld.idx.msk [tilespmem:v9+s2+$0x0], $0xffff;
	v9 =	vor.u32 v20, v8  }
0x532: {  	vm0 =	vlt.u32 v27, $0x50;
	v8 =	vadd.s32 s1, v2;
	v20 =	vand.u32 $0xFFFFFF80, v11;
	v22 =	vld.idx.msk [tilespmem:v10+s2+$0x0], $0xffff  }
0x533: {  	v10 =	vsel vm0, v27, v8;
	v8 =	vand.u32 $0x7F, v11;
	v20 =	vadd.s32 v5, v20  }
0x534: {  	s0 =	sadd.s32 $0x6, s30;
	v28 =	vadd.s32 v6, v11;
	v27 =	vand.u32 $0x7F, v10;
	v8 =	vor.u32 v8, v20;
	v16 =	vld.idx.msk [tilespmem:v16+s2+$0x0], $0xffff  }
0x535: {  	v20 =	vadd.s32 s0, v0;
	v11 =	vadd.s32 v6, v10;
	v10 =	vand.u32 $0xFFFFFF80, v10;
	v29 =	vld.idx.msk [tilespmem:v14+s2+$0x0], $0xffff  }
0x536: {  	s1 =	sadd.s32 $0x5, s30;
	vm0 =	vlt.u32 v20, $0x50;
	v10 =	vadd.s32 v5, v10;
	v14 =	vadd.s32 s0, v2;
	v30 =	vld.idx.msk [tilespmem:v19+s2+$0x0], $0xffff  }
0x537: {  	v10 =	vor.u32 v27, v10;
	v14 =	vsel vm0, v20, v14;
	[tilespmem:v13+s23+$0x0] =	vst.idx.msk $0xffff, v25;
	v13 =	vadd.s32 s1, v0  }
0x538: {  	v20 =	vadd.s32 s1, v2;
	v19 =	vand.u32 $0x7F, v14;
	vm0 =	vlt.u32 v13, $0x50;
	v27 =	vld.idx.msk [tilespmem:v15+s2+$0x0], $0xffff;
	[tilespmem:v12+s23+$0x0] =	vst.idx.msk $0xffff, v22  }
0x539: {  	v12 =	vadd.s32 v6, v14;
	v15 =	vand.u32 $0xFFFFFF80, v14;
	v13 =	vsel vm0, v13, v20;
	v14 =	vld.idx.msk [tilespmem:v21+s2+$0x0], $0xffff  }
.Ltmp16:
0x53a: {  	s0 =	sadd.s32 $0x3, s30;
	s1 =	sadd.s32 $0x4, s30;
	v20 =	vadd.s32 v5, v15;
	v22 =	vand.u32 $0xFFFFFF80, v13;
	v21 =	vand.u32 $0x7F, v13;
	v15 =	vld.idx.msk [tilespmem:v18+s2+$0x0], $0xffff;
	[tilespmem:v17+s23+$0x0] =	vst.idx.msk $0xffff, v16;
	(pc) =	sbr.rel @p0 .LBB2_36-.Ltmp16, $4  }
0x53b: {  	v16 =	vadd.s32 s0, v0;
	v17 =	vadd.s32 s1, v0;
	v18 =	vadd.s32 s1, v2;
	[tilespmem:v23+s23+$0x0] =	vst.idx.msk $0xffff, v29  }
0x53c: {  	vm0 =	vlt.u32 v16, $0x50;
	v23 =	vadd.s32 s0, v2;
	vm1 =	vlt.u32 v17, $0x50;
	[tilespmem:v24+s23+$0x0] =	vst.idx.msk $0xffff, v30  }
0x53d: {  	s0 =	sadd.s32 $0x2, s30;
	v23 =	vsel vm0, v16, v23;
	v24 =	vsel vm1, v17, v18;
	v16 =	vadd.s32 v6, v13;
	v17 =	vld.idx.msk [tilespmem:v28+s2+$0x0], $0xffff  }
0x53e: {  	s1 =	sadd.s32 $0x1, s30;
	s30 =	sadd.s32 $0x10, s30;
	v25 =	vadd.s32 s0, v0;
	v13 =	vadd.s32 v6, v23;
	v18 =	vadd.s32 v6, v24;
	[tilespmem:v26+s23+$0x0] =	vst.idx.msk $0xffff, v27  }
0x53f: {  	v26 =	vadd.s32 s1, v0;
	vm0 =	vlt.u32 v25, $0x50  }
0x540: {  	v27 =	vadd.s32 s0, v2;
	v28 =	vadd.s32 s1, v2;
	v22 =	vadd.s32 v5, v22  }
0x541: {  	v19 =	vor.u32 v19, v20;
	v20 =	vand.u32 $0xFFFFFF80, v24;
	vm1 =	vlt.u32 v26, $0x50  }
0x542: {  	s8 =	sor.u32 $0x30, s29;
	s13 =	simm.s32 $0xF;
	s29 =	simm.s32 $0xE;
	v25 =	vsel vm0, v25, v27;
	v21 =	vor.u32 v21, v22;
	v22 =	vand.u32 $0x7F, v24  }
0x543: {  	s30 =	simm.s32 $0xD;
	s31 =	simm.s32 $0xC;
	v20 =	vadd.s32 v5, v20;
	v30 =	vadd.s32 s13, v2;
	v50 =	vadd.s32 s29, v0  }
0x544: {  	s3 =	simm.s32 $0xB;
	v51 =	vadd.s32 s29, v2;
	v32 =	vadd.s32 s30, v0;
	v52 =	vadd.s32 s31, v0  }
0x545: {  	s7 =	simm.s32 $0xA;
	v33 =	vadd.s32 s30, v2;
	v34 =	vadd.s32 s31, v2;
	v53 =	vadd.s32 s3, v0  }
0x546: {  	v54 =	vadd.s32 s3, v2;
	v35 =	vadd.s32 s7, v0;
	v36 =	vadd.s32 s7, v2  }
0x547: {  	v26 =	vsel vm1, v26, v28;
	v27 =	vadd.s32 v6, v25;
	v29 =	vand.u32 $0xFFFFFF80, v25  }
0x548: {  	v20 =	vor.u32 v22, v20;
	v22 =	vand.u32 $0x7F, v25;
	vm4 =	vlt.u32 v50, $0x50  }
0x549: {  	vm5 =	vlt.u32 v32, $0x50;
	vm6 =	vlt.u32 v52, $0x50;
	vm7 =	vlt.u32 v53, $0x50  }
0x54a: {  	s9 =	sand.u32 $0x70, s8;
	vm8 =	vlt.u32 v35, $0x50;
	v28 =	vadd.s32 v6, v26;
	v6 =	vand.u32 $0xFFFFFF80, v23  }
0x54b: {  	v16 =	vld.idx.msk [tilespmem:v16+s2+$0x0], $0xffff;
	s1 =	sadd.s32 s9, s28;
	s9 =	simm.s32 $0x8;
	v23 =	vand.u32 $0x7F, v23;
	v25 =	vadd.s32 v5, v29;
	v32 =	vsel vm5, v32, v33  }
0x54c: {  	v24 =	vld.idx.msk [tilespmem:v4+s1+$0x0 ss:$0x1], $0xffff;
	v33 =	vsel vm7, v53, v54;
	v35 =	vsel vm8, v35, v36;
	v56 =	vadd.s32 s9, v0  }
0x54d: {  	v57 =	vadd.s32 s9, v2;
	v6 =	vadd.s32 v5, v6;
	v22 =	vor.u32 v22, v25  }
0x54e: {  	[tilespmem:v7+s23+$0x0] =	vst.idx.msk $0xffff, v14;
	v7 =	vld.idx.msk [tilespmem:v11+s2+$0x0], $0xffff;
	vm10 =	vlt.u32 v56, $0x50;
	v23 =	vor.u32 v23, v6;
	v6 =	vand.u32 $0xFFFFFF80, v26  }
0x54f: {  	[tilespmem:v8+s23+$0x0] =	vst.idx.msk $0xffff, v17;
	v26 =	vand.u32 $0x7F, v26;
	v36 =	vsel vm10, v56, v57;
	v5 =	vadd.s32 v5, v6  }
0x550: {  	s11 =	simm.s32 $0x0;
	v12 =	vld.idx.msk [tilespmem:v12+s2+$0x0], $0xffff;
	v8 =	vand.u32 $0x7F, v32;
	[tilespmem:v21+s23+$0x0] =	vst.idx.msk $0xffff, v16;
	v21 =	vand.u32 $0xFFFFFF80, v36;
	v25 =	vor.u32 v26, v5  }
0x551: {  	v5 =	vmov s8;
	v26 =	vor.u32 s11, v0;
	s8 =	simm.s32 $0x9;
	v6 =	vshll.u32 v24, $0x7  }
0x552: {  	v5 =	vshll.u32 v5, $0x7;
	v24 =	vmov s11;
	v55 =	vadd.s32 s8, v0  }
0x553: {  	v18 =	vld.idx.msk [tilespmem:v18+s2+$0x0], $0xffff;
	v37 =	vadd.s32 s8, v2;
	vm14 =	vlt.u32 v24, $0x50;
	v24 =	vadd.s32 s11, v2  }
0x554: {  	[tilespmem:v10+s23+$0x0] =	vst.idx.msk $0xffff, v7;
	v5 =	vor.u32 v1, v5;
	vm9 =	vlt.u32 v55, $0x50;
	v10 =	vadd.s32 v6, v32  }
0x555: {  	[tilespmem:v19+s23+$0x0] =	vst.idx.msk $0xffff, v12;
	s11 =	simm.s32 $0x7;
	v19 =	vadd.s32 v6, v35;
	v24 =	vsel vm14, v26, v24;
	v26 =	vadd.s32 s13, v0  }
0x556: {  	v38 =	vadd.s32 s11, v0;
	v58 =	vadd.s32 s11, v2;
	v49 =	vand.u32 $0xFFFFFF80, v24  }
0x557: {  	vm15 =	vlt.u32 v26, $0x50;
	v31 =	vand.u32 $0x7F, v24;
	v24 =	vadd.s32 v6, v24  }
0x558: {  	[tilespmem:v9+s23+$0x0] =	vst.idx.msk $0xffff, v15;
	vm11 =	vlt.u32 v38, $0x50;
	v29 =	vadd.s32 v5, v49;
	v26 =	vsel vm15, v26, v30  }
0x559: {  	v30 =	vsel vm4, v50, v51;
	v14 =	vsel vm11, v38, v58;
	v29 =	vor.u32 v31, v29  }
0x55a: {  	[tilespmem:v20+s23+$0x0] =	vst.idx.msk $0xffff, v18;
	v31 =	vsel vm6, v52, v34;
	v34 =	vsel vm9, v55, v37;
	v59 =	vand.u32 $0xFFFFFF80, v26  }
0x55b: {  	v18 =	vld.idx.msk [tilespmem:v28+s2+$0x0], $0xffff;
	v11 =	vand.u32 $0x7F, v26;
	v15 =	vadd.s32 v6, v26;
	v9 =	vadd.s32 v5, v59  }
0x55c: {  	v26 =	vand.u32 $0xFFFFFF80, v30;
	v17 =	vadd.s32 v6, v30;
	v37 =	vor.u32 v11, v9  }
0x55d: {  	v9 =	vand.u32 $0x7F, v30;
	v11 =	vadd.s32 v5, v26;
	v26 =	vand.u32 $0xFFFFFF80, v32  }
0x55e: {  	v60 =	vor.u32 v9, v11;
	v9 =	vadd.s32 v5, v26;
	v11 =	vand.u32 $0xFFFFFF80, v31  }
0x55f: {  	s29 =	simm.s32 $0x5;
	v7 =	vand.u32 $0x7F, v31;
	v26 =	vor.u32 v8, v9;
	v8 =	vadd.s32 v5, v11;
	v9 =	vld.idx.msk [tilespmem:v13+s2+$0x0], $0xffff  }
0x560: {  	[tilespmem:v25+s23+$0x0] =	vst.idx.msk $0xffff, v18;
	v25 =	vadd.s32 s29, v0;
	v11 =	vld.idx.msk [tilespmem:v27+s2+$0x0], $0xffff;
	v61 =	vor.u32 v7, v8;
	v7 =	vand.u32 $0xFFFFFF80, v33  }
0x561: {  	v12 =	vadd.s32 v6, v31;
	v18 =	vld.idx.msk [tilespmem:v10+s2+$0x0], $0xffff;
	v8 =	vand.u32 $0x7F, v33;
	v7 =	vadd.s32 v5, v7  }
0x562: {  	v16 =	vand.u32 $0x7F, v34;
	v62 =	vor.u32 v8, v7;
	v7 =	vand.u32 $0xFFFFFF80, v35  }
0x563: {  	s13 =	simm.s32 $0x6;
	v20 =	vadd.s32 v6, v34;
	v17 =	vld.idx.msk [tilespmem:v17+s2+$0x0], $0xffff;
	v8 =	vand.u32 $0x7F, v35;
	v7 =	vadd.s32 v5, v7  }
0x564: {  	v10 =	vadd.s32 s13, v2;
	v13 =	vadd.s32 v6, v33;
	v8 =	vor.u32 v8, v7;
	[tilespmem:v23+s23+$0x0] =	vst.idx.msk $0xffff, v9  }
0x565: {  	s30 =	simm.s32 $0x3;
	vm13 =	vlt.u32 v25, $0x50;
	v7 =	vand.u32 $0xFFFFFF80, v34;
	v23 =	vld.idx.msk [tilespmem:v24+s2+$0x0], $0xffff;
	v24 =	vadd.s32 v6, v36;
	[tilespmem:v22+s23+$0x0] =	vst.idx.msk $0xffff, v11  }
0x566: {  	v11 =	vadd.s32 v6, v14;
	[tilespmem:v26+s23+$0x0] =	vst.idx.msk $0xffff, v18;
	v18 =	vadd.s32 s30, v2;
	v7 =	vadd.s32 v5, v7  }
0x567: {  	v9 =	vor.u32 v16, v7;
	v7 =	vand.u32 $0x7F, v36;
	v16 =	vadd.s32 v5, v21  }
0x568: {  	v15 =	vld.idx.msk [tilespmem:v15+s2+$0x0], $0xffff;
	[tilespmem:v60+s23+$0x0] =	vst.idx.msk $0xffff, v17;
	v17 =	vadd.s32 s30, v0;
	v21 =	vadd.s32 s13, v0;
	v7 =	vor.u32 v7, v16  }
0x569: {  	v22 =	vld.idx.msk [tilespmem:v12+s2+$0x0], $0xffff;
	v16 =	vand.u32 $0x7F, v14;
	v14 =	vand.u32 $0xFFFFFF80, v14;
	vm12 =	vlt.u32 v21, $0x50  }
0x56a: {  	vm14 =	vlt.u32 v17, $0x50;
	v14 =	vadd.s32 v5, v14;
	v21 =	vsel vm12, v21, v10  }
0x56b: {  	v27 =	vld.idx.msk [tilespmem:v13+s2+$0x0], $0xffff;
	v10 =	vor.u32 v16, v14;
	[tilespmem:v29+s23+$0x0] =	vst.idx.msk $0xffff, v23;
	v14 =	vadd.s32 s29, v2;
	v12 =	vand.u32 $0x7F, v21  }
0x56c: {  	s31 =	simm.s32 $0x4;
	v13 =	vadd.s32 v6, v21;
	v23 =	vsel vm13, v25, v14;
	v14 =	vand.u32 $0xFFFFFF80, v21;
	v21 =	vld.idx.msk [tilespmem:v19+s2+$0x0], $0xffff  }
0x56d: {  	v63 =	vadd.s32 s31, v2;
	[tilespmem:v37+s23+$0x0] =	vst.idx.msk $0xffff, v15;
	v17 =	vsel vm14, v17, v18;
	v25 =	vadd.s32 s31, v0;
	v19 =	vld.idx.msk [tilespmem:v20+s2+$0x0], $0xffff  }
0x56e: {  	[tilespmem:v61+s23+$0x0] =	vst.idx.msk $0xffff, v22;
	v20 =	vadd.s32 v6, v17;
	v16 =	vand.u32 $0xFFFFFF80, v23;
	vm15 =	vlt.u32 v25, $0x50  }
0x56f: {  	s0 =	simm.s32 $0x2;
	v18 =	vld.idx.msk [tilespmem:v24+s2+$0x0], $0xffff;
	v15 =	vand.u32 $0x7F, v23;
	v14 =	vadd.s32 v5, v14;
	v22 =	vsel vm15, v25, v63  }
0x570: {  	s28 =	simm.s32 $0x10;
	s1 =	simm.s32 $0x1;
	[tilespmem:v62+s23+$0x0] =	vst.idx.msk $0xffff, v27;
	v23 =	vadd.s32 v6, v23;
	v25 =	vadd.s32 s0, v0;
	v24 =	vadd.s32 v6, v22  }
.LBB2_38:
0x571: {  	p0 =	slt.u32 s28, $0x40;
	v26 =	vadd.s32 s1, v0;
	vm0 =	vlt.u32 v25, $0x50;
	v27 =	vadd.s32 s0, v2;
	[tilespmem:v8+s23+$0x0] =	vst.idx.msk $0xffff, v21  }
0x572: {  	v8 =	vadd.s32 s1, v2;
	vm1 =	vlt.u32 v26, $0x50;
	v21 =	vsel vm0, v25, v27;
	v11 =	vld.idx.msk [tilespmem:v11+s2+$0x0], $0xffff;
	[tilespmem:v9+s23+$0x0] =	vst.idx.msk $0xffff, v19  }
0x573: {  	v16 =	vadd.s32 v5, v16;
	v8 =	vsel vm1, v26, v8;
	v9 =	vadd.s32 v6, v21  }
0x574: {  	v12 =	vor.u32 v12, v14;
	v15 =	vor.u32 v15, v16;
	v19 =	vadd.s32 v6, v8;
	v13 =	vld.idx.msk [tilespmem:v13+s2+$0x0], $0xffff  }
0x575: {  	v14 =	vand.u32 $0xFFFFFF80, v17;
	v16 =	vand.u32 $0xFFFFFF80, v22;
	v22 =	vand.u32 $0x7F, v22;
	v23 =	vld.idx.msk [tilespmem:v23+s2+$0x0], $0xffff;
	[tilespmem:v7+s23+$0x0] =	vst.idx.msk $0xffff, v18  }
0x576: {  	v14 =	vadd.s32 v5, v14;
	v16 =	vadd.s32 v5, v16;
	v7 =	vand.u32 $0x7F, v17;
	v17 =	vld.idx.msk [tilespmem:v24+s2+$0x0], $0xffff  }
0x577: {  	v18 =	vand.u32 $0xFFFFFF80, v21;
	v7 =	vor.u32 v7, v14;
	v14 =	vor.u32 v22, v16;
	v20 =	vld.idx.msk [tilespmem:v20+s2+$0x0], $0xffff  }
0x578: {  	v21 =	vand.u32 $0x7F, v21;
	v16 =	vand.u32 $0xFFFFFF80, v8;
	v18 =	vadd.s32 v5, v18;
	v9 =	vld.idx.msk [tilespmem:v9+s2+$0x0], $0xffff;
	[tilespmem:v10+s23+$0x0] =	vst.idx.msk $0xffff, v11  }
0x579: {  	v8 =	vand.u32 $0x7F, v8;
	v11 =	vadd.s32 v5, v16;
	v16 =	vor.u32 v21, v18;
	v10 =	vld.idx.msk [tilespmem:v19+s2+$0x0], $0xffff  }
0x57a: {  	v18 =	vmov s28;
	v8 =	vor.u32 v8, v11;
	[tilespmem:v12+s23+$0x0] =	vst.idx.msk $0xffff, v13  }
0x57b: {  	s0 =	sadd.s32 $0xF, s28;
	v11 =	vor.u32 s28, v0;
	vm0 =	vlt.u32 v18, $0x50;
	v12 =	vadd.s32 s28, v2;
	[tilespmem:v15+s23+$0x0] =	vst.idx.msk $0xffff, v23  }
0x57c: {  	v11 =	vsel vm0, v11, v12;
	v12 =	vadd.s32 s0, v0;
	[tilespmem:v14+s23+$0x0] =	vst.idx.msk $0xffff, v17  }
0x57d: {  	v13 =	vand.u32 $0xFFFFFF80, v11;
	vm0 =	vlt.u32 v12, $0x50;
	v14 =	vadd.s32 s0, v2;
	[tilespmem:v7+s23+$0x0] =	vst.idx.msk $0xffff, v20  }
0x57e: {  	v7 =	vand.u32 $0x7F, v11;
	v13 =	vadd.s32 v5, v13;
	v12 =	vsel vm0, v12, v14;
	[tilespmem:v16+s23+$0x0] =	vst.idx.msk $0xffff, v9  }
0x57f: {  	s0 =	sadd.s32 $0xE, s28;
	v9 =	vadd.s32 v6, v11;
	v13 =	vor.u32 v7, v13;
	v7 =	vand.u32 $0x7F, v12;
	[tilespmem:v8+s23+$0x0] =	vst.idx.msk $0xffff, v10  }
0x580: {  	v11 =	vand.u32 $0xFFFFFF80, v12;
	v8 =	vadd.s32 s0, v0;
	v10 =	vadd.s32 v6, v12  }
0x581: {  	s1 =	sadd.s32 $0xD, s28;
	v12 =	vadd.s32 s0, v2;
	v11 =	vadd.s32 v5, v11;
	vm0 =	vlt.u32 v8, $0x50  }
0x582: {  	v14 =	vadd.s32 s1, v0;
	v15 =	vor.u32 v7, v11;
	v8 =	vsel vm0, v8, v12  }
0x583: {  	v7 =	vadd.s32 s1, v2;
	vm0 =	vlt.u32 v14, $0x50;
	v11 =	vand.u32 $0xFFFFFF80, v8  }
0x584: {  	v7 =	vsel vm0, v14, v7;
	v12 =	vand.u32 $0x7F, v8;
	v11 =	vadd.s32 v5, v11  }
0x585: {  	s0 =	sadd.s32 $0xC, s28;
	v16 =	vadd.s32 v6, v8;
	v14 =	vand.u32 $0x7F, v7;
	v17 =	vor.u32 v12, v11  }
0x586: {  	v8 =	vadd.s32 s0, v0;
	v12 =	vadd.s32 v6, v7;
	v7 =	vand.u32 $0xFFFFFF80, v7  }
0x587: {  	s1 =	sadd.s32 $0xB, s28;
	vm0 =	vlt.u32 v8, $0x50;
	v11 =	vadd.s32 s0, v2;
	v7 =	vadd.s32 v5, v7  }
0x588: {  	v18 =	vadd.s32 s1, v0;
	v8 =	vsel vm0, v8, v11;
	v20 =	vor.u32 v14, v7  }
0x589: {  	vm0 =	vlt.u32 v18, $0x50;
	v7 =	vadd.s32 s1, v2;
	v11 =	vand.u32 $0xFFFFFF80, v8  }
0x58a: {  	v14 =	vand.u32 $0x7F, v8;
	v7 =	vsel vm0, v18, v7;
	v11 =	vadd.s32 v5, v11  }
0x58b: {  	s0 =	sadd.s32 $0xA, s28;
	v19 =	vadd.s32 v6, v8;
	v18 =	vand.u32 $0x7F, v7;
	v22 =	vor.u32 v14, v11  }
0x58c: {  	v8 =	vadd.s32 s0, v0;
	v14 =	vadd.s32 v6, v7;
	v7 =	vand.u32 $0xFFFFFF80, v7  }
0x58d: {  	s1 =	sadd.s32 $0x9, s28;
	vm0 =	vlt.u32 v8, $0x50;
	v11 =	vadd.s32 s0, v2;
	v7 =	vadd.s32 v5, v7  }
0x58e: {  	v21 =	vadd.s32 s1, v0;
	v8 =	vsel vm0, v8, v11;
	v26 =	vor.u32 v18, v7  }
0x58f: {  	vm0 =	vlt.u32 v21, $0x50;
	v7 =	vadd.s32 s1, v2;
	v11 =	vand.u32 $0xFFFFFF80, v8  }
0x590: {  	v18 =	vand.u32 $0x7F, v8;
	v7 =	vsel vm0, v21, v7;
	v11 =	vadd.s32 v5, v11  }
0x591: {  	s0 =	sadd.s32 $0x8, s28;
	v23 =	vadd.s32 v6, v8;
	v21 =	vand.u32 $0x7F, v7;
	v8 =	vor.u32 v18, v11  }
0x592: {  	v11 =	vadd.s32 s0, v0;
	v18 =	vadd.s32 v6, v7;
	v7 =	vand.u32 $0xFFFFFF80, v7  }
0x593: {  	v24 =	vadd.s32 s0, v2;
	s1 =	sadd.s32 $0x7, s28;
	vm0 =	vlt.u32 v11, $0x50;
	v7 =	vadd.s32 v5, v7  }
0x594: {  	v27 =	vadd.s32 s1, v0;
	v11 =	vsel vm0, v11, v24;
	v25 =	vld.idx.msk [tilespmem:v9+s2+$0x0], $0xffff;
	v9 =	vor.u32 v21, v7  }
0x595: {  	vm0 =	vlt.u32 v27, $0x50;
	v7 =	vadd.s32 s1, v2;
	v21 =	vand.u32 $0xFFFFFF80, v11;
	v24 =	vld.idx.msk [tilespmem:v10+s2+$0x0], $0xffff  }
0x596: {  	v10 =	vsel vm0, v27, v7;
	v7 =	vand.u32 $0x7F, v11;
	v21 =	vadd.s32 v5, v21  }
0x597: {  	s0 =	sadd.s32 $0x6, s28;
	v28 =	vadd.s32 v6, v11;
	v27 =	vand.u32 $0x7F, v10;
	v7 =	vor.u32 v7, v21;
	v29 =	vld.idx.msk [tilespmem:v16+s2+$0x0], $0xffff  }
0x598: {  	v11 =	vadd.s32 v6, v10;
	v10 =	vand.u32 $0xFFFFFF80, v10;
	v16 =	vadd.s32 s0, v0;
	v30 =	vld.idx.msk [tilespmem:v12+s2+$0x0], $0xffff  }
0x599: {  	s1 =	sadd.s32 $0x5, s28;
	v10 =	vadd.s32 v5, v10;
	vm0 =	vlt.u32 v16, $0x50;
	v12 =	vadd.s32 s0, v2;
	v31 =	vld.idx.msk [tilespmem:v19+s2+$0x0], $0xffff  }
0x59a: {  	v10 =	vor.u32 v27, v10;
	v16 =	vsel vm0, v16, v12;
	[tilespmem:v13+s23+$0x0] =	vst.idx.msk $0xffff, v25;
	v13 =	vadd.s32 s1, v0  }
0x59b: {  	v19 =	vadd.s32 s1, v2;
	v12 =	vand.u32 $0x7F, v16;
	vm0 =	vlt.u32 v13, $0x50;
	v27 =	vld.idx.msk [tilespmem:v14+s2+$0x0], $0xffff;
	[tilespmem:v15+s23+$0x0] =	vst.idx.msk $0xffff, v24  }
0x59c: {  	v14 =	vand.u32 $0xFFFFFF80, v16;
	v24 =	vsel vm0, v13, v19;
	v13 =	vadd.s32 v6, v16;
	v21 =	vld.idx.msk [tilespmem:v23+s2+$0x0], $0xffff  }
.Ltmp17:
0x59d: {  	s0 =	sadd.s32 $0x3, s28;
	s1 =	sadd.s32 $0x4, s28;
	v14 =	vadd.s32 v5, v14;
	v16 =	vand.u32 $0xFFFFFF80, v24;
	v15 =	vand.u32 $0x7F, v24;
	v19 =	vld.idx.msk [tilespmem:v18+s2+$0x0], $0xffff;
	[tilespmem:v17+s23+$0x0] =	vst.idx.msk $0xffff, v29;
	(pc) =	sbr.rel @p0 .LBB2_38-.Ltmp17, $4  }
0x59e: {  	v23 =	vadd.s32 s1, v2;
	v17 =	vadd.s32 s0, v0;
	v18 =	vadd.s32 s1, v0;
	[tilespmem:v20+s23+$0x0] =	vst.idx.msk $0xffff, v30  }
0x59f: {  	vm0 =	vlt.u32 v17, $0x50;
	v20 =	vadd.s32 s0, v2;
	vm1 =	vlt.u32 v18, $0x50;
	[tilespmem:v22+s23+$0x0] =	vst.idx.msk $0xffff, v31  }
0x5a0: {  	s0 =	sadd.s32 $0x2, s28;
	v17 =	vsel vm0, v17, v20;
	v22 =	vsel vm1, v18, v23;
	v23 =	vadd.s32 v6, v24;
	v18 =	vld.idx.msk [tilespmem:v28+s2+$0x0], $0xffff  }
0x5a1: {  	s1 =	sadd.s32 $0x1, s28;
	s28 =	sadd.s32 $0x10, s28;
	v25 =	vadd.s32 s0, v0;
	v20 =	vadd.s32 v6, v17;
	v24 =	vadd.s32 v6, v22;
	[tilespmem:v26+s23+$0x0] =	vst.idx.msk $0xffff, v27  }
0x5a2: {  	_ = 	snop  }
0x5a3: {  	v26 =	vadd.s32 s1, v0  }
0x5a4: {  	vm0 =	vlt.u32 v25, $0x50;
	v27 =	vadd.s32 s0, v2;
	v52 =	vadd.s32 s1, v2  }
0x5a5: {  	v16 =	vadd.s32 v5, v16;
	v12 =	vor.u32 v12, v14;
	v54 =	vand.u32 $0xFFFFFF80, v17  }
0x5a6: {  	[tilespmem:v8+s23+$0x0] =	vst.idx.msk $0xffff, v21;
	v11 =	vld.idx.msk [tilespmem:v11+s2+$0x0], $0xffff;
	v55 =	vand.u32 $0xFFFFFF80, v22;
	vm1 =	vlt.u32 v26, $0x50;
	v53 =	vsel vm0, v25, v27  }
0x5a7: {  	v13 =	vld.idx.msk [tilespmem:v13+s2+$0x0], $0xffff;
	v56 =	vand.u32 $0x7F, v22;
	v8 =	vsel vm1, v26, v52;
	v25 =	vadd.s32 v6, v53  }
0x5a8: {  	[tilespmem:v9+s23+$0x0] =	vst.idx.msk $0xffff, v19;
	v58 =	vand.u32 $0x7F, v17;
	v15 =	vor.u32 v15, v16;
	v6 =	vadd.s32 v6, v8  }
0x5a9: {  	v57 =	vld.idx.msk [tilespmem:v23+s2+$0x0], $0xffff;
	v9 =	vadd.s32 v5, v54;
	v14 =	vadd.s32 v5, v55;
	v60 =	vand.u32 $0xFFFFFF80, v53  }
0x5aa: {  	v59 =	vld.idx.msk [tilespmem:v24+s2+$0x0], $0xffff;
	v9 =	vor.u32 v58, v9;
	v14 =	vor.u32 v56, v14;
	v62 =	vand.u32 $0x7F, v53  }
0x5ab: {  	v20 =	vld.idx.msk [tilespmem:v20+s2+$0x0], $0xffff;
	[tilespmem:v7+s23+$0x0] =	vst.idx.msk $0xffff, v18;
	v7 =	vand.u32 $0xFFFFFF80, v8;
	v63 =	vadd.s32 v5, v60;
	v8 =	vand.u32 $0x7F, v8  }
0x5ac: {  	v5 =	vadd.s32 v5, v7;
	v7 =	vor.u32 v62, v63;
	[tilespmem:v10+s23+$0x0] =	vst.idx.msk $0xffff, v11;
	v61 =	vld.idx.msk [tilespmem:v25+s2+$0x0], $0xffff  }
0x5ad: {  	p0 =	slt.u32 s26, $0x8;
	v5 =	vor.u32 v8, v5;
	[tilespmem:v12+s23+$0x0] =	vst.idx.msk $0xffff, v13;
	v6 =	vld.idx.msk [tilespmem:v6+s2+$0x0], $0xffff  }
.Ltmp18:
0x5ae: {  	[tilespmem:v15+s23+$0x0] =	vst.idx.msk $0xffff, v57;
	(pc) =	sbr.rel @p0 .LBB2_31-.Ltmp18, $4  }
0x5af: {  	[tilespmem:v14+s23+$0x0] =	vst.idx.msk $0xffff, v59  }
0x5b0: {  	[tilespmem:v9+s23+$0x0] =	vst.idx.msk $0xffff, v20  }
0x5b1: {  	s31 =	sadd.s32 $0x4, s26;
	[tilespmem:v7+s23+$0x0] =	vst.idx.msk $0xffff, v61  }
0x5b2: {  	s26 =	smov.u32 s31;
	[tilespmem:v5+s23+$0x0] =	vst.idx.msk $0xffff, v6  }
0x5b3: {  	s0 =	sadd.s32 s24, s25;
	s24 =	simm.s32 $0x0;
	s31 =	simm.s32 $0x1  }
0x5b4: {  	s1 =	simm.s32 $0x2;
	s3 =	simm.s32 $0x4;
	v6 =	vor.u32 s24, v0;
	v8 =	vadd.s32 s24, v2;
	v5 =	vadd.s32 s31, v0  }
0x5b5: {  	s7 =	simm.s32 $0x5;
	s8 =	simm.s32 $0x7;
	s9 =	simm.s32 $0x8;
	v7 =	vadd.s32 s1, v0;
	v9 =	vadd.s32 s1, v2;
	v10 =	vadd.s32 s3, v0  }
0x5b6: {  	s11 =	simm.s32 $0x9;
	s13 =	simm.s32 $0xA;
	v11 =	vadd.s32 s7, v0;
	v13 =	vadd.s32 s8, v0;
	v14 =	vadd.s32 s9, v0  }
0x5b7: {  	s25 =	simm.s32 $0xC;
	s29 =	simm.s32 $0xD;
	v15 =	vadd.s32 s31, v2;
	v16 =	vadd.s32 s11, v0;
	v17 =	vadd.s32 s13, v0  }
0x5b8: {  	s30 =	simm.s32 $0x6;
	s26 =	simm.s32 $0xB;
	v20 =	vadd.s32 s3, v2;
	v18 =	vadd.s32 s25, v0;
	v22 =	vadd.s32 s29, v0  }
0x5b9: {  	s28 =	simm.s32 $0xE;
	v23 =	vadd.s32 s30, v0;
	v24 =	vadd.s32 s30, v2;
	v21 =	vadd.s32 s26, v0  }
0x5ba: {  	v25 =	vadd.s32 s28, v2;
	v28 =	vadd.s32 s26, v2;
	v29 =	vadd.s32 s7, v2  }
0x5bb: {  	v30 =	vadd.s32 s11, v2;
	v31 =	vadd.s32 s13, v2;
	v32 =	vadd.s32 s9, v2  }
0x5bc: {  	s1 =	simm.s32 $0x3;
	v34 =	vadd.s32 s28, v0;
	v37 =	vadd.s32 s29, v2;
	vm1 =	vlt.u32 v7, $0x50  }
0x5bd: {  	v12 =	vadd.s32 s1, v2;
	vm4 =	vlt.u32 v13, $0x50;
	vm2 =	vlt.u32 v14, $0x50  }
0x5be: {  	s31 =	simm.s32 $0xF;
	vm5 =	vlt.u32 v18, $0x50;
	vm3 =	vlt.u32 v5, $0x50;
	vm0 =	vlt.u32 v11, $0x50  }
0x5bf: {  	vm15 =	vlt.u32 v21, $0x50;
	v19 =	vadd.s32 s31, v0;
	v26 =	vadd.s32 s31, v2  }
0x5c0: {  	vm7 =	vlt.u32 v16, $0x50;
	vm8 =	vlt.u32 v17, $0x50;
	vm10 =	vlt.u32 v10, $0x50  }
0x5c1: {  	v4 =	vld [tilespmem:s0+$0x438];
	vm11 =	vlt.u32 v22, $0x50;
	vm14 =	vlt.u32 v23, $0x50;
	v5 =	vsel vm3, v5, v15  }
0x5c2: {  	v15 =	vadd.s32 s1, v0;
	v7 =	vsel vm1, v7, v9;
	v33 =	vsel vm7, v16, v30  }
0x5c3: {  	vm12 =	vlt.u32 v19, $0x50;
	v14 =	vsel vm2, v14, v32;
	v41 =	vsel vm8, v17, v31  }
0x5c4: {  	v21 =	vsel vm15, v21, v28;
	vm15 =	vlt.u32 v34, $0x50;
	v22 =	vsel vm11, v22, v37  }
0x5c5: {  	v63 =	vsel vm10, v10, v20;
	vm6 =	vlt.u32 v15, $0x50;
	v27 =	vadd.s32 v3, v5  }
0x5c6: {  	v9 =	vadd.s32 v3, v7;
	v38 =	vsel vm12, v19, v26;
	v4 =	vshll.u32 v4, $0x7  }
0x5c7: {  	v16 =	vadd.s32 v4, v5;
	v30 =	vadd.s32 v4, v7;
	v7 =	vadd.s32 s25, v2  }
0x5c8: {  	v31 =	vadd.s32 v3, v14;
	v10 =	vadd.s32 v3, v63;
	v35 =	vsel vm5, v18, v7  }
0x5c9: {  	v15 =	vsel vm6, v15, v12;
	v5 =	vadd.s32 s8, v2;
	v36 =	vadd.s32 v4, v35  }
0x5ca: {  	v40 =	vadd.s32 v4, v14;
	v13 =	vsel vm4, v13, v5;
	v5 =	vmov s24  }
0x5cb: {  	v62 =	vadd.s32 v4, v33;
	v32 =	vadd.s32 v4, v21;
	vm13 =	vlt.u32 v5, $0x50  }
0x5cc: {  	v7 =	vadd.s32 v3, v13;
	v12 =	vld.idx.msk [tilespmem:v16+s2+$0x0], $0xffff;
	v16 =	vsel vm13, v6, v8;
	v8 =	vsel vm0, v11, v29  }
0x5cd: {  	v19 =	vadd.s32 v4, v13;
	v13 =	vsel vm14, v23, v24;
	v28 =	vadd.s32 v4, v8  }
0x5ce: {  	v14 =	vadd.s32 v3, v41;
	v23 =	vadd.s32 v3, v35;
	v29 =	vadd.s32 v4, v13;
	v11 =	vld.idx.msk [tilespmem:v36+s2+$0x0], $0xffff  }
0x5cf: {  	v33 =	vadd.s32 v3, v33;
	v18 =	vadd.s32 v4, v41;
	v26 =	vld.idx.msk [tilespmem:v30+s2+$0x0], $0xffff;
	v39 =	vadd.s32 v4, v16  }
0x5d0: {  	v5 =	vadd.s32 v3, v15;
	v15 =	vadd.s32 v4, v15;
	v6 =	vadd.s32 v3, v38;
	v24 =	vld.idx.msk [tilespmem:v62+s2+$0x0], $0xffff  }
0x5d1: {  	v13 =	vadd.s32 v3, v13;
	v30 =	vld.idx.msk [tilespmem:v40+s2+$0x0], $0xffff;
	v17 =	vadd.s32 v3, v8;
	v8 =	vadd.s32 v3, v22  }
0x5d2: {  	[tilespmem:v27+s23+$0x0] =	vst.idx.msk $0xffff, v12;
	v12 =	vadd.s32 v3, v16;
	v27 =	vld.idx.msk [tilespmem:v28+s2+$0x0], $0xffff;
	v28 =	vadd.s32 v4, v63  }
0x5d3: {  	v20 =	vld.idx.msk [tilespmem:v29+s2+$0x0], $0xffff;
	[tilespmem:v23+s23+$0x0] =	vst.idx.msk $0xffff, v11;
	v11 =	vsel vm15, v34, v25;
	v25 =	vadd.s32 v4, v22  }
0x5d4: {  	s1 =	simm.s32 $0x10;
	v22 =	vld.idx.msk [tilespmem:v39+s2+$0x0], $0xffff;
	v23 =	vadd.s32 v4, v38;
	v29 =	vadd.s32 v4, v11;
	v16 =	vadd.s32 v3, v11  }
.LBB2_41:
0x5d5: {  	s0 =	sadd.s32 $0x1, s1  }
0x5d6: {  	v34 =	vor.u32 s1, v0;
	v35 =	vadd.s32 s1, v2;
	s3 =	sadd.s32 $0x2, s1;
	s26 =	sadd.s32 $0x5, s1;
	[tilespmem:v9+s23+$0x0] =	vst.idx.msk $0xffff, v26;
	v9 =	vld.idx.msk [tilespmem:v32+s2+$0x0], $0xffff;
	v21 =	vadd.s32 v3, v21;
	s25 =	smov.u32 s1  }
0x5d7: {  	s7 =	sadd.s32 $0x4, s1;
	s8 =	sadd.s32 $0x6, s1;
	v26 =	vadd.s32 s0, v0;
	v32 =	vadd.s32 s3, v0;
	v36 =	vadd.s32 s3, v2;
	s3 =	sadd.s32 $0x3, s1;
	v19 =	vld.idx.msk [tilespmem:v19+s2+$0x0], $0xffff  }
0x5d8: {  	s24 =	sadd.s32 $0x10, s1;
	v11 =	vadd.s32 s7, v0;
	v37 =	vadd.s32 s26, v0;
	s28 =	sadd.s32 $0x7, s25;
	s30 =	sadd.s32 $0x8, s25;
	vm2 =	vlt.u32 v32, $0x50;
	[tilespmem:v31+s23+$0x0] =	vst.idx.msk $0xffff, v30  }
0x5d9: {  	s9 =	sadd.s32 $0x9, s25;
	s11 =	sadd.s32 $0xA, s25;
	s13 =	sadd.s32 $0xB, s25;
	v30 =	vadd.s32 s3, v2;
	v31 =	vadd.s32 s28, v0;
	v38 =	vadd.s32 s30, v0;
	v18 =	vld.idx.msk [tilespmem:v18+s2+$0x0], $0xffff  }
0x5da: {  	v39 =	vadd.s32 s0, v2;
	s0 =	sadd.s32 $0xC, s25;
	s29 =	sadd.s32 $0xD, s25;
	s31 =	sadd.s32 $0xE, s25;
	v40 =	vadd.s32 s9, v0;
	v41 =	vadd.s32 s11, v0;
	[tilespmem:v33+s23+$0x0] =	vst.idx.msk $0xffff, v24  }
0x5db: {  	p0 =	slt.u32 s1, $0x40;
	v42 =	vadd.s32 s29, v0;
	v33 =	vadd.s32 s7, v2;
	v24 =	vadd.s32 s0, v0;
	s7 =	sadd.s32 $0xF, s25;
	v29 =	vld.idx.msk [tilespmem:v29+s2+$0x0], $0xffff  }
0x5dc: {  	vm4 =	vlt.u32 v31, $0x50;
	vm1 =	vlt.u32 v38, $0x50;
	vm5 =	vlt.u32 v24, $0x50;
	[tilespmem:v17+s23+$0x0] =	vst.idx.msk $0xffff, v27;
	v17 =	vld.idx.msk [tilespmem:v25+s2+$0x0], $0xffff  }
0x5dd: {  	vm3 =	vlt.u32 v26, $0x50;
	v25 =	vadd.s32 s8, v0;
	v27 =	vadd.s32 s8, v2;
	v28 =	vld.idx.msk [tilespmem:v28+s2+$0x0], $0xffff;
	[tilespmem:v7+s23+$0x0] =	vst.idx.msk $0xffff, v19  }
0x5de: {  	vm0 =	vlt.u32 v37, $0x50;
	v43 =	vadd.s32 s13, v0;
	v44 =	vadd.s32 s31, v2;
	v7 =	vld.idx.msk [tilespmem:v15+s2+$0x0], $0xffff;
	[tilespmem:v13+s23+$0x0] =	vst.idx.msk $0xffff, v20  }
0x5df: {  	v13 =	vsel vm3, v26, v39;
	v15 =	vadd.s32 s3, v0;
	vm3 =	vlt.u32 v43, $0x50;
	[tilespmem:v12+s23+$0x0] =	vst.idx.msk $0xffff, v22;
	v12 =	vld.idx.msk [tilespmem:v23+s2+$0x0], $0xffff  }
0x5e0: {  	v19 =	vadd.s32 s7, v0;
	v20 =	vadd.s32 s7, v2;
	vm7 =	vlt.u32 v15, $0x50;
	[tilespmem:v14+s23+$0x0] =	vst.idx.msk $0xffff, v18  }
0x5e1: {  	v22 =	vadd.s32 s13, v2;
	v14 =	vadd.s32 v3, v13;
	v18 =	vsel vm2, v32, v36;
	[tilespmem:v21+s23+$0x0] =	vst.idx.msk $0xffff, v9  }
0x5e2: {  	vm8 =	vlt.u32 v40, $0x50;
	vm6 =	vlt.u32 v41, $0x50;
	v9 =	vadd.s32 v3, v18;
	[tilespmem:v16+s23+$0x0] =	vst.idx.msk $0xffff, v29  }
0x5e3: {  	v23 =	vadd.s32 s11, v2;
	v21 =	vadd.s32 s9, v2;
	v16 =	vadd.s32 s26, v2;
	[tilespmem:v10+s23+$0x0] =	vst.idx.msk $0xffff, v28  }
0x5e4: {  	vm2 =	vlt.u32 v11, $0x50;
	v36 =	vsel vm8, v40, v21;
	v10 =	vadd.s32 s30, v2;
	[tilespmem:v5+s23+$0x0] =	vst.idx.msk $0xffff, v7  }
0x5e5: {  	v28 =	vadd.s32 s31, v0;
	v5 =	vadd.s32 v4, v13;
	v13 =	vadd.s32 v4, v18;
	[tilespmem:v6+s23+$0x0] =	vst.idx.msk $0xffff, v12  }
0x5e6: {  	vm8 =	vlt.u32 v42, $0x50;
	v7 =	vadd.s32 s0, v2;
	v6 =	vadd.s32 s28, v2;
	[tilespmem:v8+s23+$0x0] =	vst.idx.msk $0xffff, v17  }
0x5e7: {  	v12 =	vsel vm5, v24, v7;
	v8 =	vsel vm4, v31, v6;
	vm4 =	vlt.u32 v28, $0x50  }
0x5e8: {  	v24 =	vadd.s32 s29, v2;
	v17 =	vadd.s32 v4, v12;
	v7 =	vadd.s32 v3, v8  }
0x5e9: {  	v15 =	vsel vm7, v15, v30;
	vm5 =	vlt.u32 v19, $0x50;
	v6 =	vmov s25  }
0x5ea: {  	v39 =	vsel vm5, v19, v20;
	vm7 =	vlt.u32 v6, $0x50;
	v29 =	vld.idx.msk [tilespmem:v5+s2+$0x0], $0xffff;
	v5 =	vadd.s32 v3, v15  }
0x5eb: {  	v10 =	vsel vm1, v38, v10;
	v6 =	vadd.s32 v3, v39;
	v20 =	vsel vm7, v34, v35;
	v26 =	vld.idx.msk [tilespmem:v13+s2+$0x0], $0xffff  }
0x5ec: {  	v30 =	vadd.s32 v4, v10;
	v31 =	vadd.s32 v4, v36;
	v34 =	vadd.s32 v4, v20  }
0x5ed: {  	v23 =	vsel vm6, v41, v23;
	v21 =	vsel vm3, v43, v22;
	v19 =	vadd.s32 v4, v8;
	v22 =	vld.idx.msk [tilespmem:v17+s2+$0x0], $0xffff  }
0x5ee: {  	v18 =	vadd.s32 v4, v23;
	v8 =	vsel vm0, v37, v16;
	vm0 =	vlt.u32 v25, $0x50  }
0x5ef: {  	v16 =	vadd.s32 v4, v8;
	v13 =	vsel vm0, v25, v27;
	v25 =	vadd.s32 v3, v12  }
0x5f0: {  	v35 =	vsel vm8, v42, v24;
	[tilespmem:v14+s23+$0x0] =	vst.idx.msk $0xffff, v29;
	v29 =	vadd.s32 v4, v13  }
0x5f1: {  	v17 =	vadd.s32 v3, v8;
	v8 =	vadd.s32 v3, v35;
	v13 =	vadd.s32 v3, v13  }
.Ltmp19:
0x5f2: {  	v32 =	vadd.s32 v4, v21;
	v15 =	vadd.s32 v4, v15;
	v12 =	vadd.s32 v3, v20;
	v24 =	vld.idx.msk [tilespmem:v31+s2+$0x0], $0xffff;
	(pc) =	sbr.rel @p0 .LBB2_41-.Ltmp19, $4  }
0x5f3: {  	v11 =	vsel vm2, v11, v33;
	v14 =	vadd.s32 v3, v23;
	v31 =	vadd.s32 v3, v10;
	v30 =	vld.idx.msk [tilespmem:v30+s2+$0x0], $0xffff  }
0x5f4: {  	v10 =	vadd.s32 v3, v11;
	v27 =	vld.idx.msk [tilespmem:v16+s2+$0x0], $0xffff;
	[tilespmem:v25+s23+$0x0] =	vst.idx.msk $0xffff, v22;
	v16 =	vsel vm4, v28, v44  }
0x5f5: {  	v25 =	vadd.s32 v4, v35;
	v20 =	vld.idx.msk [tilespmem:v29+s2+$0x0], $0xffff;
	v29 =	vadd.s32 v4, v16;
	v16 =	vadd.s32 v3, v16  }
0x5f6: {  	s1 =	smov.u32 s24;
	v33 =	vadd.s32 v3, v36;
	v23 =	vadd.s32 v4, v39;
	v28 =	vadd.s32 v4, v11;
	v22 =	vld.idx.msk [tilespmem:v34+s2+$0x0], $0xffff  }
0x5f7: {  	_ =	sdelay $0x3  }
0x5f8: {  	[tilespmem:v9+s23+$0x0] =	vst.idx.msk $0xffff, v26  }
0x5f9: {  	v4 =	vld.idx.msk [tilespmem:v19+s2+$0x0], $0xffff;
	[tilespmem:v33+s23+$0x0] =	vst.idx.msk $0xffff, v24  }
0x5fa: {  	v58 =	vld.idx.msk [tilespmem:v18+s2+$0x0], $0xffff;
	[tilespmem:v31+s23+$0x0] =	vst.idx.msk $0xffff, v30  }
0x5fb: {  	v11 =	vld.idx.msk [tilespmem:v32+s2+$0x0], $0xffff;
	v59 =	vadd.s32 v3, v21;
	[tilespmem:v17+s23+$0x0] =	vst.idx.msk $0xffff, v27  }
0x5fc: {  	v60 =	vld.idx.msk [tilespmem:v29+s2+$0x0], $0xffff;
	[tilespmem:v13+s23+$0x0] =	vst.idx.msk $0xffff, v20  }
0x5fd: {  	v61 =	vld.idx.msk [tilespmem:v15+s2+$0x0], $0xffff;
	[tilespmem:v12+s23+$0x0] =	vst.idx.msk $0xffff, v22  }
0x5fe: {  	v62 =	vld.idx.msk [tilespmem:v23+s2+$0x0], $0xffff;
	[tilespmem:v7+s23+$0x0] =	vst.idx.msk $0xffff, v4  }
0x5ff: {  	v63 =	vld.idx.msk [tilespmem:v25+s2+$0x0], $0xffff;
	[tilespmem:v14+s23+$0x0] =	vst.idx.msk $0xffff, v58  }
0x600: {  	s20 =	sadd.s32 $0x1, s20;
	v4 =	vld.idx.msk [tilespmem:v28+s2+$0x0], $0xffff;
	[tilespmem:v59+s23+$0x0] =	vst.idx.msk $0xffff, v11  }
0x601: {  	p0 =	sne.s32 s20, $0x20;
	[tilespmem:v16+s23+$0x0] =	vst.idx.msk $0xffff, v60  }
.Ltmp20:
0x602: {  	s0 =	sadd.s32 s6, s21;
	[tilespmem:v5+s23+$0x0] =	vst.idx.msk $0xffff, v61;
	(pc) =	sbr.rel @p0 .LBB2_30-.Ltmp20, $4  }
0x603: {  	s0 =	smul.u32 $0xC80, s0;
	[tilespmem:v6+s23+$0x0] =	vst.idx.msk $0xffff, v62  }
0x604: {  	[tilespmem:v8+s23+$0x0] =	vst.idx.msk $0xffff, v63  }
0x605: {  	s0 =	sadd.s32 s4, s0;
	[tilespmem:v10+s23+$0x0] =	vst.idx.msk $0xffff, v4  }
0x606: {  	[hbm4b:s0+s2] =	stream.linear.scatter [tilespmem:s23], [sflag:s22], $0x6400, $0x38;
	[tilespmem:$0x19E00] =	vst v63  }
0x607: {  	_ =	swait.ge [sflag:s15], $0x2000  }
0x608: {  	[sflag:s15] =	ssyncset.done $0x0  }
0x609: {  	s20 =	simm.s32 $0x0;
	[sflag:s15] =	ssyncadd.s32 $0xFFFFE000  }
.LBB2_44:
0x60a: {  	s21 =	sor.u32 $0x60, s20  }
0x60b: {  	s0 =	smul.u32 $0xAB, s21;
	_ =	sdelay $0x1  }
0x60c: {  	s0 =	sshrl.u32 s0, $0x9  }
0x60d: {  	s0 =	sand.u32 $0x7F, s0  }
0x60e: {  	s0 =	smul.u32 $0x3, s0;
	_ =	sdelay $0x1  }
0x60f: {  	s0 =	ssub.s32 s21, s0  }
0x610: {  	s1 =	sshll.u32 s20, $0x8;
	s3 =	sshll.u32 s20, $0x7;
	s0 =	sand.u32 $0xFF, s0  }
0x611: {  	s28 =	simm.s32 $0x0;
	s22 =	sadd.s32 $0x3, s0;
	s0 =	smul.u32 $0x19000, s0  }
0x612: {  	s1 =	sand.u32 $0x1800, s1;
	s24 =	sand.u32 $0x380, s3;
	_ =	swait.ge [sflag:s22], $0x6400  }
0x613: {  	s25 =	sadd.s32 $0x3200, s1;
	[sflag:s22] =	ssyncset.done $0x0;
	s0 =	sshrl.u32 s0, $0x2  }
0x614: {  	s26 =	sadd.s32 $0x5200, s1;
	v4 =	vmov s24;
	[sflag:s22] =	ssyncadd.s32 $0xFFFF9C00;
	s23 =	sadd.s32 $0x7200, s0  }
.LBB2_45:
0x615: {  	s0 =	sshll.u32 s28, $0x7  }
0x616: {  	s30 =	sshll.u32 s28, $0x4;
	s0 =	sand.u32 $0x400, s0  }
0x617: {  	s1 =	sand.u32 $0x40, s30;
	s29 =	sadd.s32 s0, s26  }
0x618: {  	s0 =	sadd.s32 s1, s29  }
0x619: {  	v5 =	vld.idx.msk [tilespmem:v4+s0+$0x0 ss:$0x1], $0xffff;
	_ =	sdelay $0x1  }
0x61a: {  	s13 =	simm.s32 $0x0;
	s7 =	simm.s32 $0xD;
	s9 =	simm.s32 $0xB;
	v7 =	vmov s30  }
0x61b: {  	s3 =	simm.s32 $0xE;
	v8 =	vor.u32 s13, v0;
	v14 =	vadd.s32 s7, v0;
	v18 =	vadd.s32 s9, v0  }
0x61c: {  	v13 =	vadd.s32 s3, v2;
	vm6 =	vlt.u32 v14, $0x50;
	vm8 =	vlt.u32 v18, $0x50  }
0x61d: {  	s1 =	simm.s32 $0xF;
	v6 =	vshll.u32 v5, $0x7;
	v5 =	vshll.u32 v7, $0x7;
	v7 =	vmov s13  }
0x61e: {  	v10 =	vadd.s32 s1, v2;
	vm0 =	vlt.u32 v7, $0x50;
	v7 =	vadd.s32 s13, v2  }
0x61f: {  	v5 =	vor.u32 v1, v5;
	s13 =	simm.s32 $0x9;
	v7 =	vsel vm0, v8, v7;
	v8 =	vadd.s32 s1, v0  }
0x620: {  	v22 =	vadd.s32 s13, v0;
	v9 =	vand.u32 $0xFFFFFF80, v7;
	vm4 =	vlt.u32 v8, $0x50  }
0x621: {  	v11 =	vand.u32 $0x7F, v7;
	v9 =	vadd.s32 v5, v9;
	v8 =	vsel vm4, v8, v10  }
0x622: {  	v10 =	vadd.s32 v6, v7;
	v12 =	vor.u32 v11, v9;
	v7 =	vand.u32 $0x7F, v8  }
0x623: {  	v9 =	vadd.s32 s3, v0;
	v11 =	vadd.s32 v6, v8;
	v8 =	vand.u32 $0xFFFFFF80, v8  }
0x624: {  	vm10 =	vlt.u32 v22, $0x50;
	vm5 =	vlt.u32 v9, $0x50;
	v8 =	vadd.s32 v5, v8  }
0x625: {  	v9 =	vsel vm5, v9, v13;
	v13 =	vor.u32 v7, v8;
	v7 =	vadd.s32 s7, v2  }
0x626: {  	s8 =	simm.s32 $0xC;
	s7 =	simm.s32 $0x7;
	v8 =	vand.u32 $0xFFFFFF80, v9;
	v7 =	vsel vm6, v14, v7;
	v14 =	vand.u32 $0x7F, v9  }
0x627: {  	v16 =	vadd.s32 v6, v9;
	v9 =	vadd.s32 s8, v2;
	v25 =	vadd.s32 s7, v0  }
0x628: {  	v8 =	vadd.s32 v5, v8;
	v15 =	vand.u32 $0x7F, v7;
	v17 =	vadd.s32 v6, v7  }
0x629: {  	v7 =	vand.u32 $0xFFFFFF80, v7;
	v14 =	vor.u32 v14, v8;
	v8 =	vadd.s32 s8, v0  }
0x62a: {  	vm12 =	vlt.u32 v25, $0x50;
	v7 =	vadd.s32 v5, v7;
	vm7 =	vlt.u32 v8, $0x50  }
0x62b: {  	v15 =	vor.u32 v15, v7;
	v7 =	vadd.s32 s9, v2;
	v8 =	vsel vm7, v8, v9  }
0x62c: {  	s11 =	simm.s32 $0xA;
	v27 =	vld.idx.msk [tilespmem:v10+s2+$0x0], $0xffff;
	v7 =	vsel vm8, v18, v7;
	v9 =	vand.u32 $0xFFFFFF80, v8;
	v18 =	vand.u32 $0x7F, v8  }
0x62d: {  	v19 =	vand.u32 $0x7F, v7;
	v20 =	vadd.s32 v6, v8;
	v8 =	vadd.s32 s11, v0  }
0x62e: {  	v21 =	vadd.s32 v6, v7;
	v7 =	vand.u32 $0xFFFFFF80, v7;
	v9 =	vadd.s32 v5, v9  }
0x62f: {  	vm9 =	vlt.u32 v8, $0x50;
	v7 =	vadd.s32 v5, v7;
	v18 =	vor.u32 v18, v9  }
0x630: {  	s9 =	simm.s32 $0x5;
	v16 =	vld.idx.msk [tilespmem:v16+s2+$0x0], $0xffff;
	v9 =	vadd.s32 s11, v2;
	v26 =	vor.u32 v19, v7;
	v7 =	vadd.s32 s13, v2  }
0x631: {  	[tilespmem:v12+s23+$0x0] =	vst.idx.msk $0xffff, v27;
	v12 =	vadd.s32 s9, v2;
	s13 =	simm.s32 $0x4;
	v8 =	vsel vm9, v8, v9;
	v19 =	vsel vm10, v22, v7  }
0x632: {  	s3 =	simm.s32 $0x8;
	v17 =	vld.idx.msk [tilespmem:v17+s2+$0x0], $0xffff;
	v63 =	vadd.s32 s13, v2;
	v9 =	vand.u32 $0xFFFFFF80, v8;
	v7 =	vand.u32 $0x7F, v8  }
0x633: {  	v22 =	vand.u32 $0x7F, v19;
	v23 =	vadd.s32 v6, v8;
	v8 =	vadd.s32 s3, v0  }
0x634: {  	s11 =	simm.s32 $0x3;
	v24 =	vadd.s32 v6, v19;
	v9 =	vadd.s32 v5, v9;
	vm11 =	vlt.u32 v8, $0x50  }
0x635: {  	[tilespmem:v14+s23+$0x0] =	vst.idx.msk $0xffff, v16;
	v16 =	vadd.s32 s11, v0;
	v7 =	vor.u32 v7, v9;
	v9 =	vand.u32 $0xFFFFFF80, v19  }
0x636: {  	v19 =	vadd.s32 s3, v2;
	vm15 =	vlt.u32 v16, $0x50;
	v9 =	vadd.s32 v5, v9  }
0x637: {  	[tilespmem:v15+s23+$0x0] =	vst.idx.msk $0xffff, v17;
	v17 =	vadd.s32 s11, v2;
	v19 =	vsel vm11, v8, v19;
	v8 =	vor.u32 v22, v9  }
0x638: {  	v9 =	vadd.s32 s7, v2;
	v22 =	vand.u32 $0xFFFFFF80, v19;
	v29 =	vadd.s32 v6, v19  }
0x639: {  	s8 =	simm.s32 $0x6;
	v10 =	vsel vm12, v25, v9;
	v9 =	vand.u32 $0x7F, v19;
	v22 =	vadd.s32 v5, v22;
	v25 =	vld.idx.msk [tilespmem:v11+s2+$0x0], $0xffff  }
0x63a: {  	v30 =	vld.idx.msk [tilespmem:v20+s2+$0x0], $0xffff;
	v19 =	vadd.s32 s8, v0;
	v28 =	vand.u32 $0x7F, v10;
	v9 =	vor.u32 v9, v22  }
0x63b: {  	v27 =	vld.idx.msk [tilespmem:v21+s2+$0x0], $0xffff;
	v11 =	vadd.s32 v6, v10;
	vm13 =	vlt.u32 v19, $0x50;
	v22 =	vadd.s32 s8, v2  }
0x63c: {  	v10 =	vand.u32 $0xFFFFFF80, v10;
	v20 =	vsel vm13, v19, v22;
	v22 =	vadd.s32 s9, v0  }
0x63d: {  	v14 =	vld.idx.msk [tilespmem:v23+s2+$0x0], $0xffff;
	v23 =	vsel vm15, v16, v17;
	v10 =	vadd.s32 v5, v10;
	vm14 =	vlt.u32 v22, $0x50  }
0x63e: {  	v10 =	vor.u32 v28, v10;
	v19 =	vand.u32 $0x7F, v20;
	[tilespmem:v13+s23+$0x0] =	vst.idx.msk $0xffff, v25;
	v13 =	vsel vm14, v22, v12  }
0x63f: {  	v15 =	vld.idx.msk [tilespmem:v24+s2+$0x0], $0xffff;
	[tilespmem:v18+s23+$0x0] =	vst.idx.msk $0xffff, v30;
	v12 =	vadd.s32 v6, v20;
	v20 =	vand.u32 $0xFFFFFF80, v20;
	v25 =	vadd.s32 s13, v0  }
0x640: {  	[tilespmem:v26+s23+$0x0] =	vst.idx.msk $0xffff, v27;
	v22 =	vand.u32 $0xFFFFFF80, v13;
	v21 =	vand.u32 $0x7F, v13;
	vm1 =	vlt.u32 v25, $0x50  }
0x641: {  	s0 =	simm.s32 $0x2;
	v20 =	vadd.s32 v5, v20;
	v16 =	vadd.s32 v6, v13;
	v24 =	vsel vm1, v25, v63  }
0x642: {  	s31 =	simm.s32 $0x10;
	s1 =	simm.s32 $0x1;
	v17 =	vld.idx.msk [tilespmem:v29+s2+$0x0], $0xffff;
	v13 =	vadd.s32 v6, v23;
	v25 =	vadd.s32 s0, v0;
	v18 =	vadd.s32 v6, v24  }
.LBB2_46:
0x643: {  	p0 =	slt.u32 s31, $0x40;
	v26 =	vadd.s32 s1, v0;
	vm0 =	vlt.u32 v25, $0x50;
	v27 =	vadd.s32 s0, v2;
	[tilespmem:v7+s23+$0x0] =	vst.idx.msk $0xffff, v14  }
0x644: {  	v7 =	vadd.s32 s1, v2;
	vm1 =	vlt.u32 v26, $0x50;
	v14 =	vsel vm0, v25, v27;
	v11 =	vld.idx.msk [tilespmem:v11+s2+$0x0], $0xffff;
	[tilespmem:v8+s23+$0x0] =	vst.idx.msk $0xffff, v15  }
0x645: {  	v15 =	vadd.s32 v5, v22;
	v7 =	vsel vm1, v26, v7;
	v8 =	vadd.s32 v6, v14  }
0x646: {  	v19 =	vor.u32 v19, v20;
	v15 =	vor.u32 v21, v15;
	v22 =	vadd.s32 v6, v7;
	v12 =	vld.idx.msk [tilespmem:v12+s2+$0x0], $0xffff  }
0x647: {  	v20 =	vand.u32 $0xFFFFFF80, v23;
	v21 =	vand.u32 $0xFFFFFF80, v24;
	v24 =	vand.u32 $0x7F, v24;
	v16 =	vld.idx.msk [tilespmem:v16+s2+$0x0], $0xffff;
	[tilespmem:v9+s23+$0x0] =	vst.idx.msk $0xffff, v17  }
0x648: {  	v9 =	vand.u32 $0x7F, v23;
	v17 =	vadd.s32 v5, v20;
	v20 =	vadd.s32 v5, v21;
	v18 =	vld.idx.msk [tilespmem:v18+s2+$0x0], $0xffff  }
0x649: {  	v21 =	vand.u32 $0xFFFFFF80, v14;
	v9 =	vor.u32 v9, v17;
	v17 =	vor.u32 v24, v20;
	v13 =	vld.idx.msk [tilespmem:v13+s2+$0x0], $0xffff  }
0x64a: {  	v14 =	vand.u32 $0x7F, v14;
	v20 =	vand.u32 $0xFFFFFF80, v7;
	v21 =	vadd.s32 v5, v21;
	v8 =	vld.idx.msk [tilespmem:v8+s2+$0x0], $0xffff;
	[tilespmem:v10+s23+$0x0] =	vst.idx.msk $0xffff, v11  }
0x64b: {  	v7 =	vand.u32 $0x7F, v7;
	v14 =	vor.u32 v14, v21;
	v11 =	vadd.s32 v5, v20;
	v10 =	vld.idx.msk [tilespmem:v22+s2+$0x0], $0xffff  }
0x64c: {  	v20 =	vmov s31;
	v7 =	vor.u32 v7, v11;
	[tilespmem:v19+s23+$0x0] =	vst.idx.msk $0xffff, v12  }
0x64d: {  	s0 =	sadd.s32 $0xF, s31;
	v11 =	vor.u32 s31, v0;
	vm0 =	vlt.u32 v20, $0x50;
	v12 =	vadd.s32 s31, v2;
	[tilespmem:v15+s23+$0x0] =	vst.idx.msk $0xffff, v16  }
0x64e: {  	v11 =	vsel vm0, v11, v12;
	v12 =	vadd.s32 s0, v0;
	[tilespmem:v17+s23+$0x0] =	vst.idx.msk $0xffff, v18  }
0x64f: {  	v16 =	vadd.s32 s0, v2;
	v15 =	vand.u32 $0xFFFFFF80, v11;
	vm0 =	vlt.u32 v12, $0x50;
	[tilespmem:v9+s23+$0x0] =	vst.idx.msk $0xffff, v13  }
0x650: {  	v9 =	vand.u32 $0x7F, v11;
	v13 =	vadd.s32 v5, v15;
	v12 =	vsel vm0, v12, v16;
	[tilespmem:v14+s23+$0x0] =	vst.idx.msk $0xffff, v8  }
0x651: {  	s0 =	sadd.s32 $0xE, s31;
	v8 =	vadd.s32 v6, v11;
	v13 =	vor.u32 v9, v13;
	v9 =	vand.u32 $0x7F, v12;
	[tilespmem:v7+s23+$0x0] =	vst.idx.msk $0xffff, v10  }
0x652: {  	v11 =	vand.u32 $0xFFFFFF80, v12;
	v7 =	vadd.s32 s0, v0;
	v10 =	vadd.s32 v6, v12  }
0x653: {  	s1 =	sadd.s32 $0xD, s31;
	v12 =	vadd.s32 s0, v2;
	v11 =	vadd.s32 v5, v11;
	vm0 =	vlt.u32 v7, $0x50  }
0x654: {  	v14 =	vadd.s32 s1, v0;
	v7 =	vsel vm0, v7, v12;
	v12 =	vor.u32 v9, v11  }
0x655: {  	vm0 =	vlt.u32 v14, $0x50;
	v9 =	vadd.s32 s1, v2;
	v11 =	vand.u32 $0xFFFFFF80, v7  }
0x656: {  	v9 =	vsel vm0, v14, v9;
	v14 =	vand.u32 $0x7F, v7;
	v11 =	vadd.s32 v5, v11  }
0x657: {  	s0 =	sadd.s32 $0xC, s31;
	v16 =	vadd.s32 v6, v7;
	v15 =	vand.u32 $0x7F, v9;
	v17 =	vor.u32 v14, v11  }
0x658: {  	v7 =	vadd.s32 s0, v0;
	v14 =	vadd.s32 v6, v9;
	v9 =	vand.u32 $0xFFFFFF80, v9  }
0x659: {  	s1 =	sadd.s32 $0xB, s31;
	vm0 =	vlt.u32 v7, $0x50;
	v11 =	vadd.s32 s0, v2;
	v9 =	vadd.s32 v5, v9  }
0x65a: {  	v18 =	vadd.s32 s1, v0;
	v7 =	vsel vm0, v7, v11;
	v23 =	vor.u32 v15, v9  }
0x65b: {  	vm0 =	vlt.u32 v18, $0x50;
	v9 =	vadd.s32 s1, v2;
	v11 =	vand.u32 $0xFFFFFF80, v7  }
0x65c: {  	v15 =	vand.u32 $0x7F, v7;
	v9 =	vsel vm0, v18, v9;
	v11 =	vadd.s32 v5, v11  }
0x65d: {  	s0 =	sadd.s32 $0xA, s31;
	v19 =	vadd.s32 v6, v7;
	v18 =	vand.u32 $0x7F, v9;
	v24 =	vor.u32 v15, v11  }
0x65e: {  	v7 =	vadd.s32 s0, v0;
	v15 =	vadd.s32 v6, v9;
	v9 =	vand.u32 $0xFFFFFF80, v9  }
0x65f: {  	s1 =	sadd.s32 $0x9, s31;
	vm0 =	vlt.u32 v7, $0x50;
	v11 =	vadd.s32 s0, v2;
	v9 =	vadd.s32 v5, v9  }
0x660: {  	v20 =	vadd.s32 s1, v0;
	v7 =	vsel vm0, v7, v11;
	v26 =	vor.u32 v18, v9  }
0x661: {  	vm0 =	vlt.u32 v20, $0x50;
	v9 =	vadd.s32 s1, v2;
	v11 =	vand.u32 $0xFFFFFF80, v7  }
0x662: {  	v18 =	vand.u32 $0x7F, v7;
	v9 =	vsel vm0, v20, v9;
	v11 =	vadd.s32 v5, v11  }
0x663: {  	s0 =	sadd.s32 $0x8, s31;
	v21 =	vadd.s32 v6, v7;
	v20 =	vand.u32 $0x7F, v9;
	v7 =	vor.u32 v18, v11  }
0x664: {  	v11 =	vadd.s32 s0, v0;
	v18 =	vadd.s32 v6, v9;
	v9 =	vand.u32 $0xFFFFFF80, v9  }
0x665: {  	v22 =	vadd.s32 s0, v2;
	s1 =	sadd.s32 $0x7, s31;
	vm0 =	vlt.u32 v11, $0x50;
	v9 =	vadd.s32 v5, v9  }
0x666: {  	v27 =	vadd.s32 s1, v0;
	v11 =	vsel vm0, v11, v22;
	v25 =	vld.idx.msk [tilespmem:v8+s2+$0x0], $0xffff;
	v8 =	vor.u32 v20, v9  }
0x667: {  	vm0 =	vlt.u32 v27, $0x50;
	v9 =	vadd.s32 s1, v2;
	v20 =	vand.u32 $0xFFFFFF80, v11;
	v22 =	vld.idx.msk [tilespmem:v10+s2+$0x0], $0xffff  }
0x668: {  	v10 =	vsel vm0, v27, v9;
	v9 =	vand.u32 $0x7F, v11;
	v20 =	vadd.s32 v5, v20  }
0x669: {  	s0 =	sadd.s32 $0x6, s31;
	v28 =	vadd.s32 v6, v11;
	v27 =	vand.u32 $0x7F, v10;
	v9 =	vor.u32 v9, v20;
	v16 =	vld.idx.msk [tilespmem:v16+s2+$0x0], $0xffff  }
0x66a: {  	v20 =	vadd.s32 s0, v0;
	v11 =	vadd.s32 v6, v10;
	v10 =	vand.u32 $0xFFFFFF80, v10;
	v29 =	vld.idx.msk [tilespmem:v14+s2+$0x0], $0xffff  }
0x66b: {  	s1 =	sadd.s32 $0x5, s31;
	vm0 =	vlt.u32 v20, $0x50;
	v10 =	vadd.s32 v5, v10;
	v14 =	vadd.s32 s0, v2;
	v30 =	vld.idx.msk [tilespmem:v19+s2+$0x0], $0xffff  }
0x66c: {  	v10 =	vor.u32 v27, v10;
	v14 =	vsel vm0, v20, v14;
	[tilespmem:v13+s23+$0x0] =	vst.idx.msk $0xffff, v25;
	v13 =	vadd.s32 s1, v0  }
0x66d: {  	v20 =	vadd.s32 s1, v2;
	v19 =	vand.u32 $0x7F, v14;
	vm0 =	vlt.u32 v13, $0x50;
	v27 =	vld.idx.msk [tilespmem:v15+s2+$0x0], $0xffff;
	[tilespmem:v12+s23+$0x0] =	vst.idx.msk $0xffff, v22  }
0x66e: {  	v12 =	vadd.s32 v6, v14;
	v15 =	vand.u32 $0xFFFFFF80, v14;
	v13 =	vsel vm0, v13, v20;
	v14 =	vld.idx.msk [tilespmem:v21+s2+$0x0], $0xffff  }
.Ltmp21:
0x66f: {  	s0 =	sadd.s32 $0x3, s31;
	s1 =	sadd.s32 $0x4, s31;
	v20 =	vadd.s32 v5, v15;
	v22 =	vand.u32 $0xFFFFFF80, v13;
	v21 =	vand.u32 $0x7F, v13;
	v15 =	vld.idx.msk [tilespmem:v18+s2+$0x0], $0xffff;
	[tilespmem:v17+s23+$0x0] =	vst.idx.msk $0xffff, v16;
	(pc) =	sbr.rel @p0 .LBB2_46-.Ltmp21, $4  }
0x670: {  	v16 =	vadd.s32 s0, v0;
	v17 =	vadd.s32 s1, v0;
	v18 =	vadd.s32 s1, v2;
	[tilespmem:v23+s23+$0x0] =	vst.idx.msk $0xffff, v29  }
0x671: {  	vm0 =	vlt.u32 v16, $0x50;
	v23 =	vadd.s32 s0, v2;
	vm1 =	vlt.u32 v17, $0x50;
	[tilespmem:v24+s23+$0x0] =	vst.idx.msk $0xffff, v30  }
0x672: {  	s0 =	sadd.s32 $0x2, s31;
	v23 =	vsel vm0, v16, v23;
	v24 =	vsel vm1, v17, v18;
	v16 =	vadd.s32 v6, v13;
	v17 =	vld.idx.msk [tilespmem:v28+s2+$0x0], $0xffff  }
0x673: {  	s1 =	sadd.s32 $0x1, s31;
	s31 =	sadd.s32 $0x10, s31;
	v25 =	vadd.s32 s0, v0;
	v13 =	vadd.s32 v6, v23;
	v18 =	vadd.s32 v6, v24;
	[tilespmem:v26+s23+$0x0] =	vst.idx.msk $0xffff, v27  }
0x674: {  	v26 =	vadd.s32 s1, v0;
	vm0 =	vlt.u32 v25, $0x50  }
0x675: {  	v27 =	vadd.s32 s0, v2;
	v28 =	vadd.s32 s1, v2;
	v22 =	vadd.s32 v5, v22  }
0x676: {  	v19 =	vor.u32 v19, v20;
	v20 =	vand.u32 $0xFFFFFF80, v24;
	vm1 =	vlt.u32 v26, $0x50  }
0x677: {  	s3 =	simm.s32 $0xE;
	v25 =	vsel vm0, v25, v27;
	v21 =	vor.u32 v21, v22;
	v22 =	vand.u32 $0x7F, v24  }
0x678: {  	s7 =	simm.s32 $0xD;
	s8 =	simm.s32 $0xC;
	v20 =	vadd.s32 v5, v20;
	v49 =	vadd.s32 s3, v0;
	v50 =	vadd.s32 s3, v2  }
0x679: {  	v32 =	vadd.s32 s7, v0;
	v51 =	vadd.s32 s8, v0;
	v33 =	vadd.s32 s7, v2  }
0x67a: {  	v34 =	vadd.s32 s8, v2;
	v26 =	vsel vm1, v26, v28;
	v27 =	vadd.s32 v6, v25  }
0x67b: {  	v29 =	vand.u32 $0xFFFFFF80, v25;
	v20 =	vor.u32 v22, v20;
	v22 =	vand.u32 $0x7F, v25  }
0x67c: {  	s3 =	simm.s32 $0x8;
	s7 =	simm.s32 $0x7;
	vm4 =	vlt.u32 v49, $0x50;
	vm5 =	vlt.u32 v32, $0x50;
	vm6 =	vlt.u32 v51, $0x50  }
0x67d: {  	s9 =	sor.u32 $0x10, s30;
	v55 =	vadd.s32 s3, v0;
	v56 =	vadd.s32 s3, v2;
	v38 =	vadd.s32 s7, v0  }
0x67e: {  	s11 =	sand.u32 $0x50, s9;
	v57 =	vadd.s32 s7, v2;
	v28 =	vadd.s32 v6, v26;
	v6 =	vand.u32 $0xFFFFFF80, v23  }
0x67f: {  	s1 =	sadd.s32 s11, s29;
	s11 =	simm.s32 $0xA;
	v23 =	vand.u32 $0x7F, v23;
	v25 =	vadd.s32 v5, v29;
	v32 =	vsel vm5, v32, v33  }
0x680: {  	[tilespmem:v7+s23+$0x0] =	vst.idx.msk $0xffff, v14;
	v7 =	vld.idx.msk [tilespmem:v11+s2+$0x0], $0xffff;
	v35 =	vadd.s32 s11, v0;
	v36 =	vadd.s32 s11, v2;
	vm10 =	vlt.u32 v55, $0x50  }
0x681: {  	v24 =	vld.idx.msk [tilespmem:v4+s1+$0x0 ss:$0x1], $0xffff;
	s1 =	simm.s32 $0xF;
	vm11 =	vlt.u32 v38, $0x50;
	v6 =	vadd.s32 v5, v6;
	v22 =	vor.u32 v22, v25  }
0x682: {  	v30 =	vadd.s32 s1, v2;
	vm8 =	vlt.u32 v35, $0x50;
	v14 =	vsel vm11, v38, v57  }
0x683: {  	[tilespmem:v9+s23+$0x0] =	vst.idx.msk $0xffff, v17;
	v9 =	vand.u32 $0x7F, v32;
	v23 =	vor.u32 v23, v6;
	v6 =	vand.u32 $0xFFFFFF80, v26  }
0x684: {  	v59 =	vand.u32 $0xFFFFFF80, v32;
	v26 =	vand.u32 $0x7F, v26;
	v5 =	vadd.s32 v5, v6  }
0x685: {  	s13 =	simm.s32 $0x0;
	v12 =	vld.idx.msk [tilespmem:v12+s2+$0x0], $0xffff;
	v35 =	vsel vm8, v35, v36;
	v36 =	vsel vm10, v55, v56;
	v25 =	vor.u32 v26, v5  }
0x686: {  	[tilespmem:v10+s23+$0x0] =	vst.idx.msk $0xffff, v7;
	v10 =	vld.idx.msk [tilespmem:v13+s2+$0x0], $0xffff;
	v5 =	vmov s9;
	v26 =	vor.u32 s13, v0;
	s9 =	simm.s32 $0xB;
	v6 =	vshll.u32 v24, $0x7  }
0x687: {  	v16 =	vld.idx.msk [tilespmem:v16+s2+$0x0], $0xffff;
	v5 =	vshll.u32 v5, $0x7;
	v24 =	vmov s13;
	v52 =	vadd.s32 s9, v0  }
0x688: {  	v53 =	vadd.s32 s9, v2;
	vm14 =	vlt.u32 v24, $0x50;
	v24 =	vadd.s32 s13, v2  }
0x689: {  	v5 =	vor.u32 v1, v5;
	vm7 =	vlt.u32 v52, $0x50;
	v13 =	vadd.s32 v6, v32  }
0x68a: {  	[tilespmem:v19+s23+$0x0] =	vst.idx.msk $0xffff, v12;
	s13 =	simm.s32 $0x9;
	v24 =	vsel vm14, v26, v24;
	v26 =	vadd.s32 s1, v0;
	v33 =	vsel vm7, v52, v53  }
0x68b: {  	v54 =	vadd.s32 s13, v0;
	v37 =	vadd.s32 s13, v2;
	[tilespmem:v23+s23+$0x0] =	vst.idx.msk $0xffff, v10;
	v10 =	vand.u32 $0xFFFFFF80, v36  }
0x68c: {  	[tilespmem:v21+s23+$0x0] =	vst.idx.msk $0xffff, v16;
	v48 =	vand.u32 $0xFFFFFF80, v24;
	vm15 =	vlt.u32 v26, $0x50;
	v31 =	vand.u32 $0x7F, v24  }
0x68d: {  	v19 =	vld.idx.msk [tilespmem:v28+s2+$0x0], $0xffff;
	v24 =	vadd.s32 v6, v24;
	vm9 =	vlt.u32 v54, $0x50;
	v16 =	vadd.s32 v6, v33  }
0x68e: {  	v10 =	vadd.s32 v5, v10;
	v29 =	vadd.s32 v5, v48;
	v26 =	vsel vm15, v26, v30  }
0x68f: {  	v30 =	vsel vm4, v49, v50;
	v29 =	vor.u32 v31, v29;
	v31 =	vsel vm6, v51, v34  }
0x690: {  	v34 =	vsel vm9, v54, v37;
	v11 =	vand.u32 $0x7F, v26;
	v58 =	vand.u32 $0xFFFFFF80, v26  }
0x691: {  	[tilespmem:v8+s23+$0x0] =	vst.idx.msk $0xffff, v15;
	s8 =	simm.s32 $0x6;
	s13 =	simm.s32 $0x4;
	v8 =	vadd.s32 v6, v26;
	v26 =	vand.u32 $0xFFFFFF80, v30;
	v17 =	vadd.s32 v6, v30  }
0x692: {  	v18 =	vld.idx.msk [tilespmem:v18+s2+$0x0], $0xffff;
	[tilespmem:v25+s23+$0x0] =	vst.idx.msk $0xffff, v19;
	v19 =	vadd.s32 s8, v2;
	v25 =	vadd.s32 s13, v0;
	v15 =	vadd.s32 v5, v58  }
0x693: {  	v26 =	vadd.s32 v5, v26;
	v15 =	vor.u32 v11, v15;
	v11 =	vand.u32 $0x7F, v30  }
0x694: {  	v60 =	vand.u32 $0xFFFFFF80, v31;
	v26 =	vor.u32 v11, v26;
	v11 =	vadd.s32 v5, v59  }
0x695: {  	v7 =	vand.u32 $0x7F, v31;
	v61 =	vor.u32 v9, v11;
	v9 =	vadd.s32 v5, v60  }
0x696: {  	v12 =	vadd.s32 v6, v31;
	v11 =	vld.idx.msk [tilespmem:v27+s2+$0x0], $0xffff;
	v30 =	vor.u32 v7, v9;
	v7 =	vand.u32 $0xFFFFFF80, v33  }
0x697: {  	[tilespmem:v20+s23+$0x0] =	vst.idx.msk $0xffff, v18;
	v18 =	vand.u32 $0x7F, v34;
	v9 =	vand.u32 $0x7F, v33;
	v7 =	vadd.s32 v5, v7  }
0x698: {  	v23 =	vadd.s32 v6, v34;
	v13 =	vld.idx.msk [tilespmem:v13+s2+$0x0], $0xffff;
	v62 =	vor.u32 v9, v7;
	v7 =	vand.u32 $0xFFFFFF80, v35  }
0x699: {  	vm15 =	vlt.u32 v25, $0x50;
	v20 =	vld.idx.msk [tilespmem:v24+s2+$0x0], $0xffff;
	v9 =	vand.u32 $0x7F, v35;
	v7 =	vadd.s32 v5, v7  }
0x69a: {  	s9 =	simm.s32 $0x5;
	v27 =	vadd.s32 v6, v35;
	v21 =	vld.idx.msk [tilespmem:v8+s2+$0x0], $0xffff;
	v7 =	vor.u32 v9, v7;
	v9 =	vand.u32 $0xFFFFFF80, v34  }
0x69b: {  	v24 =	vld.idx.msk [tilespmem:v12+s2+$0x0], $0xffff;
	v12 =	vadd.s32 s9, v0;
	[tilespmem:v22+s23+$0x0] =	vst.idx.msk $0xffff, v11;
	v22 =	vadd.s32 s8, v0;
	v9 =	vadd.s32 v5, v9  }
0x69c: {  	v17 =	vld.idx.msk [tilespmem:v17+s2+$0x0], $0xffff;
	v11 =	vadd.s32 v6, v14;
	v9 =	vor.u32 v18, v9;
	v18 =	vand.u32 $0x7F, v36  }
0x69d: {  	v8 =	vor.u32 v18, v10;
	v10 =	vand.u32 $0x7F, v14;
	v14 =	vand.u32 $0xFFFFFF80, v14  }
0x69e: {  	v63 =	vld.idx.msk [tilespmem:v16+s2+$0x0], $0xffff;
	vm13 =	vlt.u32 v12, $0x50;
	[tilespmem:v29+s23+$0x0] =	vst.idx.msk $0xffff, v20;
	vm12 =	vlt.u32 v22, $0x50;
	v14 =	vadd.s32 v5, v14  }
0x69f: {  	[tilespmem:v61+s23+$0x0] =	vst.idx.msk $0xffff, v13;
	v22 =	vsel vm12, v22, v19;
	v10 =	vor.u32 v10, v14;
	v14 =	vadd.s32 s9, v2  }
0x6a0: {  	s11 =	simm.s32 $0x3;
	[tilespmem:v15+s23+$0x0] =	vst.idx.msk $0xffff, v21;
	v18 =	vadd.s32 v6, v36;
	v16 =	vsel vm13, v12, v14;
	v14 =	vand.u32 $0xFFFFFF80, v22  }
0x6a1: {  	[tilespmem:v26+s23+$0x0] =	vst.idx.msk $0xffff, v17;
	v17 =	vadd.s32 s11, v0;
	v26 =	vadd.s32 s13, v2;
	v20 =	vadd.s32 v5, v14;
	v14 =	vld.idx.msk [tilespmem:v27+s2+$0x0], $0xffff  }
0x6a2: {  	s0 =	simm.s32 $0x2;
	v13 =	vadd.s32 s11, v2;
	v15 =	vld.idx.msk [tilespmem:v23+s2+$0x0], $0xffff;
	vm14 =	vlt.u32 v17, $0x50;
	[tilespmem:v30+s23+$0x0] =	vst.idx.msk $0xffff, v24;
	v24 =	vsel vm15, v25, v26  }
0x6a3: {  	v25 =	vadd.s32 s0, v0;
	v19 =	vand.u32 $0x7F, v22;
	v23 =	vsel vm14, v17, v13  }
0x6a4: {  	[tilespmem:v62+s23+$0x0] =	vst.idx.msk $0xffff, v63;
	v13 =	vadd.s32 v6, v23;
	v12 =	vadd.s32 v6, v22;
	v22 =	vand.u32 $0xFFFFFF80, v16  }
0x6a5: {  	s31 =	simm.s32 $0x10;
	s1 =	simm.s32 $0x1;
	v21 =	vand.u32 $0x7F, v16;
	v16 =	vadd.s32 v6, v16;
	v17 =	vld.idx.msk [tilespmem:v18+s2+$0x0], $0xffff;
	v18 =	vadd.s32 v6, v24  }
.LBB2_48:
0x6a6: {  	p0 =	slt.u32 s31, $0x40;
	v26 =	vadd.s32 s1, v0;
	vm0 =	vlt.u32 v25, $0x50;
	v27 =	vadd.s32 s0, v2;
	[tilespmem:v7+s23+$0x0] =	vst.idx.msk $0xffff, v14  }
0x6a7: {  	v7 =	vadd.s32 s1, v2;
	vm1 =	vlt.u32 v26, $0x50;
	v14 =	vsel vm0, v25, v27;
	v11 =	vld.idx.msk [tilespmem:v11+s2+$0x0], $0xffff;
	[tilespmem:v9+s23+$0x0] =	vst.idx.msk $0xffff, v15  }
0x6a8: {  	v15 =	vadd.s32 v5, v22;
	v7 =	vsel vm1, v26, v7;
	v9 =	vadd.s32 v6, v14  }
0x6a9: {  	v19 =	vor.u32 v19, v20;
	v15 =	vor.u32 v21, v15;
	v22 =	vadd.s32 v6, v7;
	v12 =	vld.idx.msk [tilespmem:v12+s2+$0x0], $0xffff  }
0x6aa: {  	v20 =	vand.u32 $0xFFFFFF80, v23;
	v21 =	vand.u32 $0xFFFFFF80, v24;
	v24 =	vand.u32 $0x7F, v24;
	v16 =	vld.idx.msk [tilespmem:v16+s2+$0x0], $0xffff;
	[tilespmem:v8+s23+$0x0] =	vst.idx.msk $0xffff, v17  }
0x6ab: {  	v8 =	vand.u32 $0x7F, v23;
	v17 =	vadd.s32 v5, v20;
	v20 =	vadd.s32 v5, v21;
	v18 =	vld.idx.msk [tilespmem:v18+s2+$0x0], $0xffff  }
0x6ac: {  	v21 =	vand.u32 $0xFFFFFF80, v14;
	v8 =	vor.u32 v8, v17;
	v17 =	vor.u32 v24, v20;
	v13 =	vld.idx.msk [tilespmem:v13+s2+$0x0], $0xffff  }
0x6ad: {  	v14 =	vand.u32 $0x7F, v14;
	v20 =	vand.u32 $0xFFFFFF80, v7;
	v21 =	vadd.s32 v5, v21;
	v9 =	vld.idx.msk [tilespmem:v9+s2+$0x0], $0xffff;
	[tilespmem:v10+s23+$0x0] =	vst.idx.msk $0xffff, v11  }
0x6ae: {  	v7 =	vand.u32 $0x7F, v7;
	v14 =	vor.u32 v14, v21;
	v11 =	vadd.s32 v5, v20;
	v10 =	vld.idx.msk [tilespmem:v22+s2+$0x0], $0xffff  }
0x6af: {  	v20 =	vmov s31;
	v7 =	vor.u32 v7, v11;
	[tilespmem:v19+s23+$0x0] =	vst.idx.msk $0xffff, v12  }
0x6b0: {  	s0 =	sadd.s32 $0xF, s31;
	v11 =	vor.u32 s31, v0;
	vm0 =	vlt.u32 v20, $0x50;
	v12 =	vadd.s32 s31, v2;
	[tilespmem:v15+s23+$0x0] =	vst.idx.msk $0xffff, v16  }
0x6b1: {  	v11 =	vsel vm0, v11, v12;
	v12 =	vadd.s32 s0, v0;
	[tilespmem:v17+s23+$0x0] =	vst.idx.msk $0xffff, v18  }
0x6b2: {  	v16 =	vadd.s32 s0, v2;
	v15 =	vand.u32 $0xFFFFFF80, v11;
	vm0 =	vlt.u32 v12, $0x50;
	[tilespmem:v8+s23+$0x0] =	vst.idx.msk $0xffff, v13  }
0x6b3: {  	v8 =	vand.u32 $0x7F, v11;
	v13 =	vadd.s32 v5, v15;
	v12 =	vsel vm0, v12, v16;
	[tilespmem:v14+s23+$0x0] =	vst.idx.msk $0xffff, v9  }
0x6b4: {  	s0 =	sadd.s32 $0xE, s31;
	v9 =	vadd.s32 v6, v11;
	v13 =	vor.u32 v8, v13;
	v8 =	vand.u32 $0x7F, v12;
	[tilespmem:v7+s23+$0x0] =	vst.idx.msk $0xffff, v10  }
0x6b5: {  	v11 =	vand.u32 $0xFFFFFF80, v12;
	v7 =	vadd.s32 s0, v0;
	v10 =	vadd.s32 v6, v12  }
0x6b6: {  	s1 =	sadd.s32 $0xD, s31;
	v12 =	vadd.s32 s0, v2;
	v11 =	vadd.s32 v5, v11;
	vm0 =	vlt.u32 v7, $0x50  }
0x6b7: {  	v14 =	vadd.s32 s1, v0;
	v7 =	vsel vm0, v7, v12;
	v12 =	vor.u32 v8, v11  }
0x6b8: {  	vm0 =	vlt.u32 v14, $0x50;
	v8 =	vadd.s32 s1, v2;
	v11 =	vand.u32 $0xFFFFFF80, v7  }
0x6b9: {  	v8 =	vsel vm0, v14, v8;
	v14 =	vand.u32 $0x7F, v7;
	v11 =	vadd.s32 v5, v11  }
0x6ba: {  	s0 =	sadd.s32 $0xC, s31;
	v16 =	vadd.s32 v6, v7;
	v15 =	vand.u32 $0x7F, v8;
	v17 =	vor.u32 v14, v11  }
0x6bb: {  	v7 =	vadd.s32 s0, v0;
	v14 =	vadd.s32 v6, v8;
	v8 =	vand.u32 $0xFFFFFF80, v8  }
0x6bc: {  	s1 =	sadd.s32 $0xB, s31;
	vm0 =	vlt.u32 v7, $0x50;
	v11 =	vadd.s32 s0, v2;
	v8 =	vadd.s32 v5, v8  }
0x6bd: {  	v18 =	vadd.s32 s1, v0;
	v7 =	vsel vm0, v7, v11;
	v23 =	vor.u32 v15, v8  }
0x6be: {  	vm0 =	vlt.u32 v18, $0x50;
	v8 =	vadd.s32 s1, v2;
	v11 =	vand.u32 $0xFFFFFF80, v7  }
0x6bf: {  	v15 =	vand.u32 $0x7F, v7;
	v8 =	vsel vm0, v18, v8;
	v11 =	vadd.s32 v5, v11  }
0x6c0: {  	s0 =	sadd.s32 $0xA, s31;
	v19 =	vadd.s32 v6, v7;
	v18 =	vand.u32 $0x7F, v8;
	v24 =	vor.u32 v15, v11  }
0x6c1: {  	v7 =	vadd.s32 s0, v0;
	v15 =	vadd.s32 v6, v8;
	v8 =	vand.u32 $0xFFFFFF80, v8  }
0x6c2: {  	s1 =	sadd.s32 $0x9, s31;
	vm0 =	vlt.u32 v7, $0x50;
	v11 =	vadd.s32 s0, v2;
	v8 =	vadd.s32 v5, v8  }
0x6c3: {  	v20 =	vadd.s32 s1, v0;
	v7 =	vsel vm0, v7, v11;
	v26 =	vor.u32 v18, v8  }
0x6c4: {  	vm0 =	vlt.u32 v20, $0x50;
	v8 =	vadd.s32 s1, v2;
	v11 =	vand.u32 $0xFFFFFF80, v7  }
0x6c5: {  	v18 =	vand.u32 $0x7F, v7;
	v8 =	vsel vm0, v20, v8;
	v11 =	vadd.s32 v5, v11  }
0x6c6: {  	s0 =	sadd.s32 $0x8, s31;
	v21 =	vadd.s32 v6, v7;
	v20 =	vand.u32 $0x7F, v8;
	v7 =	vor.u32 v18, v11  }
0x6c7: {  	v11 =	vadd.s32 s0, v0;
	v18 =	vadd.s32 v6, v8;
	v8 =	vand.u32 $0xFFFFFF80, v8  }
0x6c8: {  	v22 =	vadd.s32 s0, v2;
	s1 =	sadd.s32 $0x7, s31;
	vm0 =	vlt.u32 v11, $0x50;
	v8 =	vadd.s32 v5, v8  }
0x6c9: {  	v27 =	vadd.s32 s1, v0;
	v11 =	vsel vm0, v11, v22;
	v25 =	vld.idx.msk [tilespmem:v9+s2+$0x0], $0xffff;
	v9 =	vor.u32 v20, v8  }
0x6ca: {  	vm0 =	vlt.u32 v27, $0x50;
	v8 =	vadd.s32 s1, v2;
	v20 =	vand.u32 $0xFFFFFF80, v11;
	v22 =	vld.idx.msk [tilespmem:v10+s2+$0x0], $0xffff  }
0x6cb: {  	v10 =	vsel vm0, v27, v8;
	v8 =	vand.u32 $0x7F, v11;
	v20 =	vadd.s32 v5, v20  }
0x6cc: {  	s0 =	sadd.s32 $0x6, s31;
	v28 =	vadd.s32 v6, v11;
	v27 =	vand.u32 $0x7F, v10;
	v8 =	vor.u32 v8, v20;
	v16 =	vld.idx.msk [tilespmem:v16+s2+$0x0], $0xffff  }
0x6cd: {  	v20 =	vadd.s32 s0, v0;
	v11 =	vadd.s32 v6, v10;
	v10 =	vand.u32 $0xFFFFFF80, v10;
	v29 =	vld.idx.msk [tilespmem:v14+s2+$0x0], $0xffff  }
0x6ce: {  	s1 =	sadd.s32 $0x5, s31;
	vm0 =	vlt.u32 v20, $0x50;
	v10 =	vadd.s32 v5, v10;
	v14 =	vadd.s32 s0, v2;
	v30 =	vld.idx.msk [tilespmem:v19+s2+$0x0], $0xffff  }
0x6cf: {  	v10 =	vor.u32 v27, v10;
	v14 =	vsel vm0, v20, v14;
	[tilespmem:v13+s23+$0x0] =	vst.idx.msk $0xffff, v25;
	v13 =	vadd.s32 s1, v0  }
0x6d0: {  	v20 =	vadd.s32 s1, v2;
	v19 =	vand.u32 $0x7F, v14;
	vm0 =	vlt.u32 v13, $0x50;
	v27 =	vld.idx.msk [tilespmem:v15+s2+$0x0], $0xffff;
	[tilespmem:v12+s23+$0x0] =	vst.idx.msk $0xffff, v22  }
0x6d1: {  	v12 =	vadd.s32 v6, v14;
	v15 =	vand.u32 $0xFFFFFF80, v14;
	v13 =	vsel vm0, v13, v20;
	v14 =	vld.idx.msk [tilespmem:v21+s2+$0x0], $0xffff  }
.Ltmp22:
0x6d2: {  	s0 =	sadd.s32 $0x3, s31;
	s1 =	sadd.s32 $0x4, s31;
	v20 =	vadd.s32 v5, v15;
	v22 =	vand.u32 $0xFFFFFF80, v13;
	v21 =	vand.u32 $0x7F, v13;
	v15 =	vld.idx.msk [tilespmem:v18+s2+$0x0], $0xffff;
	[tilespmem:v17+s23+$0x0] =	vst.idx.msk $0xffff, v16;
	(pc) =	sbr.rel @p0 .LBB2_48-.Ltmp22, $4  }
0x6d3: {  	v16 =	vadd.s32 s0, v0;
	v17 =	vadd.s32 s1, v0;
	v18 =	vadd.s32 s1, v2;
	[tilespmem:v23+s23+$0x0] =	vst.idx.msk $0xffff, v29  }
0x6d4: {  	vm0 =	vlt.u32 v16, $0x50;
	v23 =	vadd.s32 s0, v2;
	vm1 =	vlt.u32 v17, $0x50;
	[tilespmem:v24+s23+$0x0] =	vst.idx.msk $0xffff, v30  }
0x6d5: {  	s0 =	sadd.s32 $0x2, s31;
	v23 =	vsel vm0, v16, v23;
	v24 =	vsel vm1, v17, v18;
	v16 =	vadd.s32 v6, v13;
	v17 =	vld.idx.msk [tilespmem:v28+s2+$0x0], $0xffff  }
0x6d6: {  	s1 =	sadd.s32 $0x1, s31;
	s31 =	sadd.s32 $0x10, s31;
	v25 =	vadd.s32 s0, v0;
	v13 =	vadd.s32 v6, v23;
	v18 =	vadd.s32 v6, v24;
	[tilespmem:v26+s23+$0x0] =	vst.idx.msk $0xffff, v27  }
0x6d7: {  	v26 =	vadd.s32 s1, v0;
	vm0 =	vlt.u32 v25, $0x50  }
0x6d8: {  	v27 =	vadd.s32 s0, v2;
	v28 =	vadd.s32 s1, v2;
	v22 =	vadd.s32 v5, v22  }
0x6d9: {  	v19 =	vor.u32 v19, v20;
	v20 =	vand.u32 $0xFFFFFF80, v24;
	vm1 =	vlt.u32 v26, $0x50  }
0x6da: {  	s3 =	simm.s32 $0xE;
	v25 =	vsel vm0, v25, v27;
	v21 =	vor.u32 v21, v22;
	v22 =	vand.u32 $0x7F, v24  }
0x6db: {  	s7 =	simm.s32 $0xD;
	s8 =	simm.s32 $0xC;
	v20 =	vadd.s32 v5, v20;
	v50 =	vadd.s32 s3, v0;
	v51 =	vadd.s32 s3, v2  }
0x6dc: {  	v32 =	vadd.s32 s7, v0;
	v52 =	vadd.s32 s8, v0;
	v33 =	vadd.s32 s7, v2  }
0x6dd: {  	v34 =	vadd.s32 s8, v2;
	v26 =	vsel vm1, v26, v28;
	v27 =	vadd.s32 v6, v25  }
0x6de: {  	v29 =	vand.u32 $0xFFFFFF80, v25;
	v20 =	vor.u32 v22, v20;
	v22 =	vand.u32 $0x7F, v25  }
0x6df: {  	s3 =	simm.s32 $0x8;
	s7 =	simm.s32 $0x7;
	vm4 =	vlt.u32 v50, $0x50;
	vm5 =	vlt.u32 v32, $0x50;
	vm6 =	vlt.u32 v52, $0x50  }
0x6e0: {  	s9 =	sor.u32 $0x20, s30;
	v56 =	vadd.s32 s3, v0;
	v57 =	vadd.s32 s3, v2;
	v38 =	vadd.s32 s7, v0  }
0x6e1: {  	s11 =	sand.u32 $0x60, s9;
	v58 =	vadd.s32 s7, v2;
	v28 =	vadd.s32 v6, v26;
	v6 =	vand.u32 $0xFFFFFF80, v23  }
0x6e2: {  	s1 =	sadd.s32 s11, s29;
	s11 =	simm.s32 $0xA;
	v23 =	vand.u32 $0x7F, v23;
	v25 =	vadd.s32 v5, v29;
	v32 =	vsel vm5, v32, v33  }
0x6e3: {  	v18 =	vld.idx.msk [tilespmem:v18+s2+$0x0], $0xffff;
	v35 =	vadd.s32 s11, v0;
	v36 =	vadd.s32 s11, v2;
	vm10 =	vlt.u32 v56, $0x50  }
0x6e4: {  	v24 =	vld.idx.msk [tilespmem:v4+s1+$0x0 ss:$0x1], $0xffff;
	s1 =	simm.s32 $0xF;
	vm11 =	vlt.u32 v38, $0x50;
	v6 =	vadd.s32 v5, v6;
	v22 =	vor.u32 v22, v25  }
0x6e5: {  	[tilespmem:v7+s23+$0x0] =	vst.idx.msk $0xffff, v14;
	v30 =	vadd.s32 s1, v2;
	vm8 =	vlt.u32 v35, $0x50;
	v14 =	vsel vm11, v38, v58  }
0x6e6: {  	[tilespmem:v8+s23+$0x0] =	vst.idx.msk $0xffff, v17;
	v8 =	vand.u32 $0x7F, v32;
	v23 =	vor.u32 v23, v6;
	v6 =	vand.u32 $0xFFFFFF80, v26  }
0x6e7: {  	v7 =	vld.idx.msk [tilespmem:v11+s2+$0x0], $0xffff;
	v26 =	vand.u32 $0x7F, v26;
	v35 =	vsel vm8, v35, v36;
	v5 =	vadd.s32 v5, v6  }
0x6e8: {  	s13 =	simm.s32 $0x0;
	v36 =	vsel vm10, v56, v57;
	v25 =	vor.u32 v26, v5;
	v5 =	vmov s9  }
0x6e9: {  	v26 =	vor.u32 s13, v0;
	s9 =	simm.s32 $0xB;
	[tilespmem:v20+s23+$0x0] =	vst.idx.msk $0xffff, v18;
	v20 =	vand.u32 $0xFFFFFF80, v36;
	v6 =	vshll.u32 v24, $0x7  }
0x6ea: {  	v5 =	vshll.u32 v5, $0x7;
	v24 =	vmov s13;
	v53 =	vadd.s32 s9, v0  }
0x6eb: {  	v54 =	vadd.s32 s9, v2;
	vm14 =	vlt.u32 v24, $0x50;
	v24 =	vadd.s32 s13, v2  }
0x6ec: {  	[tilespmem:v10+s23+$0x0] =	vst.idx.msk $0xffff, v7;
	v5 =	vor.u32 v1, v5;
	vm7 =	vlt.u32 v53, $0x50;
	v10 =	vadd.s32 v6, v32  }
0x6ed: {  	s13 =	simm.s32 $0x9;
	v24 =	vsel vm14, v26, v24;
	v26 =	vadd.s32 s1, v0;
	v33 =	vsel vm7, v53, v54  }
0x6ee: {  	v55 =	vadd.s32 s13, v0;
	v37 =	vadd.s32 s13, v2;
	v49 =	vand.u32 $0xFFFFFF80, v24  }
0x6ef: {  	v12 =	vld.idx.msk [tilespmem:v12+s2+$0x0], $0xffff;
	vm15 =	vlt.u32 v26, $0x50;
	v31 =	vand.u32 $0x7F, v24;
	v24 =	vadd.s32 v6, v24  }
0x6f0: {  	v16 =	vld.idx.msk [tilespmem:v16+s2+$0x0], $0xffff;
	vm9 =	vlt.u32 v55, $0x50;
	v29 =	vadd.s32 v5, v49;
	v26 =	vsel vm15, v26, v30  }
0x6f1: {  	v30 =	vsel vm4, v50, v51;
	v29 =	vor.u32 v31, v29;
	v31 =	vsel vm6, v52, v34  }
0x6f2: {  	v34 =	vsel vm9, v55, v37;
	v11 =	vand.u32 $0x7F, v26;
	v59 =	vand.u32 $0xFFFFFF80, v26  }
0x6f3: {  	[tilespmem:v9+s23+$0x0] =	vst.idx.msk $0xffff, v15;
	v15 =	vadd.s32 v6, v26;
	v26 =	vand.u32 $0xFFFFFF80, v30;
	v9 =	vadd.s32 v5, v59  }
0x6f4: {  	[tilespmem:v19+s23+$0x0] =	vst.idx.msk $0xffff, v12;
	v17 =	vadd.s32 v6, v30;
	v7 =	vand.u32 $0x7F, v31;
	v37 =	vor.u32 v11, v9  }
0x6f5: {  	[tilespmem:v21+s23+$0x0] =	vst.idx.msk $0xffff, v16;
	v19 =	vld.idx.msk [tilespmem:v28+s2+$0x0], $0xffff;
	v9 =	vand.u32 $0x7F, v30;
	v11 =	vadd.s32 v5, v26;
	v26 =	vand.u32 $0xFFFFFF80, v32  }
0x6f6: {  	v60 =	vor.u32 v9, v11;
	v9 =	vadd.s32 v5, v26;
	v11 =	vand.u32 $0xFFFFFF80, v31;
	v21 =	vld.idx.msk [tilespmem:v24+s2+$0x0], $0xffff  }
0x6f7: {  	v12 =	vadd.s32 v6, v31;
	v24 =	vld.idx.msk [tilespmem:v10+s2+$0x0], $0xffff;
	v26 =	vor.u32 v8, v9;
	v8 =	vadd.s32 v5, v11  }
0x6f8: {  	v62 =	vadd.s32 v6, v36;
	v9 =	vld.idx.msk [tilespmem:v13+s2+$0x0], $0xffff;
	v13 =	vor.u32 v7, v8;
	v7 =	vand.u32 $0xFFFFFF80, v33  }
0x6f9: {  	v16 =	vadd.s32 v6, v33;
	v11 =	vld.idx.msk [tilespmem:v27+s2+$0x0], $0xffff;
	v8 =	vand.u32 $0x7F, v33;
	v7 =	vadd.s32 v5, v7  }
0x6fa: {  	s8 =	simm.s32 $0x6;
	v18 =	vand.u32 $0x7F, v34;
	v15 =	vld.idx.msk [tilespmem:v15+s2+$0x0], $0xffff;
	v61 =	vor.u32 v8, v7;
	v7 =	vand.u32 $0xFFFFFF80, v35  }
0x6fb: {  	[tilespmem:v25+s23+$0x0] =	vst.idx.msk $0xffff, v19;
	v10 =	vadd.s32 s8, v2;
	v17 =	vld.idx.msk [tilespmem:v17+s2+$0x0], $0xffff;
	v8 =	vand.u32 $0x7F, v35;
	v7 =	vadd.s32 v5, v7  }
0x6fc: {  	s9 =	simm.s32 $0x5;
	v27 =	vadd.s32 v6, v35;
	v25 =	vld.idx.msk [tilespmem:v12+s2+$0x0], $0xffff;
	v7 =	vor.u32 v8, v7;
	v8 =	vand.u32 $0xFFFFFF80, v34  }
0x6fd: {  	v12 =	vadd.s32 s9, v0;
	[tilespmem:v23+s23+$0x0] =	vst.idx.msk $0xffff, v9;
	v23 =	vadd.s32 v6, v34;
	v8 =	vadd.s32 v5, v8  }
0x6fe: {  	vm13 =	vlt.u32 v12, $0x50;
	[tilespmem:v22+s23+$0x0] =	vst.idx.msk $0xffff, v11;
	v11 =	vadd.s32 v6, v14;
	v9 =	vor.u32 v18, v8  }
0x6ff: {  	v8 =	vand.u32 $0x7F, v36;
	v18 =	vadd.s32 v5, v20;
	v20 =	vadd.s32 s8, v0  }
0x700: {  	s11 =	simm.s32 $0x3;
	[tilespmem:v29+s23+$0x0] =	vst.idx.msk $0xffff, v21;
	v8 =	vor.u32 v8, v18;
	v18 =	vand.u32 $0x7F, v14;
	v14 =	vand.u32 $0xFFFFFF80, v14  }
0x701: {  	v63 =	vld.idx.msk [tilespmem:v16+s2+$0x0], $0xffff;
	[tilespmem:v60+s23+$0x0] =	vst.idx.msk $0xffff, v17;
	v17 =	vadd.s32 s11, v0;
	vm12 =	vlt.u32 v20, $0x50;
	v14 =	vadd.s32 v5, v14  }
0x702: {  	[tilespmem:v37+s23+$0x0] =	vst.idx.msk $0xffff, v15;
	v20 =	vsel vm12, v20, v10;
	v10 =	vor.u32 v18, v14;
	v14 =	vadd.s32 s9, v2  }
0x703: {  	vm14 =	vlt.u32 v17, $0x50;
	[tilespmem:v13+s23+$0x0] =	vst.idx.msk $0xffff, v25;
	v16 =	vsel vm13, v12, v14;
	v14 =	vand.u32 $0xFFFFFF80, v20  }
0x704: {  	s0 =	simm.s32 $0x2;
	s13 =	simm.s32 $0x4;
	v19 =	vand.u32 $0x7F, v20;
	v12 =	vadd.s32 v6, v20;
	v20 =	vadd.s32 v5, v14;
	v14 =	vld.idx.msk [tilespmem:v27+s2+$0x0], $0xffff  }
0x705: {  	v25 =	vadd.s32 s0, v0;
	v18 =	vadd.s32 s13, v0;
	v15 =	vld.idx.msk [tilespmem:v23+s2+$0x0], $0xffff;
	v23 =	vadd.s32 s11, v2  }
0x706: {  	[tilespmem:v26+s23+$0x0] =	vst.idx.msk $0xffff, v24;
	vm15 =	vlt.u32 v18, $0x50;
	v23 =	vsel vm14, v17, v23;
	v27 =	vadd.s32 s13, v2  }
0x707: {  	[tilespmem:v61+s23+$0x0] =	vst.idx.msk $0xffff, v63;
	v22 =	vand.u32 $0xFFFFFF80, v16;
	v21 =	vand.u32 $0x7F, v16;
	v24 =	vsel vm15, v18, v27  }
0x708: {  	s31 =	simm.s32 $0x10;
	s1 =	simm.s32 $0x1;
	v17 =	vld.idx.msk [tilespmem:v62+s2+$0x0], $0xffff;
	v16 =	vadd.s32 v6, v16;
	v13 =	vadd.s32 v6, v23;
	v18 =	vadd.s32 v6, v24  }
.LBB2_50:
0x709: {  	p0 =	slt.u32 s31, $0x40;
	v26 =	vadd.s32 s1, v0;
	vm0 =	vlt.u32 v25, $0x50;
	v27 =	vadd.s32 s0, v2;
	[tilespmem:v7+s23+$0x0] =	vst.idx.msk $0xffff, v14  }
0x70a: {  	v7 =	vadd.s32 s1, v2;
	vm1 =	vlt.u32 v26, $0x50;
	v14 =	vsel vm0, v25, v27;
	v11 =	vld.idx.msk [tilespmem:v11+s2+$0x0], $0xffff;
	[tilespmem:v9+s23+$0x0] =	vst.idx.msk $0xffff, v15  }
0x70b: {  	v15 =	vadd.s32 v5, v22;
	v7 =	vsel vm1, v26, v7;
	v9 =	vadd.s32 v6, v14  }
0x70c: {  	v19 =	vor.u32 v19, v20;
	v15 =	vor.u32 v21, v15;
	v22 =	vadd.s32 v6, v7;
	v12 =	vld.idx.msk [tilespmem:v12+s2+$0x0], $0xffff  }
0x70d: {  	v20 =	vand.u32 $0xFFFFFF80, v23;
	v21 =	vand.u32 $0xFFFFFF80, v24;
	v24 =	vand.u32 $0x7F, v24;
	v16 =	vld.idx.msk [tilespmem:v16+s2+$0x0], $0xffff;
	[tilespmem:v8+s23+$0x0] =	vst.idx.msk $0xffff, v17  }
0x70e: {  	v8 =	vand.u32 $0x7F, v23;
	v17 =	vadd.s32 v5, v20;
	v20 =	vadd.s32 v5, v21;
	v18 =	vld.idx.msk [tilespmem:v18+s2+$0x0], $0xffff  }
0x70f: {  	v21 =	vand.u32 $0xFFFFFF80, v14;
	v8 =	vor.u32 v8, v17;
	v17 =	vor.u32 v24, v20;
	v13 =	vld.idx.msk [tilespmem:v13+s2+$0x0], $0xffff  }
0x710: {  	v14 =	vand.u32 $0x7F, v14;
	v20 =	vand.u32 $0xFFFFFF80, v7;
	v21 =	vadd.s32 v5, v21;
	v9 =	vld.idx.msk [tilespmem:v9+s2+$0x0], $0xffff;
	[tilespmem:v10+s23+$0x0] =	vst.idx.msk $0xffff, v11  }
0x711: {  	v7 =	vand.u32 $0x7F, v7;
	v14 =	vor.u32 v14, v21;
	v11 =	vadd.s32 v5, v20;
	v10 =	vld.idx.msk [tilespmem:v22+s2+$0x0], $0xffff  }
0x712: {  	v20 =	vmov s31;
	v7 =	vor.u32 v7, v11;
	[tilespmem:v19+s23+$0x0] =	vst.idx.msk $0xffff, v12  }
0x713: {  	s0 =	sadd.s32 $0xF, s31;
	v11 =	vor.u32 s31, v0;
	vm0 =	vlt.u32 v20, $0x50;
	v12 =	vadd.s32 s31, v2;
	[tilespmem:v15+s23+$0x0] =	vst.idx.msk $0xffff, v16  }
0x714: {  	v11 =	vsel vm0, v11, v12;
	v12 =	vadd.s32 s0, v0;
	[tilespmem:v17+s23+$0x0] =	vst.idx.msk $0xffff, v18  }
0x715: {  	v16 =	vadd.s32 s0, v2;
	v15 =	vand.u32 $0xFFFFFF80, v11;
	vm0 =	vlt.u32 v12, $0x50;
	[tilespmem:v8+s23+$0x0] =	vst.idx.msk $0xffff, v13  }
0x716: {  	v8 =	vand.u32 $0x7F, v11;
	v13 =	vadd.s32 v5, v15;
	v12 =	vsel vm0, v12, v16;
	[tilespmem:v14+s23+$0x0] =	vst.idx.msk $0xffff, v9  }
0x717: {  	s0 =	sadd.s32 $0xE, s31;
	v9 =	vadd.s32 v6, v11;
	v13 =	vor.u32 v8, v13;
	v8 =	vand.u32 $0x7F, v12;
	[tilespmem:v7+s23+$0x0] =	vst.idx.msk $0xffff, v10  }
0x718: {  	v11 =	vand.u32 $0xFFFFFF80, v12;
	v7 =	vadd.s32 s0, v0;
	v10 =	vadd.s32 v6, v12  }
0x719: {  	s1 =	sadd.s32 $0xD, s31;
	v12 =	vadd.s32 s0, v2;
	v11 =	vadd.s32 v5, v11;
	vm0 =	vlt.u32 v7, $0x50  }
0x71a: {  	v14 =	vadd.s32 s1, v0;
	v7 =	vsel vm0, v7, v12;
	v12 =	vor.u32 v8, v11  }
0x71b: {  	vm0 =	vlt.u32 v14, $0x50;
	v8 =	vadd.s32 s1, v2;
	v11 =	vand.u32 $0xFFFFFF80, v7  }
0x71c: {  	v8 =	vsel vm0, v14, v8;
	v14 =	vand.u32 $0x7F, v7;
	v11 =	vadd.s32 v5, v11  }
0x71d: {  	s0 =	sadd.s32 $0xC, s31;
	v16 =	vadd.s32 v6, v7;
	v15 =	vand.u32 $0x7F, v8;
	v17 =	vor.u32 v14, v11  }
0x71e: {  	v7 =	vadd.s32 s0, v0;
	v14 =	vadd.s32 v6, v8;
	v8 =	vand.u32 $0xFFFFFF80, v8  }
0x71f: {  	s1 =	sadd.s32 $0xB, s31;
	vm0 =	vlt.u32 v7, $0x50;
	v11 =	vadd.s32 s0, v2;
	v8 =	vadd.s32 v5, v8  }
0x720: {  	v18 =	vadd.s32 s1, v0;
	v7 =	vsel vm0, v7, v11;
	v23 =	vor.u32 v15, v8  }
0x721: {  	vm0 =	vlt.u32 v18, $0x50;
	v8 =	vadd.s32 s1, v2;
	v11 =	vand.u32 $0xFFFFFF80, v7  }
0x722: {  	v15 =	vand.u32 $0x7F, v7;
	v8 =	vsel vm0, v18, v8;
	v11 =	vadd.s32 v5, v11  }
0x723: {  	s0 =	sadd.s32 $0xA, s31;
	v19 =	vadd.s32 v6, v7;
	v18 =	vand.u32 $0x7F, v8;
	v24 =	vor.u32 v15, v11  }
0x724: {  	v7 =	vadd.s32 s0, v0;
	v15 =	vadd.s32 v6, v8;
	v8 =	vand.u32 $0xFFFFFF80, v8  }
0x725: {  	s1 =	sadd.s32 $0x9, s31;
	vm0 =	vlt.u32 v7, $0x50;
	v11 =	vadd.s32 s0, v2;
	v8 =	vadd.s32 v5, v8  }
0x726: {  	v20 =	vadd.s32 s1, v0;
	v7 =	vsel vm0, v7, v11;
	v26 =	vor.u32 v18, v8  }
0x727: {  	vm0 =	vlt.u32 v20, $0x50;
	v8 =	vadd.s32 s1, v2;
	v11 =	vand.u32 $0xFFFFFF80, v7  }
0x728: {  	v18 =	vand.u32 $0x7F, v7;
	v8 =	vsel vm0, v20, v8;
	v11 =	vadd.s32 v5, v11  }
0x729: {  	s0 =	sadd.s32 $0x8, s31;
	v21 =	vadd.s32 v6, v7;
	v20 =	vand.u32 $0x7F, v8;
	v7 =	vor.u32 v18, v11  }
0x72a: {  	v11 =	vadd.s32 s0, v0;
	v18 =	vadd.s32 v6, v8;
	v8 =	vand.u32 $0xFFFFFF80, v8  }
0x72b: {  	v22 =	vadd.s32 s0, v2;
	s1 =	sadd.s32 $0x7, s31;
	vm0 =	vlt.u32 v11, $0x50;
	v8 =	vadd.s32 v5, v8  }
0x72c: {  	v27 =	vadd.s32 s1, v0;
	v11 =	vsel vm0, v11, v22;
	v25 =	vld.idx.msk [tilespmem:v9+s2+$0x0], $0xffff;
	v9 =	vor.u32 v20, v8  }
0x72d: {  	vm0 =	vlt.u32 v27, $0x50;
	v8 =	vadd.s32 s1, v2;
	v20 =	vand.u32 $0xFFFFFF80, v11;
	v22 =	vld.idx.msk [tilespmem:v10+s2+$0x0], $0xffff  }
0x72e: {  	v10 =	vsel vm0, v27, v8;
	v8 =	vand.u32 $0x7F, v11;
	v20 =	vadd.s32 v5, v20  }
0x72f: {  	s0 =	sadd.s32 $0x6, s31;
	v28 =	vadd.s32 v6, v11;
	v27 =	vand.u32 $0x7F, v10;
	v8 =	vor.u32 v8, v20;
	v16 =	vld.idx.msk [tilespmem:v16+s2+$0x0], $0xffff  }
0x730: {  	v20 =	vadd.s32 s0, v0;
	v11 =	vadd.s32 v6, v10;
	v10 =	vand.u32 $0xFFFFFF80, v10;
	v29 =	vld.idx.msk [tilespmem:v14+s2+$0x0], $0xffff  }
0x731: {  	s1 =	sadd.s32 $0x5, s31;
	vm0 =	vlt.u32 v20, $0x50;
	v10 =	vadd.s32 v5, v10;
	v14 =	vadd.s32 s0, v2;
	v30 =	vld.idx.msk [tilespmem:v19+s2+$0x0], $0xffff  }
0x732: {  	v10 =	vor.u32 v27, v10;
	v14 =	vsel vm0, v20, v14;
	[tilespmem:v13+s23+$0x0] =	vst.idx.msk $0xffff, v25;
	v13 =	vadd.s32 s1, v0  }
0x733: {  	v20 =	vadd.s32 s1, v2;
	v19 =	vand.u32 $0x7F, v14;
	vm0 =	vlt.u32 v13, $0x50;
	v27 =	vld.idx.msk [tilespmem:v15+s2+$0x0], $0xffff;
	[tilespmem:v12+s23+$0x0] =	vst.idx.msk $0xffff, v22  }
0x734: {  	v12 =	vadd.s32 v6, v14;
	v15 =	vand.u32 $0xFFFFFF80, v14;
	v13 =	vsel vm0, v13, v20;
	v14 =	vld.idx.msk [tilespmem:v21+s2+$0x0], $0xffff  }
.Ltmp23:
0x735: {  	s0 =	sadd.s32 $0x3, s31;
	s1 =	sadd.s32 $0x4, s31;
	v20 =	vadd.s32 v5, v15;
	v22 =	vand.u32 $0xFFFFFF80, v13;
	v21 =	vand.u32 $0x7F, v13;
	v15 =	vld.idx.msk [tilespmem:v18+s2+$0x0], $0xffff;
	[tilespmem:v17+s23+$0x0] =	vst.idx.msk $0xffff, v16;
	(pc) =	sbr.rel @p0 .LBB2_50-.Ltmp23, $4  }
0x736: {  	v16 =	vadd.s32 s0, v0;
	v17 =	vadd.s32 s1, v0;
	v18 =	vadd.s32 s1, v2;
	[tilespmem:v23+s23+$0x0] =	vst.idx.msk $0xffff, v29  }
0x737: {  	vm0 =	vlt.u32 v16, $0x50;
	v23 =	vadd.s32 s0, v2;
	vm1 =	vlt.u32 v17, $0x50;
	[tilespmem:v24+s23+$0x0] =	vst.idx.msk $0xffff, v30  }
0x738: {  	s0 =	sadd.s32 $0x2, s31;
	v23 =	vsel vm0, v16, v23;
	v24 =	vsel vm1, v17, v18;
	v16 =	vadd.s32 v6, v13;
	v17 =	vld.idx.msk [tilespmem:v28+s2+$0x0], $0xffff  }
0x739: {  	s1 =	sadd.s32 $0x1, s31;
	s31 =	sadd.s32 $0x10, s31;
	v25 =	vadd.s32 s0, v0;
	v13 =	vadd.s32 v6, v23;
	v18 =	vadd.s32 v6, v24;
	[tilespmem:v26+s23+$0x0] =	vst.idx.msk $0xffff, v27  }
0x73a: {  	v26 =	vadd.s32 s1, v0;
	vm0 =	vlt.u32 v25, $0x50  }
0x73b: {  	v27 =	vadd.s32 s0, v2;
	v28 =	vadd.s32 s1, v2;
	v22 =	vadd.s32 v5, v22  }
0x73c: {  	v19 =	vor.u32 v19, v20;
	v20 =	vand.u32 $0xFFFFFF80, v24;
	vm1 =	vlt.u32 v26, $0x50  }
0x73d: {  	s9 =	simm.s32 $0xF;
	s11 =	simm.s32 $0xE;
	v25 =	vsel vm0, v25, v27;
	v21 =	vor.u32 v21, v22;
	v22 =	vand.u32 $0x7F, v24  }
0x73e: {  	s3 =	sor.u32 $0x30, s30;
	s13 =	simm.s32 $0xD;
	s30 =	simm.s32 $0xC;
	v20 =	vadd.s32 v5, v20;
	v30 =	vadd.s32 s9, v2;
	v50 =	vadd.s32 s11, v0  }
0x73f: {  	s31 =	simm.s32 $0xB;
	v51 =	vadd.s32 s11, v2;
	v32 =	vadd.s32 s13, v0;
	v52 =	vadd.s32 s30, v0  }
0x740: {  	v33 =	vadd.s32 s13, v2;
	v34 =	vadd.s32 s30, v2;
	v53 =	vadd.s32 s31, v0  }
0x741: {  	v54 =	vadd.s32 s31, v2;
	v26 =	vsel vm1, v26, v28;
	v27 =	vadd.s32 v6, v25  }
0x742: {  	v29 =	vand.u32 $0xFFFFFF80, v25;
	v20 =	vor.u32 v22, v20;
	v22 =	vand.u32 $0x7F, v25  }
0x743: {  	s7 =	sand.u32 $0x70, s3;
	vm4 =	vlt.u32 v50, $0x50;
	vm5 =	vlt.u32 v32, $0x50;
	vm6 =	vlt.u32 v52, $0x50  }
0x744: {  	s1 =	sadd.s32 s7, s29;
	vm7 =	vlt.u32 v53, $0x50;
	v28 =	vadd.s32 v6, v26;
	v6 =	vand.u32 $0xFFFFFF80, v23  }
0x745: {  	s7 =	simm.s32 $0x9;
	v23 =	vand.u32 $0x7F, v23;
	v24 =	vld.idx.msk [tilespmem:v4+s1+$0x0 ss:$0x1], $0xffff;
	v25 =	vadd.s32 v5, v29;
	v32 =	vsel vm5, v32, v33  }
0x746: {  	v33 =	vsel vm7, v53, v54;
	v55 =	vadd.s32 s7, v0;
	v6 =	vadd.s32 v5, v6  }
0x747: {  	[tilespmem:v7+s23+$0x0] =	vst.idx.msk $0xffff, v14;
	v37 =	vadd.s32 s7, v2;
	v23 =	vor.u32 v23, v6;
	v6 =	vand.u32 $0xFFFFFF80, v26  }
0x748: {  	v7 =	vld.idx.msk [tilespmem:v11+s2+$0x0], $0xffff;
	v22 =	vor.u32 v22, v25;
	v26 =	vand.u32 $0x7F, v26;
	v5 =	vadd.s32 v5, v6  }
0x749: {  	s8 =	simm.s32 $0x0;
	[tilespmem:v8+s23+$0x0] =	vst.idx.msk $0xffff, v17;
	vm9 =	vlt.u32 v55, $0x50;
	v8 =	vand.u32 $0x7F, v32;
	v25 =	vor.u32 v26, v5  }
0x74a: {  	v5 =	vmov s3;
	v26 =	vor.u32 s8, v0;
	s3 =	simm.s32 $0xA;
	v6 =	vshll.u32 v24, $0x7  }
0x74b: {  	v5 =	vshll.u32 v5, $0x7;
	v24 =	vmov s8;
	v35 =	vadd.s32 s3, v0  }
0x74c: {  	v12 =	vld.idx.msk [tilespmem:v12+s2+$0x0], $0xffff;
	v36 =	vadd.s32 s3, v2;
	vm14 =	vlt.u32 v24, $0x50;
	v24 =	vadd.s32 s8, v2  }
0x74d: {  	[tilespmem:v10+s23+$0x0] =	vst.idx.msk $0xffff, v7;
	v5 =	vor.u32 v1, v5;
	vm8 =	vlt.u32 v35, $0x50;
	v10 =	vadd.s32 v6, v32  }
0x74e: {  	s8 =	simm.s32 $0x8;
	v24 =	vsel vm14, v26, v24;
	v26 =	vadd.s32 s9, v0;
	v35 =	vsel vm8, v35, v36  }
0x74f: {  	v56 =	vadd.s32 s8, v0;
	v57 =	vadd.s32 s8, v2;
	v49 =	vand.u32 $0xFFFFFF80, v24  }
0x750: {  	v18 =	vld.idx.msk [tilespmem:v18+s2+$0x0], $0xffff;
	s9 =	simm.s32 $0x7;
	vm15 =	vlt.u32 v26, $0x50;
	v31 =	vand.u32 $0x7F, v24;
	v24 =	vadd.s32 v6, v24  }
0x751: {  	[tilespmem:v19+s23+$0x0] =	vst.idx.msk $0xffff, v12;
	vm10 =	vlt.u32 v56, $0x50;
	v38 =	vadd.s32 s9, v0;
	v58 =	vadd.s32 s9, v2  }
0x752: {  	v16 =	vld.idx.msk [tilespmem:v16+s2+$0x0], $0xffff;
	v19 =	vadd.s32 v6, v35;
	v29 =	vadd.s32 v5, v49;
	v26 =	vsel vm15, v26, v30  }
0x753: {  	[tilespmem:v9+s23+$0x0] =	vst.idx.msk $0xffff, v15;
	v30 =	vsel vm4, v50, v51;
	v36 =	vsel vm10, v56, v57;
	vm11 =	vlt.u32 v38, $0x50  }
0x754: {  	v29 =	vor.u32 v31, v29;
	v31 =	vsel vm6, v52, v34;
	v34 =	vsel vm9, v55, v37  }
0x755: {  	[tilespmem:v20+s23+$0x0] =	vst.idx.msk $0xffff, v18;
	v14 =	vsel vm11, v38, v58;
	v11 =	vand.u32 $0x7F, v26;
	v59 =	vand.u32 $0xFFFFFF80, v26  }
0x756: {  	v18 =	vld.idx.msk [tilespmem:v28+s2+$0x0], $0xffff;
	v15 =	vadd.s32 v6, v26;
	v26 =	vand.u32 $0xFFFFFF80, v30;
	v9 =	vadd.s32 v5, v59  }
0x757: {  	[tilespmem:v21+s23+$0x0] =	vst.idx.msk $0xffff, v16;
	v17 =	vadd.s32 v6, v30;
	v21 =	vand.u32 $0xFFFFFF80, v36;
	v37 =	vor.u32 v11, v9  }
0x758: {  	v9 =	vand.u32 $0x7F, v30;
	v11 =	vadd.s32 v5, v26;
	v26 =	vand.u32 $0xFFFFFF80, v32  }
0x759: {  	v60 =	vor.u32 v9, v11;
	v9 =	vadd.s32 v5, v26;
	v11 =	vand.u32 $0xFFFFFF80, v31  }
0x75a: {  	s13 =	simm.s32 $0x5;
	v7 =	vand.u32 $0x7F, v31;
	v26 =	vor.u32 v8, v9;
	v8 =	vadd.s32 v5, v11;
	v9 =	vld.idx.msk [tilespmem:v13+s2+$0x0], $0xffff  }
0x75b: {  	[tilespmem:v25+s23+$0x0] =	vst.idx.msk $0xffff, v18;
	v25 =	vadd.s32 s13, v0;
	v11 =	vld.idx.msk [tilespmem:v27+s2+$0x0], $0xffff;
	v61 =	vor.u32 v7, v8;
	v7 =	vand.u32 $0xFFFFFF80, v33  }
0x75c: {  	v12 =	vadd.s32 v6, v31;
	v18 =	vld.idx.msk [tilespmem:v10+s2+$0x0], $0xffff;
	v8 =	vand.u32 $0x7F, v33;
	v7 =	vadd.s32 v5, v7  }
0x75d: {  	v16 =	vand.u32 $0x7F, v34;
	v62 =	vor.u32 v8, v7;
	v7 =	vand.u32 $0xFFFFFF80, v35  }
0x75e: {  	s11 =	simm.s32 $0x6;
	v20 =	vadd.s32 v6, v34;
	v17 =	vld.idx.msk [tilespmem:v17+s2+$0x0], $0xffff;
	v8 =	vand.u32 $0x7F, v35;
	v7 =	vadd.s32 v5, v7  }
0x75f: {  	v10 =	vadd.s32 s11, v2;
	v13 =	vadd.s32 v6, v33;
	v8 =	vor.u32 v8, v7;
	[tilespmem:v23+s23+$0x0] =	vst.idx.msk $0xffff, v9  }
0x760: {  	s30 =	simm.s32 $0x3;
	vm13 =	vlt.u32 v25, $0x50;
	v7 =	vand.u32 $0xFFFFFF80, v34;
	v23 =	vld.idx.msk [tilespmem:v24+s2+$0x0], $0xffff;
	v24 =	vadd.s32 v6, v36;
	[tilespmem:v22+s23+$0x0] =	vst.idx.msk $0xffff, v11  }
0x761: {  	v11 =	vadd.s32 v6, v14;
	[tilespmem:v26+s23+$0x0] =	vst.idx.msk $0xffff, v18;
	v18 =	vadd.s32 s30, v2;
	v7 =	vadd.s32 v5, v7  }
0x762: {  	v9 =	vor.u32 v16, v7;
	v7 =	vand.u32 $0x7F, v36;
	v16 =	vadd.s32 v5, v21  }
0x763: {  	v15 =	vld.idx.msk [tilespmem:v15+s2+$0x0], $0xffff;
	[tilespmem:v60+s23+$0x0] =	vst.idx.msk $0xffff, v17;
	v17 =	vadd.s32 s30, v0;
	v21 =	vadd.s32 s11, v0;
	v7 =	vor.u32 v7, v16  }
0x764: {  	v22 =	vld.idx.msk [tilespmem:v12+s2+$0x0], $0xffff;
	v16 =	vand.u32 $0x7F, v14;
	v14 =	vand.u32 $0xFFFFFF80, v14;
	vm12 =	vlt.u32 v21, $0x50  }
0x765: {  	vm14 =	vlt.u32 v17, $0x50;
	v14 =	vadd.s32 v5, v14;
	v21 =	vsel vm12, v21, v10  }
0x766: {  	v27 =	vld.idx.msk [tilespmem:v13+s2+$0x0], $0xffff;
	v10 =	vor.u32 v16, v14;
	[tilespmem:v29+s23+$0x0] =	vst.idx.msk $0xffff, v23;
	v14 =	vadd.s32 s13, v2;
	v12 =	vand.u32 $0x7F, v21  }
0x767: {  	s31 =	simm.s32 $0x4;
	v13 =	vadd.s32 v6, v21;
	v23 =	vsel vm13, v25, v14;
	v14 =	vand.u32 $0xFFFFFF80, v21;
	v21 =	vld.idx.msk [tilespmem:v19+s2+$0x0], $0xffff  }
0x768: {  	v63 =	vadd.s32 s31, v2;
	[tilespmem:v37+s23+$0x0] =	vst.idx.msk $0xffff, v15;
	v17 =	vsel vm14, v17, v18;
	v25 =	vadd.s32 s31, v0;
	v19 =	vld.idx.msk [tilespmem:v20+s2+$0x0], $0xffff  }
0x769: {  	[tilespmem:v61+s23+$0x0] =	vst.idx.msk $0xffff, v22;
	v20 =	vadd.s32 v6, v17;
	v16 =	vand.u32 $0xFFFFFF80, v23;
	vm15 =	vlt.u32 v25, $0x50  }
0x76a: {  	s0 =	simm.s32 $0x2;
	v18 =	vld.idx.msk [tilespmem:v24+s2+$0x0], $0xffff;
	v15 =	vand.u32 $0x7F, v23;
	v14 =	vadd.s32 v5, v14;
	v22 =	vsel vm15, v25, v63  }
0x76b: {  	s29 =	simm.s32 $0x10;
	s1 =	simm.s32 $0x1;
	[tilespmem:v62+s23+$0x0] =	vst.idx.msk $0xffff, v27;
	v23 =	vadd.s32 v6, v23;
	v25 =	vadd.s32 s0, v0;
	v24 =	vadd.s32 v6, v22  }
.LBB2_52:
0x76c: {  	p0 =	slt.u32 s29, $0x40;
	v26 =	vadd.s32 s1, v0;
	vm0 =	vlt.u32 v25, $0x50;
	v27 =	vadd.s32 s0, v2;
	[tilespmem:v8+s23+$0x0] =	vst.idx.msk $0xffff, v21  }
0x76d: {  	v8 =	vadd.s32 s1, v2;
	vm1 =	vlt.u32 v26, $0x50;
	v21 =	vsel vm0, v25, v27;
	v11 =	vld.idx.msk [tilespmem:v11+s2+$0x0], $0xffff;
	[tilespmem:v9+s23+$0x0] =	vst.idx.msk $0xffff, v19  }
0x76e: {  	v16 =	vadd.s32 v5, v16;
	v8 =	vsel vm1, v26, v8;
	v9 =	vadd.s32 v6, v21  }
0x76f: {  	v12 =	vor.u32 v12, v14;
	v15 =	vor.u32 v15, v16;
	v19 =	vadd.s32 v6, v8;
	v13 =	vld.idx.msk [tilespmem:v13+s2+$0x0], $0xffff  }
0x770: {  	v14 =	vand.u32 $0xFFFFFF80, v17;
	v16 =	vand.u32 $0xFFFFFF80, v22;
	v22 =	vand.u32 $0x7F, v22;
	v23 =	vld.idx.msk [tilespmem:v23+s2+$0x0], $0xffff;
	[tilespmem:v7+s23+$0x0] =	vst.idx.msk $0xffff, v18  }
0x771: {  	v14 =	vadd.s32 v5, v14;
	v16 =	vadd.s32 v5, v16;
	v7 =	vand.u32 $0x7F, v17;
	v17 =	vld.idx.msk [tilespmem:v24+s2+$0x0], $0xffff  }
0x772: {  	v18 =	vand.u32 $0xFFFFFF80, v21;
	v7 =	vor.u32 v7, v14;
	v14 =	vor.u32 v22, v16;
	v20 =	vld.idx.msk [tilespmem:v20+s2+$0x0], $0xffff  }
0x773: {  	v21 =	vand.u32 $0x7F, v21;
	v16 =	vand.u32 $0xFFFFFF80, v8;
	v18 =	vadd.s32 v5, v18;
	v9 =	vld.idx.msk [tilespmem:v9+s2+$0x0], $0xffff;
	[tilespmem:v10+s23+$0x0] =	vst.idx.msk $0xffff, v11  }
0x774: {  	v8 =	vand.u32 $0x7F, v8;
	v11 =	vadd.s32 v5, v16;
	v16 =	vor.u32 v21, v18;
	v10 =	vld.idx.msk [tilespmem:v19+s2+$0x0], $0xffff  }
0x775: {  	v18 =	vmov s29;
	v8 =	vor.u32 v8, v11;
	[tilespmem:v12+s23+$0x0] =	vst.idx.msk $0xffff, v13  }
0x776: {  	s0 =	sadd.s32 $0xF, s29;
	v11 =	vor.u32 s29, v0;
	vm0 =	vlt.u32 v18, $0x50;
	v12 =	vadd.s32 s29, v2;
	[tilespmem:v15+s23+$0x0] =	vst.idx.msk $0xffff, v23  }
0x777: {  	v11 =	vsel vm0, v11, v12;
	v12 =	vadd.s32 s0, v0;
	[tilespmem:v14+s23+$0x0] =	vst.idx.msk $0xffff, v17  }
0x778: {  	v13 =	vand.u32 $0xFFFFFF80, v11;
	vm0 =	vlt.u32 v12, $0x50;
	v14 =	vadd.s32 s0, v2;
	[tilespmem:v7+s23+$0x0] =	vst.idx.msk $0xffff, v20  }
0x779: {  	v7 =	vand.u32 $0x7F, v11;
	v13 =	vadd.s32 v5, v13;
	v12 =	vsel vm0, v12, v14;
	[tilespmem:v16+s23+$0x0] =	vst.idx.msk $0xffff, v9  }
0x77a: {  	s0 =	sadd.s32 $0xE, s29;
	v9 =	vadd.s32 v6, v11;
	v13 =	vor.u32 v7, v13;
	v7 =	vand.u32 $0x7F, v12;
	[tilespmem:v8+s23+$0x0] =	vst.idx.msk $0xffff, v10  }
0x77b: {  	v11 =	vand.u32 $0xFFFFFF80, v12;
	v8 =	vadd.s32 s0, v0;
	v10 =	vadd.s32 v6, v12  }
0x77c: {  	s1 =	sadd.s32 $0xD, s29;
	v12 =	vadd.s32 s0, v2;
	v11 =	vadd.s32 v5, v11;
	vm0 =	vlt.u32 v8, $0x50  }
0x77d: {  	v14 =	vadd.s32 s1, v0;
	v15 =	vor.u32 v7, v11;
	v8 =	vsel vm0, v8, v12  }
0x77e: {  	v7 =	vadd.s32 s1, v2;
	vm0 =	vlt.u32 v14, $0x50;
	v11 =	vand.u32 $0xFFFFFF80, v8  }
0x77f: {  	v7 =	vsel vm0, v14, v7;
	v12 =	vand.u32 $0x7F, v8;
	v11 =	vadd.s32 v5, v11  }
0x780: {  	s0 =	sadd.s32 $0xC, s29;
	v16 =	vadd.s32 v6, v8;
	v14 =	vand.u32 $0x7F, v7;
	v17 =	vor.u32 v12, v11  }
0x781: {  	v8 =	vadd.s32 s0, v0;
	v12 =	vadd.s32 v6, v7;
	v7 =	vand.u32 $0xFFFFFF80, v7  }
0x782: {  	s1 =	sadd.s32 $0xB, s29;
	vm0 =	vlt.u32 v8, $0x50;
	v11 =	vadd.s32 s0, v2;
	v7 =	vadd.s32 v5, v7  }
0x783: {  	v18 =	vadd.s32 s1, v0;
	v8 =	vsel vm0, v8, v11;
	v20 =	vor.u32 v14, v7  }
0x784: {  	vm0 =	vlt.u32 v18, $0x50;
	v7 =	vadd.s32 s1, v2;
	v11 =	vand.u32 $0xFFFFFF80, v8  }
0x785: {  	v14 =	vand.u32 $0x7F, v8;
	v7 =	vsel vm0, v18, v7;
	v11 =	vadd.s32 v5, v11  }
0x786: {  	s0 =	sadd.s32 $0xA, s29;
	v19 =	vadd.s32 v6, v8;
	v18 =	vand.u32 $0x7F, v7;
	v22 =	vor.u32 v14, v11  }
0x787: {  	v8 =	vadd.s32 s0, v0;
	v14 =	vadd.s32 v6, v7;
	v7 =	vand.u32 $0xFFFFFF80, v7  }
0x788: {  	s1 =	sadd.s32 $0x9, s29;
	vm0 =	vlt.u32 v8, $0x50;
	v11 =	vadd.s32 s0, v2;
	v7 =	vadd.s32 v5, v7  }
0x789: {  	v21 =	vadd.s32 s1, v0;
	v8 =	vsel vm0, v8, v11;
	v26 =	vor.u32 v18, v7  }
0x78a: {  	vm0 =	vlt.u32 v21, $0x50;
	v7 =	vadd.s32 s1, v2;
	v11 =	vand.u32 $0xFFFFFF80, v8  }
0x78b: {  	v18 =	vand.u32 $0x7F, v8;
	v7 =	vsel vm0, v21, v7;
	v11 =	vadd.s32 v5, v11  }
0x78c: {  	s0 =	sadd.s32 $0x8, s29;
	v23 =	vadd.s32 v6, v8;
	v21 =	vand.u32 $0x7F, v7;
	v8 =	vor.u32 v18, v11  }
0x78d: {  	v11 =	vadd.s32 s0, v0;
	v18 =	vadd.s32 v6, v7;
	v7 =	vand.u32 $0xFFFFFF80, v7  }
0x78e: {  	v24 =	vadd.s32 s0, v2;
	s1 =	sadd.s32 $0x7, s29;
	vm0 =	vlt.u32 v11, $0x50;
	v7 =	vadd.s32 v5, v7  }
0x78f: {  	v27 =	vadd.s32 s1, v0;
	v11 =	vsel vm0, v11, v24;
	v25 =	vld.idx.msk [tilespmem:v9+s2+$0x0], $0xffff;
	v9 =	vor.u32 v21, v7  }
0x790: {  	vm0 =	vlt.u32 v27, $0x50;
	v7 =	vadd.s32 s1, v2;
	v21 =	vand.u32 $0xFFFFFF80, v11;
	v24 =	vld.idx.msk [tilespmem:v10+s2+$0x0], $0xffff  }
0x791: {  	v10 =	vsel vm0, v27, v7;
	v7 =	vand.u32 $0x7F, v11;
	v21 =	vadd.s32 v5, v21  }
0x792: {  	s0 =	sadd.s32 $0x6, s29;
	v28 =	vadd.s32 v6, v11;
	v27 =	vand.u32 $0x7F, v10;
	v7 =	vor.u32 v7, v21;
	v29 =	vld.idx.msk [tilespmem:v16+s2+$0x0], $0xffff  }
0x793: {  	v11 =	vadd.s32 v6, v10;
	v10 =	vand.u32 $0xFFFFFF80, v10;
	v16 =	vadd.s32 s0, v0;
	v30 =	vld.idx.msk [tilespmem:v12+s2+$0x0], $0xffff  }
0x794: {  	s1 =	sadd.s32 $0x5, s29;
	v10 =	vadd.s32 v5, v10;
	vm0 =	vlt.u32 v16, $0x50;
	v12 =	vadd.s32 s0, v2;
	v31 =	vld.idx.msk [tilespmem:v19+s2+$0x0], $0xffff  }
0x795: {  	v10 =	vor.u32 v27, v10;
	v16 =	vsel vm0, v16, v12;
	[tilespmem:v13+s23+$0x0] =	vst.idx.msk $0xffff, v25;
	v13 =	vadd.s32 s1, v0  }
0x796: {  	v19 =	vadd.s32 s1, v2;
	v12 =	vand.u32 $0x7F, v16;
	vm0 =	vlt.u32 v13, $0x50;
	v27 =	vld.idx.msk [tilespmem:v14+s2+$0x0], $0xffff;
	[tilespmem:v15+s23+$0x0] =	vst.idx.msk $0xffff, v24  }
0x797: {  	v14 =	vand.u32 $0xFFFFFF80, v16;
	v24 =	vsel vm0, v13, v19;
	v13 =	vadd.s32 v6, v16;
	v21 =	vld.idx.msk [tilespmem:v23+s2+$0x0], $0xffff  }
.Ltmp24:
0x798: {  	s0 =	sadd.s32 $0x3, s29;
	s1 =	sadd.s32 $0x4, s29;
	v14 =	vadd.s32 v5, v14;
	v16 =	vand.u32 $0xFFFFFF80, v24;
	v15 =	vand.u32 $0x7F, v24;
	v19 =	vld.idx.msk [tilespmem:v18+s2+$0x0], $0xffff;
	[tilespmem:v17+s23+$0x0] =	vst.idx.msk $0xffff, v29;
	(pc) =	sbr.rel @p0 .LBB2_52-.Ltmp24, $4  }
0x799: {  	v23 =	vadd.s32 s1, v2;
	v17 =	vadd.s32 s0, v0;
	v18 =	vadd.s32 s1, v0;
	[tilespmem:v20+s23+$0x0] =	vst.idx.msk $0xffff, v30  }
0x79a: {  	vm0 =	vlt.u32 v17, $0x50;
	v20 =	vadd.s32 s0, v2;
	vm1 =	vlt.u32 v18, $0x50;
	[tilespmem:v22+s23+$0x0] =	vst.idx.msk $0xffff, v31  }
0x79b: {  	s0 =	sadd.s32 $0x2, s29;
	v17 =	vsel vm0, v17, v20;
	v22 =	vsel vm1, v18, v23;
	v23 =	vadd.s32 v6, v24;
	v18 =	vld.idx.msk [tilespmem:v28+s2+$0x0], $0xffff  }
0x79c: {  	s1 =	sadd.s32 $0x1, s29;
	s29 =	sadd.s32 $0x10, s29;
	v25 =	vadd.s32 s0, v0;
	v20 =	vadd.s32 v6, v17;
	v24 =	vadd.s32 v6, v22;
	[tilespmem:v26+s23+$0x0] =	vst.idx.msk $0xffff, v27  }
0x79d: {  	_ = 	snop  }
0x79e: {  	v26 =	vadd.s32 s1, v0  }
0x79f: {  	vm0 =	vlt.u32 v25, $0x50;
	v27 =	vadd.s32 s0, v2;
	v52 =	vadd.s32 s1, v2  }
0x7a0: {  	v16 =	vadd.s32 v5, v16;
	v12 =	vor.u32 v12, v14;
	v54 =	vand.u32 $0xFFFFFF80, v17  }
0x7a1: {  	[tilespmem:v8+s23+$0x0] =	vst.idx.msk $0xffff, v21;
	v11 =	vld.idx.msk [tilespmem:v11+s2+$0x0], $0xffff;
	v55 =	vand.u32 $0xFFFFFF80, v22;
	vm1 =	vlt.u32 v26, $0x50;
	v53 =	vsel vm0, v25, v27  }
0x7a2: {  	v13 =	vld.idx.msk [tilespmem:v13+s2+$0x0], $0xffff;
	v56 =	vand.u32 $0x7F, v22;
	v8 =	vsel vm1, v26, v52;
	v25 =	vadd.s32 v6, v53  }
0x7a3: {  	[tilespmem:v9+s23+$0x0] =	vst.idx.msk $0xffff, v19;
	v58 =	vand.u32 $0x7F, v17;
	v15 =	vor.u32 v15, v16;
	v6 =	vadd.s32 v6, v8  }
0x7a4: {  	v57 =	vld.idx.msk [tilespmem:v23+s2+$0x0], $0xffff;
	v9 =	vadd.s32 v5, v54;
	v14 =	vadd.s32 v5, v55;
	v60 =	vand.u32 $0xFFFFFF80, v53  }
0x7a5: {  	v59 =	vld.idx.msk [tilespmem:v24+s2+$0x0], $0xffff;
	v9 =	vor.u32 v58, v9;
	v14 =	vor.u32 v56, v14;
	v62 =	vand.u32 $0x7F, v53  }
0x7a6: {  	v20 =	vld.idx.msk [tilespmem:v20+s2+$0x0], $0xffff;
	[tilespmem:v7+s23+$0x0] =	vst.idx.msk $0xffff, v18;
	v7 =	vand.u32 $0xFFFFFF80, v8;
	v63 =	vadd.s32 v5, v60;
	v8 =	vand.u32 $0x7F, v8  }
0x7a7: {  	v5 =	vadd.s32 v5, v7;
	v7 =	vor.u32 v62, v63;
	[tilespmem:v10+s23+$0x0] =	vst.idx.msk $0xffff, v11;
	v61 =	vld.idx.msk [tilespmem:v25+s2+$0x0], $0xffff  }
0x7a8: {  	p0 =	slt.u32 s28, $0x8;
	v5 =	vor.u32 v8, v5;
	[tilespmem:v12+s23+$0x0] =	vst.idx.msk $0xffff, v13;
	v6 =	vld.idx.msk [tilespmem:v6+s2+$0x0], $0xffff  }
.Ltmp25:
0x7a9: {  	[tilespmem:v15+s23+$0x0] =	vst.idx.msk $0xffff, v57;
	(pc) =	sbr.rel @p0 .LBB2_45-.Ltmp25, $4  }
0x7aa: {  	[tilespmem:v14+s23+$0x0] =	vst.idx.msk $0xffff, v59  }
0x7ab: {  	[tilespmem:v9+s23+$0x0] =	vst.idx.msk $0xffff, v20  }
0x7ac: {  	s31 =	sadd.s32 $0x4, s28;
	[tilespmem:v7+s23+$0x0] =	vst.idx.msk $0xffff, v61  }
0x7ad: {  	s28 =	smov.u32 s31;
	[tilespmem:v5+s23+$0x0] =	vst.idx.msk $0xffff, v6  }
0x7ae: {  	s0 =	sadd.s32 s24, s25;
	s24 =	simm.s32 $0x0;
	s31 =	simm.s32 $0x1  }
0x7af: {  	s1 =	simm.s32 $0x2;
	s3 =	simm.s32 $0x4;
	v6 =	vor.u32 s24, v0;
	v8 =	vadd.s32 s24, v2;
	v5 =	vadd.s32 s31, v0  }
0x7b0: {  	s7 =	simm.s32 $0x5;
	s8 =	simm.s32 $0x7;
	s9 =	simm.s32 $0x8;
	v7 =	vadd.s32 s1, v0;
	v9 =	vadd.s32 s1, v2;
	v10 =	vadd.s32 s3, v0  }
0x7b1: {  	s11 =	simm.s32 $0x9;
	s13 =	simm.s32 $0xA;
	v11 =	vadd.s32 s7, v0;
	v13 =	vadd.s32 s8, v0;
	v14 =	vadd.s32 s9, v0  }
0x7b2: {  	s25 =	simm.s32 $0xC;
	s29 =	simm.s32 $0xD;
	v15 =	vadd.s32 s31, v2;
	v16 =	vadd.s32 s11, v0;
	v17 =	vadd.s32 s13, v0  }
0x7b3: {  	s30 =	simm.s32 $0x6;
	s26 =	simm.s32 $0xB;
	v20 =	vadd.s32 s3, v2;
	v18 =	vadd.s32 s25, v0;
	v22 =	vadd.s32 s29, v0  }
0x7b4: {  	s28 =	simm.s32 $0xE;
	v23 =	vadd.s32 s30, v0;
	v24 =	vadd.s32 s30, v2;
	v21 =	vadd.s32 s26, v0  }
0x7b5: {  	v25 =	vadd.s32 s28, v2;
	v28 =	vadd.s32 s26, v2;
	v29 =	vadd.s32 s7, v2  }
0x7b6: {  	v30 =	vadd.s32 s11, v2;
	v31 =	vadd.s32 s13, v2;
	v32 =	vadd.s32 s9, v2  }
0x7b7: {  	s1 =	simm.s32 $0x3;
	v34 =	vadd.s32 s28, v0;
	v37 =	vadd.s32 s29, v2;
	vm1 =	vlt.u32 v7, $0x50  }
0x7b8: {  	v12 =	vadd.s32 s1, v2;
	vm4 =	vlt.u32 v13, $0x50;
	vm2 =	vlt.u32 v14, $0x50  }
0x7b9: {  	s31 =	simm.s32 $0xF;
	vm5 =	vlt.u32 v18, $0x50;
	vm3 =	vlt.u32 v5, $0x50;
	vm0 =	vlt.u32 v11, $0x50  }
0x7ba: {  	vm15 =	vlt.u32 v21, $0x50;
	v19 =	vadd.s32 s31, v0;
	v26 =	vadd.s32 s31, v2  }
0x7bb: {  	vm7 =	vlt.u32 v16, $0x50;
	vm8 =	vlt.u32 v17, $0x50;
	vm10 =	vlt.u32 v10, $0x50  }
0x7bc: {  	v4 =	vld [tilespmem:s0+$0x2438];
	vm11 =	vlt.u32 v22, $0x50;
	vm14 =	vlt.u32 v23, $0x50;
	v5 =	vsel vm3, v5, v15  }
0x7bd: {  	v15 =	vadd.s32 s1, v0;
	v7 =	vsel vm1, v7, v9;
	v33 =	vsel vm7, v16, v30  }
0x7be: {  	vm12 =	vlt.u32 v19, $0x50;
	v14 =	vsel vm2, v14, v32;
	v41 =	vsel vm8, v17, v31  }
0x7bf: {  	v21 =	vsel vm15, v21, v28;
	vm15 =	vlt.u32 v34, $0x50;
	v22 =	vsel vm11, v22, v37  }
0x7c0: {  	v63 =	vsel vm10, v10, v20;
	vm6 =	vlt.u32 v15, $0x50;
	v27 =	vadd.s32 v3, v5  }
0x7c1: {  	v9 =	vadd.s32 v3, v7;
	v38 =	vsel vm12, v19, v26;
	v4 =	vshll.u32 v4, $0x7  }
0x7c2: {  	v16 =	vadd.s32 v4, v5;
	v30 =	vadd.s32 v4, v7;
	v7 =	vadd.s32 s25, v2  }
0x7c3: {  	v31 =	vadd.s32 v3, v14;
	v10 =	vadd.s32 v3, v63;
	v35 =	vsel vm5, v18, v7  }
0x7c4: {  	v15 =	vsel vm6, v15, v12;
	v5 =	vadd.s32 s8, v2;
	v36 =	vadd.s32 v4, v35  }
0x7c5: {  	v40 =	vadd.s32 v4, v14;
	v13 =	vsel vm4, v13, v5;
	v5 =	vmov s24  }
0x7c6: {  	v62 =	vadd.s32 v4, v33;
	v32 =	vadd.s32 v4, v21;
	vm13 =	vlt.u32 v5, $0x50  }
0x7c7: {  	v7 =	vadd.s32 v3, v13;
	v12 =	vld.idx.msk [tilespmem:v16+s2+$0x0], $0xffff;
	v16 =	vsel vm13, v6, v8;
	v8 =	vsel vm0, v11, v29  }
0x7c8: {  	v19 =	vadd.s32 v4, v13;
	v13 =	vsel vm14, v23, v24;
	v28 =	vadd.s32 v4, v8  }
0x7c9: {  	v14 =	vadd.s32 v3, v41;
	v23 =	vadd.s32 v3, v35;
	v29 =	vadd.s32 v4, v13;
	v11 =	vld.idx.msk [tilespmem:v36+s2+$0x0], $0xffff  }
0x7ca: {  	v33 =	vadd.s32 v3, v33;
	v18 =	vadd.s32 v4, v41;
	v26 =	vld.idx.msk [tilespmem:v30+s2+$0x0], $0xffff;
	v39 =	vadd.s32 v4, v16  }
0x7cb: {  	v5 =	vadd.s32 v3, v15;
	v15 =	vadd.s32 v4, v15;
	v6 =	vadd.s32 v3, v38;
	v24 =	vld.idx.msk [tilespmem:v62+s2+$0x0], $0xffff  }
0x7cc: {  	v13 =	vadd.s32 v3, v13;
	v30 =	vld.idx.msk [tilespmem:v40+s2+$0x0], $0xffff;
	v17 =	vadd.s32 v3, v8;
	v8 =	vadd.s32 v3, v22  }
0x7cd: {  	[tilespmem:v27+s23+$0x0] =	vst.idx.msk $0xffff, v12;
	v12 =	vadd.s32 v3, v16;
	v27 =	vld.idx.msk [tilespmem:v28+s2+$0x0], $0xffff;
	v28 =	vadd.s32 v4, v63  }
0x7ce: {  	v20 =	vld.idx.msk [tilespmem:v29+s2+$0x0], $0xffff;
	[tilespmem:v23+s23+$0x0] =	vst.idx.msk $0xffff, v11;
	v11 =	vsel vm15, v34, v25;
	v25 =	vadd.s32 v4, v22  }
0x7cf: {  	s1 =	simm.s32 $0x10;
	v22 =	vld.idx.msk [tilespmem:v39+s2+$0x0], $0xffff;
	v23 =	vadd.s32 v4, v38;
	v29 =	vadd.s32 v4, v11;
	v16 =	vadd.s32 v3, v11  }
.LBB2_55:
0x7d0: {  	s0 =	sadd.s32 $0x1, s1  }
0x7d1: {  	v34 =	vor.u32 s1, v0;
	v35 =	vadd.s32 s1, v2;
	s3 =	sadd.s32 $0x2, s1;
	s26 =	sadd.s32 $0x5, s1;
	[tilespmem:v9+s23+$0x0] =	vst.idx.msk $0xffff, v26;
	v9 =	vld.idx.msk [tilespmem:v32+s2+$0x0], $0xffff;
	v21 =	vadd.s32 v3, v21;
	s25 =	smov.u32 s1  }
0x7d2: {  	s7 =	sadd.s32 $0x4, s1;
	s8 =	sadd.s32 $0x6, s1;
	v26 =	vadd.s32 s0, v0;
	v32 =	vadd.s32 s3, v0;
	v36 =	vadd.s32 s3, v2;
	s3 =	sadd.s32 $0x3, s1;
	v19 =	vld.idx.msk [tilespmem:v19+s2+$0x0], $0xffff  }
0x7d3: {  	s24 =	sadd.s32 $0x10, s1;
	v11 =	vadd.s32 s7, v0;
	v37 =	vadd.s32 s26, v0;
	s28 =	sadd.s32 $0x7, s25;
	s30 =	sadd.s32 $0x8, s25;
	vm2 =	vlt.u32 v32, $0x50;
	[tilespmem:v31+s23+$0x0] =	vst.idx.msk $0xffff, v30  }
0x7d4: {  	s9 =	sadd.s32 $0x9, s25;
	s11 =	sadd.s32 $0xA, s25;
	s13 =	sadd.s32 $0xB, s25;
	v30 =	vadd.s32 s3, v2;
	v31 =	vadd.s32 s28, v0;
	v38 =	vadd.s32 s30, v0;
	v18 =	vld.idx.msk [tilespmem:v18+s2+$0x0], $0xffff  }
0x7d5: {  	v39 =	vadd.s32 s0, v2;
	s0 =	sadd.s32 $0xC, s25;
	s29 =	sadd.s32 $0xD, s25;
	s31 =	sadd.s32 $0xE, s25;
	v40 =	vadd.s32 s9, v0;
	v41 =	vadd.s32 s11, v0;
	[tilespmem:v33+s23+$0x0] =	vst.idx.msk $0xffff, v24  }
0x7d6: {  	p0 =	slt.u32 s1, $0x40;
	v42 =	vadd.s32 s29, v0;
	v33 =	vadd.s32 s7, v2;
	v24 =	vadd.s32 s0, v0;
	s7 =	sadd.s32 $0xF, s25;
	v29 =	vld.idx.msk [tilespmem:v29+s2+$0x0], $0xffff  }
0x7d7: {  	vm4 =	vlt.u32 v31, $0x50;
	vm1 =	vlt.u32 v38, $0x50;
	vm5 =	vlt.u32 v24, $0x50;
	[tilespmem:v17+s23+$0x0] =	vst.idx.msk $0xffff, v27;
	v17 =	vld.idx.msk [tilespmem:v25+s2+$0x0], $0xffff  }
0x7d8: {  	vm3 =	vlt.u32 v26, $0x50;
	v25 =	vadd.s32 s8, v0;
	v27 =	vadd.s32 s8, v2;
	v28 =	vld.idx.msk [tilespmem:v28+s2+$0x0], $0xffff;
	[tilespmem:v7+s23+$0x0] =	vst.idx.msk $0xffff, v19  }
0x7d9: {  	vm0 =	vlt.u32 v37, $0x50;
	v43 =	vadd.s32 s13, v0;
	v44 =	vadd.s32 s31, v2;
	v7 =	vld.idx.msk [tilespmem:v15+s2+$0x0], $0xffff;
	[tilespmem:v13+s23+$0x0] =	vst.idx.msk $0xffff, v20  }
0x7da: {  	v13 =	vsel vm3, v26, v39;
	v15 =	vadd.s32 s3, v0;
	vm3 =	vlt.u32 v43, $0x50;
	[tilespmem:v12+s23+$0x0] =	vst.idx.msk $0xffff, v22;
	v12 =	vld.idx.msk [tilespmem:v23+s2+$0x0], $0xffff  }
0x7db: {  	v19 =	vadd.s32 s7, v0;
	v20 =	vadd.s32 s7, v2;
	vm7 =	vlt.u32 v15, $0x50;
	[tilespmem:v14+s23+$0x0] =	vst.idx.msk $0xffff, v18  }
0x7dc: {  	v22 =	vadd.s32 s13, v2;
	v14 =	vadd.s32 v3, v13;
	v18 =	vsel vm2, v32, v36;
	[tilespmem:v21+s23+$0x0] =	vst.idx.msk $0xffff, v9  }
0x7dd: {  	vm8 =	vlt.u32 v40, $0x50;
	vm6 =	vlt.u32 v41, $0x50;
	v9 =	vadd.s32 v3, v18;
	[tilespmem:v16+s23+$0x0] =	vst.idx.msk $0xffff, v29  }
0x7de: {  	v23 =	vadd.s32 s11, v2;
	v21 =	vadd.s32 s9, v2;
	v16 =	vadd.s32 s26, v2;
	[tilespmem:v10+s23+$0x0] =	vst.idx.msk $0xffff, v28  }
0x7df: {  	vm2 =	vlt.u32 v11, $0x50;
	v36 =	vsel vm8, v40, v21;
	v10 =	vadd.s32 s30, v2;
	[tilespmem:v5+s23+$0x0] =	vst.idx.msk $0xffff, v7  }
0x7e0: {  	v28 =	vadd.s32 s31, v0;
	v5 =	vadd.s32 v4, v13;
	v13 =	vadd.s32 v4, v18;
	[tilespmem:v6+s23+$0x0] =	vst.idx.msk $0xffff, v12  }
0x7e1: {  	vm8 =	vlt.u32 v42, $0x50;
	v7 =	vadd.s32 s0, v2;
	v6 =	vadd.s32 s28, v2;
	[tilespmem:v8+s23+$0x0] =	vst.idx.msk $0xffff, v17  }
0x7e2: {  	v12 =	vsel vm5, v24, v7;
	v8 =	vsel vm4, v31, v6;
	vm4 =	vlt.u32 v28, $0x50  }
0x7e3: {  	v24 =	vadd.s32 s29, v2;
	v17 =	vadd.s32 v4, v12;
	v7 =	vadd.s32 v3, v8  }
0x7e4: {  	v15 =	vsel vm7, v15, v30;
	vm5 =	vlt.u32 v19, $0x50;
	v6 =	vmov s25  }
0x7e5: {  	v39 =	vsel vm5, v19, v20;
	vm7 =	vlt.u32 v6, $0x50;
	v29 =	vld.idx.msk [tilespmem:v5+s2+$0x0], $0xffff;
	v5 =	vadd.s32 v3, v15  }
0x7e6: {  	v10 =	vsel vm1, v38, v10;
	v6 =	vadd.s32 v3, v39;
	v20 =	vsel vm7, v34, v35;
	v26 =	vld.idx.msk [tilespmem:v13+s2+$0x0], $0xffff  }
0x7e7: {  	v30 =	vadd.s32 v4, v10;
	v31 =	vadd.s32 v4, v36;
	v34 =	vadd.s32 v4, v20  }
0x7e8: {  	v23 =	vsel vm6, v41, v23;
	v21 =	vsel vm3, v43, v22;
	v19 =	vadd.s32 v4, v8;
	v22 =	vld.idx.msk [tilespmem:v17+s2+$0x0], $0xffff  }
0x7e9: {  	v18 =	vadd.s32 v4, v23;
	v8 =	vsel vm0, v37, v16;
	vm0 =	vlt.u32 v25, $0x50  }
0x7ea: {  	v16 =	vadd.s32 v4, v8;
	v13 =	vsel vm0, v25, v27;
	v25 =	vadd.s32 v3, v12  }
0x7eb: {  	v35 =	vsel vm8, v42, v24;
	[tilespmem:v14+s23+$0x0] =	vst.idx.msk $0xffff, v29;
	v29 =	vadd.s32 v4, v13  }
0x7ec: {  	v17 =	vadd.s32 v3, v8;
	v8 =	vadd.s32 v3, v35;
	v13 =	vadd.s32 v3, v13  }
.Ltmp26:
0x7ed: {  	v32 =	vadd.s32 v4, v21;
	v15 =	vadd.s32 v4, v15;
	v12 =	vadd.s32 v3, v20;
	v24 =	vld.idx.msk [tilespmem:v31+s2+$0x0], $0xffff;
	(pc) =	sbr.rel @p0 .LBB2_55-.Ltmp26, $4  }
0x7ee: {  	v11 =	vsel vm2, v11, v33;
	v14 =	vadd.s32 v3, v23;
	v31 =	vadd.s32 v3, v10;
	v30 =	vld.idx.msk [tilespmem:v30+s2+$0x0], $0xffff  }
0x7ef: {  	v10 =	vadd.s32 v3, v11;
	v27 =	vld.idx.msk [tilespmem:v16+s2+$0x0], $0xffff;
	[tilespmem:v25+s23+$0x0] =	vst.idx.msk $0xffff, v22;
	v16 =	vsel vm4, v28, v44  }
0x7f0: {  	v25 =	vadd.s32 v4, v35;
	v20 =	vld.idx.msk [tilespmem:v29+s2+$0x0], $0xffff;
	v29 =	vadd.s32 v4, v16;
	v16 =	vadd.s32 v3, v16  }
0x7f1: {  	s1 =	smov.u32 s24;
	v33 =	vadd.s32 v3, v36;
	v23 =	vadd.s32 v4, v39;
	v28 =	vadd.s32 v4, v11;
	v22 =	vld.idx.msk [tilespmem:v34+s2+$0x0], $0xffff  }
0x7f2: {  	_ =	sdelay $0x3  }
0x7f3: {  	[tilespmem:v9+s23+$0x0] =	vst.idx.msk $0xffff, v26  }
0x7f4: {  	v4 =	vld.idx.msk [tilespmem:v19+s2+$0x0], $0xffff;
	[tilespmem:v33+s23+$0x0] =	vst.idx.msk $0xffff, v24  }
0x7f5: {  	v58 =	vld.idx.msk [tilespmem:v18+s2+$0x0], $0xffff;
	[tilespmem:v31+s23+$0x0] =	vst.idx.msk $0xffff, v30  }
0x7f6: {  	v11 =	vld.idx.msk [tilespmem:v32+s2+$0x0], $0xffff;
	v59 =	vadd.s32 v3, v21;
	[tilespmem:v17+s23+$0x0] =	vst.idx.msk $0xffff, v27  }
0x7f7: {  	v60 =	vld.idx.msk [tilespmem:v29+s2+$0x0], $0xffff;
	[tilespmem:v13+s23+$0x0] =	vst.idx.msk $0xffff, v20  }
0x7f8: {  	v61 =	vld.idx.msk [tilespmem:v15+s2+$0x0], $0xffff;
	[tilespmem:v12+s23+$0x0] =	vst.idx.msk $0xffff, v22  }
0x7f9: {  	v62 =	vld.idx.msk [tilespmem:v23+s2+$0x0], $0xffff;
	[tilespmem:v7+s23+$0x0] =	vst.idx.msk $0xffff, v4  }
0x7fa: {  	v63 =	vld.idx.msk [tilespmem:v25+s2+$0x0], $0xffff;
	[tilespmem:v14+s23+$0x0] =	vst.idx.msk $0xffff, v58  }
0x7fb: {  	s20 =	sadd.s32 $0x1, s20;
	v4 =	vld.idx.msk [tilespmem:v28+s2+$0x0], $0xffff;
	[tilespmem:v59+s23+$0x0] =	vst.idx.msk $0xffff, v11  }
0x7fc: {  	p0 =	sne.s32 s20, $0x20;
	[tilespmem:v16+s23+$0x0] =	vst.idx.msk $0xffff, v60  }
.Ltmp27:
0x7fd: {  	s0 =	sadd.s32 s6, s21;
	[tilespmem:v5+s23+$0x0] =	vst.idx.msk $0xffff, v61;
	(pc) =	sbr.rel @p0 .LBB2_44-.Ltmp27, $4  }
0x7fe: {  	s0 =	smul.u32 $0xC80, s0;
	[tilespmem:v6+s23+$0x0] =	vst.idx.msk $0xffff, v62  }
0x7ff: {  	[tilespmem:v8+s23+$0x0] =	vst.idx.msk $0xffff, v63  }
0x800: {  	s0 =	sadd.s32 s4, s0;
	[tilespmem:v10+s23+$0x0] =	vst.idx.msk $0xffff, v4  }
0x801: {  	[hbm4b:s0+s2] =	stream.linear.scatter [tilespmem:s23], [sflag:s22], $0x6400, $0x38;
	[tilespmem:$0x19E00] =	vst v63  }
0x802: {  	_ =	swait.ge [sflag:s16], $0x6400  }
0x803: {  	[sflag:s16] =	ssyncset.done $0x0  }
0x804: {  	s19 =	sadd.s32 $0x1, s19;
	[sflag:s16] =	ssyncadd.s32 $0xFFFF9C00  }
0x805: {  	p0 =	sne.s32 s19, s10;
	_ =	swait.ge [sflag:s17], $0x6400  }
.Ltmp28:
0x806: {  	[sflag:s17] =	ssyncset.done $0x0;
	(pc) =	sbr.rel @p0 .LBB2_1-.Ltmp28, $4  }
0x807: {  	[sflag:s17] =	ssyncadd.s32 $0xFFFF9C00  }
0x808: {  	_ =	swait.ge [sflag:s18], $0x6400  }
0x809: {  	[sflag:s18] =	ssyncset.done $0x0  }
0x80a: {  	[sflag:s18] =	ssyncadd.s32 $0xFFFF9C00  }
0x80b: {  	_ =	sfence.sel $0x180000  }
0x80c: {  	[bflag:$0x0] =	sbarrier.arrive $0xFFFF  }
0x80d: {  	_ =	strace $0x90000047  }
0x80e: {  	s0 =	stileid.u32;
	[bflag:$0x2] =	sbarrier.arrive $0xFFFF  }
0x80f: {  	p0 =	sne.s32 s0, $0x0;
	s0 =	rddreg [dreg:$0x2]  }
0x810: {  	s0 =	sadd.s32 @!p0 $0x100000, s0  }
0x811: {  	[sflag:s0] =	ssyncadd.tile.s32 @!p0 $0x1;
	_ =	shalt  }
.Lfunc_end2:
_tile_overlayer_lowered:
.L_overlay_start_2:
0x812: {  	(tag) =	ssettag $0x2  }
0x813: {  	s0 =	rddreg [dreg:$0x0];
	s2 =	stileid.u32  }
0x814: {  	s1 =	rddreg [dreg:$0x1];
	p0 =	sne.s32 s2, $0x0  }
0x815: {  	s3 =	rddreg [dreg:$0x2];
	[bflag:$0x3] =	sbarrier.arrive $0xFFFF;
	s2 =	simm.s32 @!p0 $0x1C06  }
0x816: {  	[timem:s3], [sflag:s2] =	dma.local @!p0 [hbm:s0], s1  }
0x817: {  	s0 =	simm.s32 @!p0 $0x6  }
0x818: {  	_ =	swait.ge @!p0 [sflag:s0], s1  }
0x819: {  	s1 =	ssub.s32 @!p0 $0x0, s1;
	[sflag:s0] =	ssyncset.done @!p0 $0x0  }
0x81a: {  	[sflag:s0] =	ssyncadd.s32 @!p0 s1  }
0x81b: {  	[bflag:$0x3] =	sbarrier.arrive $0xFFFF  }
0x81c: {  	_ =	shalt  }

</sc_bundles>
